<compile_context>
chip_gen: v7x
topology: tpu7x:2x2x1
jax: 0.10.2.dev20260603
libtpu: 0.0.44.dev20260713+nightly
codegen_flags: <defaults>
</compile_context>

<pallas_src>
import functools

import jax
import jax.numpy as jnp
from jax import lax
from jax.experimental import pallas as pl
from jax.experimental.pallas import tpu as pltpu
from jax.experimental.pallas import tpu_sc as plsc

N = 10000
E = 320000
IN_CH = 128
OUT_CH = 64
CAT = 2 * OUT_CH
HALF = 64

NC = 2
NS = 16
NW = NC * NS
EPT = E // NW
K = 80
NCHUNK = 130
EPT_PAD = NCHUNK * K
NBUF = 5
NGRP = NCHUNK // NBUF
N_PAD = 10240
RPT = N_PAD // NS
RCH = 160
NRCH = RPT // RCH


def _sc_mesh():
    return plsc.VectorSubcoreMesh(core_axis_name="c", subcore_axis_name="s")


def _deg_sc(dst_idx, ones_blk, zeros_blk):

    @functools.partial(
        pl.kernel,
        out_type=jax.ShapeDtypeStruct((NC, NS, RPT, 16), jnp.float32),
        mesh=_sc_mesh(),
        compiler_params=pltpu.CompilerParams(use_tc_tiling_on_sc=False),
        scratch_types=[
            pltpu.VMEM((NCHUNK, K), jnp.int32),
            pltpu.VMEM((K, 16), jnp.float32),
            pltpu.VMEM((RCH, 16), jnp.float32),
            pltpu.VMEM_SHARED((N_PAD, 16), jnp.float32),
            pltpu.SemaphoreType.DMA,
        ],
    )
    def body(dst_hbm, ones_hbm, zeros_hbm, out_hbm, idx_v, ones_v, buf_v, acc_sh,
             dsem):
        c = lax.axis_index("c")
        s = lax.axis_index("s")
        w = c * NS + s
        pltpu.sync_copy(zeros_hbm, buf_v)
        for i in range(NRCH):
            pltpu.sync_copy(buf_v, acc_sh.at[pl.ds(s * RPT + i * RCH, RCH)])
        pltpu.sync_copy(ones_hbm, ones_v)
        pltpu.sync_copy(dst_hbm.at[w], idx_v)
        plsc.subcore_barrier()

        DGRP = 8

        def chunk(g, carry):
            for b in range(DGRP):
                pltpu.async_copy(ones_v, acc_sh.at[idx_v.at[g * DGRP + b]],
                                 dsem, add=True)
            for b in range(DGRP):
                pltpu.make_async_copy(ones_v, acc_sh.at[idx_v.at[g * DGRP + b]],
                                      dsem).wait()
            return carry

        lax.fori_loop(0, NCHUNK // DGRP, chunk, 0)
        plsc.subcore_barrier()
        for i in range(NRCH):
            pltpu.sync_copy(acc_sh.at[pl.ds(s * RPT + i * RCH, RCH)], buf_v)
            pltpu.sync_copy(buf_v, out_hbm.at[c, s, pl.ds(i * RCH, RCH)])

    return body(dst_idx, ones_blk, zeros_blk)


def _agg_sc(hpA, hpB, src_idx, dst_idx, zeros_blk):

    @functools.partial(
        pl.kernel,
        out_type=jax.ShapeDtypeStruct((2, NC, NS, RPT, HALF), jnp.float32),
        mesh=_sc_mesh(),
        compiler_params=pltpu.CompilerParams(use_tc_tiling_on_sc=False),
        scratch_types=[
            pltpu.VMEM((NCHUNK, K), jnp.int32),
            pltpu.VMEM((NCHUNK, K), jnp.int32),
            [pltpu.VMEM((K, HALF), jnp.float32)] * NBUF,
            pltpu.VMEM((RCH, HALF), jnp.float32),
            pltpu.VMEM_SHARED((N_PAD, HALF), jnp.float32),
            [pltpu.SemaphoreType.DMA] * NBUF,
            [pltpu.SemaphoreType.DMA] * NBUF,
        ],
    )
    def body(hpA_hbm, hpB_hbm, src_hbm, dst_hbm, zeros_hbm, out_hbm,
             sidx_v, didx_v, rows_v, buf_v, acc_sh, gsems, ssems):
        c = lax.axis_index("c")
        s = lax.axis_index("s")
        w = c * NS + s
        pltpu.sync_copy(src_hbm.at[w], sidx_v)
        pltpu.sync_copy(dst_hbm.at[w], didx_v)

        for half, hp_hbm in ((0, hpA_hbm), (1, hpB_hbm)):
            pltpu.sync_copy(zeros_hbm, buf_v)
            for i in range(NRCH):
                pltpu.sync_copy(buf_v, acc_sh.at[pl.ds(s * RPT + i * RCH, RCH)])
            plsc.subcore_barrier()

            for b in range(NBUF):
                pltpu.async_copy(hp_hbm.at[sidx_v.at[b]], rows_v[b], gsems[b])

            def grp(p, carry):
                for b in range(NBUF):
                    j = NBUF * p + b
                    pltpu.make_async_copy(hp_hbm.at[sidx_v.at[j]], rows_v[b],
                                          gsems[b]).wait()
                    pltpu.async_copy(rows_v[b], acc_sh.at[didx_v.at[j]],
                                     ssems[b], add=True)
                for b in range(NBUF):
                    j = NBUF * p + b
                    pltpu.make_async_copy(rows_v[b], acc_sh.at[didx_v.at[j]],
                                          ssems[b]).wait()
                    pltpu.async_copy(hp_hbm.at[sidx_v.at[j + NBUF]],
                                     rows_v[b], gsems[b])
                return carry

            lax.fori_loop(0, NGRP - 1, grp, 0)
            for b in range(NBUF):
                j = NBUF * (NGRP - 1) + b
                pltpu.make_async_copy(hp_hbm.at[sidx_v.at[j]], rows_v[b],
                                      gsems[b]).wait()
                pltpu.async_copy(rows_v[b], acc_sh.at[didx_v.at[j]],
                                 ssems[b], add=True)
            for b in range(NBUF):
                j = NBUF * (NGRP - 1) + b
                pltpu.make_async_copy(rows_v[b], acc_sh.at[didx_v.at[j]],
                                      ssems[b]).wait()
            plsc.subcore_barrier()
            for i in range(NRCH):
                pltpu.sync_copy(acc_sh.at[pl.ds(s * RPT + i * RCH, RCH)], buf_v)
                pltpu.sync_copy(buf_v, out_hbm.at[half, c, s, pl.ds(i * RCH, RCH)])
            plsc.subcore_barrier()

    return body(hpA, hpB, src_idx, dst_idx, zeros_blk)


_BLK = 1000
_GRID = N // _BLK


def _dis_hp_tc(deg0, deg1, x, W1):

    def body(d0_ref, d1_ref, x_ref, w_ref, hpA_ref, hpB_ref, dis_ref):
        deg = d0_ref[:, :1] + d1_ref[:, :1] + 1.0
        dis = lax.rsqrt(deg)
        dis_ref[...] = dis
        m = jnp.dot(x_ref[...], w_ref[...], preferred_element_type=jnp.float32)
        hp = dis * m
        hpA_ref[...] = hp[:, :HALF]
        hpB_ref[...] = hp[:, HALF:]

    return pl.pallas_call(
        body,
        grid=(_GRID,),
        in_specs=[
            pl.BlockSpec((_BLK, 16), lambda i: (i, 0)),
            pl.BlockSpec((_BLK, 16), lambda i: (i, 0)),
            pl.BlockSpec((_BLK, IN_CH), lambda i: (i, 0)),
            pl.BlockSpec((IN_CH, CAT), lambda i: (0, 0)),
        ],
        out_specs=[
            pl.BlockSpec((_BLK, HALF), lambda i: (i, 0)),
            pl.BlockSpec((_BLK, HALF), lambda i: (i, 0)),
            pl.BlockSpec((_BLK, 1), lambda i: (i, 0)),
        ],
        out_shape=[
            jax.ShapeDtypeStruct((N, HALF), jnp.float32),
            jax.ShapeDtypeStruct((N, HALF), jnp.float32),
            jax.ShapeDtypeStruct((N, 1), jnp.float32),
        ],
    )(deg0, deg1, x, W1)


def _mid_tc(p0A, p1A, p0B, p1B, hp1A, hp1B, dis, b1, WcatA, WcatB):

    def body(p0A_ref, p1A_ref, p0B_ref, p1B_ref, hpA_ref, hpB_ref,
             dis_ref, b_ref, wA_ref, wB_ref, oA_ref, oB_ref):
        dis = dis_ref[...]
        tA = dis * (p0A_ref[...] + p1A_ref[...] + hpA_ref[...]) + b_ref[:, :HALF]
        tB = dis * (p0B_ref[...] + p1B_ref[...] + hpB_ref[...]) + b_ref[:, HALF:]
        hA = jnp.maximum(tA, 0.0)
        hB = jnp.maximum(tB, 0.0)
        nrm = jnp.sqrt(jnp.sum(hA * hA, axis=1, keepdims=True)
                       + jnp.sum(hB * hB, axis=1, keepdims=True))
        inv = 1.0 / jnp.maximum(nrm, 1e-12)
        hA = hA * inv
        hB = hB * inv
        hA = jnp.maximum(hA, 0.0)
        hB = jnp.maximum(hB, 0.0)
        m2 = (jnp.dot(hA, wA_ref[...], preferred_element_type=jnp.float32)
              + jnp.dot(hB, wB_ref[...], preferred_element_type=jnp.float32))
        hp2 = dis * m2
        oA_ref[...] = hp2[:, :HALF]
        oB_ref[...] = hp2[:, HALF:]

    blk = lambda d: pl.BlockSpec((_BLK, d), lambda i: (i, 0))
    return pl.pallas_call(
        body,
        grid=(_GRID,),
        in_specs=[
            blk(HALF), blk(HALF), blk(HALF), blk(HALF), blk(HALF), blk(HALF),
            blk(1),
            pl.BlockSpec((1, CAT), lambda i: (0, 0)),
            pl.BlockSpec((HALF, CAT), lambda i: (0, 0)),
            pl.BlockSpec((HALF, CAT), lambda i: (0, 0)),
        ],
        out_specs=[blk(HALF), blk(HALF)],
        out_shape=[
            jax.ShapeDtypeStruct((N, HALF), jnp.float32),
            jax.ShapeDtypeStruct((N, HALF), jnp.float32),
        ],
    )(p0A, p1A, p0B, p1B, hp1A, hp1B, dis, b1, WcatA, WcatB)


def _final_tc(p0A, p1A, p0B, p1B, hp2A, hp2B, dis, bmu, bls):
    def body(p0A_ref, p1A_ref, p0B_ref, p1B_ref, hpA_ref, hpB_ref,
             dis_ref, bmu_ref, bls_ref, mu_ref, ls_ref):
        dis = dis_ref[...]
        mu_ref[...] = dis * (p0A_ref[...] + p1A_ref[...] + hpA_ref[...]) \
            + bmu_ref[...]
        ls_ref[...] = dis * (p0B_ref[...] + p1B_ref[...] + hpB_ref[...]) \
            + bls_ref[...]

    blk = lambda d: pl.BlockSpec((_BLK, d), lambda i: (i, 0))
    return pl.pallas_call(
        body,
        grid=(_GRID,),
        in_specs=[
            blk(HALF), blk(HALF), blk(HALF), blk(HALF), blk(HALF), blk(HALF),
            blk(1),
            pl.BlockSpec((1, HALF), lambda i: (0, 0)),
            pl.BlockSpec((1, HALF), lambda i: (0, 0)),
        ],
        out_specs=[blk(HALF), blk(HALF)],
        out_shape=[
            jax.ShapeDtypeStruct((N, HALF), jnp.float32),
            jax.ShapeDtypeStruct((N, HALF), jnp.float32),
        ],
    )(p0A, p1A, p0B, p1B, hp2A, hp2B, dis, bmu, bls)


def kernel(x, edge_index, W1, b1, Wmu, bmu, Wls, bls):
    n_fake = EPT_PAD - EPT
    fake_src = jnp.broadcast_to(
        (jnp.arange(n_fake, dtype=jnp.int32) * 41) % N, (NW, n_fake))
    fake_dst = jnp.broadcast_to(
        N + jnp.arange(n_fake, dtype=jnp.int32) % (N_PAD - N), (NW, n_fake))
    src = jnp.concatenate(
        [edge_index[0].astype(jnp.int32).reshape(NW, EPT), fake_src], axis=1)
    dst = jnp.concatenate(
        [edge_index[1].astype(jnp.int32).reshape(NW, EPT), fake_dst], axis=1)
    src = src.reshape(NW, NCHUNK, K)
    dst = dst.reshape(NW, NCHUNK, K)

    ones_blk = jnp.ones((K, 16), jnp.float32)
    zeros16 = jnp.zeros((RCH, 16), jnp.float32)
    zeros64 = jnp.zeros((RCH, HALF), jnp.float32)

    Wcat = jnp.concatenate([Wmu, Wls], axis=1)
    b1r = b1.reshape(1, CAT)
    bmur = bmu.reshape(1, HALF)
    blsr = bls.reshape(1, HALF)

    deg_parts = _deg_sc(dst, ones_blk, zeros16).reshape(NC, N_PAD, 16)[:, :N]
    hp1A, hp1B, dis = _dis_hp_tc(deg_parts[0], deg_parts[1], x, W1)

    s1 = _agg_sc(hp1A, hp1B, src, dst, zeros64).reshape(2, NC, N_PAD, HALF)[:, :, :N]
    hp2A, hp2B = _mid_tc(s1[0, 0], s1[0, 1], s1[1, 0], s1[1, 1],
                         hp1A, hp1B, dis, b1r, Wcat[:HALF], Wcat[HALF:])

    s2 = _agg_sc(hp2A, hp2B, src, dst, zeros64).reshape(2, NC, N_PAD, HALF)[:, :, :N]
    mu, logstd = _final_tc(s2[0, 0], s2[0, 1], s2[1, 0], s2[1, 1],
                           hp2A, hp2B, dis, bmur, blsr)
    return (mu, logstd)

# --- scband reference (transcript-rebuilt; emitter-appended) ---
"""Pipeline reference for scband-variational-gcnencoder-20272245637270 (READ-ONLY COPY).

The authoritative reference and input builder live on the scoring server;
editing this copy changes nothing except your own understanding.
"""

import jax, jax.numpy as jnp
import numpy as np

N_NODES = 10000
N_EDGES = 320000
IN_CH = 128
OUT_CH = 64
HID = 2 * OUT_CH  # 128


def gcn_conv(x, W, b, src, dst, n_nodes):
    # PyG GCNConv: add self-loops, symmetric normalization, linear transform,
    # scatter-add aggregation, bias.
    loop = jnp.arange(n_nodes, dtype=src.dtype)
    src_f = jnp.concatenate([src, loop])
    dst_f = jnp.concatenate([dst, loop])
    ones = jnp.ones(src_f.shape[0], dtype=x.dtype)
    deg = jnp.zeros(n_nodes, dtype=x.dtype).at[dst_f].add(ones)
    deg_inv_sqrt = jnp.where(deg > 0, jax.lax.rsqrt(jnp.maximum(deg, 1e-12)), 0.0)
    norm = deg_inv_sqrt[src_f] * deg_inv_sqrt[dst_f]
    h = x @ W  # [N, out]
    msg = h[src_f] * norm[:, None]  # gather + scale
    out = jnp.zeros((n_nodes, h.shape[1]), dtype=x.dtype).at[dst_f].add(msg)  # scatter-add
    return out + b


def l2_normalize(x, eps=1e-12):
    # matches F.normalize(x, p=2, dim=1)
    nrm = jnp.sqrt(jnp.sum(x * x, axis=1, keepdims=True))
    return x / jnp.maximum(nrm, eps)


def setup_inputs(seed: int = 0) -> dict:
    key = jax.random.key(seed)
    k_x, k_e, k1, k2, k3 = jax.random.split(key, 5)
    x = jax.random.normal(k_x, (N_NODES, IN_CH), dtype=jnp.float32)
    edge_index = jax.random.randint(k_e, (2, N_EDGES), 0, N_NODES, dtype=jnp.int64)
    # Glorot-style init for weights, zeros for biases (matches PyG defaults)
    s1 = float(np.sqrt(6.0 / (IN_CH + HID)))
    s2 = float(np.sqrt(6.0 / (HID + OUT_CH)))
    W1 = jax.random.uniform(k1, (IN_CH, HID), dtype=jnp.float32, minval=-s1, maxval=s1)
    b1 = jnp.zeros((HID,), dtype=jnp.float32)
    Wmu = jax.random.uniform(k2, (HID, OUT_CH), dtype=jnp.float32, minval=-s2, maxval=s2)
    bmu = jnp.zeros((OUT_CH,), dtype=jnp.float32)
    Wls = jax.random.uniform(k3, (HID, OUT_CH), dtype=jnp.float32, minval=-s2, maxval=s2)
    bls = jnp.zeros((OUT_CH,), dtype=jnp.float32)
    return {"x": x, "edge_index": edge_index, "W1": W1, "b1": b1,
            "Wmu": Wmu, "bmu": bmu, "Wls": Wls, "bls": bls}


def reference(x, edge_index, W1, b1, Wmu, bmu, Wls, bls):
    src = edge_index[0]
    dst = edge_index[1]
    h = gcn_conv(x, W1, b1, src, dst, N_NODES)
    h = jax.nn.relu(h)
    h = l2_normalize(h)
    h = jax.nn.relu(h)
    mu = gcn_conv(h, Wmu, bmu, src, dst, N_NODES)
    logstd = gcn_conv(h, Wls, bls, src, dst, N_NODES)
    return (mu, logstd)

if __name__ == "__main__":
    import jax
    _d = setup_inputs()
    print(jax.jit(kernel)(*tuple(_d.values())))

</pallas_src>

<mosaic_0001>
#map = affine_map<(d0, d1) -> (0, 0, 0)>
#map1 = affine_map<(d0, d1) -> (0, 0)>
#map2 = affine_map<(d0, d1) -> (0, 0, 0, 0)>
module attributes {stable_mosaic.version = 14 : i64} {
  func.func @body(%arg0: i32, %arg1: i32, %arg2: memref<32x130x80xi32, #tpu.memory_space<hbm>>, %arg3: memref<80x16xf32, #tpu.memory_space<hbm>>, %arg4: memref<160x16xf32, #tpu.memory_space<hbm>>, %arg5: memref<2x16x640x16xf32, #tpu.memory_space<hbm>>, %arg6: memref<130x80xi32, #tpu.memory_space<vmem>>, %arg7: memref<80x16xf32, #tpu.memory_space<vmem>>, %arg8: memref<160x16xf32, #tpu.memory_space<vmem>>, %arg9: memref<10240x16xf32, #tpu.memory_space<vmem_shared>>, %arg10: memref<!tpu.dma_semaphore, #tpu.memory_space<semaphore_mem>>) attributes {dimension_semantics = [#tpu.dimension_semantics<core_parallel>, #tpu.dimension_semantics<subcore_parallel>], iteration_bounds = array<i64: 2, 16>, scalar_prefetch = 0 : i64, scratch_operands = 5 : i64, tpu.core_type = #tpu.core_type<sc_vector_subcore>, window_params = [{transform_indices = #map}, {transform_indices = #map1}, {transform_indices = #map1}, {transform_indices = #map2}]} {
    %mul3A = arith.constant 16 : i32
    %mul3A_0 = arith.muli %arg0, %mul3A : i32
    %add3A = arith.addi %mul3A_0, %arg1 : i32
    "tpu.region"() ({
      %run_scoped3A = tpu.sem_alloc : memref<!tpu.dma_semaphore, #tpu.memory_space<semaphore_mem>>
      tpu.enqueue_dma source(%arg4 : memref<160x16xf32, #tpu.memory_space<hbm>>) target(%arg8 : memref<160x16xf32, #tpu.memory_space<vmem>>) target_semaphore(%run_scoped3A : memref<!tpu.dma_semaphore, #tpu.memory_space<semaphore_mem>>)
      tpu.wait_dma2 semaphore(%run_scoped3A : memref<!tpu.dma_semaphore, #tpu.memory_space<semaphore_mem>>) src(%arg4 : memref<160x16xf32, #tpu.memory_space<hbm>>) dst(%arg8 : memref<160x16xf32, #tpu.memory_space<vmem>>)
      tpu.yield
    }) : () -> ()
    %mul3A_1 = arith.constant 640 : i32
    %mul3A_2 = arith.muli %arg1, %mul3A_1 : i32
    %add3A_3 = arith.constant 0 : i32
    %add3A_4 = arith.addi %mul3A_2, %add3A_3 : i32
    "tpu.region"() ({
      %run_scoped3A = tpu.sem_alloc : memref<!tpu.dma_semaphore, #tpu.memory_space<semaphore_mem>>
      %dma_start3A = arith.constant 0 : i32
      %dma_start3A_39 = tpu.memref_slice %arg9[%add3A_4, %dma_start3A] : memref<10240x16xf32, #tpu.memory_space<vmem_shared>> -> memref<160x16xf32, #tpu.memory_space<vmem_shared>>
      %dma_start3A_40 = arith.constant 0 : i32
      %dma_start3A_41 = tpu.memref_slice %arg9[%add3A_4, %dma_start3A_40] : memref<10240x16xf32, #tpu.memory_space<vmem_shared>> -> memref<160x16xf32, #tpu.memory_space<vmem_shared>>
      tpu.enqueue_dma source(%arg8 : memref<160x16xf32, #tpu.memory_space<vmem>>) target(%dma_start3A_41 : memref<160x16xf32, #tpu.memory_space<vmem_shared>>) target_semaphore(%run_scoped3A : memref<!tpu.dma_semaphore, #tpu.memory_space<semaphore_mem>>)
      %dma_wait3A = arith.constant 0 : i32
      %dma_wait3A_42 = tpu.memref_slice %arg9[%add3A_4, %dma_wait3A] : memref<10240x16xf32, #tpu.memory_space<vmem_shared>> -> memref<160x16xf32, #tpu.memory_space<vmem_shared>>
      %dma_wait3A_43 = arith.constant 0 : i32
      %dma_wait3A_44 = tpu.memref_slice %arg9[%add3A_4, %dma_wait3A_43] : memref<10240x16xf32, #tpu.memory_space<vmem_shared>> -> memref<160x16xf32, #tpu.memory_space<vmem_shared>>
      tpu.wait_dma2 semaphore(%run_scoped3A : memref<!tpu.dma_semaphore, #tpu.memory_space<semaphore_mem>>) src(%arg8 : memref<160x16xf32, #tpu.memory_space<vmem>>) dst(%dma_wait3A_44 : memref<160x16xf32, #tpu.memory_space<vmem_shared>>)
      tpu.yield
    }) : () -> ()
    %mul3A_5 = arith.constant 640 : i32
    %mul3A_6 = arith.muli %arg1, %mul3A_5 : i32
    %add3A_7 = arith.constant 160 : i32
    %add3A_8 = arith.addi %mul3A_6, %add3A_7 : i32
    "tpu.region"() ({
      %run_scoped3A = tpu.sem_alloc : memref<!tpu.dma_semaphore, #tpu.memory_space<semaphore_mem>>
      %dma_start3A = arith.constant 0 : i32
      %dma_start3A_39 = tpu.memref_slice %arg9[%add3A_8, %dma_start3A] : memref<10240x16xf32, #tpu.memory_space<vmem_shared>> -> memref<160x16xf32, #tpu.memory_space<vmem_shared>>
      %dma_start3A_40 = arith.constant 0 : i32
      %dma_start3A_41 = tpu.memref_slice %arg9[%add3A_8, %dma_start3A_40] : memref<10240x16xf32, #tpu.memory_space<vmem_shared>> -> memref<160x16xf32, #tpu.memory_space<vmem_shared>>
      tpu.enqueue_dma source(%arg8 : memref<160x16xf32, #tpu.memory_space<vmem>>) target(%dma_start3A_41 : memref<160x16xf32, #tpu.memory_space<vmem_shared>>) target_semaphore(%run_scoped3A : memref<!tpu.dma_semaphore, #tpu.memory_space<semaphore_mem>>)
      %dma_wait3A = arith.constant 0 : i32
      %dma_wait3A_42 = tpu.memref_slice %arg9[%add3A_8, %dma_wait3A] : memref<10240x16xf32, #tpu.memory_space<vmem_shared>> -> memref<160x16xf32, #tpu.memory_space<vmem_shared>>
      %dma_wait3A_43 = arith.constant 0 : i32
      %dma_wait3A_44 = tpu.memref_slice %arg9[%add3A_8, %dma_wait3A_43] : memref<10240x16xf32, #tpu.memory_space<vmem_shared>> -> memref<160x16xf32, #tpu.memory_space<vmem_shared>>
      tpu.wait_dma2 semaphore(%run_scoped3A : memref<!tpu.dma_semaphore, #tpu.memory_space<semaphore_mem>>) src(%arg8 : memref<160x16xf32, #tpu.memory_space<vmem>>) dst(%dma_wait3A_44 : memref<160x16xf32, #tpu.memory_space<vmem_shared>>)
      tpu.yield
    }) : () -> ()
    %mul3A_9 = arith.constant 640 : i32
    %mul3A_10 = arith.muli %arg1, %mul3A_9 : i32
    %add3A_11 = arith.constant 320 : i32
    %add3A_12 = arith.addi %mul3A_10, %add3A_11 : i32
    "tpu.region"() ({
      %run_scoped3A = tpu.sem_alloc : memref<!tpu.dma_semaphore, #tpu.memory_space<semaphore_mem>>
      %dma_start3A = arith.constant 0 : i32
      %dma_start3A_39 = tpu.memref_slice %arg9[%add3A_12, %dma_start3A] : memref<10240x16xf32, #tpu.memory_space<vmem_shared>> -> memref<160x16xf32, #tpu.memory_space<vmem_shared>>
      %dma_start3A_40 = arith.constant 0 : i32
      %dma_start3A_41 = tpu.memref_slice %arg9[%add3A_12, %dma_start3A_40] : memref<10240x16xf32, #tpu.memory_space<vmem_shared>> -> memref<160x16xf32, #tpu.memory_space<vmem_shared>>
      tpu.enqueue_dma source(%arg8 : memref<160x16xf32, #tpu.memory_space<vmem>>) target(%dma_start3A_41 : memref<160x16xf32, #tpu.memory_space<vmem_shared>>) target_semaphore(%run_scoped3A : memref<!tpu.dma_semaphore, #tpu.memory_space<semaphore_mem>>)
      %dma_wait3A = arith.constant 0 : i32
      %dma_wait3A_42 = tpu.memref_slice %arg9[%add3A_12, %dma_wait3A] : memref<10240x16xf32, #tpu.memory_space<vmem_shared>> -> memref<160x16xf32, #tpu.memory_space<vmem_shared>>
      %dma_wait3A_43 = arith.constant 0 : i32
      %dma_wait3A_44 = tpu.memref_slice %arg9[%add3A_12, %dma_wait3A_43] : memref<10240x16xf32, #tpu.memory_space<vmem_shared>> -> memref<160x16xf32, #tpu.memory_space<vmem_shared>>
      tpu.wait_dma2 semaphore(%run_scoped3A : memref<!tpu.dma_semaphore, #tpu.memory_space<semaphore_mem>>) src(%arg8 : memref<160x16xf32, #tpu.memory_space<vmem>>) dst(%dma_wait3A_44 : memref<160x16xf32, #tpu.memory_space<vmem_shared>>)
      tpu.yield
    }) : () -> ()
    %mul3A_13 = arith.constant 640 : i32
    %mul3A_14 = arith.muli %arg1, %mul3A_13 : i32
    %add3A_15 = arith.constant 480 : i32
    %add3A_16 = arith.addi %mul3A_14, %add3A_15 : i32
    "tpu.region"() ({
      %run_scoped3A = tpu.sem_alloc : memref<!tpu.dma_semaphore, #tpu.memory_space<semaphore_mem>>
      %dma_start3A = arith.constant 0 : i32
      %dma_start3A_39 = tpu.memref_slice %arg9[%add3A_16, %dma_start3A] : memref<10240x16xf32, #tpu.memory_space<vmem_shared>> -> memref<160x16xf32, #tpu.memory_space<vmem_shared>>
      %dma_start3A_40 = arith.constant 0 : i32
      %dma_start3A_41 = tpu.memref_slice %arg9[%add3A_16, %dma_start3A_40] : memref<10240x16xf32, #tpu.memory_space<vmem_shared>> -> memref<160x16xf32, #tpu.memory_space<vmem_shared>>
      tpu.enqueue_dma source(%arg8 : memref<160x16xf32, #tpu.memory_space<vmem>>) target(%dma_start3A_41 : memref<160x16xf32, #tpu.memory_space<vmem_shared>>) target_semaphore(%run_scoped3A : memref<!tpu.dma_semaphore, #tpu.memory_space<semaphore_mem>>)
      %dma_wait3A = arith.constant 0 : i32
      %dma_wait3A_42 = tpu.memref_slice %arg9[%add3A_16, %dma_wait3A] : memref<10240x16xf32, #tpu.memory_space<vmem_shared>> -> memref<160x16xf32, #tpu.memory_space<vmem_shared>>
      %dma_wait3A_43 = arith.constant 0 : i32
      %dma_wait3A_44 = tpu.memref_slice %arg9[%add3A_16, %dma_wait3A_43] : memref<10240x16xf32, #tpu.memory_space<vmem_shared>> -> memref<160x16xf32, #tpu.memory_space<vmem_shared>>
      tpu.wait_dma2 semaphore(%run_scoped3A : memref<!tpu.dma_semaphore, #tpu.memory_space<semaphore_mem>>) src(%arg8 : memref<160x16xf32, #tpu.memory_space<vmem>>) dst(%dma_wait3A_44 : memref<160x16xf32, #tpu.memory_space<vmem_shared>>)
      tpu.yield
    }) : () -> ()
    "tpu.region"() ({
      %run_scoped3A = tpu.sem_alloc : memref<!tpu.dma_semaphore, #tpu.memory_space<semaphore_mem>>
      tpu.enqueue_dma source(%arg3 : memref<80x16xf32, #tpu.memory_space<hbm>>) target(%arg7 : memref<80x16xf32, #tpu.memory_space<vmem>>) target_semaphore(%run_scoped3A : memref<!tpu.dma_semaphore, #tpu.memory_space<semaphore_mem>>)
      tpu.wait_dma2 semaphore(%run_scoped3A : memref<!tpu.dma_semaphore, #tpu.memory_space<semaphore_mem>>) src(%arg3 : memref<80x16xf32, #tpu.memory_space<hbm>>) dst(%arg7 : memref<80x16xf32, #tpu.memory_space<vmem>>)
      tpu.yield
    }) : () -> ()
    "tpu.region"() ({
      %run_scoped3A = tpu.sem_alloc : memref<!tpu.dma_semaphore, #tpu.memory_space<semaphore_mem>>
      %dma_start3A = arith.constant 0 : i32
      %dma_start3A_39 = arith.constant 0 : i32
      %dma_start3A_40 = tpu.memref_slice %arg2[%add3A, %dma_start3A, %dma_start3A_39] : memref<32x130x80xi32, #tpu.memory_space<hbm>> -> memref<1x130x80xi32, #tpu.memory_space<hbm>>
      %dma_start3A_41 = tpu.memref_squeeze %dma_start3A_40 : memref<1x130x80xi32, #tpu.memory_space<hbm>> -> memref<130x80xi32, #tpu.memory_space<hbm>>
      %dma_start3A_42 = arith.constant 0 : i32
      %dma_start3A_43 = arith.constant 0 : i32
      %dma_start3A_44 = tpu.memref_slice %arg2[%add3A, %dma_start3A_42, %dma_start3A_43] : memref<32x130x80xi32, #tpu.memory_space<hbm>> -> memref<1x130x80xi32, #tpu.memory_space<hbm>>
      %dma_start3A_45 = tpu.memref_squeeze %dma_start3A_44 : memref<1x130x80xi32, #tpu.memory_space<hbm>> -> memref<130x80xi32, #tpu.memory_space<hbm>>
      tpu.enqueue_dma source(%dma_start3A_45 : memref<130x80xi32, #tpu.memory_space<hbm>>) target(%arg6 : memref<130x80xi32, #tpu.memory_space<vmem>>) target_semaphore(%run_scoped3A : memref<!tpu.dma_semaphore, #tpu.memory_space<semaphore_mem>>)
      %dma_wait3A = arith.constant 0 : i32
      %dma_wait3A_46 = arith.constant 0 : i32
      %dma_wait3A_47 = tpu.memref_slice %arg2[%add3A, %dma_wait3A, %dma_wait3A_46] : memref<32x130x80xi32, #tpu.memory_space<hbm>> -> memref<1x130x80xi32, #tpu.memory_space<hbm>>
      %dma_wait3A_48 = tpu.memref_squeeze %dma_wait3A_47 : memref<1x130x80xi32, #tpu.memory_space<hbm>> -> memref<130x80xi32, #tpu.memory_space<hbm>>
      %dma_wait3A_49 = arith.constant 0 : i32
      %dma_wait3A_50 = arith.constant 0 : i32
      %dma_wait3A_51 = tpu.memref_slice %arg2[%add3A, %dma_wait3A_49, %dma_wait3A_50] : memref<32x130x80xi32, #tpu.memory_space<hbm>> -> memref<1x130x80xi32, #tpu.memory_space<hbm>>
      %dma_wait3A_52 = tpu.memref_squeeze %dma_wait3A_51 : memref<1x130x80xi32, #tpu.memory_space<hbm>> -> memref<130x80xi32, #tpu.memory_space<hbm>>
      tpu.wait_dma2 semaphore(%run_scoped3A : memref<!tpu.dma_semaphore, #tpu.memory_space<semaphore_mem>>) src(%dma_wait3A_52 : memref<130x80xi32, #tpu.memory_space<hbm>>) dst(%arg6 : memref<130x80xi32, #tpu.memory_space<vmem>>)
      tpu.yield
    }) : () -> ()
    %barrier3A = arith.constant 0 : index
    tpu.barrier barrier_id(%barrier3A)
    %scan3A = arith.constant 0 : i32
    %scan3A_17 = arith.constant 0 : i32
    %scan3A_18 = arith.constant 16 : i32
    %scan3A_19 = arith.addi %scan3A_17, %scan3A_18 : i32
    %scan3A_20 = arith.constant 1 : i32
    scf.for %scan3A_39 = %scan3A_17 to %scan3A_19 step %scan3A_20  : i32 {
      %mul3A_40 = arith.constant 8 : i32
      %mul3A_41 = arith.muli %scan3A_39, %mul3A_40 : i32
      %add3A_42 = arith.constant 0 : i32
      %add3A_43 = arith.addi %mul3A_41, %add3A_42 : i32
      %dma_start3A = arith.constant 0 : i32
      %dma_start3A_44 = tpu.memref_slice %arg6[%add3A_43, %dma_start3A] : memref<130x80xi32, #tpu.memory_space<vmem>> -> memref<1x80xi32, #tpu.memory_space<vmem>>
      %dma_start3A_45 = tpu.memref_squeeze %dma_start3A_44 : memref<1x80xi32, #tpu.memory_space<vmem>> -> memref<80xi32, #tpu.memory_space<vmem>>
      %dma_start3A_46 = arith.constant 0 : i32
      %dma_start3A_47 = arith.constant 0 : i32
      %dma_start3A_48 = tpu.memref_slice %arg9[%dma_start3A_46, %dma_start3A_47] : memref<10240x16xf32, #tpu.memory_space<vmem_shared>> -> memref<10240x16xf32, #tpu.memory_space<vmem_shared>>
      tpu.enqueue_indirect_dma source(%arg7 : memref<80x16xf32, #tpu.memory_space<vmem>>) target(%dma_start3A_48 : memref<10240x16xf32, #tpu.memory_space<vmem_shared>>) offsets(%dma_start3A_45 : memref<80xi32, #tpu.memory_space<vmem>>) semaphore(%arg10 : memref<!tpu.dma_semaphore, #tpu.memory_space<semaphore_mem>>) {add = true}
      %mul3A_49 = arith.constant 8 : i32
      %mul3A_50 = arith.muli %scan3A_39, %mul3A_49 : i32
      %add3A_51 = arith.constant 1 : i32
      %add3A_52 = arith.addi %mul3A_50, %add3A_51 : i32
      %dma_start3A_53 = arith.constant 0 : i32
      %dma_start3A_54 = tpu.memref_slice %arg6[%add3A_52, %dma_start3A_53] : memref<130x80xi32, #tpu.memory_space<vmem>> -> memref<1x80xi32, #tpu.memory_space<vmem>>
      %dma_start3A_55 = tpu.memref_squeeze %dma_start3A_54 : memref<1x80xi32, #tpu.memory_space<vmem>> -> memref<80xi32, #tpu.memory_space<vmem>>
      %dma_start3A_56 = arith.constant 0 : i32
      %dma_start3A_57 = arith.constant 0 : i32
      %dma_start3A_58 = tpu.memref_slice %arg9[%dma_start3A_56, %dma_start3A_57] : memref<10240x16xf32, #tpu.memory_space<vmem_shared>> -> memref<10240x16xf32, #tpu.memory_space<vmem_shared>>
      tpu.enqueue_indirect_dma source(%arg7 : memref<80x16xf32, #tpu.memory_space<vmem>>) target(%dma_start3A_58 : memref<10240x16xf32, #tpu.memory_space<vmem_shared>>) offsets(%dma_start3A_55 : memref<80xi32, #tpu.memory_space<vmem>>) semaphore(%arg10 : memref<!tpu.dma_semaphore, #tpu.memory_space<semaphore_mem>>) {add = true}
      %mul3A_59 = arith.constant 8 : i32
      %mul3A_60 = arith.muli %scan3A_39, %mul3A_59 : i32
      %add3A_61 = arith.constant 2 : i32
      %add3A_62 = arith.addi %mul3A_60, %add3A_61 : i32
      %dma_start3A_63 = arith.constant 0 : i32
      %dma_start3A_64 = tpu.memref_slice %arg6[%add3A_62, %dma_start3A_63] : memref<130x80xi32, #tpu.memory_space<vmem>> -> memref<1x80xi32, #tpu.memory_space<vmem>>
      %dma_start3A_65 = tpu.memref_squeeze %dma_start3A_64 : memref<1x80xi32, #tpu.memory_space<vmem>> -> memref<80xi32, #tpu.memory_space<vmem>>
      %dma_start3A_66 = arith.constant 0 : i32
      %dma_start3A_67 = arith.constant 0 : i32
      %dma_start3A_68 = tpu.memref_slice %arg9[%dma_start3A_66, %dma_start3A_67] : memref<10240x16xf32, #tpu.memory_space<vmem_shared>> -> memref<10240x16xf32, #tpu.memory_space<vmem_shared>>
      tpu.enqueue_indirect_dma source(%arg7 : memref<80x16xf32, #tpu.memory_space<vmem>>) target(%dma_start3A_68 : memref<10240x16xf32, #tpu.memory_space<vmem_shared>>) offsets(%dma_start3A_65 : memref<80xi32, #tpu.memory_space<vmem>>) semaphore(%arg10 : memref<!tpu.dma_semaphore, #tpu.memory_space<semaphore_mem>>) {add = true}
      %mul3A_69 = arith.constant 8 : i32
      %mul3A_70 = arith.muli %scan3A_39, %mul3A_69 : i32
      %add3A_71 = arith.constant 3 : i32
      %add3A_72 = arith.addi %mul3A_70, %add3A_71 : i32
      %dma_start3A_73 = arith.constant 0 : i32
      %dma_start3A_74 = tpu.memref_slice %arg6[%add3A_72, %dma_start3A_73] : memref<130x80xi32, #tpu.memory_space<vmem>> -> memref<1x80xi32, #tpu.memory_space<vmem>>
      %dma_start3A_75 = tpu.memref_squeeze %dma_start3A_74 : memref<1x80xi32, #tpu.memory_space<vmem>> -> memref<80xi32, #tpu.memory_space<vmem>>
      %dma_start3A_76 = arith.constant 0 : i32
      %dma_start3A_77 = arith.constant 0 : i32
      %dma_start3A_78 = tpu.memref_slice %arg9[%dma_start3A_76, %dma_start3A_77] : memref<10240x16xf32, #tpu.memory_space<vmem_shared>> -> memref<10240x16xf32, #tpu.memory_space<vmem_shared>>
      tpu.enqueue_indirect_dma source(%arg7 : memref<80x16xf32, #tpu.memory_space<vmem>>) target(%dma_start3A_78 : memref<10240x16xf32, #tpu.memory_space<vmem_shared>>) offsets(%dma_start3A_75 : memref<80xi32, #tpu.memory_space<vmem>>) semaphore(%arg10 : memref<!tpu.dma_semaphore, #tpu.memory_space<semaphore_mem>>) {add = true}
      %mul3A_79 = arith.constant 8 : i32
      %mul3A_80 = arith.muli %scan3A_39, %mul3A_79 : i32
      %add3A_81 = arith.constant 4 : i32
      %add3A_82 = arith.addi %mul3A_80, %add3A_81 : i32
      %dma_start3A_83 = arith.constant 0 : i32
      %dma_start3A_84 = tpu.memref_slice %arg6[%add3A_82, %dma_start3A_83] : memref<130x80xi32, #tpu.memory_space<vmem>> -> memref<1x80xi32, #tpu.memory_space<vmem>>
      %dma_start3A_85 = tpu.memref_squeeze %dma_start3A_84 : memref<1x80xi32, #tpu.memory_space<vmem>> -> memref<80xi32, #tpu.memory_space<vmem>>
      %dma_start3A_86 = arith.constant 0 : i32
      %dma_start3A_87 = arith.constant 0 : i32
      %dma_start3A_88 = tpu.memref_slice %arg9[%dma_start3A_86, %dma_start3A_87] : memref<10240x16xf32, #tpu.memory_space<vmem_shared>> -> memref<10240x16xf32, #tpu.memory_space<vmem_shared>>
      tpu.enqueue_indirect_dma source(%arg7 : memref<80x16xf32, #tpu.memory_space<vmem>>) target(%dma_start3A_88 : memref<10240x16xf32, #tpu.memory_space<vmem_shared>>) offsets(%dma_start3A_85 : memref<80xi32, #tpu.memory_space<vmem>>) semaphore(%arg10 : memref<!tpu.dma_semaphore, #tpu.memory_space<semaphore_mem>>) {add = true}
      %mul3A_89 = arith.constant 8 : i32
      %mul3A_90 = arith.muli %scan3A_39, %mul3A_89 : i32
      %add3A_91 = arith.constant 5 : i32
      %add3A_92 = arith.addi %mul3A_90, %add3A_91 : i32
      %dma_start3A_93 = arith.constant 0 : i32
      %dma_start3A_94 = tpu.memref_slice %arg6[%add3A_92, %dma_start3A_93] : memref<130x80xi32, #tpu.memory_space<vmem>> -> memref<1x80xi32, #tpu.memory_space<vmem>>
      %dma_start3A_95 = tpu.memref_squeeze %dma_start3A_94 : memref<1x80xi32, #tpu.memory_space<vmem>> -> memref<80xi32, #tpu.memory_space<vmem>>
      %dma_start3A_96 = arith.constant 0 : i32
      %dma_start3A_97 = arith.constant 0 : i32
      %dma_start3A_98 = tpu.memref_slice %arg9[%dma_start3A_96, %dma_start3A_97] : memref<10240x16xf32, #tpu.memory_space<vmem_shared>> -> memref<10240x16xf32, #tpu.memory_space<vmem_shared>>
      tpu.enqueue_indirect_dma source(%arg7 : memref<80x16xf32, #tpu.memory_space<vmem>>) target(%dma_start3A_98 : memref<10240x16xf32, #tpu.memory_space<vmem_shared>>) offsets(%dma_start3A_95 : memref<80xi32, #tpu.memory_space<vmem>>) semaphore(%arg10 : memref<!tpu.dma_semaphore, #tpu.memory_space<semaphore_mem>>) {add = true}
      %mul3A_99 = arith.constant 8 : i32
      %mul3A_100 = arith.muli %scan3A_39, %mul3A_99 : i32
      %add3A_101 = arith.constant 6 : i32
      %add3A_102 = arith.addi %mul3A_100, %add3A_101 : i32
      %dma_start3A_103 = arith.constant 0 : i32
      %dma_start3A_104 = tpu.memref_slice %arg6[%add3A_102, %dma_start3A_103] : memref<130x80xi32, #tpu.memory_space<vmem>> -> memref<1x80xi32, #tpu.memory_space<vmem>>
      %dma_start3A_105 = tpu.memref_squeeze %dma_start3A_104 : memref<1x80xi32, #tpu.memory_space<vmem>> -> memref<80xi32, #tpu.memory_space<vmem>>
      %dma_start3A_106 = arith.constant 0 : i32
      %dma_start3A_107 = arith.constant 0 : i32
      %dma_start3A_108 = tpu.memref_slice %arg9[%dma_start3A_106, %dma_start3A_107] : memref<10240x16xf32, #tpu.memory_space<vmem_shared>> -> memref<10240x16xf32, #tpu.memory_space<vmem_shared>>
      tpu.enqueue_indirect_dma source(%arg7 : memref<80x16xf32, #tpu.memory_space<vmem>>) target(%dma_start3A_108 : memref<10240x16xf32, #tpu.memory_space<vmem_shared>>) offsets(%dma_start3A_105 : memref<80xi32, #tpu.memory_space<vmem>>) semaphore(%arg10 : memref<!tpu.dma_semaphore, #tpu.memory_space<semaphore_mem>>) {add = true}
      %mul3A_109 = arith.constant 8 : i32
      %mul3A_110 = arith.muli %scan3A_39, %mul3A_109 : i32
      %add3A_111 = arith.constant 7 : i32
      %add3A_112 = arith.addi %mul3A_110, %add3A_111 : i32
      %dma_start3A_113 = arith.constant 0 : i32
      %dma_start3A_114 = tpu.memref_slice %arg6[%add3A_112, %dma_start3A_113] : memref<130x80xi32, #tpu.memory_space<vmem>> -> memref<1x80xi32, #tpu.memory_space<vmem>>
      %dma_start3A_115 = tpu.memref_squeeze %dma_start3A_114 : memref<1x80xi32, #tpu.memory_space<vmem>> -> memref<80xi32, #tpu.memory_space<vmem>>
      %dma_start3A_116 = arith.constant 0 : i32
      %dma_start3A_117 = arith.constant 0 : i32
      %dma_start3A_118 = tpu.memref_slice %arg9[%dma_start3A_116, %dma_start3A_117] : memref<10240x16xf32, #tpu.memory_space<vmem_shared>> -> memref<10240x16xf32, #tpu.memory_space<vmem_shared>>
      tpu.enqueue_indirect_dma source(%arg7 : memref<80x16xf32, #tpu.memory_space<vmem>>) target(%dma_start3A_118 : memref<10240x16xf32, #tpu.memory_space<vmem_shared>>) offsets(%dma_start3A_115 : memref<80xi32, #tpu.memory_space<vmem>>) semaphore(%arg10 : memref<!tpu.dma_semaphore, #tpu.memory_space<semaphore_mem>>) {add = true}
      %mul3A_119 = arith.constant 8 : i32
      %mul3A_120 = arith.muli %scan3A_39, %mul3A_119 : i32
      %add3A_121 = arith.constant 0 : i32
      %add3A_122 = arith.addi %mul3A_120, %add3A_121 : i32
      %dma_wait3A = arith.constant 0 : i32
      %dma_wait3A_123 = tpu.memref_slice %arg6[%add3A_122, %dma_wait3A] : memref<130x80xi32, #tpu.memory_space<vmem>> -> memref<1x80xi32, #tpu.memory_space<vmem>>
      %dma_wait3A_124 = tpu.memref_squeeze %dma_wait3A_123 : memref<1x80xi32, #tpu.memory_space<vmem>> -> memref<80xi32, #tpu.memory_space<vmem>>
      %dma_wait3A_125 = arith.constant 0 : i32
      %dma_wait3A_126 = arith.constant 0 : i32
      %dma_wait3A_127 = tpu.memref_slice %arg9[%dma_wait3A_125, %dma_wait3A_126] : memref<10240x16xf32, #tpu.memory_space<vmem_shared>> -> memref<10240x16xf32, #tpu.memory_space<vmem_shared>>
      tpu.wait_indirect_dma semaphore(%arg10 : memref<!tpu.dma_semaphore, #tpu.memory_space<semaphore_mem>>) src(%arg7 : memref<80x16xf32, #tpu.memory_space<vmem>>) dst(%dma_wait3A_127 : memref<10240x16xf32, #tpu.memory_space<vmem_shared>>)
      %mul3A_128 = arith.constant 8 : i32
      %mul3A_129 = arith.muli %scan3A_39, %mul3A_128 : i32
      %add3A_130 = arith.constant 1 : i32
      %add3A_131 = arith.addi %mul3A_129, %add3A_130 : i32
      %dma_wait3A_132 = arith.constant 0 : i32
      %dma_wait3A_133 = tpu.memref_slice %arg6[%add3A_131, %dma_wait3A_132] : memref<130x80xi32, #tpu.memory_space<vmem>> -> memref<1x80xi32, #tpu.memory_space<vmem>>
      %dma_wait3A_134 = tpu.memref_squeeze %dma_wait3A_133 : memref<1x80xi32, #tpu.memory_space<vmem>> -> memref<80xi32, #tpu.memory_space<vmem>>
      %dma_wait3A_135 = arith.constant 0 : i32
      %dma_wait3A_136 = arith.constant 0 : i32
      %dma_wait3A_137 = tpu.memref_slice %arg9[%dma_wait3A_135, %dma_wait3A_136] : memref<10240x16xf32, #tpu.memory_space<vmem_shared>> -> memref<10240x16xf32, #tpu.memory_space<vmem_shared>>
      tpu.wait_indirect_dma semaphore(%arg10 : memref<!tpu.dma_semaphore, #tpu.memory_space<semaphore_mem>>) src(%arg7 : memref<80x16xf32, #tpu.memory_space<vmem>>) dst(%dma_wait3A_137 : memref<10240x16xf32, #tpu.memory_space<vmem_shared>>)
      %mul3A_138 = arith.constant 8 : i32
      %mul3A_139 = arith.muli %scan3A_39, %mul3A_138 : i32
      %add3A_140 = arith.constant 2 : i32
      %add3A_141 = arith.addi %mul3A_139, %add3A_140 : i32
      %dma_wait3A_142 = arith.constant 0 : i32
      %dma_wait3A_143 = tpu.memref_slice %arg6[%add3A_141, %dma_wait3A_142] : memref<130x80xi32, #tpu.memory_space<vmem>> -> memref<1x80xi32, #tpu.memory_space<vmem>>
      %dma_wait3A_144 = tpu.memref_squeeze %dma_wait3A_143 : memref<1x80xi32, #tpu.memory_space<vmem>> -> memref<80xi32, #tpu.memory_space<vmem>>
      %dma_wait3A_145 = arith.constant 0 : i32
      %dma_wait3A_146 = arith.constant 0 : i32
      %dma_wait3A_147 = tpu.memref_slice %arg9[%dma_wait3A_145, %dma_wait3A_146] : memref<10240x16xf32, #tpu.memory_space<vmem_shared>> -> memref<10240x16xf32, #tpu.memory_space<vmem_shared>>
      tpu.wait_indirect_dma semaphore(%arg10 : memref<!tpu.dma_semaphore, #tpu.memory_space<semaphore_mem>>) src(%arg7 : memref<80x16xf32, #tpu.memory_space<vmem>>) dst(%dma_wait3A_147 : memref<10240x16xf32, #tpu.memory_space<vmem_shared>>)
      %mul3A_148 = arith.constant 8 : i32
      %mul3A_149 = arith.muli %scan3A_39, %mul3A_148 : i32
      %add3A_150 = arith.constant 3 : i32
      %add3A_151 = arith.addi %mul3A_149, %add3A_150 : i32
      %dma_wait3A_152 = arith.constant 0 : i32
      %dma_wait3A_153 = tpu.memref_slice %arg6[%add3A_151, %dma_wait3A_152] : memref<130x80xi32, #tpu.memory_space<vmem>> -> memref<1x80xi32, #tpu.memory_space<vmem>>
      %dma_wait3A_154 = tpu.memref_squeeze %dma_wait3A_153 : memref<1x80xi32, #tpu.memory_space<vmem>> -> memref<80xi32, #tpu.memory_space<vmem>>
      %dma_wait3A_155 = arith.constant 0 : i32
      %dma_wait3A_156 = arith.constant 0 : i32
      %dma_wait3A_157 = tpu.memref_slice %arg9[%dma_wait3A_155, %dma_wait3A_156] : memref<10240x16xf32, #tpu.memory_space<vmem_shared>> -> memref<10240x16xf32, #tpu.memory_space<vmem_shared>>
      tpu.wait_indirect_dma semaphore(%arg10 : memref<!tpu.dma_semaphore, #tpu.memory_space<semaphore_mem>>) src(%arg7 : memref<80x16xf32, #tpu.memory_space<vmem>>) dst(%dma_wait3A_157 : memref<10240x16xf32, #tpu.memory_space<vmem_shared>>)
      %mul3A_158 = arith.constant 8 : i32
      %mul3A_159 = arith.muli %scan3A_39, %mul3A_158 : i32
      %add3A_160 = arith.constant 4 : i32
      %add3A_161 = arith.addi %mul3A_159, %add3A_160 : i32
      %dma_wait3A_162 = arith.constant 0 : i32
      %dma_wait3A_163 = tpu.memref_slice %arg6[%add3A_161, %dma_wait3A_162] : memref<130x80xi32, #tpu.memory_space<vmem>> -> memref<1x80xi32, #tpu.memory_space<vmem>>
      %dma_wait3A_164 = tpu.memref_squeeze %dma_wait3A_163 : memref<1x80xi32, #tpu.memory_space<vmem>> -> memref<80xi32, #tpu.memory_space<vmem>>
      %dma_wait3A_165 = arith.constant 0 : i32
      %dma_wait3A_166 = arith.constant 0 : i32
      %dma_wait3A_167 = tpu.memref_slice %arg9[%dma_wait3A_165, %dma_wait3A_166] : memref<10240x16xf32, #tpu.memory_space<vmem_shared>> -> memref<10240x16xf32, #tpu.memory_space<vmem_shared>>
      tpu.wait_indirect_dma semaphore(%arg10 : memref<!tpu.dma_semaphore, #tpu.memory_space<semaphore_mem>>) src(%arg7 : memref<80x16xf32, #tpu.memory_space<vmem>>) dst(%dma_wait3A_167 : memref<10240x16xf32, #tpu.memory_space<vmem_shared>>)
      %mul3A_168 = arith.constant 8 : i32
      %mul3A_169 = arith.muli %scan3A_39, %mul3A_168 : i32
      %add3A_170 = arith.constant 5 : i32
      %add3A_171 = arith.addi %mul3A_169, %add3A_170 : i32
      %dma_wait3A_172 = arith.constant 0 : i32
      %dma_wait3A_173 = tpu.memref_slice %arg6[%add3A_171, %dma_wait3A_172] : memref<130x80xi32, #tpu.memory_space<vmem>> -> memref<1x80xi32, #tpu.memory_space<vmem>>
      %dma_wait3A_174 = tpu.memref_squeeze %dma_wait3A_173 : memref<1x80xi32, #tpu.memory_space<vmem>> -> memref<80xi32, #tpu.memory_space<vmem>>
      %dma_wait3A_175 = arith.constant 0 : i32
      %dma_wait3A_176 = arith.constant 0 : i32
      %dma_wait3A_177 = tpu.memref_slice %arg9[%dma_wait3A_175, %dma_wait3A_176] : memref<10240x16xf32, #tpu.memory_space<vmem_shared>> -> memref<10240x16xf32, #tpu.memory_space<vmem_shared>>
      tpu.wait_indirect_dma semaphore(%arg10 : memref<!tpu.dma_semaphore, #tpu.memory_space<semaphore_mem>>) src(%arg7 : memref<80x16xf32, #tpu.memory_space<vmem>>) dst(%dma_wait3A_177 : memref<10240x16xf32, #tpu.memory_space<vmem_shared>>)
      %mul3A_178 = arith.constant 8 : i32
      %mul3A_179 = arith.muli %scan3A_39, %mul3A_178 : i32
      %add3A_180 = arith.constant 6 : i32
      %add3A_181 = arith.addi %mul3A_179, %add3A_180 : i32
      %dma_wait3A_182 = arith.constant 0 : i32
      %dma_wait3A_183 = tpu.memref_slice %arg6[%add3A_181, %dma_wait3A_182] : memref<130x80xi32, #tpu.memory_space<vmem>> -> memref<1x80xi32, #tpu.memory_space<vmem>>
      %dma_wait3A_184 = tpu.memref_squeeze %dma_wait3A_183 : memref<1x80xi32, #tpu.memory_space<vmem>> -> memref<80xi32, #tpu.memory_space<vmem>>
      %dma_wait3A_185 = arith.constant 0 : i32
      %dma_wait3A_186 = arith.constant 0 : i32
      %dma_wait3A_187 = tpu.memref_slice %arg9[%dma_wait3A_185, %dma_wait3A_186] : memref<10240x16xf32, #tpu.memory_space<vmem_shared>> -> memref<10240x16xf32, #tpu.memory_space<vmem_shared>>
      tpu.wait_indirect_dma semaphore(%arg10 : memref<!tpu.dma_semaphore, #tpu.memory_space<semaphore_mem>>) src(%arg7 : memref<80x16xf32, #tpu.memory_space<vmem>>) dst(%dma_wait3A_187 : memref<10240x16xf32, #tpu.memory_space<vmem_shared>>)
      %mul3A_188 = arith.constant 8 : i32
      %mul3A_189 = arith.muli %scan3A_39, %mul3A_188 : i32
      %add3A_190 = arith.constant 7 : i32
      %add3A_191 = arith.addi %mul3A_189, %add3A_190 : i32
      %dma_wait3A_192 = arith.constant 0 : i32
      %dma_wait3A_193 = tpu.memref_slice %arg6[%add3A_191, %dma_wait3A_192] : memref<130x80xi32, #tpu.memory_space<vmem>> -> memref<1x80xi32, #tpu.memory_space<vmem>>
      %dma_wait3A_194 = tpu.memref_squeeze %dma_wait3A_193 : memref<1x80xi32, #tpu.memory_space<vmem>> -> memref<80xi32, #tpu.memory_space<vmem>>
      %dma_wait3A_195 = arith.constant 0 : i32
      %dma_wait3A_196 = arith.constant 0 : i32
      %dma_wait3A_197 = tpu.memref_slice %arg9[%dma_wait3A_195, %dma_wait3A_196] : memref<10240x16xf32, #tpu.memory_space<vmem_shared>> -> memref<10240x16xf32, #tpu.memory_space<vmem_shared>>
      tpu.wait_indirect_dma semaphore(%arg10 : memref<!tpu.dma_semaphore, #tpu.memory_space<semaphore_mem>>) src(%arg7 : memref<80x16xf32, #tpu.memory_space<vmem>>) dst(%dma_wait3A_197 : memref<10240x16xf32, #tpu.memory_space<vmem_shared>>)
    }
    %scan3A_21 = arith.constant 16 : i32
    %barrier3A_22 = arith.constant 0 : index
    tpu.barrier barrier_id(%barrier3A_22)
    %mul3A_23 = arith.constant 640 : i32
    %mul3A_24 = arith.muli %arg1, %mul3A_23 : i32
    %add3A_25 = arith.constant 0 : i32
    %add3A_26 = arith.addi %mul3A_24, %add3A_25 : i32
    "tpu.region"() ({
      %run_scoped3A = tpu.sem_alloc : memref<!tpu.dma_semaphore, #tpu.memory_space<semaphore_mem>>
      %dma_start3A = arith.constant 0 : i32
      %dma_start3A_39 = tpu.memref_slice %arg9[%add3A_26, %dma_start3A] : memref<10240x16xf32, #tpu.memory_space<vmem_shared>> -> memref<160x16xf32, #tpu.memory_space<vmem_shared>>
      %dma_start3A_40 = arith.constant 0 : i32
      %dma_start3A_41 = tpu.memref_slice %arg9[%add3A_26, %dma_start3A_40] : memref<10240x16xf32, #tpu.memory_space<vmem_shared>> -> memref<160x16xf32, #tpu.memory_space<vmem_shared>>
      tpu.enqueue_dma source(%dma_start3A_41 : memref<160x16xf32, #tpu.memory_space<vmem_shared>>) target(%arg8 : memref<160x16xf32, #tpu.memory_space<vmem>>) target_semaphore(%run_scoped3A : memref<!tpu.dma_semaphore, #tpu.memory_space<semaphore_mem>>)
      %dma_wait3A = arith.constant 0 : i32
      %dma_wait3A_42 = tpu.memref_slice %arg9[%add3A_26, %dma_wait3A] : memref<10240x16xf32, #tpu.memory_space<vmem_shared>> -> memref<160x16xf32, #tpu.memory_space<vmem_shared>>
      %dma_wait3A_43 = arith.constant 0 : i32
      %dma_wait3A_44 = tpu.memref_slice %arg9[%add3A_26, %dma_wait3A_43] : memref<10240x16xf32, #tpu.memory_space<vmem_shared>> -> memref<160x16xf32, #tpu.memory_space<vmem_shared>>
      tpu.wait_dma2 semaphore(%run_scoped3A : memref<!tpu.dma_semaphore, #tpu.memory_space<semaphore_mem>>) src(%dma_wait3A_44 : memref<160x16xf32, #tpu.memory_space<vmem_shared>>) dst(%arg8 : memref<160x16xf32, #tpu.memory_space<vmem>>)
      tpu.yield
    }) : () -> ()
    "tpu.region"() ({
      %run_scoped3A = tpu.sem_alloc : memref<!tpu.dma_semaphore, #tpu.memory_space<semaphore_mem>>
      %dma_start3A = arith.constant 0 : i32
      %dma_start3A_39 = arith.constant 0 : i32
      %dma_start3A_40 = tpu.memref_slice %arg5[%arg0, %arg1, %dma_start3A, %dma_start3A_39] : memref<2x16x640x16xf32, #tpu.memory_space<hbm>> -> memref<1x1x160x16xf32, #tpu.memory_space<hbm>>
      %dma_start3A_41 = tpu.memref_squeeze %dma_start3A_40 : memref<1x1x160x16xf32, #tpu.memory_space<hbm>> -> memref<160x16xf32, #tpu.memory_space<hbm>>
      %dma_start3A_42 = arith.constant 0 : i32
      %dma_start3A_43 = arith.constant 0 : i32
      %dma_start3A_44 = tpu.memref_slice %arg5[%arg0, %arg1, %dma_start3A_42, %dma_start3A_43] : memref<2x16x640x16xf32, #tpu.memory_space<hbm>> -> memref<1x1x160x16xf32, #tpu.memory_space<hbm>>
      %dma_start3A_45 = tpu.memref_squeeze %dma_start3A_44 : memref<1x1x160x16xf32, #tpu.memory_space<hbm>> -> memref<160x16xf32, #tpu.memory_space<hbm>>
      tpu.enqueue_dma source(%arg8 : memref<160x16xf32, #tpu.memory_space<vmem>>) target(%dma_start3A_45 : memref<160x16xf32, #tpu.memory_space<hbm>>) target_semaphore(%run_scoped3A : memref<!tpu.dma_semaphore, #tpu.memory_space<semaphore_mem>>)
      %dma_wait3A = arith.constant 0 : i32
      %dma_wait3A_46 = arith.constant 0 : i32
      %dma_wait3A_47 = tpu.memref_slice %arg5[%arg0, %arg1, %dma_wait3A, %dma_wait3A_46] : memref<2x16x640x16xf32, #tpu.memory_space<hbm>> -> memref<1x1x160x16xf32, #tpu.memory_space<hbm>>
      %dma_wait3A_48 = tpu.memref_squeeze %dma_wait3A_47 : memref<1x1x160x16xf32, #tpu.memory_space<hbm>> -> memref<160x16xf32, #tpu.memory_space<hbm>>
      %dma_wait3A_49 = arith.constant 0 : i32
      %dma_wait3A_50 = arith.constant 0 : i32
      %dma_wait3A_51 = tpu.memref_slice %arg5[%arg0, %arg1, %dma_wait3A_49, %dma_wait3A_50] : memref<2x16x640x16xf32, #tpu.memory_space<hbm>> -> memref<1x1x160x16xf32, #tpu.memory_space<hbm>>
      %dma_wait3A_52 = tpu.memref_squeeze %dma_wait3A_51 : memref<1x1x160x16xf32, #tpu.memory_space<hbm>> -> memref<160x16xf32, #tpu.memory_space<hbm>>
      tpu.wait_dma2 semaphore(%run_scoped3A : memref<!tpu.dma_semaphore, #tpu.memory_space<semaphore_mem>>) src(%arg8 : memref<160x16xf32, #tpu.memory_space<vmem>>) dst(%dma_wait3A_52 : memref<160x16xf32, #tpu.memory_space<hbm>>)
      tpu.yield
    }) : () -> ()
    %mul3A_27 = arith.constant 640 : i32
    %mul3A_28 = arith.muli %arg1, %mul3A_27 : i32
    %add3A_29 = arith.constant 160 : i32
    %add3A_30 = arith.addi %mul3A_28, %add3A_29 : i32
    "tpu.region"() ({
      %run_scoped3A = tpu.sem_alloc : memref<!tpu.dma_semaphore, #tpu.memory_space<semaphore_mem>>
      %dma_start3A = arith.constant 0 : i32
      %dma_start3A_39 = tpu.memref_slice %arg9[%add3A_30, %dma_start3A] : memref<10240x16xf32, #tpu.memory_space<vmem_shared>> -> memref<160x16xf32, #tpu.memory_space<vmem_shared>>
      %dma_start3A_40 = arith.constant 0 : i32
      %dma_start3A_41 = tpu.memref_slice %arg9[%add3A_30, %dma_start3A_40] : memref<10240x16xf32, #tpu.memory_space<vmem_shared>> -> memref<160x16xf32, #tpu.memory_space<vmem_shared>>
      tpu.enqueue_dma source(%dma_start3A_41 : memref<160x16xf32, #tpu.memory_space<vmem_shared>>) target(%arg8 : memref<160x16xf32, #tpu.memory_space<vmem>>) target_semaphore(%run_scoped3A : memref<!tpu.dma_semaphore, #tpu.memory_space<semaphore_mem>>)
      %dma_wait3A = arith.constant 0 : i32
      %dma_wait3A_42 = tpu.memref_slice %arg9[%add3A_30, %dma_wait3A] : memref<10240x16xf32, #tpu.memory_space<vmem_shared>> -> memref<160x16xf32, #tpu.memory_space<vmem_shared>>
      %dma_wait3A_43 = arith.constant 0 : i32
      %dma_wait3A_44 = tpu.memref_slice %arg9[%add3A_30, %dma_wait3A_43] : memref<10240x16xf32, #tpu.memory_space<vmem_shared>> -> memref<160x16xf32, #tpu.memory_space<vmem_shared>>
      tpu.wait_dma2 semaphore(%run_scoped3A : memref<!tpu.dma_semaphore, #tpu.memory_space<semaphore_mem>>) src(%dma_wait3A_44 : memref<160x16xf32, #tpu.memory_space<vmem_shared>>) dst(%arg8 : memref<160x16xf32, #tpu.memory_space<vmem>>)
      tpu.yield
    }) : () -> ()
    "tpu.region"() ({
      %run_scoped3A = tpu.sem_alloc : memref<!tpu.dma_semaphore, #tpu.memory_space<semaphore_mem>>
      %dma_start3A = arith.constant 160 : i32
      %dma_start3A_39 = arith.constant 0 : i32
      %dma_start3A_40 = tpu.memref_slice %arg5[%arg0, %arg1, %dma_start3A, %dma_start3A_39] : memref<2x16x640x16xf32, #tpu.memory_space<hbm>> -> memref<1x1x160x16xf32, #tpu.memory_space<hbm>>
      %dma_start3A_41 = tpu.memref_squeeze %dma_start3A_40 : memref<1x1x160x16xf32, #tpu.memory_space<hbm>> -> memref<160x16xf32, #tpu.memory_space<hbm>>
      %dma_start3A_42 = arith.constant 160 : i32
      %dma_start3A_43 = arith.constant 0 : i32
      %dma_start3A_44 = tpu.memref_slice %arg5[%arg0, %arg1, %dma_start3A_42, %dma_start3A_43] : memref<2x16x640x16xf32, #tpu.memory_space<hbm>> -> memref<1x1x160x16xf32, #tpu.memory_space<hbm>>
      %dma_start3A_45 = tpu.memref_squeeze %dma_start3A_44 : memref<1x1x160x16xf32, #tpu.memory_space<hbm>> -> memref<160x16xf32, #tpu.memory_space<hbm>>
      tpu.enqueue_dma source(%arg8 : memref<160x16xf32, #tpu.memory_space<vmem>>) target(%dma_start3A_45 : memref<160x16xf32, #tpu.memory_space<hbm>>) target_semaphore(%run_scoped3A : memref<!tpu.dma_semaphore, #tpu.memory_space<semaphore_mem>>)
      %dma_wait3A = arith.constant 160 : i32
      %dma_wait3A_46 = arith.constant 0 : i32
      %dma_wait3A_47 = tpu.memref_slice %arg5[%arg0, %arg1, %dma_wait3A, %dma_wait3A_46] : memref<2x16x640x16xf32, #tpu.memory_space<hbm>> -> memref<1x1x160x16xf32, #tpu.memory_space<hbm>>
      %dma_wait3A_48 = tpu.memref_squeeze %dma_wait3A_47 : memref<1x1x160x16xf32, #tpu.memory_space<hbm>> -> memref<160x16xf32, #tpu.memory_space<hbm>>
      %dma_wait3A_49 = arith.constant 160 : i32
      %dma_wait3A_50 = arith.constant 0 : i32
      %dma_wait3A_51 = tpu.memref_slice %arg5[%arg0, %arg1, %dma_wait3A_49, %dma_wait3A_50] : memref<2x16x640x16xf32, #tpu.memory_space<hbm>> -> memref<1x1x160x16xf32, #tpu.memory_space<hbm>>
      %dma_wait3A_52 = tpu.memref_squeeze %dma_wait3A_51 : memref<1x1x160x16xf32, #tpu.memory_space<hbm>> -> memref<160x16xf32, #tpu.memory_space<hbm>>
      tpu.wait_dma2 semaphore(%run_scoped3A : memref<!tpu.dma_semaphore, #tpu.memory_space<semaphore_mem>>) src(%arg8 : memref<160x16xf32, #tpu.memory_space<vmem>>) dst(%dma_wait3A_52 : memref<160x16xf32, #tpu.memory_space<hbm>>)
      tpu.yield
    }) : () -> ()
    %mul3A_31 = arith.constant 640 : i32
    %mul3A_32 = arith.muli %arg1, %mul3A_31 : i32
    %add3A_33 = arith.constant 320 : i32
    %add3A_34 = arith.addi %mul3A_32, %add3A_33 : i32
    "tpu.region"() ({
      %run_scoped3A = tpu.sem_alloc : memref<!tpu.dma_semaphore, #tpu.memory_space<semaphore_mem>>
      %dma_start3A = arith.constant 0 : i32
      %dma_start3A_39 = tpu.memref_slice %arg9[%add3A_34, %dma_start3A] : memref<10240x16xf32, #tpu.memory_space<vmem_shared>> -> memref<160x16xf32, #tpu.memory_space<vmem_shared>>
      %dma_start3A_40 = arith.constant 0 : i32
      %dma_start3A_41 = tpu.memref_slice %arg9[%add3A_34, %dma_start3A_40] : memref<10240x16xf32, #tpu.memory_space<vmem_shared>> -> memref<160x16xf32, #tpu.memory_space<vmem_shared>>
      tpu.enqueue_dma source(%dma_start3A_41 : memref<160x16xf32, #tpu.memory_space<vmem_shared>>) target(%arg8 : memref<160x16xf32, #tpu.memory_space<vmem>>) target_semaphore(%run_scoped3A : memref<!tpu.dma_semaphore, #tpu.memory_space<semaphore_mem>>)
      %dma_wait3A = arith.constant 0 : i32
      %dma_wait3A_42 = tpu.memref_slice %arg9[%add3A_34, %dma_wait3A] : memref<10240x16xf32, #tpu.memory_space<vmem_shared>> -> memref<160x16xf32, #tpu.memory_space<vmem_shared>>
      %dma_wait3A_43 = arith.constant 0 : i32
      %dma_wait3A_44 = tpu.memref_slice %arg9[%add3A_34, %dma_wait3A_43] : memref<10240x16xf32, #tpu.memory_space<vmem_shared>> -> memref<160x16xf32, #tpu.memory_space<vmem_shared>>
      tpu.wait_dma2 semaphore(%run_scoped3A : memref<!tpu.dma_semaphore, #tpu.memory_space<semaphore_mem>>) src(%dma_wait3A_44 : memref<160x16xf32, #tpu.memory_space<vmem_shared>>) dst(%arg8 : memref<160x16xf32, #tpu.memory_space<vmem>>)
      tpu.yield
    }) : () -> ()
    "tpu.region"() ({
      %run_scoped3A = tpu.sem_alloc : memref<!tpu.dma_semaphore, #tpu.memory_space<semaphore_mem>>
      %dma_start3A = arith.constant 320 : i32
      %dma_start3A_39 = arith.constant 0 : i32
      %dma_start3A_40 = tpu.memref_slice %arg5[%arg0, %arg1, %dma_start3A, %dma_start3A_39] : memref<2x16x640x16xf32, #tpu.memory_space<hbm>> -> memref<1x1x160x16xf32, #tpu.memory_space<hbm>>
      %dma_start3A_41 = tpu.memref_squeeze %dma_start3A_40 : memref<1x1x160x16xf32, #tpu.memory_space<hbm>> -> memref<160x16xf32, #tpu.memory_space<hbm>>
      %dma_start3A_42 = arith.constant 320 : i32
      %dma_start3A_43 = arith.constant 0 : i32
      %dma_start3A_44 = tpu.memref_slice %arg5[%arg0, %arg1, %dma_start3A_42, %dma_start3A_43] : memref<2x16x640x16xf32, #tpu.memory_space<hbm>> -> memref<1x1x160x16xf32, #tpu.memory_space<hbm>>
      %dma_start3A_45 = tpu.memref_squeeze %dma_start3A_44 : memref<1x1x160x16xf32, #tpu.memory_space<hbm>> -> memref<160x16xf32, #tpu.memory_space<hbm>>
      tpu.enqueue_dma source(%arg8 : memref<160x16xf32, #tpu.memory_space<vmem>>) target(%dma_start3A_45 : memref<160x16xf32, #tpu.memory_space<hbm>>) target_semaphore(%run_scoped3A : memref<!tpu.dma_semaphore, #tpu.memory_space<semaphore_mem>>)
      %dma_wait3A = arith.constant 320 : i32
      %dma_wait3A_46 = arith.constant 0 : i32
      %dma_wait3A_47 = tpu.memref_slice %arg5[%arg0, %arg1, %dma_wait3A, %dma_wait3A_46] : memref<2x16x640x16xf32, #tpu.memory_space<hbm>> -> memref<1x1x160x16xf32, #tpu.memory_space<hbm>>
      %dma_wait3A_48 = tpu.memref_squeeze %dma_wait3A_47 : memref<1x1x160x16xf32, #tpu.memory_space<hbm>> -> memref<160x16xf32, #tpu.memory_space<hbm>>
      %dma_wait3A_49 = arith.constant 320 : i32
      %dma_wait3A_50 = arith.constant 0 : i32
      %dma_wait3A_51 = tpu.memref_slice %arg5[%arg0, %arg1, %dma_wait3A_49, %dma_wait3A_50] : memref<2x16x640x16xf32, #tpu.memory_space<hbm>> -> memref<1x1x160x16xf32, #tpu.memory_space<hbm>>
      %dma_wait3A_52 = tpu.memref_squeeze %dma_wait3A_51 : memref<1x1x160x16xf32, #tpu.memory_space<hbm>> -> memref<160x16xf32, #tpu.memory_space<hbm>>
      tpu.wait_dma2 semaphore(%run_scoped3A : memref<!tpu.dma_semaphore, #tpu.memory_space<semaphore_mem>>) src(%arg8 : memref<160x16xf32, #tpu.memory_space<vmem>>) dst(%dma_wait3A_52 : memref<160x16xf32, #tpu.memory_space<hbm>>)
      tpu.yield
    }) : () -> ()
    %mul3A_35 = arith.constant 640 : i32
    %mul3A_36 = arith.muli %arg1, %mul3A_35 : i32
    %add3A_37 = arith.constant 480 : i32
    %add3A_38 = arith.addi %mul3A_36, %add3A_37 : i32
    "tpu.region"() ({
      %run_scoped3A = tpu.sem_alloc : memref<!tpu.dma_semaphore, #tpu.memory_space<semaphore_mem>>
      %dma_start3A = arith.constant 0 : i32
      %dma_start3A_39 = tpu.memref_slice %arg9[%add3A_38, %dma_start3A] : memref<10240x16xf32, #tpu.memory_space<vmem_shared>> -> memref<160x16xf32, #tpu.memory_space<vmem_shared>>
      %dma_start3A_40 = arith.constant 0 : i32
      %dma_start3A_41 = tpu.memref_slice %arg9[%add3A_38, %dma_start3A_40] : memref<10240x16xf32, #tpu.memory_space<vmem_shared>> -> memref<160x16xf32, #tpu.memory_space<vmem_shared>>
      tpu.enqueue_dma source(%dma_start3A_41 : memref<160x16xf32, #tpu.memory_space<vmem_shared>>) target(%arg8 : memref<160x16xf32, #tpu.memory_space<vmem>>) target_semaphore(%run_scoped3A : memref<!tpu.dma_semaphore, #tpu.memory_space<semaphore_mem>>)
      %dma_wait3A = arith.constant 0 : i32
      %dma_wait3A_42 = tpu.memref_slice %arg9[%add3A_38, %dma_wait3A] : memref<10240x16xf32, #tpu.memory_space<vmem_shared>> -> memref<160x16xf32, #tpu.memory_space<vmem_shared>>
      %dma_wait3A_43 = arith.constant 0 : i32
      %dma_wait3A_44 = tpu.memref_slice %arg9[%add3A_38, %dma_wait3A_43] : memref<10240x16xf32, #tpu.memory_space<vmem_shared>> -> memref<160x16xf32, #tpu.memory_space<vmem_shared>>
      tpu.wait_dma2 semaphore(%run_scoped3A : memref<!tpu.dma_semaphore, #tpu.memory_space<semaphore_mem>>) src(%dma_wait3A_44 : memref<160x16xf32, #tpu.memory_space<vmem_shared>>) dst(%arg8 : memref<160x16xf32, #tpu.memory_space<vmem>>)
      tpu.yield
    }) : () -> ()
    "tpu.region"() ({
      %run_scoped3A = tpu.sem_alloc : memref<!tpu.dma_semaphore, #tpu.memory_space<semaphore_mem>>
      %dma_start3A = arith.constant 480 : i32
      %dma_start3A_39 = arith.constant 0 : i32
      %dma_start3A_40 = tpu.memref_slice %arg5[%arg0, %arg1, %dma_start3A, %dma_start3A_39] : memref<2x16x640x16xf32, #tpu.memory_space<hbm>> -> memref<1x1x160x16xf32, #tpu.memory_space<hbm>>
      %dma_start3A_41 = tpu.memref_squeeze %dma_start3A_40 : memref<1x1x160x16xf32, #tpu.memory_space<hbm>> -> memref<160x16xf32, #tpu.memory_space<hbm>>
      %dma_start3A_42 = arith.constant 480 : i32
      %dma_start3A_43 = arith.constant 0 : i32
      %dma_start3A_44 = tpu.memref_slice %arg5[%arg0, %arg1, %dma_start3A_42, %dma_start3A_43] : memref<2x16x640x16xf32, #tpu.memory_space<hbm>> -> memref<1x1x160x16xf32, #tpu.memory_space<hbm>>
      %dma_start3A_45 = tpu.memref_squeeze %dma_start3A_44 : memref<1x1x160x16xf32, #tpu.memory_space<hbm>> -> memref<160x16xf32, #tpu.memory_space<hbm>>
      tpu.enqueue_dma source(%arg8 : memref<160x16xf32, #tpu.memory_space<vmem>>) target(%dma_start3A_45 : memref<160x16xf32, #tpu.memory_space<hbm>>) target_semaphore(%run_scoped3A : memref<!tpu.dma_semaphore, #tpu.memory_space<semaphore_mem>>)
      %dma_wait3A = arith.constant 480 : i32
      %dma_wait3A_46 = arith.constant 0 : i32
      %dma_wait3A_47 = tpu.memref_slice %arg5[%arg0, %arg1, %dma_wait3A, %dma_wait3A_46] : memref<2x16x640x16xf32, #tpu.memory_space<hbm>> -> memref<1x1x160x16xf32, #tpu.memory_space<hbm>>
      %dma_wait3A_48 = tpu.memref_squeeze %dma_wait3A_47 : memref<1x1x160x16xf32, #tpu.memory_space<hbm>> -> memref<160x16xf32, #tpu.memory_space<hbm>>
      %dma_wait3A_49 = arith.constant 480 : i32
      %dma_wait3A_50 = arith.constant 0 : i32
      %dma_wait3A_51 = tpu.memref_slice %arg5[%arg0, %arg1, %dma_wait3A_49, %dma_wait3A_50] : memref<2x16x640x16xf32, #tpu.memory_space<hbm>> -> memref<1x1x160x16xf32, #tpu.memory_space<hbm>>
      %dma_wait3A_52 = tpu.memref_squeeze %dma_wait3A_51 : memref<1x1x160x16xf32, #tpu.memory_space<hbm>> -> memref<160x16xf32, #tpu.memory_space<hbm>>
      tpu.wait_dma2 semaphore(%run_scoped3A : memref<!tpu.dma_semaphore, #tpu.memory_space<semaphore_mem>>) src(%arg8 : memref<160x16xf32, #tpu.memory_space<vmem>>) dst(%dma_wait3A_52 : memref<160x16xf32, #tpu.memory_space<hbm>>)
      tpu.yield
    }) : () -> ()
    return
  }
}

#map = affine_map<(d0, d1) -> (0, 0)>
#map1 = affine_map<(d0, d1) -> (0, 0, 0)>
#map2 = affine_map<(d0, d1) -> (0, 0, 0, 0, 0)>
module attributes {stable_mosaic.version = 14 : i64} {
  func.func @body(%arg0: i32, %arg1: i32, %arg2: memref<10000x64xf32, #tpu.memory_space<hbm>>, %arg3: memref<10000x64xf32, #tpu.memory_space<hbm>>, %arg4: memref<32x130x80xi32, #tpu.memory_space<hbm>>, %arg5: memref<32x130x80xi32, #tpu.memory_space<hbm>>, %arg6: memref<160x64xf32, #tpu.memory_space<hbm>>, %arg7: memref<2x2x16x640x64xf32, #tpu.memory_space<hbm>>, %arg8: memref<130x80xi32, #tpu.memory_space<vmem>>, %arg9: memref<130x80xi32, #tpu.memory_space<vmem>>, %arg10: memref<80x64xf32, #tpu.memory_space<vmem>>, %arg11: memref<80x64xf32, #tpu.memory_space<vmem>>, %arg12: memref<80x64xf32, #tpu.memory_space<vmem>>, %arg13: memref<80x64xf32, #tpu.memory_space<vmem>>, %arg14: memref<80x64xf32, #tpu.memory_space<vmem>>, %arg15: memref<160x64xf32, #tpu.memory_space<vmem>>, %arg16: memref<10240x64xf32, #tpu.memory_space<vmem_shared>>, %arg17: memref<!tpu.dma_semaphore, #tpu.memory_space<semaphore_mem>>, %arg18: memref<!tpu.dma_semaphore, #tpu.memory_space<semaphore_mem>>, %arg19: memref<!tpu.dma_semaphore, #tpu.memory_space<semaphore_mem>>, %arg20: memref<!tpu.dma_semaphore, #tpu.memory_space<semaphore_mem>>, %arg21: memref<!tpu.dma_semaphore, #tpu.memory_space<semaphore_mem>>, %arg22: memref<!tpu.dma_semaphore, #tpu.memory_space<semaphore_mem>>, %arg23: memref<!tpu.dma_semaphore, #tpu.memory_space<semaphore_mem>>, %arg24: memref<!tpu.dma_semaphore, #tpu.memory_space<semaphore_mem>>, %arg25: memref<!tpu.dma_semaphore, #tpu.memory_space<semaphore_mem>>, %arg26: memref<!tpu.dma_semaphore, #tpu.memory_space<semaphore_mem>>) attributes {dimension_semantics = [#tpu.dimension_semantics<core_parallel>, #tpu.dimension_semantics<subcore_parallel>], iteration_bounds = array<i64: 2, 16>, scalar_prefetch = 0 : i64, scratch_operands = 19 : i64, tpu.core_type = #tpu.core_type<sc_vector_subcore>, window_params = [{transform_indices = #map}, {transform_indices = #map}, {transform_indices = #map1}, {transform_indices = #map1}, {transform_indices = #map}, {transform_indices = #map2}]} {
    %mul3A = arith.constant 16 : i32
    %mul3A_0 = arith.muli %arg0, %mul3A : i32
    %add3A = arith.addi %mul3A_0, %arg1 : i32
    "tpu.region"() ({
      %run_scoped3A_366 = tpu.sem_alloc : memref<!tpu.dma_semaphore, #tpu.memory_space<semaphore_mem>>
      %dma_start3A_367 = arith.constant 0 : i32
      %dma_start3A_368 = arith.constant 0 : i32
      %dma_start3A_369 = tpu.memref_slice %arg4[%add3A, %dma_start3A_367, %dma_start3A_368] : memref<32x130x80xi32, #tpu.memory_space<hbm>> -> memref<1x130x80xi32, #tpu.memory_space<hbm>>
      %dma_start3A_370 = tpu.memref_squeeze %dma_start3A_369 : memref<1x130x80xi32, #tpu.memory_space<hbm>> -> memref<130x80xi32, #tpu.memory_space<hbm>>
      %dma_start3A_371 = arith.constant 0 : i32
      %dma_start3A_372 = arith.constant 0 : i32
      %dma_start3A_373 = tpu.memref_slice %arg4[%add3A, %dma_start3A_371, %dma_start3A_372] : memref<32x130x80xi32, #tpu.memory_space<hbm>> -> memref<1x130x80xi32, #tpu.memory_space<hbm>>
      %dma_start3A_374 = tpu.memref_squeeze %dma_start3A_373 : memref<1x130x80xi32, #tpu.memory_space<hbm>> -> memref<130x80xi32, #tpu.memory_space<hbm>>
      tpu.enqueue_dma source(%dma_start3A_374 : memref<130x80xi32, #tpu.memory_space<hbm>>) target(%arg8 : memref<130x80xi32, #tpu.memory_space<vmem>>) target_semaphore(%run_scoped3A_366 : memref<!tpu.dma_semaphore, #tpu.memory_space<semaphore_mem>>)
      %dma_wait3A_375 = arith.constant 0 : i32
      %dma_wait3A_376 = arith.constant 0 : i32
      %dma_wait3A_377 = tpu.memref_slice %arg4[%add3A, %dma_wait3A_375, %dma_wait3A_376] : memref<32x130x80xi32, #tpu.memory_space<hbm>> -> memref<1x130x80xi32, #tpu.memory_space<hbm>>
      %dma_wait3A_378 = tpu.memref_squeeze %dma_wait3A_377 : memref<1x130x80xi32, #tpu.memory_space<hbm>> -> memref<130x80xi32, #tpu.memory_space<hbm>>
      %dma_wait3A_379 = arith.constant 0 : i32
      %dma_wait3A_380 = arith.constant 0 : i32
      %dma_wait3A_381 = tpu.memref_slice %arg4[%add3A, %dma_wait3A_379, %dma_wait3A_380] : memref<32x130x80xi32, #tpu.memory_space<hbm>> -> memref<1x130x80xi32, #tpu.memory_space<hbm>>
      %dma_wait3A_382 = tpu.memref_squeeze %dma_wait3A_381 : memref<1x130x80xi32, #tpu.memory_space<hbm>> -> memref<130x80xi32, #tpu.memory_space<hbm>>
      tpu.wait_dma2 semaphore(%run_scoped3A_366 : memref<!tpu.dma_semaphore, #tpu.memory_space<semaphore_mem>>) src(%dma_wait3A_382 : memref<130x80xi32, #tpu.memory_space<hbm>>) dst(%arg8 : memref<130x80xi32, #tpu.memory_space<vmem>>)
      tpu.yield
    }) : () -> ()
    "tpu.region"() ({
      %run_scoped3A_366 = tpu.sem_alloc : memref<!tpu.dma_semaphore, #tpu.memory_space<semaphore_mem>>
      %dma_start3A_367 = arith.constant 0 : i32
      %dma_start3A_368 = arith.constant 0 : i32
      %dma_start3A_369 = tpu.memref_slice %arg5[%add3A, %dma_start3A_367, %dma_start3A_368] : memref<32x130x80xi32, #tpu.memory_space<hbm>> -> memref<1x130x80xi32, #tpu.memory_space<hbm>>
      %dma_start3A_370 = tpu.memref_squeeze %dma_start3A_369 : memref<1x130x80xi32, #tpu.memory_space<hbm>> -> memref<130x80xi32, #tpu.memory_space<hbm>>
      %dma_start3A_371 = arith.constant 0 : i32
      %dma_start3A_372 = arith.constant 0 : i32
      %dma_start3A_373 = tpu.memref_slice %arg5[%add3A, %dma_start3A_371, %dma_start3A_372] : memref<32x130x80xi32, #tpu.memory_space<hbm>> -> memref<1x130x80xi32, #tpu.memory_space<hbm>>
      %dma_start3A_374 = tpu.memref_squeeze %dma_start3A_373 : memref<1x130x80xi32, #tpu.memory_space<hbm>> -> memref<130x80xi32, #tpu.memory_space<hbm>>
      tpu.enqueue_dma source(%dma_start3A_374 : memref<130x80xi32, #tpu.memory_space<hbm>>) target(%arg9 : memref<130x80xi32, #tpu.memory_space<vmem>>) target_semaphore(%run_scoped3A_366 : memref<!tpu.dma_semaphore, #tpu.memory_space<semaphore_mem>>)
      %dma_wait3A_375 = arith.constant 0 : i32
      %dma_wait3A_376 = arith.constant 0 : i32
      %dma_wait3A_377 = tpu.memref_slice %arg5[%add3A, %dma_wait3A_375, %dma_wait3A_376] : memref<32x130x80xi32, #tpu.memory_space<hbm>> -> memref<1x130x80xi32, #tpu.memory_space<hbm>>
      %dma_wait3A_378 = tpu.memref_squeeze %dma_wait3A_377 : memref<1x130x80xi32, #tpu.memory_space<hbm>> -> memref<130x80xi32, #tpu.memory_space<hbm>>
      %dma_wait3A_379 = arith.constant 0 : i32
      %dma_wait3A_380 = arith.constant 0 : i32
      %dma_wait3A_381 = tpu.memref_slice %arg5[%add3A, %dma_wait3A_379, %dma_wait3A_380] : memref<32x130x80xi32, #tpu.memory_space<hbm>> -> memref<1x130x80xi32, #tpu.memory_space<hbm>>
      %dma_wait3A_382 = tpu.memref_squeeze %dma_wait3A_381 : memref<1x130x80xi32, #tpu.memory_space<hbm>> -> memref<130x80xi32, #tpu.memory_space<hbm>>
      tpu.wait_dma2 semaphore(%run_scoped3A_366 : memref<!tpu.dma_semaphore, #tpu.memory_space<semaphore_mem>>) src(%dma_wait3A_382 : memref<130x80xi32, #tpu.memory_space<hbm>>) dst(%arg9 : memref<130x80xi32, #tpu.memory_space<vmem>>)
      tpu.yield
    }) : () -> ()
    "tpu.region"() ({
      %run_scoped3A_366 = tpu.sem_alloc : memref<!tpu.dma_semaphore, #tpu.memory_space<semaphore_mem>>
      tpu.enqueue_dma source(%arg6 : memref<160x64xf32, #tpu.memory_space<hbm>>) target(%arg15 : memref<160x64xf32, #tpu.memory_space<vmem>>) target_semaphore(%run_scoped3A_366 : memref<!tpu.dma_semaphore, #tpu.memory_space<semaphore_mem>>)
      tpu.wait_dma2 semaphore(%run_scoped3A_366 : memref<!tpu.dma_semaphore, #tpu.memory_space<semaphore_mem>>) src(%arg6 : memref<160x64xf32, #tpu.memory_space<hbm>>) dst(%arg15 : memref<160x64xf32, #tpu.memory_space<vmem>>)
      tpu.yield
    }) : () -> ()
    %mul3A_1 = arith.constant 640 : i32
    %mul3A_2 = arith.muli %arg1, %mul3A_1 : i32
    %add3A_3 = arith.constant 0 : i32
    %add3A_4 = arith.addi %mul3A_2, %add3A_3 : i32
    "tpu.region"() ({
      %run_scoped3A_366 = tpu.sem_alloc : memref<!tpu.dma_semaphore, #tpu.memory_space<semaphore_mem>>
      %dma_start3A_367 = arith.constant 0 : i32
      %dma_start3A_368 = tpu.memref_slice %arg16[%add3A_4, %dma_start3A_367] : memref<10240x64xf32, #tpu.memory_space<vmem_shared>> -> memref<160x64xf32, #tpu.memory_space<vmem_shared>>
      %dma_start3A_369 = arith.constant 0 : i32
      %dma_start3A_370 = tpu.memref_slice %arg16[%add3A_4, %dma_start3A_369] : memref<10240x64xf32, #tpu.memory_space<vmem_shared>> -> memref<160x64xf32, #tpu.memory_space<vmem_shared>>
      tpu.enqueue_dma source(%arg15 : memref<160x64xf32, #tpu.memory_space<vmem>>) target(%dma_start3A_370 : memref<160x64xf32, #tpu.memory_space<vmem_shared>>) target_semaphore(%run_scoped3A_366 : memref<!tpu.dma_semaphore, #tpu.memory_space<semaphore_mem>>)
      %dma_wait3A_371 = arith.constant 0 : i32
      %dma_wait3A_372 = tpu.memref_slice %arg16[%add3A_4, %dma_wait3A_371] : memref<10240x64xf32, #tpu.memory_space<vmem_shared>> -> memref<160x64xf32, #tpu.memory_space<vmem_shared>>
      %dma_wait3A_373 = arith.constant 0 : i32
      %dma_wait3A_374 = tpu.memref_slice %arg16[%add3A_4, %dma_wait3A_373] : memref<10240x64xf32, #tpu.memory_space<vmem_shared>> -> memref<160x64xf32, #tpu.memory_space<vmem_shared>>
      tpu.wait_dma2 semaphore(%run_scoped3A_366 : memref<!tpu.dma_semaphore, #tpu.memory_space<semaphore_mem>>) src(%arg15 : memref<160x64xf32, #tpu.memory_space<vmem>>) dst(%dma_wait3A_374 : memref<160x64xf32, #tpu.memory_space<vmem_shared>>)
      tpu.yield
    }) : () -> ()
    %mul3A_5 = arith.constant 640 : i32
    %mul3A_6 = arith.muli %arg1, %mul3A_5 : i32
    %add3A_7 = arith.constant 160 : i32
    %add3A_8 = arith.addi %mul3A_6, %add3A_7 : i32
    "tpu.region"() ({
      %run_scoped3A_366 = tpu.sem_alloc : memref<!tpu.dma_semaphore, #tpu.memory_space<semaphore_mem>>
      %dma_start3A_367 = arith.constant 0 : i32
      %dma_start3A_368 = tpu.memref_slice %arg16[%add3A_8, %dma_start3A_367] : memref<10240x64xf32, #tpu.memory_space<vmem_shared>> -> memref<160x64xf32, #tpu.memory_space<vmem_shared>>
      %dma_start3A_369 = arith.constant 0 : i32
      %dma_start3A_370 = tpu.memref_slice %arg16[%add3A_8, %dma_start3A_369] : memref<10240x64xf32, #tpu.memory_space<vmem_shared>> -> memref<160x64xf32, #tpu.memory_space<vmem_shared>>
      tpu.enqueue_dma source(%arg15 : memref<160x64xf32, #tpu.memory_space<vmem>>) target(%dma_start3A_370 : memref<160x64xf32, #tpu.memory_space<vmem_shared>>) target_semaphore(%run_scoped3A_366 : memref<!tpu.dma_semaphore, #tpu.memory_space<semaphore_mem>>)
      %dma_wait3A_371 = arith.constant 0 : i32
      %dma_wait3A_372 = tpu.memref_slice %arg16[%add3A_8, %dma_wait3A_371] : memref<10240x64xf32, #tpu.memory_space<vmem_shared>> -> memref<160x64xf32, #tpu.memory_space<vmem_shared>>
      %dma_wait3A_373 = arith.constant 0 : i32
      %dma_wait3A_374 = tpu.memref_slice %arg16[%add3A_8, %dma_wait3A_373] : memref<10240x64xf32, #tpu.memory_space<vmem_shared>> -> memref<160x64xf32, #tpu.memory_space<vmem_shared>>
      tpu.wait_dma2 semaphore(%run_scoped3A_366 : memref<!tpu.dma_semaphore, #tpu.memory_space<semaphore_mem>>) src(%arg15 : memref<160x64xf32, #tpu.memory_space<vmem>>) dst(%dma_wait3A_374 : memref<160x64xf32, #tpu.memory_space<vmem_shared>>)
      tpu.yield
    }) : () -> ()
    %mul3A_9 = arith.constant 640 : i32
    %mul3A_10 = arith.muli %arg1, %mul3A_9 : i32
    %add3A_11 = arith.constant 320 : i32
    %add3A_12 = arith.addi %mul3A_10, %add3A_11 : i32
    "tpu.region"() ({
      %run_scoped3A_366 = tpu.sem_alloc : memref<!tpu.dma_semaphore, #tpu.memory_space<semaphore_mem>>
      %dma_start3A_367 = arith.constant 0 : i32
      %dma_start3A_368 = tpu.memref_slice %arg16[%add3A_12, %dma_start3A_367] : memref<10240x64xf32, #tpu.memory_space<vmem_shared>> -> memref<160x64xf32, #tpu.memory_space<vmem_shared>>
      %dma_start3A_369 = arith.constant 0 : i32
      %dma_start3A_370 = tpu.memref_slice %arg16[%add3A_12, %dma_start3A_369] : memref<10240x64xf32, #tpu.memory_space<vmem_shared>> -> memref<160x64xf32, #tpu.memory_space<vmem_shared>>
      tpu.enqueue_dma source(%arg15 : memref<160x64xf32, #tpu.memory_space<vmem>>) target(%dma_start3A_370 : memref<160x64xf32, #tpu.memory_space<vmem_shared>>) target_semaphore(%run_scoped3A_366 : memref<!tpu.dma_semaphore, #tpu.memory_space<semaphore_mem>>)
      %dma_wait3A_371 = arith.constant 0 : i32
      %dma_wait3A_372 = tpu.memref_slice %arg16[%add3A_12, %dma_wait3A_371] : memref<10240x64xf32, #tpu.memory_space<vmem_shared>> -> memref<160x64xf32, #tpu.memory_space<vmem_shared>>
      %dma_wait3A_373 = arith.constant 0 : i32
      %dma_wait3A_374 = tpu.memref_slice %arg16[%add3A_12, %dma_wait3A_373] : memref<10240x64xf32, #tpu.memory_space<vmem_shared>> -> memref<160x64xf32, #tpu.memory_space<vmem_shared>>
      tpu.wait_dma2 semaphore(%run_scoped3A_366 : memref<!tpu.dma_semaphore, #tpu.memory_space<semaphore_mem>>) src(%arg15 : memref<160x64xf32, #tpu.memory_space<vmem>>) dst(%dma_wait3A_374 : memref<160x64xf32, #tpu.memory_space<vmem_shared>>)
      tpu.yield
    }) : () -> ()
    %mul3A_13 = arith.constant 640 : i32
    %mul3A_14 = arith.muli %arg1, %mul3A_13 : i32
    %add3A_15 = arith.constant 480 : i32
    %add3A_16 = arith.addi %mul3A_14, %add3A_15 : i32
    "tpu.region"() ({
      %run_scoped3A_366 = tpu.sem_alloc : memref<!tpu.dma_semaphore, #tpu.memory_space<semaphore_mem>>
      %dma_start3A_367 = arith.constant 0 : i32
      %dma_start3A_368 = tpu.memref_slice %arg16[%add3A_16, %dma_start3A_367] : memref<10240x64xf32, #tpu.memory_space<vmem_shared>> -> memref<160x64xf32, #tpu.memory_space<vmem_shared>>
      %dma_start3A_369 = arith.constant 0 : i32
      %dma_start3A_370 = tpu.memref_slice %arg16[%add3A_16, %dma_start3A_369] : memref<10240x64xf32, #tpu.memory_space<vmem_shared>> -> memref<160x64xf32, #tpu.memory_space<vmem_shared>>
      tpu.enqueue_dma source(%arg15 : memref<160x64xf32, #tpu.memory_space<vmem>>) target(%dma_start3A_370 : memref<160x64xf32, #tpu.memory_space<vmem_shared>>) target_semaphore(%run_scoped3A_366 : memref<!tpu.dma_semaphore, #tpu.memory_space<semaphore_mem>>)
      %dma_wait3A_371 = arith.constant 0 : i32
      %dma_wait3A_372 = tpu.memref_slice %arg16[%add3A_16, %dma_wait3A_371] : memref<10240x64xf32, #tpu.memory_space<vmem_shared>> -> memref<160x64xf32, #tpu.memory_space<vmem_shared>>
      %dma_wait3A_373 = arith.constant 0 : i32
      %dma_wait3A_374 = tpu.memref_slice %arg16[%add3A_16, %dma_wait3A_373] : memref<10240x64xf32, #tpu.memory_space<vmem_shared>> -> memref<160x64xf32, #tpu.memory_space<vmem_shared>>
      tpu.wait_dma2 semaphore(%run_scoped3A_366 : memref<!tpu.dma_semaphore, #tpu.memory_space<semaphore_mem>>) src(%arg15 : memref<160x64xf32, #tpu.memory_space<vmem>>) dst(%dma_wait3A_374 : memref<160x64xf32, #tpu.memory_space<vmem_shared>>)
      tpu.yield
    }) : () -> ()
    %barrier3A = arith.constant 0 : index
    tpu.barrier barrier_id(%barrier3A)
    %dma_start3A = arith.constant 0 : i32
    %dma_start3A_17 = arith.constant 0 : i32
    %dma_start3A_18 = tpu.memref_slice %arg8[%dma_start3A, %dma_start3A_17] : memref<130x80xi32, #tpu.memory_space<vmem>> -> memref<1x80xi32, #tpu.memory_space<vmem>>
    %dma_start3A_19 = tpu.memref_squeeze %dma_start3A_18 : memref<1x80xi32, #tpu.memory_space<vmem>> -> memref<80xi32, #tpu.memory_space<vmem>>
    %dma_start3A_20 = arith.constant 0 : i32
    %dma_start3A_21 = arith.constant 0 : i32
    %dma_start3A_22 = tpu.memref_slice %arg2[%dma_start3A_20, %dma_start3A_21] : memref<10000x64xf32, #tpu.memory_space<hbm>> -> memref<10000x64xf32, #tpu.memory_space<hbm>>
    tpu.enqueue_indirect_dma source(%dma_start3A_22 : memref<10000x64xf32, #tpu.memory_space<hbm>>) target(%arg10 : memref<80x64xf32, #tpu.memory_space<vmem>>) offsets(%dma_start3A_19 : memref<80xi32, #tpu.memory_space<vmem>>) semaphore(%arg17 : memref<!tpu.dma_semaphore, #tpu.memory_space<semaphore_mem>>)
    %dma_start3A_23 = arith.constant 1 : i32
    %dma_start3A_24 = arith.constant 0 : i32
    %dma_start3A_25 = tpu.memref_slice %arg8[%dma_start3A_23, %dma_start3A_24] : memref<130x80xi32, #tpu.memory_space<vmem>> -> memref<1x80xi32, #tpu.memory_space<vmem>>
    %dma_start3A_26 = tpu.memref_squeeze %dma_start3A_25 : memref<1x80xi32, #tpu.memory_space<vmem>> -> memref<80xi32, #tpu.memory_space<vmem>>
    %dma_start3A_27 = arith.constant 0 : i32
    %dma_start3A_28 = arith.constant 0 : i32
    %dma_start3A_29 = tpu.memref_slice %arg2[%dma_start3A_27, %dma_start3A_28] : memref<10000x64xf32, #tpu.memory_space<hbm>> -> memref<10000x64xf32, #tpu.memory_space<hbm>>
    tpu.enqueue_indirect_dma source(%dma_start3A_29 : memref<10000x64xf32, #tpu.memory_space<hbm>>) target(%arg11 : memref<80x64xf32, #tpu.memory_space<vmem>>) offsets(%dma_start3A_26 : memref<80xi32, #tpu.memory_space<vmem>>) semaphore(%arg18 : memref<!tpu.dma_semaphore, #tpu.memory_space<semaphore_mem>>)
    %dma_start3A_30 = arith.constant 2 : i32
    %dma_start3A_31 = arith.constant 0 : i32
    %dma_start3A_32 = tpu.memref_slice %arg8[%dma_start3A_30, %dma_start3A_31] : memref<130x80xi32, #tpu.memory_space<vmem>> -> memref<1x80xi32, #tpu.memory_space<vmem>>
    %dma_start3A_33 = tpu.memref_squeeze %dma_start3A_32 : memref<1x80xi32, #tpu.memory_space<vmem>> -> memref<80xi32, #tpu.memory_space<vmem>>
    %dma_start3A_34 = arith.constant 0 : i32
    %dma_start3A_35 = arith.constant 0 : i32
    %dma_start3A_36 = tpu.memref_slice %arg2[%dma_start3A_34, %dma_start3A_35] : memref<10000x64xf32, #tpu.memory_space<hbm>> -> memref<10000x64xf32, #tpu.memory_space<hbm>>
    tpu.enqueue_indirect_dma source(%dma_start3A_36 : memref<10000x64xf32, #tpu.memory_space<hbm>>) target(%arg12 : memref<80x64xf32, #tpu.memory_space<vmem>>) offsets(%dma_start3A_33 : memref<80xi32, #tpu.memory_space<vmem>>) semaphore(%arg19 : memref<!tpu.dma_semaphore, #tpu.memory_space<semaphore_mem>>)
    %dma_start3A_37 = arith.constant 3 : i32
    %dma_start3A_38 = arith.constant 0 : i32
    %dma_start3A_39 = tpu.memref_slice %arg8[%dma_start3A_37, %dma_start3A_38] : memref<130x80xi32, #tpu.memory_space<vmem>> -> memref<1x80xi32, #tpu.memory_space<vmem>>
    %dma_start3A_40 = tpu.memref_squeeze %dma_start3A_39 : memref<1x80xi32, #tpu.memory_space<vmem>> -> memref<80xi32, #tpu.memory_space<vmem>>
    %dma_start3A_41 = arith.constant 0 : i32
    %dma_start3A_42 = arith.constant 0 : i32
    %dma_start3A_43 = tpu.memref_slice %arg2[%dma_start3A_41, %dma_start3A_42] : memref<10000x64xf32, #tpu.memory_space<hbm>> -> memref<10000x64xf32, #tpu.memory_space<hbm>>
    tpu.enqueue_indirect_dma source(%dma_start3A_43 : memref<10000x64xf32, #tpu.memory_space<hbm>>) target(%arg13 : memref<80x64xf32, #tpu.memory_space<vmem>>) offsets(%dma_start3A_40 : memref<80xi32, #tpu.memory_space<vmem>>) semaphore(%arg20 : memref<!tpu.dma_semaphore, #tpu.memory_space<semaphore_mem>>)
    %dma_start3A_44 = arith.constant 4 : i32
    %dma_start3A_45 = arith.constant 0 : i32
    %dma_start3A_46 = tpu.memref_slice %arg8[%dma_start3A_44, %dma_start3A_45] : memref<130x80xi32, #tpu.memory_space<vmem>> -> memref<1x80xi32, #tpu.memory_space<vmem>>
    %dma_start3A_47 = tpu.memref_squeeze %dma_start3A_46 : memref<1x80xi32, #tpu.memory_space<vmem>> -> memref<80xi32, #tpu.memory_space<vmem>>
    %dma_start3A_48 = arith.constant 0 : i32
    %dma_start3A_49 = arith.constant 0 : i32
    %dma_start3A_50 = tpu.memref_slice %arg2[%dma_start3A_48, %dma_start3A_49] : memref<10000x64xf32, #tpu.memory_space<hbm>> -> memref<10000x64xf32, #tpu.memory_space<hbm>>
    tpu.enqueue_indirect_dma source(%dma_start3A_50 : memref<10000x64xf32, #tpu.memory_space<hbm>>) target(%arg14 : memref<80x64xf32, #tpu.memory_space<vmem>>) offsets(%dma_start3A_47 : memref<80xi32, #tpu.memory_space<vmem>>) semaphore(%arg21 : memref<!tpu.dma_semaphore, #tpu.memory_space<semaphore_mem>>)
    %scan3A = arith.constant 0 : i32
    %scan3A_51 = arith.constant 0 : i32
    %scan3A_52 = arith.constant 25 : i32
    %scan3A_53 = arith.addi %scan3A_51, %scan3A_52 : i32
    %scan3A_54 = arith.constant 1 : i32
    scf.for %scan3A_366 = %scan3A_51 to %scan3A_53 step %scan3A_54  : i32 {
      %mul3A_367 = arith.constant 5 : i32
      %mul3A_368 = arith.muli %mul3A_367, %scan3A_366 : i32
      %add3A_369 = arith.constant 0 : i32
      %add3A_370 = arith.addi %mul3A_368, %add3A_369 : i32
      %dma_wait3A_371 = arith.constant 0 : i32
      %dma_wait3A_372 = tpu.memref_slice %arg8[%add3A_370, %dma_wait3A_371] : memref<130x80xi32, #tpu.memory_space<vmem>> -> memref<1x80xi32, #tpu.memory_space<vmem>>
      %dma_wait3A_373 = tpu.memref_squeeze %dma_wait3A_372 : memref<1x80xi32, #tpu.memory_space<vmem>> -> memref<80xi32, #tpu.memory_space<vmem>>
      %dma_wait3A_374 = arith.constant 0 : i32
      %dma_wait3A_375 = arith.constant 0 : i32
      %dma_wait3A_376 = tpu.memref_slice %arg2[%dma_wait3A_374, %dma_wait3A_375] : memref<10000x64xf32, #tpu.memory_space<hbm>> -> memref<10000x64xf32, #tpu.memory_space<hbm>>
      tpu.wait_indirect_dma semaphore(%arg17 : memref<!tpu.dma_semaphore, #tpu.memory_space<semaphore_mem>>) src(%dma_wait3A_376 : memref<10000x64xf32, #tpu.memory_space<hbm>>) dst(%arg10 : memref<80x64xf32, #tpu.memory_space<vmem>>)
      %dma_start3A_377 = arith.constant 0 : i32
      %dma_start3A_378 = tpu.memref_slice %arg9[%add3A_370, %dma_start3A_377] : memref<130x80xi32, #tpu.memory_space<vmem>> -> memref<1x80xi32, #tpu.memory_space<vmem>>
      %dma_start3A_379 = tpu.memref_squeeze %dma_start3A_378 : memref<1x80xi32, #tpu.memory_space<vmem>> -> memref<80xi32, #tpu.memory_space<vmem>>
      %dma_start3A_380 = arith.constant 0 : i32
      %dma_start3A_381 = arith.constant 0 : i32
      %dma_start3A_382 = tpu.memref_slice %arg16[%dma_start3A_380, %dma_start3A_381] : memref<10240x64xf32, #tpu.memory_space<vmem_shared>> -> memref<10240x64xf32, #tpu.memory_space<vmem_shared>>
      tpu.enqueue_indirect_dma source(%arg10 : memref<80x64xf32, #tpu.memory_space<vmem>>) target(%dma_start3A_382 : memref<10240x64xf32, #tpu.memory_space<vmem_shared>>) offsets(%dma_start3A_379 : memref<80xi32, #tpu.memory_space<vmem>>) semaphore(%arg22 : memref<!tpu.dma_semaphore, #tpu.memory_space<semaphore_mem>>) {add = true}
      %mul3A_383 = arith.constant 5 : i32
      %mul3A_384 = arith.muli %mul3A_383, %scan3A_366 : i32
      %add3A_385 = arith.constant 1 : i32
      %add3A_386 = arith.addi %mul3A_384, %add3A_385 : i32
      %dma_wait3A_387 = arith.constant 0 : i32
      %dma_wait3A_388 = tpu.memref_slice %arg8[%add3A_386, %dma_wait3A_387] : memref<130x80xi32, #tpu.memory_space<vmem>> -> memref<1x80xi32, #tpu.memory_space<vmem>>
      %dma_wait3A_389 = tpu.memref_squeeze %dma_wait3A_388 : memref<1x80xi32, #tpu.memory_space<vmem>> -> memref<80xi32, #tpu.memory_space<vmem>>
      %dma_wait3A_390 = arith.constant 0 : i32
      %dma_wait3A_391 = arith.constant 0 : i32
      %dma_wait3A_392 = tpu.memref_slice %arg2[%dma_wait3A_390, %dma_wait3A_391] : memref<10000x64xf32, #tpu.memory_space<hbm>> -> memref<10000x64xf32, #tpu.memory_space<hbm>>
      tpu.wait_indirect_dma semaphore(%arg18 : memref<!tpu.dma_semaphore, #tpu.memory_space<semaphore_mem>>) src(%dma_wait3A_392 : memref<10000x64xf32, #tpu.memory_space<hbm>>) dst(%arg11 : memref<80x64xf32, #tpu.memory_space<vmem>>)
      %dma_start3A_393 = arith.constant 0 : i32
      %dma_start3A_394 = tpu.memref_slice %arg9[%add3A_386, %dma_start3A_393] : memref<130x80xi32, #tpu.memory_space<vmem>> -> memref<1x80xi32, #tpu.memory_space<vmem>>
      %dma_start3A_395 = tpu.memref_squeeze %dma_start3A_394 : memref<1x80xi32, #tpu.memory_space<vmem>> -> memref<80xi32, #tpu.memory_space<vmem>>
      %dma_start3A_396 = arith.constant 0 : i32
      %dma_start3A_397 = arith.constant 0 : i32
      %dma_start3A_398 = tpu.memref_slice %arg16[%dma_start3A_396, %dma_start3A_397] : memref<10240x64xf32, #tpu.memory_space<vmem_shared>> -> memref<10240x64xf32, #tpu.memory_space<vmem_shared>>
      tpu.enqueue_indirect_dma source(%arg11 : memref<80x64xf32, #tpu.memory_space<vmem>>) target(%dma_start3A_398 : memref<10240x64xf32, #tpu.memory_space<vmem_shared>>) offsets(%dma_start3A_395 : memref<80xi32, #tpu.memory_space<vmem>>) semaphore(%arg23 : memref<!tpu.dma_semaphore, #tpu.memory_space<semaphore_mem>>) {add = true}
      %mul3A_399 = arith.constant 5 : i32
      %mul3A_400 = arith.muli %mul3A_399, %scan3A_366 : i32
      %add3A_401 = arith.constant 2 : i32
      %add3A_402 = arith.addi %mul3A_400, %add3A_401 : i32
      %dma_wait3A_403 = arith.constant 0 : i32
      %dma_wait3A_404 = tpu.memref_slice %arg8[%add3A_402, %dma_wait3A_403] : memref<130x80xi32, #tpu.memory_space<vmem>> -> memref<1x80xi32, #tpu.memory_space<vmem>>
      %dma_wait3A_405 = tpu.memref_squeeze %dma_wait3A_404 : memref<1x80xi32, #tpu.memory_space<vmem>> -> memref<80xi32, #tpu.memory_space<vmem>>
      %dma_wait3A_406 = arith.constant 0 : i32
      %dma_wait3A_407 = arith.constant 0 : i32
      %dma_wait3A_408 = tpu.memref_slice %arg2[%dma_wait3A_406, %dma_wait3A_407] : memref<10000x64xf32, #tpu.memory_space<hbm>> -> memref<10000x64xf32, #tpu.memory_space<hbm>>
      tpu.wait_indirect_dma semaphore(%arg19 : memref<!tpu.dma_semaphore, #tpu.memory_space<semaphore_mem>>) src(%dma_wait3A_408 : memref<10000x64xf32, #tpu.memory_space<hbm>>) dst(%arg12 : memref<80x64xf32, #tpu.memory_space<vmem>>)
      %dma_start3A_409 = arith.constant 0 : i32
      %dma_start3A_410 = tpu.memref_slice %arg9[%add3A_402, %dma_start3A_409] : memref<130x80xi32, #tpu.memory_space<vmem>> -> memref<1x80xi32, #tpu.memory_space<vmem>>
      %dma_start3A_411 = tpu.memref_squeeze %dma_start3A_410 : memref<1x80xi32, #tpu.memory_space<vmem>> -> memref<80xi32, #tpu.memory_space<vmem>>
      %dma_start3A_412 = arith.constant 0 : i32
      %dma_start3A_413 = arith.constant 0 : i32
      %dma_start3A_414 = tpu.memref_slice %arg16[%dma_start3A_412, %dma_start3A_413] : memref<10240x64xf32, #tpu.memory_space<vmem_shared>> -> memref<10240x64xf32, #tpu.memory_space<vmem_shared>>
      tpu.enqueue_indirect_dma source(%arg12 : memref<80x64xf32, #tpu.memory_space<vmem>>) target(%dma_start3A_414 : memref<10240x64xf32, #tpu.memory_space<vmem_shared>>) offsets(%dma_start3A_411 : memref<80xi32, #tpu.memory_space<vmem>>) semaphore(%arg24 : memref<!tpu.dma_semaphore, #tpu.memory_space<semaphore_mem>>) {add = true}
      %mul3A_415 = arith.constant 5 : i32
      %mul3A_416 = arith.muli %mul3A_415, %scan3A_366 : i32
      %add3A_417 = arith.constant 3 : i32
      %add3A_418 = arith.addi %mul3A_416, %add3A_417 : i32
      %dma_wait3A_419 = arith.constant 0 : i32
      %dma_wait3A_420 = tpu.memref_slice %arg8[%add3A_418, %dma_wait3A_419] : memref<130x80xi32, #tpu.memory_space<vmem>> -> memref<1x80xi32, #tpu.memory_space<vmem>>
      %dma_wait3A_421 = tpu.memref_squeeze %dma_wait3A_420 : memref<1x80xi32, #tpu.memory_space<vmem>> -> memref<80xi32, #tpu.memory_space<vmem>>
      %dma_wait3A_422 = arith.constant 0 : i32
      %dma_wait3A_423 = arith.constant 0 : i32
      %dma_wait3A_424 = tpu.memref_slice %arg2[%dma_wait3A_422, %dma_wait3A_423] : memref<10000x64xf32, #tpu.memory_space<hbm>> -> memref<10000x64xf32, #tpu.memory_space<hbm>>
      tpu.wait_indirect_dma semaphore(%arg20 : memref<!tpu.dma_semaphore, #tpu.memory_space<semaphore_mem>>) src(%dma_wait3A_424 : memref<10000x64xf32, #tpu.memory_space<hbm>>) dst(%arg13 : memref<80x64xf32, #tpu.memory_space<vmem>>)
      %dma_start3A_425 = arith.constant 0 : i32
      %dma_start3A_426 = tpu.memref_slice %arg9[%add3A_418, %dma_start3A_425] : memref<130x80xi32, #tpu.memory_space<vmem>> -> memref<1x80xi32, #tpu.memory_space<vmem>>
      %dma_start3A_427 = tpu.memref_squeeze %dma_start3A_426 : memref<1x80xi32, #tpu.memory_space<vmem>> -> memref<80xi32, #tpu.memory_space<vmem>>
      %dma_start3A_428 = arith.constant 0 : i32
      %dma_start3A_429 = arith.constant 0 : i32
      %dma_start3A_430 = tpu.memref_slice %arg16[%dma_start3A_428, %dma_start3A_429] : memref<10240x64xf32, #tpu.memory_space<vmem_shared>> -> memref<10240x64xf32, #tpu.memory_space<vmem_shared>>
      tpu.enqueue_indirect_dma source(%arg13 : memref<80x64xf32, #tpu.memory_space<vmem>>) target(%dma_start3A_430 : memref<10240x64xf32, #tpu.memory_space<vmem_shared>>) offsets(%dma_start3A_427 : memref<80xi32, #tpu.memory_space<vmem>>) semaphore(%arg25 : memref<!tpu.dma_semaphore, #tpu.memory_space<semaphore_mem>>) {add = true}
      %mul3A_431 = arith.constant 5 : i32
      %mul3A_432 = arith.muli %mul3A_431, %scan3A_366 : i32
      %add3A_433 = arith.constant 4 : i32
      %add3A_434 = arith.addi %mul3A_432, %add3A_433 : i32
      %dma_wait3A_435 = arith.constant 0 : i32
      %dma_wait3A_436 = tpu.memref_slice %arg8[%add3A_434, %dma_wait3A_435] : memref<130x80xi32, #tpu.memory_space<vmem>> -> memref<1x80xi32, #tpu.memory_space<vmem>>
      %dma_wait3A_437 = tpu.memref_squeeze %dma_wait3A_436 : memref<1x80xi32, #tpu.memory_space<vmem>> -> memref<80xi32, #tpu.memory_space<vmem>>
      %dma_wait3A_438 = arith.constant 0 : i32
      %dma_wait3A_439 = arith.constant 0 : i32
      %dma_wait3A_440 = tpu.memref_slice %arg2[%dma_wait3A_438, %dma_wait3A_439] : memref<10000x64xf32, #tpu.memory_space<hbm>> -> memref<10000x64xf32, #tpu.memory_space<hbm>>
      tpu.wait_indirect_dma semaphore(%arg21 : memref<!tpu.dma_semaphore, #tpu.memory_space<semaphore_mem>>) src(%dma_wait3A_440 : memref<10000x64xf32, #tpu.memory_space<hbm>>) dst(%arg14 : memref<80x64xf32, #tpu.memory_space<vmem>>)
      %dma_start3A_441 = arith.constant 0 : i32
      %dma_start3A_442 = tpu.memref_slice %arg9[%add3A_434, %dma_start3A_441] : memref<130x80xi32, #tpu.memory_space<vmem>> -> memref<1x80xi32, #tpu.memory_space<vmem>>
      %dma_start3A_443 = tpu.memref_squeeze %dma_start3A_442 : memref<1x80xi32, #tpu.memory_space<vmem>> -> memref<80xi32, #tpu.memory_space<vmem>>
      %dma_start3A_444 = arith.constant 0 : i32
      %dma_start3A_445 = arith.constant 0 : i32
      %dma_start3A_446 = tpu.memref_slice %arg16[%dma_start3A_444, %dma_start3A_445] : memref<10240x64xf32, #tpu.memory_space<vmem_shared>> -> memref<10240x64xf32, #tpu.memory_space<vmem_shared>>
      tpu.enqueue_indirect_dma source(%arg14 : memref<80x64xf32, #tpu.memory_space<vmem>>) target(%dma_start3A_446 : memref<10240x64xf32, #tpu.memory_space<vmem_shared>>) offsets(%dma_start3A_443 : memref<80xi32, #tpu.memory_space<vmem>>) semaphore(%arg26 : memref<!tpu.dma_semaphore, #tpu.memory_space<semaphore_mem>>) {add = true}
      %mul3A_447 = arith.constant 5 : i32
      %mul3A_448 = arith.muli %mul3A_447, %scan3A_366 : i32
      %add3A_449 = arith.constant 0 : i32
      %add3A_450 = arith.addi %mul3A_448, %add3A_449 : i32
      %dma_wait3A_451 = arith.constant 0 : i32
      %dma_wait3A_452 = tpu.memref_slice %arg9[%add3A_450, %dma_wait3A_451] : memref<130x80xi32, #tpu.memory_space<vmem>> -> memref<1x80xi32, #tpu.memory_space<vmem>>
      %dma_wait3A_453 = tpu.memref_squeeze %dma_wait3A_452 : memref<1x80xi32, #tpu.memory_space<vmem>> -> memref<80xi32, #tpu.memory_space<vmem>>
      %dma_wait3A_454 = arith.constant 0 : i32
      %dma_wait3A_455 = arith.constant 0 : i32
      %dma_wait3A_456 = tpu.memref_slice %arg16[%dma_wait3A_454, %dma_wait3A_455] : memref<10240x64xf32, #tpu.memory_space<vmem_shared>> -> memref<10240x64xf32, #tpu.memory_space<vmem_shared>>
      tpu.wait_indirect_dma semaphore(%arg22 : memref<!tpu.dma_semaphore, #tpu.memory_space<semaphore_mem>>) src(%arg10 : memref<80x64xf32, #tpu.memory_space<vmem>>) dst(%dma_wait3A_456 : memref<10240x64xf32, #tpu.memory_space<vmem_shared>>)
      %add3A_457 = arith.constant 5 : i32
      %add3A_458 = arith.addi %add3A_450, %add3A_457 : i32
      %dma_start3A_459 = arith.constant 0 : i32
      %dma_start3A_460 = tpu.memref_slice %arg8[%add3A_458, %dma_start3A_459] : memref<130x80xi32, #tpu.memory_space<vmem>> -> memref<1x80xi32, #tpu.memory_space<vmem>>
      %dma_start3A_461 = tpu.memref_squeeze %dma_start3A_460 : memref<1x80xi32, #tpu.memory_space<vmem>> -> memref<80xi32, #tpu.memory_space<vmem>>
      %dma_start3A_462 = arith.constant 0 : i32
      %dma_start3A_463 = arith.constant 0 : i32
      %dma_start3A_464 = tpu.memref_slice %arg2[%dma_start3A_462, %dma_start3A_463] : memref<10000x64xf32, #tpu.memory_space<hbm>> -> memref<10000x64xf32, #tpu.memory_space<hbm>>
      tpu.enqueue_indirect_dma source(%dma_start3A_464 : memref<10000x64xf32, #tpu.memory_space<hbm>>) target(%arg10 : memref<80x64xf32, #tpu.memory_space<vmem>>) offsets(%dma_start3A_461 : memref<80xi32, #tpu.memory_space<vmem>>) semaphore(%arg17 : memref<!tpu.dma_semaphore, #tpu.memory_space<semaphore_mem>>)
      %mul3A_465 = arith.constant 5 : i32
      %mul3A_466 = arith.muli %mul3A_465, %scan3A_366 : i32
      %add3A_467 = arith.constant 1 : i32
      %add3A_468 = arith.addi %mul3A_466, %add3A_467 : i32
      %dma_wait3A_469 = arith.constant 0 : i32
      %dma_wait3A_470 = tpu.memref_slice %arg9[%add3A_468, %dma_wait3A_469] : memref<130x80xi32, #tpu.memory_space<vmem>> -> memref<1x80xi32, #tpu.memory_space<vmem>>
      %dma_wait3A_471 = tpu.memref_squeeze %dma_wait3A_470 : memref<1x80xi32, #tpu.memory_space<vmem>> -> memref<80xi32, #tpu.memory_space<vmem>>
      %dma_wait3A_472 = arith.constant 0 : i32
      %dma_wait3A_473 = arith.constant 0 : i32
      %dma_wait3A_474 = tpu.memref_slice %arg16[%dma_wait3A_472, %dma_wait3A_473] : memref<10240x64xf32, #tpu.memory_space<vmem_shared>> -> memref<10240x64xf32, #tpu.memory_space<vmem_shared>>
      tpu.wait_indirect_dma semaphore(%arg23 : memref<!tpu.dma_semaphore, #tpu.memory_space<semaphore_mem>>) src(%arg11 : memref<80x64xf32, #tpu.memory_space<vmem>>) dst(%dma_wait3A_474 : memref<10240x64xf32, #tpu.memory_space<vmem_shared>>)
      %add3A_475 = arith.constant 5 : i32
      %add3A_476 = arith.addi %add3A_468, %add3A_475 : i32
      %dma_start3A_477 = arith.constant 0 : i32
      %dma_start3A_478 = tpu.memref_slice %arg8[%add3A_476, %dma_start3A_477] : memref<130x80xi32, #tpu.memory_space<vmem>> -> memref<1x80xi32, #tpu.memory_space<vmem>>
      %dma_start3A_479 = tpu.memref_squeeze %dma_start3A_478 : memref<1x80xi32, #tpu.memory_space<vmem>> -> memref<80xi32, #tpu.memory_space<vmem>>
      %dma_start3A_480 = arith.constant 0 : i32
      %dma_start3A_481 = arith.constant 0 : i32
      %dma_start3A_482 = tpu.memref_slice %arg2[%dma_start3A_480, %dma_start3A_481] : memref<10000x64xf32, #tpu.memory_space<hbm>> -> memref<10000x64xf32, #tpu.memory_space<hbm>>
      tpu.enqueue_indirect_dma source(%dma_start3A_482 : memref<10000x64xf32, #tpu.memory_space<hbm>>) target(%arg11 : memref<80x64xf32, #tpu.memory_space<vmem>>) offsets(%dma_start3A_479 : memref<80xi32, #tpu.memory_space<vmem>>) semaphore(%arg18 : memref<!tpu.dma_semaphore, #tpu.memory_space<semaphore_mem>>)
      %mul3A_483 = arith.constant 5 : i32
      %mul3A_484 = arith.muli %mul3A_483, %scan3A_366 : i32
      %add3A_485 = arith.constant 2 : i32
      %add3A_486 = arith.addi %mul3A_484, %add3A_485 : i32
      %dma_wait3A_487 = arith.constant 0 : i32
      %dma_wait3A_488 = tpu.memref_slice %arg9[%add3A_486, %dma_wait3A_487] : memref<130x80xi32, #tpu.memory_space<vmem>> -> memref<1x80xi32, #tpu.memory_space<vmem>>
      %dma_wait3A_489 = tpu.memref_squeeze %dma_wait3A_488 : memref<1x80xi32, #tpu.memory_space<vmem>> -> memref<80xi32, #tpu.memory_space<vmem>>
      %dma_wait3A_490 = arith.constant 0 : i32
      %dma_wait3A_491 = arith.constant 0 : i32
      %dma_wait3A_492 = tpu.memref_slice %arg16[%dma_wait3A_490, %dma_wait3A_491] : memref<10240x64xf32, #tpu.memory_space<vmem_shared>> -> memref<10240x64xf32, #tpu.memory_space<vmem_shared>>
      tpu.wait_indirect_dma semaphore(%arg24 : memref<!tpu.dma_semaphore, #tpu.memory_space<semaphore_mem>>) src(%arg12 : memref<80x64xf32, #tpu.memory_space<vmem>>) dst(%dma_wait3A_492 : memref<10240x64xf32, #tpu.memory_space<vmem_shared>>)
      %add3A_493 = arith.constant 5 : i32
      %add3A_494 = arith.addi %add3A_486, %add3A_493 : i32
      %dma_start3A_495 = arith.constant 0 : i32
      %dma_start3A_496 = tpu.memref_slice %arg8[%add3A_494, %dma_start3A_495] : memref<130x80xi32, #tpu.memory_space<vmem>> -> memref<1x80xi32, #tpu.memory_space<vmem>>
      %dma_start3A_497 = tpu.memref_squeeze %dma_start3A_496 : memref<1x80xi32, #tpu.memory_space<vmem>> -> memref<80xi32, #tpu.memory_space<vmem>>
      %dma_start3A_498 = arith.constant 0 : i32
      %dma_start3A_499 = arith.constant 0 : i32
      %dma_start3A_500 = tpu.memref_slice %arg2[%dma_start3A_498, %dma_start3A_499] : memref<10000x64xf32, #tpu.memory_space<hbm>> -> memref<10000x64xf32, #tpu.memory_space<hbm>>
      tpu.enqueue_indirect_dma source(%dma_start3A_500 : memref<10000x64xf32, #tpu.memory_space<hbm>>) target(%arg12 : memref<80x64xf32, #tpu.memory_space<vmem>>) offsets(%dma_start3A_497 : memref<80xi32, #tpu.memory_space<vmem>>) semaphore(%arg19 : memref<!tpu.dma_semaphore, #tpu.memory_space<semaphore_mem>>)
      %mul3A_501 = arith.constant 5 : i32
      %mul3A_502 = arith.muli %mul3A_501, %scan3A_366 : i32
      %add3A_503 = arith.constant 3 : i32
      %add3A_504 = arith.addi %mul3A_502, %add3A_503 : i32
      %dma_wait3A_505 = arith.constant 0 : i32
      %dma_wait3A_506 = tpu.memref_slice %arg9[%add3A_504, %dma_wait3A_505] : memref<130x80xi32, #tpu.memory_space<vmem>> -> memref<1x80xi32, #tpu.memory_space<vmem>>
      %dma_wait3A_507 = tpu.memref_squeeze %dma_wait3A_506 : memref<1x80xi32, #tpu.memory_space<vmem>> -> memref<80xi32, #tpu.memory_space<vmem>>
      %dma_wait3A_508 = arith.constant 0 : i32
      %dma_wait3A_509 = arith.constant 0 : i32
      %dma_wait3A_510 = tpu.memref_slice %arg16[%dma_wait3A_508, %dma_wait3A_509] : memref<10240x64xf32, #tpu.memory_space<vmem_shared>> -> memref<10240x64xf32, #tpu.memory_space<vmem_shared>>
      tpu.wait_indirect_dma semaphore(%arg25 : memref<!tpu.dma_semaphore, #tpu.memory_space<semaphore_mem>>) src(%arg13 : memref<80x64xf32, #tpu.memory_space<vmem>>) dst(%dma_wait3A_510 : memref<10240x64xf32, #tpu.memory_space<vmem_shared>>)
      %add3A_511 = arith.constant 5 : i32
      %add3A_512 = arith.addi %add3A_504, %add3A_511 : i32
      %dma_start3A_513 = arith.constant 0 : i32
      %dma_start3A_514 = tpu.memref_slice %arg8[%add3A_512, %dma_start3A_513] : memref<130x80xi32, #tpu.memory_space<vmem>> -> memref<1x80xi32, #tpu.memory_space<vmem>>
      %dma_start3A_515 = tpu.memref_squeeze %dma_start3A_514 : memref<1x80xi32, #tpu.memory_space<vmem>> -> memref<80xi32, #tpu.memory_space<vmem>>
      %dma_start3A_516 = arith.constant 0 : i32
      %dma_start3A_517 = arith.constant 0 : i32
      %dma_start3A_518 = tpu.memref_slice %arg2[%dma_start3A_516, %dma_start3A_517] : memref<10000x64xf32, #tpu.memory_space<hbm>> -> memref<10000x64xf32, #tpu.memory_space<hbm>>
      tpu.enqueue_indirect_dma source(%dma_start3A_518 : memref<10000x64xf32, #tpu.memory_space<hbm>>) target(%arg13 : memref<80x64xf32, #tpu.memory_space<vmem>>) offsets(%dma_start3A_515 : memref<80xi32, #tpu.memory_space<vmem>>) semaphore(%arg20 : memref<!tpu.dma_semaphore, #tpu.memory_space<semaphore_mem>>)
      %mul3A_519 = arith.constant 5 : i32
      %mul3A_520 = arith.muli %mul3A_519, %scan3A_366 : i32
      %add3A_521 = arith.constant 4 : i32
      %add3A_522 = arith.addi %mul3A_520, %add3A_521 : i32
      %dma_wait3A_523 = arith.constant 0 : i32
      %dma_wait3A_524 = tpu.memref_slice %arg9[%add3A_522, %dma_wait3A_523] : memref<130x80xi32, #tpu.memory_space<vmem>> -> memref<1x80xi32, #tpu.memory_space<vmem>>
      %dma_wait3A_525 = tpu.memref_squeeze %dma_wait3A_524 : memref<1x80xi32, #tpu.memory_space<vmem>> -> memref<80xi32, #tpu.memory_space<vmem>>
      %dma_wait3A_526 = arith.constant 0 : i32
      %dma_wait3A_527 = arith.constant 0 : i32
      %dma_wait3A_528 = tpu.memref_slice %arg16[%dma_wait3A_526, %dma_wait3A_527] : memref<10240x64xf32, #tpu.memory_space<vmem_shared>> -> memref<10240x64xf32, #tpu.memory_space<vmem_shared>>
      tpu.wait_indirect_dma semaphore(%arg26 : memref<!tpu.dma_semaphore, #tpu.memory_space<semaphore_mem>>) src(%arg14 : memref<80x64xf32, #tpu.memory_space<vmem>>) dst(%dma_wait3A_528 : memref<10240x64xf32, #tpu.memory_space<vmem_shared>>)
      %add3A_529 = arith.constant 5 : i32
      %add3A_530 = arith.addi %add3A_522, %add3A_529 : i32
      %dma_start3A_531 = arith.constant 0 : i32
      %dma_start3A_532 = tpu.memref_slice %arg8[%add3A_530, %dma_start3A_531] : memref<130x80xi32, #tpu.memory_space<vmem>> -> memref<1x80xi32, #tpu.memory_space<vmem>>
      %dma_start3A_533 = tpu.memref_squeeze %dma_start3A_532 : memref<1x80xi32, #tpu.memory_space<vmem>> -> memref<80xi32, #tpu.memory_space<vmem>>
      %dma_start3A_534 = arith.constant 0 : i32
      %dma_start3A_535 = arith.constant 0 : i32
      %dma_start3A_536 = tpu.memref_slice %arg2[%dma_start3A_534, %dma_start3A_535] : memref<10000x64xf32, #tpu.memory_space<hbm>> -> memref<10000x64xf32, #tpu.memory_space<hbm>>
      tpu.enqueue_indirect_dma source(%dma_start3A_536 : memref<10000x64xf32, #tpu.memory_space<hbm>>) target(%arg14 : memref<80x64xf32, #tpu.memory_space<vmem>>) offsets(%dma_start3A_533 : memref<80xi32, #tpu.memory_space<vmem>>) semaphore(%arg21 : memref<!tpu.dma_semaphore, #tpu.memory_space<semaphore_mem>>)
    }
    %scan3A_55 = arith.constant 25 : i32
    %dma_wait3A = arith.constant 125 : i32
    %dma_wait3A_56 = arith.constant 0 : i32
    %dma_wait3A_57 = tpu.memref_slice %arg8[%dma_wait3A, %dma_wait3A_56] : memref<130x80xi32, #tpu.memory_space<vmem>> -> memref<1x80xi32, #tpu.memory_space<vmem>>
    %dma_wait3A_58 = tpu.memref_squeeze %dma_wait3A_57 : memref<1x80xi32, #tpu.memory_space<vmem>> -> memref<80xi32, #tpu.memory_space<vmem>>
    %dma_wait3A_59 = arith.constant 0 : i32
    %dma_wait3A_60 = arith.constant 0 : i32
    %dma_wait3A_61 = tpu.memref_slice %arg2[%dma_wait3A_59, %dma_wait3A_60] : memref<10000x64xf32, #tpu.memory_space<hbm>> -> memref<10000x64xf32, #tpu.memory_space<hbm>>
    tpu.wait_indirect_dma semaphore(%arg17 : memref<!tpu.dma_semaphore, #tpu.memory_space<semaphore_mem>>) src(%dma_wait3A_61 : memref<10000x64xf32, #tpu.memory_space<hbm>>) dst(%arg10 : memref<80x64xf32, #tpu.memory_space<vmem>>)
    %dma_start3A_62 = arith.constant 125 : i32
    %dma_start3A_63 = arith.constant 0 : i32
    %dma_start3A_64 = tpu.memref_slice %arg9[%dma_start3A_62, %dma_start3A_63] : memref<130x80xi32, #tpu.memory_space<vmem>> -> memref<1x80xi32, #tpu.memory_space<vmem>>
    %dma_start3A_65 = tpu.memref_squeeze %dma_start3A_64 : memref<1x80xi32, #tpu.memory_space<vmem>> -> memref<80xi32, #tpu.memory_space<vmem>>
    %dma_start3A_66 = arith.constant 0 : i32
    %dma_start3A_67 = arith.constant 0 : i32
    %dma_start3A_68 = tpu.memref_slice %arg16[%dma_start3A_66, %dma_start3A_67] : memref<10240x64xf32, #tpu.memory_space<vmem_shared>> -> memref<10240x64xf32, #tpu.memory_space<vmem_shared>>
    tpu.enqueue_indirect_dma source(%arg10 : memref<80x64xf32, #tpu.memory_space<vmem>>) target(%dma_start3A_68 : memref<10240x64xf32, #tpu.memory_space<vmem_shared>>) offsets(%dma_start3A_65 : memref<80xi32, #tpu.memory_space<vmem>>) semaphore(%arg22 : memref<!tpu.dma_semaphore, #tpu.memory_space<semaphore_mem>>) {add = true}
    %dma_wait3A_69 = arith.constant 126 : i32
    %dma_wait3A_70 = arith.constant 0 : i32
    %dma_wait3A_71 = tpu.memref_slice %arg8[%dma_wait3A_69, %dma_wait3A_70] : memref<130x80xi32, #tpu.memory_space<vmem>> -> memref<1x80xi32, #tpu.memory_space<vmem>>
    %dma_wait3A_72 = tpu.memref_squeeze %dma_wait3A_71 : memref<1x80xi32, #tpu.memory_space<vmem>> -> memref<80xi32, #tpu.memory_space<vmem>>
    %dma_wait3A_73 = arith.constant 0 : i32
    %dma_wait3A_74 = arith.constant 0 : i32
    %dma_wait3A_75 = tpu.memref_slice %arg2[%dma_wait3A_73, %dma_wait3A_74] : memref<10000x64xf32, #tpu.memory_space<hbm>> -> memref<10000x64xf32, #tpu.memory_space<hbm>>
    tpu.wait_indirect_dma semaphore(%arg18 : memref<!tpu.dma_semaphore, #tpu.memory_space<semaphore_mem>>) src(%dma_wait3A_75 : memref<10000x64xf32, #tpu.memory_space<hbm>>) dst(%arg11 : memref<80x64xf32, #tpu.memory_space<vmem>>)
    %dma_start3A_76 = arith.constant 126 : i32
    %dma_start3A_77 = arith.constant 0 : i32
    %dma_start3A_78 = tpu.memref_slice %arg9[%dma_start3A_76, %dma_start3A_77] : memref<130x80xi32, #tpu.memory_space<vmem>> -> memref<1x80xi32, #tpu.memory_space<vmem>>
    %dma_start3A_79 = tpu.memref_squeeze %dma_start3A_78 : memref<1x80xi32, #tpu.memory_space<vmem>> -> memref<80xi32, #tpu.memory_space<vmem>>
    %dma_start3A_80 = arith.constant 0 : i32
    %dma_start3A_81 = arith.constant 0 : i32
    %dma_start3A_82 = tpu.memref_slice %arg16[%dma_start3A_80, %dma_start3A_81] : memref<10240x64xf32, #tpu.memory_space<vmem_shared>> -> memref<10240x64xf32, #tpu.memory_space<vmem_shared>>
    tpu.enqueue_indirect_dma source(%arg11 : memref<80x64xf32, #tpu.memory_space<vmem>>) target(%dma_start3A_82 : memref<10240x64xf32, #tpu.memory_space<vmem_shared>>) offsets(%dma_start3A_79 : memref<80xi32, #tpu.memory_space<vmem>>) semaphore(%arg23 : memref<!tpu.dma_semaphore, #tpu.memory_space<semaphore_mem>>) {add = true}
    %dma_wait3A_83 = arith.constant 127 : i32
    %dma_wait3A_84 = arith.constant 0 : i32
    %dma_wait3A_85 = tpu.memref_slice %arg8[%dma_wait3A_83, %dma_wait3A_84] : memref<130x80xi32, #tpu.memory_space<vmem>> -> memref<1x80xi32, #tpu.memory_space<vmem>>
    %dma_wait3A_86 = tpu.memref_squeeze %dma_wait3A_85 : memref<1x80xi32, #tpu.memory_space<vmem>> -> memref<80xi32, #tpu.memory_space<vmem>>
    %dma_wait3A_87 = arith.constant 0 : i32
    %dma_wait3A_88 = arith.constant 0 : i32
    %dma_wait3A_89 = tpu.memref_slice %arg2[%dma_wait3A_87, %dma_wait3A_88] : memref<10000x64xf32, #tpu.memory_space<hbm>> -> memref<10000x64xf32, #tpu.memory_space<hbm>>
    tpu.wait_indirect_dma semaphore(%arg19 : memref<!tpu.dma_semaphore, #tpu.memory_space<semaphore_mem>>) src(%dma_wait3A_89 : memref<10000x64xf32, #tpu.memory_space<hbm>>) dst(%arg12 : memref<80x64xf32, #tpu.memory_space<vmem>>)
    %dma_start3A_90 = arith.constant 127 : i32
    %dma_start3A_91 = arith.constant 0 : i32
    %dma_start3A_92 = tpu.memref_slice %arg9[%dma_start3A_90, %dma_start3A_91] : memref<130x80xi32, #tpu.memory_space<vmem>> -> memref<1x80xi32, #tpu.memory_space<vmem>>
    %dma_start3A_93 = tpu.memref_squeeze %dma_start3A_92 : memref<1x80xi32, #tpu.memory_space<vmem>> -> memref<80xi32, #tpu.memory_space<vmem>>
    %dma_start3A_94 = arith.constant 0 : i32
    %dma_start3A_95 = arith.constant 0 : i32
    %dma_start3A_96 = tpu.memref_slice %arg16[%dma_start3A_94, %dma_start3A_95] : memref<10240x64xf32, #tpu.memory_space<vmem_shared>> -> memref<10240x64xf32, #tpu.memory_space<vmem_shared>>
    tpu.enqueue_indirect_dma source(%arg12 : memref<80x64xf32, #tpu.memory_space<vmem>>) target(%dma_start3A_96 : memref<10240x64xf32, #tpu.memory_space<vmem_shared>>) offsets(%dma_start3A_93 : memref<80xi32, #tpu.memory_space<vmem>>) semaphore(%arg24 : memref<!tpu.dma_semaphore, #tpu.memory_space<semaphore_mem>>) {add = true}
    %dma_wait3A_97 = arith.constant 128 : i32
    %dma_wait3A_98 = arith.constant 0 : i32
    %dma_wait3A_99 = tpu.memref_slice %arg8[%dma_wait3A_97, %dma_wait3A_98] : memref<130x80xi32, #tpu.memory_space<vmem>> -> memref<1x80xi32, #tpu.memory_space<vmem>>
    %dma_wait3A_100 = tpu.memref_squeeze %dma_wait3A_99 : memref<1x80xi32, #tpu.memory_space<vmem>> -> memref<80xi32, #tpu.memory_space<vmem>>
    %dma_wait3A_101 = arith.constant 0 : i32
    %dma_wait3A_102 = arith.constant 0 : i32
    %dma_wait3A_103 = tpu.memref_slice %arg2[%dma_wait3A_101, %dma_wait3A_102] : memref<10000x64xf32, #tpu.memory_space<hbm>> -> memref<10000x64xf32, #tpu.memory_space<hbm>>
    tpu.wait_indirect_dma semaphore(%arg20 : memref<!tpu.dma_semaphore, #tpu.memory_space<semaphore_mem>>) src(%dma_wait3A_103 : memref<10000x64xf32, #tpu.memory_space<hbm>>) dst(%arg13 : memref<80x64xf32, #tpu.memory_space<vmem>>)
    %dma_start3A_104 = arith.constant 128 : i32
    %dma_start3A_105 = arith.constant 0 : i32
    %dma_start3A_106 = tpu.memref_slice %arg9[%dma_start3A_104, %dma_start3A_105] : memref<130x80xi32, #tpu.memory_space<vmem>> -> memref<1x80xi32, #tpu.memory_space<vmem>>
    %dma_start3A_107 = tpu.memref_squeeze %dma_start3A_106 : memref<1x80xi32, #tpu.memory_space<vmem>> -> memref<80xi32, #tpu.memory_space<vmem>>
    %dma_start3A_108 = arith.constant 0 : i32
    %dma_start3A_109 = arith.constant 0 : i32
    %dma_start3A_110 = tpu.memref_slice %arg16[%dma_start3A_108, %dma_start3A_109] : memref<10240x64xf32, #tpu.memory_space<vmem_shared>> -> memref<10240x64xf32, #tpu.memory_space<vmem_shared>>
    tpu.enqueue_indirect_dma source(%arg13 : memref<80x64xf32, #tpu.memory_space<vmem>>) target(%dma_start3A_110 : memref<10240x64xf32, #tpu.memory_space<vmem_shared>>) offsets(%dma_start3A_107 : memref<80xi32, #tpu.memory_space<vmem>>) semaphore(%arg25 : memref<!tpu.dma_semaphore, #tpu.memory_space<semaphore_mem>>) {add = true}
    %dma_wait3A_111 = arith.constant 129 : i32
    %dma_wait3A_112 = arith.constant 0 : i32
    %dma_wait3A_113 = tpu.memref_slice %arg8[%dma_wait3A_111, %dma_wait3A_112] : memref<130x80xi32, #tpu.memory_space<vmem>> -> memref<1x80xi32, #tpu.memory_space<vmem>>
    %dma_wait3A_114 = tpu.memref_squeeze %dma_wait3A_113 : memref<1x80xi32, #tpu.memory_space<vmem>> -> memref<80xi32, #tpu.memory_space<vmem>>
    %dma_wait3A_115 = arith.constant 0 : i32
    %dma_wait3A_116 = arith.constant 0 : i32
    %dma_wait3A_117 = tpu.memref_slice %arg2[%dma_wait3A_115, %dma_wait3A_116] : memref<10000x64xf32, #tpu.memory_space<hbm>> -> memref<10000x64xf32, #tpu.memory_space<hbm>>
    tpu.wait_indirect_dma semaphore(%arg21 : memref<!tpu.dma_semaphore, #tpu.memory_space<semaphore_mem>>) src(%dma_wait3A_117 : memref<10000x64xf32, #tpu.memory_space<hbm>>) dst(%arg14 : memref<80x64xf32, #tpu.memory_space<vmem>>)
    %dma_start3A_118 = arith.constant 129 : i32
    %dma_start3A_119 = arith.constant 0 : i32
    %dma_start3A_120 = tpu.memref_slice %arg9[%dma_start3A_118, %dma_start3A_119] : memref<130x80xi32, #tpu.memory_space<vmem>> -> memref<1x80xi32, #tpu.memory_space<vmem>>
    %dma_start3A_121 = tpu.memref_squeeze %dma_start3A_120 : memref<1x80xi32, #tpu.memory_space<vmem>> -> memref<80xi32, #tpu.memory_space<vmem>>
    %dma_start3A_122 = arith.constant 0 : i32
    %dma_start3A_123 = arith.constant 0 : i32
    %dma_start3A_124 = tpu.memref_slice %arg16[%dma_start3A_122, %dma_start3A_123] : memref<10240x64xf32, #tpu.memory_space<vmem_shared>> -> memref<10240x64xf32, #tpu.memory_space<vmem_shared>>
    tpu.enqueue_indirect_dma source(%arg14 : memref<80x64xf32, #tpu.memory_space<vmem>>) target(%dma_start3A_124 : memref<10240x64xf32, #tpu.memory_space<vmem_shared>>) offsets(%dma_start3A_121 : memref<80xi32, #tpu.memory_space<vmem>>) semaphore(%arg26 : memref<!tpu.dma_semaphore, #tpu.memory_space<semaphore_mem>>) {add = true}
    %dma_wait3A_125 = arith.constant 125 : i32
    %dma_wait3A_126 = arith.constant 0 : i32
    %dma_wait3A_127 = tpu.memref_slice %arg9[%dma_wait3A_125, %dma_wait3A_126] : memref<130x80xi32, #tpu.memory_space<vmem>> -> memref<1x80xi32, #tpu.memory_space<vmem>>
    %dma_wait3A_128 = tpu.memref_squeeze %dma_wait3A_127 : memref<1x80xi32, #tpu.memory_space<vmem>> -> memref<80xi32, #tpu.memory_space<vmem>>
    %dma_wait3A_129 = arith.constant 0 : i32
    %dma_wait3A_130 = arith.constant 0 : i32
    %dma_wait3A_131 = tpu.memref_slice %arg16[%dma_wait3A_129, %dma_wait3A_130] : memref<10240x64xf32, #tpu.memory_space<vmem_shared>> -> memref<10240x64xf32, #tpu.memory_space<vmem_shared>>
    tpu.wait_indirect_dma semaphore(%arg22 : memref<!tpu.dma_semaphore, #tpu.memory_space<semaphore_mem>>) src(%arg10 : memref<80x64xf32, #tpu.memory_space<vmem>>) dst(%dma_wait3A_131 : memref<10240x64xf32, #tpu.memory_space<vmem_shared>>)
    %dma_wait3A_132 = arith.constant 126 : i32
    %dma_wait3A_133 = arith.constant 0 : i32
    %dma_wait3A_134 = tpu.memref_slice %arg9[%dma_wait3A_132, %dma_wait3A_133] : memref<130x80xi32, #tpu.memory_space<vmem>> -> memref<1x80xi32, #tpu.memory_space<vmem>>
    %dma_wait3A_135 = tpu.memref_squeeze %dma_wait3A_134 : memref<1x80xi32, #tpu.memory_space<vmem>> -> memref<80xi32, #tpu.memory_space<vmem>>
    %dma_wait3A_136 = arith.constant 0 : i32
    %dma_wait3A_137 = arith.constant 0 : i32
    %dma_wait3A_138 = tpu.memref_slice %arg16[%dma_wait3A_136, %dma_wait3A_137] : memref<10240x64xf32, #tpu.memory_space<vmem_shared>> -> memref<10240x64xf32, #tpu.memory_space<vmem_shared>>
    tpu.wait_indirect_dma semaphore(%arg23 : memref<!tpu.dma_semaphore, #tpu.memory_space<semaphore_mem>>) src(%arg11 : memref<80x64xf32, #tpu.memory_space<vmem>>) dst(%dma_wait3A_138 : memref<10240x64xf32, #tpu.memory_space<vmem_shared>>)
    %dma_wait3A_139 = arith.constant 127 : i32
    %dma_wait3A_140 = arith.constant 0 : i32
    %dma_wait3A_141 = tpu.memref_slice %arg9[%dma_wait3A_139, %dma_wait3A_140] : memref<130x80xi32, #tpu.memory_space<vmem>> -> memref<1x80xi32, #tpu.memory_space<vmem>>
    %dma_wait3A_142 = tpu.memref_squeeze %dma_wait3A_141 : memref<1x80xi32, #tpu.memory_space<vmem>> -> memref<80xi32, #tpu.memory_space<vmem>>
    %dma_wait3A_143 = arith.constant 0 : i32
    %dma_wait3A_144 = arith.constant 0 : i32
    %dma_wait3A_145 = tpu.memref_slice %arg16[%dma_wait3A_143, %dma_wait3A_144] : memref<10240x64xf32, #tpu.memory_space<vmem_shared>> -> memref<10240x64xf32, #tpu.memory_space<vmem_shared>>
    tpu.wait_indirect_dma semaphore(%arg24 : memref<!tpu.dma_semaphore, #tpu.memory_space<semaphore_mem>>) src(%arg12 : memref<80x64xf32, #tpu.memory_space<vmem>>) dst(%dma_wait3A_145 : memref<10240x64xf32, #tpu.memory_space<vmem_shared>>)
    %dma_wait3A_146 = arith.constant 128 : i32
    %dma_wait3A_147 = arith.constant 0 : i32
    %dma_wait3A_148 = tpu.memref_slice %arg9[%dma_wait3A_146, %dma_wait3A_147] : memref<130x80xi32, #tpu.memory_space<vmem>> -> memref<1x80xi32, #tpu.memory_space<vmem>>
    %dma_wait3A_149 = tpu.memref_squeeze %dma_wait3A_148 : memref<1x80xi32, #tpu.memory_space<vmem>> -> memref<80xi32, #tpu.memory_space<vmem>>
    %dma_wait3A_150 = arith.constant 0 : i32
    %dma_wait3A_151 = arith.constant 0 : i32
    %dma_wait3A_152 = tpu.memref_slice %arg16[%dma_wait3A_150, %dma_wait3A_151] : memref<10240x64xf32, #tpu.memory_space<vmem_shared>> -> memref<10240x64xf32, #tpu.memory_space<vmem_shared>>
    tpu.wait_indirect_dma semaphore(%arg25 : memref<!tpu.dma_semaphore, #tpu.memory_space<semaphore_mem>>) src(%arg13 : memref<80x64xf32, #tpu.memory_space<vmem>>) dst(%dma_wait3A_152 : memref<10240x64xf32, #tpu.memory_space<vmem_shared>>)
    %dma_wait3A_153 = arith.constant 129 : i32
    %dma_wait3A_154 = arith.constant 0 : i32
    %dma_wait3A_155 = tpu.memref_slice %arg9[%dma_wait3A_153, %dma_wait3A_154] : memref<130x80xi32, #tpu.memory_space<vmem>> -> memref<1x80xi32, #tpu.memory_space<vmem>>
    %dma_wait3A_156 = tpu.memref_squeeze %dma_wait3A_155 : memref<1x80xi32, #tpu.memory_space<vmem>> -> memref<80xi32, #tpu.memory_space<vmem>>
    %dma_wait3A_157 = arith.constant 0 : i32
    %dma_wait3A_158 = arith.constant 0 : i32
    %dma_wait3A_159 = tpu.memref_slice %arg16[%dma_wait3A_157, %dma_wait3A_158] : memref<10240x64xf32, #tpu.memory_space<vmem_shared>> -> memref<10240x64xf32, #tpu.memory_space<vmem_shared>>
    tpu.wait_indirect_dma semaphore(%arg26 : memref<!tpu.dma_semaphore, #tpu.memory_space<semaphore_mem>>) src(%arg14 : memref<80x64xf32, #tpu.memory_space<vmem>>) dst(%dma_wait3A_159 : memref<10240x64xf32, #tpu.memory_space<vmem_shared>>)
    %barrier3A_160 = arith.constant 0 : index
    tpu.barrier barrier_id(%barrier3A_160)
    %mul3A_161 = arith.constant 640 : i32
    %mul3A_162 = arith.muli %arg1, %mul3A_161 : i32
    %add3A_163 = arith.constant 0 : i32
    %add3A_164 = arith.addi %mul3A_162, %add3A_163 : i32
    "tpu.region"() ({
      %run_scoped3A_366 = tpu.sem_alloc : memref<!tpu.dma_semaphore, #tpu.memory_space<semaphore_mem>>
      %dma_start3A_367 = arith.constant 0 : i32
      %dma_start3A_368 = tpu.memref_slice %arg16[%add3A_164, %dma_start3A_367] : memref<10240x64xf32, #tpu.memory_space<vmem_shared>> -> memref<160x64xf32, #tpu.memory_space<vmem_shared>>
      %dma_start3A_369 = arith.constant 0 : i32
      %dma_start3A_370 = tpu.memref_slice %arg16[%add3A_164, %dma_start3A_369] : memref<10240x64xf32, #tpu.memory_space<vmem_shared>> -> memref<160x64xf32, #tpu.memory_space<vmem_shared>>
      tpu.enqueue_dma source(%dma_start3A_370 : memref<160x64xf32, #tpu.memory_space<vmem_shared>>) target(%arg15 : memref<160x64xf32, #tpu.memory_space<vmem>>) target_semaphore(%run_scoped3A_366 : memref<!tpu.dma_semaphore, #tpu.memory_space<semaphore_mem>>)
      %dma_wait3A_371 = arith.constant 0 : i32
      %dma_wait3A_372 = tpu.memref_slice %arg16[%add3A_164, %dma_wait3A_371] : memref<10240x64xf32, #tpu.memory_space<vmem_shared>> -> memref<160x64xf32, #tpu.memory_space<vmem_shared>>
      %dma_wait3A_373 = arith.constant 0 : i32
      %dma_wait3A_374 = tpu.memref_slice %arg16[%add3A_164, %dma_wait3A_373] : memref<10240x64xf32, #tpu.memory_space<vmem_shared>> -> memref<160x64xf32, #tpu.memory_space<vmem_shared>>
      tpu.wait_dma2 semaphore(%run_scoped3A_366 : memref<!tpu.dma_semaphore, #tpu.memory_space<semaphore_mem>>) src(%dma_wait3A_374 : memref<160x64xf32, #tpu.memory_space<vmem_shared>>) dst(%arg15 : memref<160x64xf32, #tpu.memory_space<vmem>>)
      tpu.yield
    }) : () -> ()
    %run_scoped3A = arith.constant 0 : i32
    "tpu.region"() ({
      %run_scoped3A_366 = tpu.sem_alloc : memref<!tpu.dma_semaphore, #tpu.memory_space<semaphore_mem>>
      %dma_start3A_367 = arith.constant 0 : i32
      %dma_start3A_368 = arith.constant 0 : i32
      %dma_start3A_369 = tpu.memref_slice %arg7[%run_scoped3A, %arg0, %arg1, %dma_start3A_367, %dma_start3A_368] : memref<2x2x16x640x64xf32, #tpu.memory_space<hbm>> -> memref<1x1x1x160x64xf32, #tpu.memory_space<hbm>>
      %dma_start3A_370 = tpu.memref_squeeze %dma_start3A_369 : memref<1x1x1x160x64xf32, #tpu.memory_space<hbm>> -> memref<160x64xf32, #tpu.memory_space<hbm>>
      %dma_start3A_371 = arith.constant 0 : i32
      %dma_start3A_372 = arith.constant 0 : i32
      %dma_start3A_373 = tpu.memref_slice %arg7[%run_scoped3A, %arg0, %arg1, %dma_start3A_371, %dma_start3A_372] : memref<2x2x16x640x64xf32, #tpu.memory_space<hbm>> -> memref<1x1x1x160x64xf32, #tpu.memory_space<hbm>>
      %dma_start3A_374 = tpu.memref_squeeze %dma_start3A_373 : memref<1x1x1x160x64xf32, #tpu.memory_space<hbm>> -> memref<160x64xf32, #tpu.memory_space<hbm>>
      tpu.enqueue_dma source(%arg15 : memref<160x64xf32, #tpu.memory_space<vmem>>) target(%dma_start3A_374 : memref<160x64xf32, #tpu.memory_space<hbm>>) target_semaphore(%run_scoped3A_366 : memref<!tpu.dma_semaphore, #tpu.memory_space<semaphore_mem>>)
      %dma_wait3A_375 = arith.constant 0 : i32
      %dma_wait3A_376 = arith.constant 0 : i32
      %dma_wait3A_377 = tpu.memref_slice %arg7[%run_scoped3A, %arg0, %arg1, %dma_wait3A_375, %dma_wait3A_376] : memref<2x2x16x640x64xf32, #tpu.memory_space<hbm>> -> memref<1x1x1x160x64xf32, #tpu.memory_space<hbm>>
      %dma_wait3A_378 = tpu.memref_squeeze %dma_wait3A_377 : memref<1x1x1x160x64xf32, #tpu.memory_space<hbm>> -> memref<160x64xf32, #tpu.memory_space<hbm>>
      %dma_wait3A_379 = arith.constant 0 : i32
      %dma_wait3A_380 = arith.constant 0 : i32
      %dma_wait3A_381 = tpu.memref_slice %arg7[%run_scoped3A, %arg0, %arg1, %dma_wait3A_379, %dma_wait3A_380] : memref<2x2x16x640x64xf32, #tpu.memory_space<hbm>> -> memref<1x1x1x160x64xf32, #tpu.memory_space<hbm>>
      %dma_wait3A_382 = tpu.memref_squeeze %dma_wait3A_381 : memref<1x1x1x160x64xf32, #tpu.memory_space<hbm>> -> memref<160x64xf32, #tpu.memory_space<hbm>>
      tpu.wait_dma2 semaphore(%run_scoped3A_366 : memref<!tpu.dma_semaphore, #tpu.memory_space<semaphore_mem>>) src(%arg15 : memref<160x64xf32, #tpu.memory_space<vmem>>) dst(%dma_wait3A_382 : memref<160x64xf32, #tpu.memory_space<hbm>>)
      tpu.yield
    }) : () -> ()
    %mul3A_165 = arith.constant 640 : i32
    %mul3A_166 = arith.muli %arg1, %mul3A_165 : i32
    %add3A_167 = arith.constant 160 : i32
    %add3A_168 = arith.addi %mul3A_166, %add3A_167 : i32
    "tpu.region"() ({
      %run_scoped3A_366 = tpu.sem_alloc : memref<!tpu.dma_semaphore, #tpu.memory_space<semaphore_mem>>
      %dma_start3A_367 = arith.constant 0 : i32
      %dma_start3A_368 = tpu.memref_slice %arg16[%add3A_168, %dma_start3A_367] : memref<10240x64xf32, #tpu.memory_space<vmem_shared>> -> memref<160x64xf32, #tpu.memory_space<vmem_shared>>
      %dma_start3A_369 = arith.constant 0 : i32
      %dma_start3A_370 = tpu.memref_slice %arg16[%add3A_168, %dma_start3A_369] : memref<10240x64xf32, #tpu.memory_space<vmem_shared>> -> memref<160x64xf32, #tpu.memory_space<vmem_shared>>
      tpu.enqueue_dma source(%dma_start3A_370 : memref<160x64xf32, #tpu.memory_space<vmem_shared>>) target(%arg15 : memref<160x64xf32, #tpu.memory_space<vmem>>) target_semaphore(%run_scoped3A_366 : memref<!tpu.dma_semaphore, #tpu.memory_space<semaphore_mem>>)
      %dma_wait3A_371 = arith.constant 0 : i32
      %dma_wait3A_372 = tpu.memref_slice %arg16[%add3A_168, %dma_wait3A_371] : memref<10240x64xf32, #tpu.memory_space<vmem_shared>> -> memref<160x64xf32, #tpu.memory_space<vmem_shared>>
      %dma_wait3A_373 = arith.constant 0 : i32
      %dma_wait3A_374 = tpu.memref_slice %arg16[%add3A_168, %dma_wait3A_373] : memref<10240x64xf32, #tpu.memory_space<vmem_shared>> -> memref<160x64xf32, #tpu.memory_space<vmem_shared>>
      tpu.wait_dma2 semaphore(%run_scoped3A_366 : memref<!tpu.dma_semaphore, #tpu.memory_space<semaphore_mem>>) src(%dma_wait3A_374 : memref<160x64xf32, #tpu.memory_space<vmem_shared>>) dst(%arg15 : memref<160x64xf32, #tpu.memory_space<vmem>>)
      tpu.yield
    }) : () -> ()
    %run_scoped3A_169 = arith.constant 0 : i32
    "tpu.region"() ({
      %run_scoped3A_366 = tpu.sem_alloc : memref<!tpu.dma_semaphore, #tpu.memory_space<semaphore_mem>>
      %dma_start3A_367 = arith.constant 160 : i32
      %dma_start3A_368 = arith.constant 0 : i32
      %dma_start3A_369 = tpu.memref_slice %arg7[%run_scoped3A_169, %arg0, %arg1, %dma_start3A_367, %dma_start3A_368] : memref<2x2x16x640x64xf32, #tpu.memory_space<hbm>> -> memref<1x1x1x160x64xf32, #tpu.memory_space<hbm>>
      %dma_start3A_370 = tpu.memref_squeeze %dma_start3A_369 : memref<1x1x1x160x64xf32, #tpu.memory_space<hbm>> -> memref<160x64xf32, #tpu.memory_space<hbm>>
      %dma_start3A_371 = arith.constant 160 : i32
      %dma_start3A_372 = arith.constant 0 : i32
      %dma_start3A_373 = tpu.memref_slice %arg7[%run_scoped3A_169, %arg0, %arg1, %dma_start3A_371, %dma_start3A_372] : memref<2x2x16x640x64xf32, #tpu.memory_space<hbm>> -> memref<1x1x1x160x64xf32, #tpu.memory_space<hbm>>
      %dma_start3A_374 = tpu.memref_squeeze %dma_start3A_373 : memref<1x1x1x160x64xf32, #tpu.memory_space<hbm>> -> memref<160x64xf32, #tpu.memory_space<hbm>>
      tpu.enqueue_dma source(%arg15 : memref<160x64xf32, #tpu.memory_space<vmem>>) target(%dma_start3A_374 : memref<160x64xf32, #tpu.memory_space<hbm>>) target_semaphore(%run_scoped3A_366 : memref<!tpu.dma_semaphore, #tpu.memory_space<semaphore_mem>>)
      %dma_wait3A_375 = arith.constant 160 : i32
      %dma_wait3A_376 = arith.constant 0 : i32
      %dma_wait3A_377 = tpu.memref_slice %arg7[%run_scoped3A_169, %arg0, %arg1, %dma_wait3A_375, %dma_wait3A_376] : memref<2x2x16x640x64xf32, #tpu.memory_space<hbm>> -> memref<1x1x1x160x64xf32, #tpu.memory_space<hbm>>
      %dma_wait3A_378 = tpu.memref_squeeze %dma_wait3A_377 : memref<1x1x1x160x64xf32, #tpu.memory_space<hbm>> -> memref<160x64xf32, #tpu.memory_space<hbm>>
      %dma_wait3A_379 = arith.constant 160 : i32
      %dma_wait3A_380 = arith.constant 0 : i32
      %dma_wait3A_381 = tpu.memref_slice %arg7[%run_scoped3A_169, %arg0, %arg1, %dma_wait3A_379, %dma_wait3A_380] : memref<2x2x16x640x64xf32, #tpu.memory_space<hbm>> -> memref<1x1x1x160x64xf32, #tpu.memory_space<hbm>>
      %dma_wait3A_382 = tpu.memref_squeeze %dma_wait3A_381 : memref<1x1x1x160x64xf32, #tpu.memory_space<hbm>> -> memref<160x64xf32, #tpu.memory_space<hbm>>
      tpu.wait_dma2 semaphore(%run_scoped3A_366 : memref<!tpu.dma_semaphore, #tpu.memory_space<semaphore_mem>>) src(%arg15 : memref<160x64xf32, #tpu.memory_space<vmem>>) dst(%dma_wait3A_382 : memref<160x64xf32, #tpu.memory_space<hbm>>)
      tpu.yield
    }) : () -> ()
    %mul3A_170 = arith.constant 640 : i32
    %mul3A_171 = arith.muli %arg1, %mul3A_170 : i32
    %add3A_172 = arith.constant 320 : i32
    %add3A_173 = arith.addi %mul3A_171, %add3A_172 : i32
    "tpu.region"() ({
      %run_scoped3A_366 = tpu.sem_alloc : memref<!tpu.dma_semaphore, #tpu.memory_space<semaphore_mem>>
      %dma_start3A_367 = arith.constant 0 : i32
      %dma_start3A_368 = tpu.memref_slice %arg16[%add3A_173, %dma_start3A_367] : memref<10240x64xf32, #tpu.memory_space<vmem_shared>> -> memref<160x64xf32, #tpu.memory_space<vmem_shared>>
      %dma_start3A_369 = arith.constant 0 : i32
      %dma_start3A_370 = tpu.memref_slice %arg16[%add3A_173, %dma_start3A_369] : memref<10240x64xf32, #tpu.memory_space<vmem_shared>> -> memref<160x64xf32, #tpu.memory_space<vmem_shared>>
      tpu.enqueue_dma source(%dma_start3A_370 : memref<160x64xf32, #tpu.memory_space<vmem_shared>>) target(%arg15 : memref<160x64xf32, #tpu.memory_space<vmem>>) target_semaphore(%run_scoped3A_366 : memref<!tpu.dma_semaphore, #tpu.memory_space<semaphore_mem>>)
      %dma_wait3A_371 = arith.constant 0 : i32
      %dma_wait3A_372 = tpu.memref_slice %arg16[%add3A_173, %dma_wait3A_371] : memref<10240x64xf32, #tpu.memory_space<vmem_shared>> -> memref<160x64xf32, #tpu.memory_space<vmem_shared>>
      %dma_wait3A_373 = arith.constant 0 : i32
      %dma_wait3A_374 = tpu.memref_slice %arg16[%add3A_173, %dma_wait3A_373] : memref<10240x64xf32, #tpu.memory_space<vmem_shared>> -> memref<160x64xf32, #tpu.memory_space<vmem_shared>>
      tpu.wait_dma2 semaphore(%run_scoped3A_366 : memref<!tpu.dma_semaphore, #tpu.memory_space<semaphore_mem>>) src(%dma_wait3A_374 : memref<160x64xf32, #tpu.memory_space<vmem_shared>>) dst(%arg15 : memref<160x64xf32, #tpu.memory_space<vmem>>)
      tpu.yield
    }) : () -> ()
    %run_scoped3A_174 = arith.constant 0 : i32
    "tpu.region"() ({
      %run_scoped3A_366 = tpu.sem_alloc : memref<!tpu.dma_semaphore, #tpu.memory_space<semaphore_mem>>
      %dma_start3A_367 = arith.constant 320 : i32
      %dma_start3A_368 = arith.constant 0 : i32
      %dma_start3A_369 = tpu.memref_slice %arg7[%run_scoped3A_174, %arg0, %arg1, %dma_start3A_367, %dma_start3A_368] : memref<2x2x16x640x64xf32, #tpu.memory_space<hbm>> -> memref<1x1x1x160x64xf32, #tpu.memory_space<hbm>>
      %dma_start3A_370 = tpu.memref_squeeze %dma_start3A_369 : memref<1x1x1x160x64xf32, #tpu.memory_space<hbm>> -> memref<160x64xf32, #tpu.memory_space<hbm>>
      %dma_start3A_371 = arith.constant 320 : i32
      %dma_start3A_372 = arith.constant 0 : i32
      %dma_start3A_373 = tpu.memref_slice %arg7[%run_scoped3A_174, %arg0, %arg1, %dma_start3A_371, %dma_start3A_372] : memref<2x2x16x640x64xf32, #tpu.memory_space<hbm>> -> memref<1x1x1x160x64xf32, #tpu.memory_space<hbm>>
      %dma_start3A_374 = tpu.memref_squeeze %dma_start3A_373 : memref<1x1x1x160x64xf32, #tpu.memory_space<hbm>> -> memref<160x64xf32, #tpu.memory_space<hbm>>
      tpu.enqueue_dma source(%arg15 : memref<160x64xf32, #tpu.memory_space<vmem>>) target(%dma_start3A_374 : memref<160x64xf32, #tpu.memory_space<hbm>>) target_semaphore(%run_scoped3A_366 : memref<!tpu.dma_semaphore, #tpu.memory_space<semaphore_mem>>)
      %dma_wait3A_375 = arith.constant 320 : i32
      %dma_wait3A_376 = arith.constant 0 : i32
      %dma_wait3A_377 = tpu.memref_slice %arg7[%run_scoped3A_174, %arg0, %arg1, %dma_wait3A_375, %dma_wait3A_376] : memref<2x2x16x640x64xf32, #tpu.memory_space<hbm>> -> memref<1x1x1x160x64xf32, #tpu.memory_space<hbm>>
      %dma_wait3A_378 = tpu.memref_squeeze %dma_wait3A_377 : memref<1x1x1x160x64xf32, #tpu.memory_space<hbm>> -> memref<160x64xf32, #tpu.memory_space<hbm>>
      %dma_wait3A_379 = arith.constant 320 : i32
      %dma_wait3A_380 = arith.constant 0 : i32
      %dma_wait3A_381 = tpu.memref_slice %arg7[%run_scoped3A_174, %arg0, %arg1, %dma_wait3A_379, %dma_wait3A_380] : memref<2x2x16x640x64xf32, #tpu.memory_space<hbm>> -> memref<1x1x1x160x64xf32, #tpu.memory_space<hbm>>
      %dma_wait3A_382 = tpu.memref_squeeze %dma_wait3A_381 : memref<1x1x1x160x64xf32, #tpu.memory_space<hbm>> -> memref<160x64xf32, #tpu.memory_space<hbm>>
      tpu.wait_dma2 semaphore(%run_scoped3A_366 : memref<!tpu.dma_semaphore, #tpu.memory_space<semaphore_mem>>) src(%arg15 : memref<160x64xf32, #tpu.memory_space<vmem>>) dst(%dma_wait3A_382 : memref<160x64xf32, #tpu.memory_space<hbm>>)
      tpu.yield
    }) : () -> ()
    %mul3A_175 = arith.constant 640 : i32
    %mul3A_176 = arith.muli %arg1, %mul3A_175 : i32
    %add3A_177 = arith.constant 480 : i32
    %add3A_178 = arith.addi %mul3A_176, %add3A_177 : i32
    "tpu.region"() ({
      %run_scoped3A_366 = tpu.sem_alloc : memref<!tpu.dma_semaphore, #tpu.memory_space<semaphore_mem>>
      %dma_start3A_367 = arith.constant 0 : i32
      %dma_start3A_368 = tpu.memref_slice %arg16[%add3A_178, %dma_start3A_367] : memref<10240x64xf32, #tpu.memory_space<vmem_shared>> -> memref<160x64xf32, #tpu.memory_space<vmem_shared>>
      %dma_start3A_369 = arith.constant 0 : i32
      %dma_start3A_370 = tpu.memref_slice %arg16[%add3A_178, %dma_start3A_369] : memref<10240x64xf32, #tpu.memory_space<vmem_shared>> -> memref<160x64xf32, #tpu.memory_space<vmem_shared>>
      tpu.enqueue_dma source(%dma_start3A_370 : memref<160x64xf32, #tpu.memory_space<vmem_shared>>) target(%arg15 : memref<160x64xf32, #tpu.memory_space<vmem>>) target_semaphore(%run_scoped3A_366 : memref<!tpu.dma_semaphore, #tpu.memory_space<semaphore_mem>>)
      %dma_wait3A_371 = arith.constant 0 : i32
      %dma_wait3A_372 = tpu.memref_slice %arg16[%add3A_178, %dma_wait3A_371] : memref<10240x64xf32, #tpu.memory_space<vmem_shared>> -> memref<160x64xf32, #tpu.memory_space<vmem_shared>>
      %dma_wait3A_373 = arith.constant 0 : i32
      %dma_wait3A_374 = tpu.memref_slice %arg16[%add3A_178, %dma_wait3A_373] : memref<10240x64xf32, #tpu.memory_space<vmem_shared>> -> memref<160x64xf32, #tpu.memory_space<vmem_shared>>
      tpu.wait_dma2 semaphore(%run_scoped3A_366 : memref<!tpu.dma_semaphore, #tpu.memory_space<semaphore_mem>>) src(%dma_wait3A_374 : memref<160x64xf32, #tpu.memory_space<vmem_shared>>) dst(%arg15 : memref<160x64xf32, #tpu.memory_space<vmem>>)
      tpu.yield
    }) : () -> ()
    %run_scoped3A_179 = arith.constant 0 : i32
    "tpu.region"() ({
      %run_scoped3A_366 = tpu.sem_alloc : memref<!tpu.dma_semaphore, #tpu.memory_space<semaphore_mem>>
      %dma_start3A_367 = arith.constant 480 : i32
      %dma_start3A_368 = arith.constant 0 : i32
      %dma_start3A_369 = tpu.memref_slice %arg7[%run_scoped3A_179, %arg0, %arg1, %dma_start3A_367, %dma_start3A_368] : memref<2x2x16x640x64xf32, #tpu.memory_space<hbm>> -> memref<1x1x1x160x64xf32, #tpu.memory_space<hbm>>
      %dma_start3A_370 = tpu.memref_squeeze %dma_start3A_369 : memref<1x1x1x160x64xf32, #tpu.memory_space<hbm>> -> memref<160x64xf32, #tpu.memory_space<hbm>>
      %dma_start3A_371 = arith.constant 480 : i32
      %dma_start3A_372 = arith.constant 0 : i32
      %dma_start3A_373 = tpu.memref_slice %arg7[%run_scoped3A_179, %arg0, %arg1, %dma_start3A_371, %dma_start3A_372] : memref<2x2x16x640x64xf32, #tpu.memory_space<hbm>> -> memref<1x1x1x160x64xf32, #tpu.memory_space<hbm>>
      %dma_start3A_374 = tpu.memref_squeeze %dma_start3A_373 : memref<1x1x1x160x64xf32, #tpu.memory_space<hbm>> -> memref<160x64xf32, #tpu.memory_space<hbm>>
      tpu.enqueue_dma source(%arg15 : memref<160x64xf32, #tpu.memory_space<vmem>>) target(%dma_start3A_374 : memref<160x64xf32, #tpu.memory_space<hbm>>) target_semaphore(%run_scoped3A_366 : memref<!tpu.dma_semaphore, #tpu.memory_space<semaphore_mem>>)
      %dma_wait3A_375 = arith.constant 480 : i32
      %dma_wait3A_376 = arith.constant 0 : i32
      %dma_wait3A_377 = tpu.memref_slice %arg7[%run_scoped3A_179, %arg0, %arg1, %dma_wait3A_375, %dma_wait3A_376] : memref<2x2x16x640x64xf32, #tpu.memory_space<hbm>> -> memref<1x1x1x160x64xf32, #tpu.memory_space<hbm>>
      %dma_wait3A_378 = tpu.memref_squeeze %dma_wait3A_377 : memref<1x1x1x160x64xf32, #tpu.memory_space<hbm>> -> memref<160x64xf32, #tpu.memory_space<hbm>>
      %dma_wait3A_379 = arith.constant 480 : i32
      %dma_wait3A_380 = arith.constant 0 : i32
      %dma_wait3A_381 = tpu.memref_slice %arg7[%run_scoped3A_179, %arg0, %arg1, %dma_wait3A_379, %dma_wait3A_380] : memref<2x2x16x640x64xf32, #tpu.memory_space<hbm>> -> memref<1x1x1x160x64xf32, #tpu.memory_space<hbm>>
      %dma_wait3A_382 = tpu.memref_squeeze %dma_wait3A_381 : memref<1x1x1x160x64xf32, #tpu.memory_space<hbm>> -> memref<160x64xf32, #tpu.memory_space<hbm>>
      tpu.wait_dma2 semaphore(%run_scoped3A_366 : memref<!tpu.dma_semaphore, #tpu.memory_space<semaphore_mem>>) src(%arg15 : memref<160x64xf32, #tpu.memory_space<vmem>>) dst(%dma_wait3A_382 : memref<160x64xf32, #tpu.memory_space<hbm>>)
      tpu.yield
    }) : () -> ()
    %barrier3A_180 = arith.constant 0 : index
    tpu.barrier barrier_id(%barrier3A_180)
    "tpu.region"() ({
      %run_scoped3A_366 = tpu.sem_alloc : memref<!tpu.dma_semaphore, #tpu.memory_space<semaphore_mem>>
      tpu.enqueue_dma source(%arg6 : memref<160x64xf32, #tpu.memory_space<hbm>>) target(%arg15 : memref<160x64xf32, #tpu.memory_space<vmem>>) target_semaphore(%run_scoped3A_366 : memref<!tpu.dma_semaphore, #tpu.memory_space<semaphore_mem>>)
      tpu.wait_dma2 semaphore(%run_scoped3A_366 : memref<!tpu.dma_semaphore, #tpu.memory_space<semaphore_mem>>) src(%arg6 : memref<160x64xf32, #tpu.memory_space<hbm>>) dst(%arg15 : memref<160x64xf32, #tpu.memory_space<vmem>>)
      tpu.yield
    }) : () -> ()
    %mul3A_181 = arith.constant 640 : i32
    %mul3A_182 = arith.muli %arg1, %mul3A_181 : i32
    %add3A_183 = arith.constant 0 : i32
    %add3A_184 = arith.addi %mul3A_182, %add3A_183 : i32
    "tpu.region"() ({
      %run_scoped3A_366 = tpu.sem_alloc : memref<!tpu.dma_semaphore, #tpu.memory_space<semaphore_mem>>
      %dma_start3A_367 = arith.constant 0 : i32
      %dma_start3A_368 = tpu.memref_slice %arg16[%add3A_184, %dma_start3A_367] : memref<10240x64xf32, #tpu.memory_space<vmem_shared>> -> memref<160x64xf32, #tpu.memory_space<vmem_shared>>
      %dma_start3A_369 = arith.constant 0 : i32
      %dma_start3A_370 = tpu.memref_slice %arg16[%add3A_184, %dma_start3A_369] : memref<10240x64xf32, #tpu.memory_space<vmem_shared>> -> memref<160x64xf32, #tpu.memory_space<vmem_shared>>
      tpu.enqueue_dma source(%arg15 : memref<160x64xf32, #tpu.memory_space<vmem>>) target(%dma_start3A_370 : memref<160x64xf32, #tpu.memory_space<vmem_shared>>) target_semaphore(%run_scoped3A_366 : memref<!tpu.dma_semaphore, #tpu.memory_space<semaphore_mem>>)
      %dma_wait3A_371 = arith.constant 0 : i32
      %dma_wait3A_372 = tpu.memref_slice %arg16[%add3A_184, %dma_wait3A_371] : memref<10240x64xf32, #tpu.memory_space<vmem_shared>> -> memref<160x64xf32, #tpu.memory_space<vmem_shared>>
      %dma_wait3A_373 = arith.constant 0 : i32
      %dma_wait3A_374 = tpu.memref_slice %arg16[%add3A_184, %dma_wait3A_373] : memref<10240x64xf32, #tpu.memory_space<vmem_shared>> -> memref<160x64xf32, #tpu.memory_space<vmem_shared>>
      tpu.wait_dma2 semaphore(%run_scoped3A_366 : memref<!tpu.dma_semaphore, #tpu.memory_space<semaphore_mem>>) src(%arg15 : memref<160x64xf32, #tpu.memory_space<vmem>>) dst(%dma_wait3A_374 : memref<160x64xf32, #tpu.memory_space<vmem_shared>>)
      tpu.yield
    }) : () -> ()
    %mul3A_185 = arith.constant 640 : i32
    %mul3A_186 = arith.muli %arg1, %mul3A_185 : i32
    %add3A_187 = arith.constant 160 : i32
    %add3A_188 = arith.addi %mul3A_186, %add3A_187 : i32
    "tpu.region"() ({
      %run_scoped3A_366 = tpu.sem_alloc : memref<!tpu.dma_semaphore, #tpu.memory_space<semaphore_mem>>
      %dma_start3A_367 = arith.constant 0 : i32
      %dma_start3A_368 = tpu.memref_slice %arg16[%add3A_188, %dma_start3A_367] : memref<10240x64xf32, #tpu.memory_space<vmem_shared>> -> memref<160x64xf32, #tpu.memory_space<vmem_shared>>
      %dma_start3A_369 = arith.constant 0 : i32
      %dma_start3A_370 = tpu.memref_slice %arg16[%add3A_188, %dma_start3A_369] : memref<10240x64xf32, #tpu.memory_space<vmem_shared>> -> memref<160x64xf32, #tpu.memory_space<vmem_shared>>
      tpu.enqueue_dma source(%arg15 : memref<160x64xf32, #tpu.memory_space<vmem>>) target(%dma_start3A_370 : memref<160x64xf32, #tpu.memory_space<vmem_shared>>) target_semaphore(%run_scoped3A_366 : memref<!tpu.dma_semaphore, #tpu.memory_space<semaphore_mem>>)
      %dma_wait3A_371 = arith.constant 0 : i32
      %dma_wait3A_372 = tpu.memref_slice %arg16[%add3A_188, %dma_wait3A_371] : memref<10240x64xf32, #tpu.memory_space<vmem_shared>> -> memref<160x64xf32, #tpu.memory_space<vmem_shared>>
      %dma_wait3A_373 = arith.constant 0 : i32
      %dma_wait3A_374 = tpu.memref_slice %arg16[%add3A_188, %dma_wait3A_373] : memref<10240x64xf32, #tpu.memory_space<vmem_shared>> -> memref<160x64xf32, #tpu.memory_space<vmem_shared>>
      tpu.wait_dma2 semaphore(%run_scoped3A_366 : memref<!tpu.dma_semaphore, #tpu.memory_space<semaphore_mem>>) src(%arg15 : memref<160x64xf32, #tpu.memory_space<vmem>>) dst(%dma_wait3A_374 : memref<160x64xf32, #tpu.memory_space<vmem_shared>>)
      tpu.yield
    }) : () -> ()
    %mul3A_189 = arith.constant 640 : i32
    %mul3A_190 = arith.muli %arg1, %mul3A_189 : i32
    %add3A_191 = arith.constant 320 : i32
    %add3A_192 = arith.addi %mul3A_190, %add3A_191 : i32
    "tpu.region"() ({
      %run_scoped3A_366 = tpu.sem_alloc : memref<!tpu.dma_semaphore, #tpu.memory_space<semaphore_mem>>
      %dma_start3A_367 = arith.constant 0 : i32
      %dma_start3A_368 = tpu.memref_slice %arg16[%add3A_192, %dma_start3A_367] : memref<10240x64xf32, #tpu.memory_space<vmem_shared>> -> memref<160x64xf32, #tpu.memory_space<vmem_shared>>
      %dma_start3A_369 = arith.constant 0 : i32
      %dma_start3A_370 = tpu.memref_slice %arg16[%add3A_192, %dma_start3A_369] : memref<10240x64xf32, #tpu.memory_space<vmem_shared>> -> memref<160x64xf32, #tpu.memory_space<vmem_shared>>
      tpu.enqueue_dma source(%arg15 : memref<160x64xf32, #tpu.memory_space<vmem>>) target(%dma_start3A_370 : memref<160x64xf32, #tpu.memory_space<vmem_shared>>) target_semaphore(%run_scoped3A_366 : memref<!tpu.dma_semaphore, #tpu.memory_space<semaphore_mem>>)
      %dma_wait3A_371 = arith.constant 0 : i32
      %dma_wait3A_372 = tpu.memref_slice %arg16[%add3A_192, %dma_wait3A_371] : memref<10240x64xf32, #tpu.memory_space<vmem_shared>> -> memref<160x64xf32, #tpu.memory_space<vmem_shared>>
      %dma_wait3A_373 = arith.constant 0 : i32
      %dma_wait3A_374 = tpu.memref_slice %arg16[%add3A_192, %dma_wait3A_373] : memref<10240x64xf32, #tpu.memory_space<vmem_shared>> -> memref<160x64xf32, #tpu.memory_space<vmem_shared>>
      tpu.wait_dma2 semaphore(%run_scoped3A_366 : memref<!tpu.dma_semaphore, #tpu.memory_space<semaphore_mem>>) src(%arg15 : memref<160x64xf32, #tpu.memory_space<vmem>>) dst(%dma_wait3A_374 : memref<160x64xf32, #tpu.memory_space<vmem_shared>>)
      tpu.yield
    }) : () -> ()
    %mul3A_193 = arith.constant 640 : i32
    %mul3A_194 = arith.muli %arg1, %mul3A_193 : i32
    %add3A_195 = arith.constant 480 : i32
    %add3A_196 = arith.addi %mul3A_194, %add3A_195 : i32
    "tpu.region"() ({
      %run_scoped3A_366 = tpu.sem_alloc : memref<!tpu.dma_semaphore, #tpu.memory_space<semaphore_mem>>
      %dma_start3A_367 = arith.constant 0 : i32
      %dma_start3A_368 = tpu.memref_slice %arg16[%add3A_196, %dma_start3A_367] : memref<10240x64xf32, #tpu.memory_space<vmem_shared>> -> memref<160x64xf32, #tpu.memory_space<vmem_shared>>
      %dma_start3A_369 = arith.constant 0 : i32
      %dma_start3A_370 = tpu.memref_slice %arg16[%add3A_196, %dma_start3A_369] : memref<10240x64xf32, #tpu.memory_space<vmem_shared>> -> memref<160x64xf32, #tpu.memory_space<vmem_shared>>
      tpu.enqueue_dma source(%arg15 : memref<160x64xf32, #tpu.memory_space<vmem>>) target(%dma_start3A_370 : memref<160x64xf32, #tpu.memory_space<vmem_shared>>) target_semaphore(%run_scoped3A_366 : memref<!tpu.dma_semaphore, #tpu.memory_space<semaphore_mem>>)
      %dma_wait3A_371 = arith.constant 0 : i32
      %dma_wait3A_372 = tpu.memref_slice %arg16[%add3A_196, %dma_wait3A_371] : memref<10240x64xf32, #tpu.memory_space<vmem_shared>> -> memref<160x64xf32, #tpu.memory_space<vmem_shared>>
      %dma_wait3A_373 = arith.constant 0 : i32
      %dma_wait3A_374 = tpu.memref_slice %arg16[%add3A_196, %dma_wait3A_373] : memref<10240x64xf32, #tpu.memory_space<vmem_shared>> -> memref<160x64xf32, #tpu.memory_space<vmem_shared>>
      tpu.wait_dma2 semaphore(%run_scoped3A_366 : memref<!tpu.dma_semaphore, #tpu.memory_space<semaphore_mem>>) src(%arg15 : memref<160x64xf32, #tpu.memory_space<vmem>>) dst(%dma_wait3A_374 : memref<160x64xf32, #tpu.memory_space<vmem_shared>>)
      tpu.yield
    }) : () -> ()
    %barrier3A_197 = arith.constant 0 : index
    tpu.barrier barrier_id(%barrier3A_197)
    %dma_start3A_198 = arith.constant 0 : i32
    %dma_start3A_199 = arith.constant 0 : i32
    %dma_start3A_200 = tpu.memref_slice %arg8[%dma_start3A_198, %dma_start3A_199] : memref<130x80xi32, #tpu.memory_space<vmem>> -> memref<1x80xi32, #tpu.memory_space<vmem>>
    %dma_start3A_201 = tpu.memref_squeeze %dma_start3A_200 : memref<1x80xi32, #tpu.memory_space<vmem>> -> memref<80xi32, #tpu.memory_space<vmem>>
    %dma_start3A_202 = arith.constant 0 : i32
    %dma_start3A_203 = arith.constant 0 : i32
    %dma_start3A_204 = tpu.memref_slice %arg3[%dma_start3A_202, %dma_start3A_203] : memref<10000x64xf32, #tpu.memory_space<hbm>> -> memref<10000x64xf32, #tpu.memory_space<hbm>>
    tpu.enqueue_indirect_dma source(%dma_start3A_204 : memref<10000x64xf32, #tpu.memory_space<hbm>>) target(%arg10 : memref<80x64xf32, #tpu.memory_space<vmem>>) offsets(%dma_start3A_201 : memref<80xi32, #tpu.memory_space<vmem>>) semaphore(%arg17 : memref<!tpu.dma_semaphore, #tpu.memory_space<semaphore_mem>>)
    %dma_start3A_205 = arith.constant 1 : i32
    %dma_start3A_206 = arith.constant 0 : i32
    %dma_start3A_207 = tpu.memref_slice %arg8[%dma_start3A_205, %dma_start3A_206] : memref<130x80xi32, #tpu.memory_space<vmem>> -> memref<1x80xi32, #tpu.memory_space<vmem>>
    %dma_start3A_208 = tpu.memref_squeeze %dma_start3A_207 : memref<1x80xi32, #tpu.memory_space<vmem>> -> memref<80xi32, #tpu.memory_space<vmem>>
    %dma_start3A_209 = arith.constant 0 : i32
    %dma_start3A_210 = arith.constant 0 : i32
    %dma_start3A_211 = tpu.memref_slice %arg3[%dma_start3A_209, %dma_start3A_210] : memref<10000x64xf32, #tpu.memory_space<hbm>> -> memref<10000x64xf32, #tpu.memory_space<hbm>>
    tpu.enqueue_indirect_dma source(%dma_start3A_211 : memref<10000x64xf32, #tpu.memory_space<hbm>>) target(%arg11 : memref<80x64xf32, #tpu.memory_space<vmem>>) offsets(%dma_start3A_208 : memref<80xi32, #tpu.memory_space<vmem>>) semaphore(%arg18 : memref<!tpu.dma_semaphore, #tpu.memory_space<semaphore_mem>>)
    %dma_start3A_212 = arith.constant 2 : i32
    %dma_start3A_213 = arith.constant 0 : i32
    %dma_start3A_214 = tpu.memref_slice %arg8[%dma_start3A_212, %dma_start3A_213] : memref<130x80xi32, #tpu.memory_space<vmem>> -> memref<1x80xi32, #tpu.memory_space<vmem>>
    %dma_start3A_215 = tpu.memref_squeeze %dma_start3A_214 : memref<1x80xi32, #tpu.memory_space<vmem>> -> memref<80xi32, #tpu.memory_space<vmem>>
    %dma_start3A_216 = arith.constant 0 : i32
    %dma_start3A_217 = arith.constant 0 : i32
    %dma_start3A_218 = tpu.memref_slice %arg3[%dma_start3A_216, %dma_start3A_217] : memref<10000x64xf32, #tpu.memory_space<hbm>> -> memref<10000x64xf32, #tpu.memory_space<hbm>>
    tpu.enqueue_indirect_dma source(%dma_start3A_218 : memref<10000x64xf32, #tpu.memory_space<hbm>>) target(%arg12 : memref<80x64xf32, #tpu.memory_space<vmem>>) offsets(%dma_start3A_215 : memref<80xi32, #tpu.memory_space<vmem>>) semaphore(%arg19 : memref<!tpu.dma_semaphore, #tpu.memory_space<semaphore_mem>>)
    %dma_start3A_219 = arith.constant 3 : i32
    %dma_start3A_220 = arith.constant 0 : i32
    %dma_start3A_221 = tpu.memref_slice %arg8[%dma_start3A_219, %dma_start3A_220] : memref<130x80xi32, #tpu.memory_space<vmem>> -> memref<1x80xi32, #tpu.memory_space<vmem>>
    %dma_start3A_222 = tpu.memref_squeeze %dma_start3A_221 : memref<1x80xi32, #tpu.memory_space<vmem>> -> memref<80xi32, #tpu.memory_space<vmem>>
    %dma_start3A_223 = arith.constant 0 : i32
    %dma_start3A_224 = arith.constant 0 : i32
    %dma_start3A_225 = tpu.memref_slice %arg3[%dma_start3A_223, %dma_start3A_224] : memref<10000x64xf32, #tpu.memory_space<hbm>> -> memref<10000x64xf32, #tpu.memory_space<hbm>>
    tpu.enqueue_indirect_dma source(%dma_start3A_225 : memref<10000x64xf32, #tpu.memory_space<hbm>>) target(%arg13 : memref<80x64xf32, #tpu.memory_space<vmem>>) offsets(%dma_start3A_222 : memref<80xi32, #tpu.memory_space<vmem>>) semaphore(%arg20 : memref<!tpu.dma_semaphore, #tpu.memory_space<semaphore_mem>>)
    %dma_start3A_226 = arith.constant 4 : i32
    %dma_start3A_227 = arith.constant 0 : i32
    %dma_start3A_228 = tpu.memref_slice %arg8[%dma_start3A_226, %dma_start3A_227] : memref<130x80xi32, #tpu.memory_space<vmem>> -> memref<1x80xi32, #tpu.memory_space<vmem>>
    %dma_start3A_229 = tpu.memref_squeeze %dma_start3A_228 : memref<1x80xi32, #tpu.memory_space<vmem>> -> memref<80xi32, #tpu.memory_space<vmem>>
    %dma_start3A_230 = arith.constant 0 : i32
    %dma_start3A_231 = arith.constant 0 : i32
    %dma_start3A_232 = tpu.memref_slice %arg3[%dma_start3A_230, %dma_start3A_231] : memref<10000x64xf32, #tpu.memory_space<hbm>> -> memref<10000x64xf32, #tpu.memory_space<hbm>>
    tpu.enqueue_indirect_dma source(%dma_start3A_232 : memref<10000x64xf32, #tpu.memory_space<hbm>>) target(%arg14 : memref<80x64xf32, #tpu.memory_space<vmem>>) offsets(%dma_start3A_229 : memref<80xi32, #tpu.memory_space<vmem>>) semaphore(%arg21 : memref<!tpu.dma_semaphore, #tpu.memory_space<semaphore_mem>>)
    %scan3A_233 = arith.constant 0 : i32
    %scan3A_234 = arith.constant 0 : i32
    %scan3A_235 = arith.constant 25 : i32
    %scan3A_236 = arith.addi %scan3A_234, %scan3A_235 : i32
    %scan3A_237 = arith.constant 1 : i32
    scf.for %scan3A_366 = %scan3A_234 to %scan3A_236 step %scan3A_237  : i32 {
      %mul3A_367 = arith.constant 5 : i32
      %mul3A_368 = arith.muli %mul3A_367, %scan3A_366 : i32
      %add3A_369 = arith.constant 0 : i32
      %add3A_370 = arith.addi %mul3A_368, %add3A_369 : i32
      %dma_wait3A_371 = arith.constant 0 : i32
      %dma_wait3A_372 = tpu.memref_slice %arg8[%add3A_370, %dma_wait3A_371] : memref<130x80xi32, #tpu.memory_space<vmem>> -> memref<1x80xi32, #tpu.memory_space<vmem>>
      %dma_wait3A_373 = tpu.memref_squeeze %dma_wait3A_372 : memref<1x80xi32, #tpu.memory_space<vmem>> -> memref<80xi32, #tpu.memory_space<vmem>>
      %dma_wait3A_374 = arith.constant 0 : i32
      %dma_wait3A_375 = arith.constant 0 : i32
      %dma_wait3A_376 = tpu.memref_slice %arg3[%dma_wait3A_374, %dma_wait3A_375] : memref<10000x64xf32, #tpu.memory_space<hbm>> -> memref<10000x64xf32, #tpu.memory_space<hbm>>
      tpu.wait_indirect_dma semaphore(%arg17 : memref<!tpu.dma_semaphore, #tpu.memory_space<semaphore_mem>>) src(%dma_wait3A_376 : memref<10000x64xf32, #tpu.memory_space<hbm>>) dst(%arg10 : memref<80x64xf32, #tpu.memory_space<vmem>>)
      %dma_start3A_377 = arith.constant 0 : i32
      %dma_start3A_378 = tpu.memref_slice %arg9[%add3A_370, %dma_start3A_377] : memref<130x80xi32, #tpu.memory_space<vmem>> -> memref<1x80xi32, #tpu.memory_space<vmem>>
      %dma_start3A_379 = tpu.memref_squeeze %dma_start3A_378 : memref<1x80xi32, #tpu.memory_space<vmem>> -> memref<80xi32, #tpu.memory_space<vmem>>
      %dma_start3A_380 = arith.constant 0 : i32
      %dma_start3A_381 = arith.constant 0 : i32
      %dma_start3A_382 = tpu.memref_slice %arg16[%dma_start3A_380, %dma_start3A_381] : memref<10240x64xf32, #tpu.memory_space<vmem_shared>> -> memref<10240x64xf32, #tpu.memory_space<vmem_shared>>
      tpu.enqueue_indirect_dma source(%arg10 : memref<80x64xf32, #tpu.memory_space<vmem>>) target(%dma_start3A_382 : memref<10240x64xf32, #tpu.memory_space<vmem_shared>>) offsets(%dma_start3A_379 : memref<80xi32, #tpu.memory_space<vmem>>) semaphore(%arg22 : memref<!tpu.dma_semaphore, #tpu.memory_space<semaphore_mem>>) {add = true}
      %mul3A_383 = arith.constant 5 : i32
      %mul3A_384 = arith.muli %mul3A_383, %scan3A_366 : i32
      %add3A_385 = arith.constant 1 : i32
      %add3A_386 = arith.addi %mul3A_384, %add3A_385 : i32
      %dma_wait3A_387 = arith.constant 0 : i32
      %dma_wait3A_388 = tpu.memref_slice %arg8[%add3A_386, %dma_wait3A_387] : memref<130x80xi32, #tpu.memory_space<vmem>> -> memref<1x80xi32, #tpu.memory_space<vmem>>
      %dma_wait3A_389 = tpu.memref_squeeze %dma_wait3A_388 : memref<1x80xi32, #tpu.memory_space<vmem>> -> memref<80xi32, #tpu.memory_space<vmem>>
      %dma_wait3A_390 = arith.constant 0 : i32
      %dma_wait3A_391 = arith.constant 0 : i32
      %dma_wait3A_392 = tpu.memref_slice %arg3[%dma_wait3A_390, %dma_wait3A_391] : memref<10000x64xf32, #tpu.memory_space<hbm>> -> memref<10000x64xf32, #tpu.memory_space<hbm>>
      tpu.wait_indirect_dma semaphore(%arg18 : memref<!tpu.dma_semaphore, #tpu.memory_space<semaphore_mem>>) src(%dma_wait3A_392 : memref<10000x64xf32, #tpu.memory_space<hbm>>) dst(%arg11 : memref<80x64xf32, #tpu.memory_space<vmem>>)
      %dma_start3A_393 = arith.constant 0 : i32
      %dma_start3A_394 = tpu.memref_slice %arg9[%add3A_386, %dma_start3A_393] : memref<130x80xi32, #tpu.memory_space<vmem>> -> memref<1x80xi32, #tpu.memory_space<vmem>>
      %dma_start3A_395 = tpu.memref_squeeze %dma_start3A_394 : memref<1x80xi32, #tpu.memory_space<vmem>> -> memref<80xi32, #tpu.memory_space<vmem>>
      %dma_start3A_396 = arith.constant 0 : i32
      %dma_start3A_397 = arith.constant 0 : i32
      %dma_start3A_398 = tpu.memref_slice %arg16[%dma_start3A_396, %dma_start3A_397] : memref<10240x64xf32, #tpu.memory_space<vmem_shared>> -> memref<10240x64xf32, #tpu.memory_space<vmem_shared>>
      tpu.enqueue_indirect_dma source(%arg11 : memref<80x64xf32, #tpu.memory_space<vmem>>) target(%dma_start3A_398 : memref<10240x64xf32, #tpu.memory_space<vmem_shared>>) offsets(%dma_start3A_395 : memref<80xi32, #tpu.memory_space<vmem>>) semaphore(%arg23 : memref<!tpu.dma_semaphore, #tpu.memory_space<semaphore_mem>>) {add = true}
      %mul3A_399 = arith.constant 5 : i32
      %mul3A_400 = arith.muli %mul3A_399, %scan3A_366 : i32
      %add3A_401 = arith.constant 2 : i32
      %add3A_402 = arith.addi %mul3A_400, %add3A_401 : i32
      %dma_wait3A_403 = arith.constant 0 : i32
      %dma_wait3A_404 = tpu.memref_slice %arg8[%add3A_402, %dma_wait3A_403] : memref<130x80xi32, #tpu.memory_space<vmem>> -> memref<1x80xi32, #tpu.memory_space<vmem>>
      %dma_wait3A_405 = tpu.memref_squeeze %dma_wait3A_404 : memref<1x80xi32, #tpu.memory_space<vmem>> -> memref<80xi32, #tpu.memory_space<vmem>>
      %dma_wait3A_406 = arith.constant 0 : i32
      %dma_wait3A_407 = arith.constant 0 : i32
      %dma_wait3A_408 = tpu.memref_slice %arg3[%dma_wait3A_406, %dma_wait3A_407] : memref<10000x64xf32, #tpu.memory_space<hbm>> -> memref<10000x64xf32, #tpu.memory_space<hbm>>
      tpu.wait_indirect_dma semaphore(%arg19 : memref<!tpu.dma_semaphore, #tpu.memory_space<semaphore_mem>>) src(%dma_wait3A_408 : memref<10000x64xf32, #tpu.memory_space<hbm>>) dst(%arg12 : memref<80x64xf32, #tpu.memory_space<vmem>>)
      %dma_start3A_409 = arith.constant 0 : i32
      %dma_start3A_410 = tpu.memref_slice %arg9[%add3A_402, %dma_start3A_409] : memref<130x80xi32, #tpu.memory_space<vmem>> -> memref<1x80xi32, #tpu.memory_space<vmem>>
      %dma_start3A_411 = tpu.memref_squeeze %dma_start3A_410 : memref<1x80xi32, #tpu.memory_space<vmem>> -> memref<80xi32, #tpu.memory_space<vmem>>
      %dma_start3A_412 = arith.constant 0 : i32
      %dma_start3A_413 = arith.constant 0 : i32
      %dma_start3A_414 = tpu.memref_slice %arg16[%dma_start3A_412, %dma_start3A_413] : memref<10240x64xf32, #tpu.memory_space<vmem_shared>> -> memref<10240x64xf32, #tpu.memory_space<vmem_shared>>
      tpu.enqueue_indirect_dma source(%arg12 : memref<80x64xf32, #tpu.memory_space<vmem>>) target(%dma_start3A_414 : memref<10240x64xf32, #tpu.memory_space<vmem_shared>>) offsets(%dma_start3A_411 : memref<80xi32, #tpu.memory_space<vmem>>) semaphore(%arg24 : memref<!tpu.dma_semaphore, #tpu.memory_space<semaphore_mem>>) {add = true}
      %mul3A_415 = arith.constant 5 : i32
      %mul3A_416 = arith.muli %mul3A_415, %scan3A_366 : i32
      %add3A_417 = arith.constant 3 : i32
      %add3A_418 = arith.addi %mul3A_416, %add3A_417 : i32
      %dma_wait3A_419 = arith.constant 0 : i32
      %dma_wait3A_420 = tpu.memref_slice %arg8[%add3A_418, %dma_wait3A_419] : memref<130x80xi32, #tpu.memory_space<vmem>> -> memref<1x80xi32, #tpu.memory_space<vmem>>
      %dma_wait3A_421 = tpu.memref_squeeze %dma_wait3A_420 : memref<1x80xi32, #tpu.memory_space<vmem>> -> memref<80xi32, #tpu.memory_space<vmem>>
      %dma_wait3A_422 = arith.constant 0 : i32
      %dma_wait3A_423 = arith.constant 0 : i32
      %dma_wait3A_424 = tpu.memref_slice %arg3[%dma_wait3A_422, %dma_wait3A_423] : memref<10000x64xf32, #tpu.memory_space<hbm>> -> memref<10000x64xf32, #tpu.memory_space<hbm>>
      tpu.wait_indirect_dma semaphore(%arg20 : memref<!tpu.dma_semaphore, #tpu.memory_space<semaphore_mem>>) src(%dma_wait3A_424 : memref<10000x64xf32, #tpu.memory_space<hbm>>) dst(%arg13 : memref<80x64xf32, #tpu.memory_space<vmem>>)
      %dma_start3A_425 = arith.constant 0 : i32
      %dma_start3A_426 = tpu.memref_slice %arg9[%add3A_418, %dma_start3A_425] : memref<130x80xi32, #tpu.memory_space<vmem>> -> memref<1x80xi32, #tpu.memory_space<vmem>>
      %dma_start3A_427 = tpu.memref_squeeze %dma_start3A_426 : memref<1x80xi32, #tpu.memory_space<vmem>> -> memref<80xi32, #tpu.memory_space<vmem>>
      %dma_start3A_428 = arith.constant 0 : i32
      %dma_start3A_429 = arith.constant 0 : i32
      %dma_start3A_430 = tpu.memref_slice %arg16[%dma_start3A_428, %dma_start3A_429] : memref<10240x64xf32, #tpu.memory_space<vmem_shared>> -> memref<10240x64xf32, #tpu.memory_space<vmem_shared>>
      tpu.enqueue_indirect_dma source(%arg13 : memref<80x64xf32, #tpu.memory_space<vmem>>) target(%dma_start3A_430 : memref<10240x64xf32, #tpu.memory_space<vmem_shared>>) offsets(%dma_start3A_427 : memref<80xi32, #tpu.memory_space<vmem>>) semaphore(%arg25 : memref<!tpu.dma_semaphore, #tpu.memory_space<semaphore_mem>>) {add = true}
      %mul3A_431 = arith.constant 5 : i32
      %mul3A_432 = arith.muli %mul3A_431, %scan3A_366 : i32
      %add3A_433 = arith.constant 4 : i32
      %add3A_434 = arith.addi %mul3A_432, %add3A_433 : i32
      %dma_wait3A_435 = arith.constant 0 : i32
      %dma_wait3A_436 = tpu.memref_slice %arg8[%add3A_434, %dma_wait3A_435] : memref<130x80xi32, #tpu.memory_space<vmem>> -> memref<1x80xi32, #tpu.memory_space<vmem>>
      %dma_wait3A_437 = tpu.memref_squeeze %dma_wait3A_436 : memref<1x80xi32, #tpu.memory_space<vmem>> -> memref<80xi32, #tpu.memory_space<vmem>>
      %dma_wait3A_438 = arith.constant 0 : i32
      %dma_wait3A_439 = arith.constant 0 : i32
      %dma_wait3A_440 = tpu.memref_slice %arg3[%dma_wait3A_438, %dma_wait3A_439] : memref<10000x64xf32, #tpu.memory_space<hbm>> -> memref<10000x64xf32, #tpu.memory_space<hbm>>
      tpu.wait_indirect_dma semaphore(%arg21 : memref<!tpu.dma_semaphore, #tpu.memory_space<semaphore_mem>>) src(%dma_wait3A_440 : memref<10000x64xf32, #tpu.memory_space<hbm>>) dst(%arg14 : memref<80x64xf32, #tpu.memory_space<vmem>>)
      %dma_start3A_441 = arith.constant 0 : i32
      %dma_start3A_442 = tpu.memref_slice %arg9[%add3A_434, %dma_start3A_441] : memref<130x80xi32, #tpu.memory_space<vmem>> -> memref<1x80xi32, #tpu.memory_space<vmem>>
      %dma_start3A_443 = tpu.memref_squeeze %dma_start3A_442 : memref<1x80xi32, #tpu.memory_space<vmem>> -> memref<80xi32, #tpu.memory_space<vmem>>
      %dma_start3A_444 = arith.constant 0 : i32
      %dma_start3A_445 = arith.constant 0 : i32
      %dma_start3A_446 = tpu.memref_slice %arg16[%dma_start3A_444, %dma_start3A_445] : memref<10240x64xf32, #tpu.memory_space<vmem_shared>> -> memref<10240x64xf32, #tpu.memory_space<vmem_shared>>
      tpu.enqueue_indirect_dma source(%arg14 : memref<80x64xf32, #tpu.memory_space<vmem>>) target(%dma_start3A_446 : memref<10240x64xf32, #tpu.memory_space<vmem_shared>>) offsets(%dma_start3A_443 : memref<80xi32, #tpu.memory_space<vmem>>) semaphore(%arg26 : memref<!tpu.dma_semaphore, #tpu.memory_space<semaphore_mem>>) {add = true}
      %mul3A_447 = arith.constant 5 : i32
      %mul3A_448 = arith.muli %mul3A_447, %scan3A_366 : i32
      %add3A_449 = arith.constant 0 : i32
      %add3A_450 = arith.addi %mul3A_448, %add3A_449 : i32
      %dma_wait3A_451 = arith.constant 0 : i32
      %dma_wait3A_452 = tpu.memref_slice %arg9[%add3A_450, %dma_wait3A_451] : memref<130x80xi32, #tpu.memory_space<vmem>> -> memref<1x80xi32, #tpu.memory_space<vmem>>
      %dma_wait3A_453 = tpu.memref_squeeze %dma_wait3A_452 : memref<1x80xi32, #tpu.memory_space<vmem>> -> memref<80xi32, #tpu.memory_space<vmem>>
      %dma_wait3A_454 = arith.constant 0 : i32
      %dma_wait3A_455 = arith.constant 0 : i32
      %dma_wait3A_456 = tpu.memref_slice %arg16[%dma_wait3A_454, %dma_wait3A_455] : memref<10240x64xf32, #tpu.memory_space<vmem_shared>> -> memref<10240x64xf32, #tpu.memory_space<vmem_shared>>
      tpu.wait_indirect_dma semaphore(%arg22 : memref<!tpu.dma_semaphore, #tpu.memory_space<semaphore_mem>>) src(%arg10 : memref<80x64xf32, #tpu.memory_space<vmem>>) dst(%dma_wait3A_456 : memref<10240x64xf32, #tpu.memory_space<vmem_shared>>)
      %add3A_457 = arith.constant 5 : i32
      %add3A_458 = arith.addi %add3A_450, %add3A_457 : i32
      %dma_start3A_459 = arith.constant 0 : i32
      %dma_start3A_460 = tpu.memref_slice %arg8[%add3A_458, %dma_start3A_459] : memref<130x80xi32, #tpu.memory_space<vmem>> -> memref<1x80xi32, #tpu.memory_space<vmem>>
      %dma_start3A_461 = tpu.memref_squeeze %dma_start3A_460 : memref<1x80xi32, #tpu.memory_space<vmem>> -> memref<80xi32, #tpu.memory_space<vmem>>
      %dma_start3A_462 = arith.constant 0 : i32
      %dma_start3A_463 = arith.constant 0 : i32
      %dma_start3A_464 = tpu.memref_slice %arg3[%dma_start3A_462, %dma_start3A_463] : memref<10000x64xf32, #tpu.memory_space<hbm>> -> memref<10000x64xf32, #tpu.memory_space<hbm>>
      tpu.enqueue_indirect_dma source(%dma_start3A_464 : memref<10000x64xf32, #tpu.memory_space<hbm>>) target(%arg10 : memref<80x64xf32, #tpu.memory_space<vmem>>) offsets(%dma_start3A_461 : memref<80xi32, #tpu.memory_space<vmem>>) semaphore(%arg17 : memref<!tpu.dma_semaphore, #tpu.memory_space<semaphore_mem>>)
      %mul3A_465 = arith.constant 5 : i32
      %mul3A_466 = arith.muli %mul3A_465, %scan3A_366 : i32
      %add3A_467 = arith.constant 1 : i32
      %add3A_468 = arith.addi %mul3A_466, %add3A_467 : i32
      %dma_wait3A_469 = arith.constant 0 : i32
      %dma_wait3A_470 = tpu.memref_slice %arg9[%add3A_468, %dma_wait3A_469] : memref<130x80xi32, #tpu.memory_space<vmem>> -> memref<1x80xi32, #tpu.memory_space<vmem>>
      %dma_wait3A_471 = tpu.memref_squeeze %dma_wait3A_470 : memref<1x80xi32, #tpu.memory_space<vmem>> -> memref<80xi32, #tpu.memory_space<vmem>>
      %dma_wait3A_472 = arith.constant 0 : i32
      %dma_wait3A_473 = arith.constant 0 : i32
      %dma_wait3A_474 = tpu.memref_slice %arg16[%dma_wait3A_472, %dma_wait3A_473] : memref<10240x64xf32, #tpu.memory_space<vmem_shared>> -> memref<10240x64xf32, #tpu.memory_space<vmem_shared>>
      tpu.wait_indirect_dma semaphore(%arg23 : memref<!tpu.dma_semaphore, #tpu.memory_space<semaphore_mem>>) src(%arg11 : memref<80x64xf32, #tpu.memory_space<vmem>>) dst(%dma_wait3A_474 : memref<10240x64xf32, #tpu.memory_space<vmem_shared>>)
      %add3A_475 = arith.constant 5 : i32
      %add3A_476 = arith.addi %add3A_468, %add3A_475 : i32
      %dma_start3A_477 = arith.constant 0 : i32
      %dma_start3A_478 = tpu.memref_slice %arg8[%add3A_476, %dma_start3A_477] : memref<130x80xi32, #tpu.memory_space<vmem>> -> memref<1x80xi32, #tpu.memory_space<vmem>>
      %dma_start3A_479 = tpu.memref_squeeze %dma_start3A_478 : memref<1x80xi32, #tpu.memory_space<vmem>> -> memref<80xi32, #tpu.memory_space<vmem>>
      %dma_start3A_480 = arith.constant 0 : i32
      %dma_start3A_481 = arith.constant 0 : i32
      %dma_start3A_482 = tpu.memref_slice %arg3[%dma_start3A_480, %dma_start3A_481] : memref<10000x64xf32, #tpu.memory_space<hbm>> -> memref<10000x64xf32, #tpu.memory_space<hbm>>
      tpu.enqueue_indirect_dma source(%dma_start3A_482 : memref<10000x64xf32, #tpu.memory_space<hbm>>) target(%arg11 : memref<80x64xf32, #tpu.memory_space<vmem>>) offsets(%dma_start3A_479 : memref<80xi32, #tpu.memory_space<vmem>>) semaphore(%arg18 : memref<!tpu.dma_semaphore, #tpu.memory_space<semaphore_mem>>)
      %mul3A_483 = arith.constant 5 : i32
      %mul3A_484 = arith.muli %mul3A_483, %scan3A_366 : i32
      %add3A_485 = arith.constant 2 : i32
      %add3A_486 = arith.addi %mul3A_484, %add3A_485 : i32
      %dma_wait3A_487 = arith.constant 0 : i32
      %dma_wait3A_488 = tpu.memref_slice %arg9[%add3A_486, %dma_wait3A_487] : memref<130x80xi32, #tpu.memory_space<vmem>> -> memref<1x80xi32, #tpu.memory_space<vmem>>
      %dma_wait3A_489 = tpu.memref_squeeze %dma_wait3A_488 : memref<1x80xi32, #tpu.memory_space<vmem>> -> memref<80xi32, #tpu.memory_space<vmem>>
      %dma_wait3A_490 = arith.constant 0 : i32
      %dma_wait3A_491 = arith.constant 0 : i32
      %dma_wait3A_492 = tpu.memref_slice %arg16[%dma_wait3A_490, %dma_wait3A_491] : memref<10240x64xf32, #tpu.memory_space<vmem_shared>> -> memref<10240x64xf32, #tpu.memory_space<vmem_shared>>
      tpu.wait_indirect_dma semaphore(%arg24 : memref<!tpu.dma_semaphore, #tpu.memory_space<semaphore_mem>>) src(%arg12 : memref<80x64xf32, #tpu.memory_space<vmem>>) dst(%dma_wait3A_492 : memref<10240x64xf32, #tpu.memory_space<vmem_shared>>)
      %add3A_493 = arith.constant 5 : i32
      %add3A_494 = arith.addi %add3A_486, %add3A_493 : i32
      %dma_start3A_495 = arith.constant 0 : i32
      %dma_start3A_496 = tpu.memref_slice %arg8[%add3A_494, %dma_start3A_495] : memref<130x80xi32, #tpu.memory_space<vmem>> -> memref<1x80xi32, #tpu.memory_space<vmem>>
      %dma_start3A_497 = tpu.memref_squeeze %dma_start3A_496 : memref<1x80xi32, #tpu.memory_space<vmem>> -> memref<80xi32, #tpu.memory_space<vmem>>
      %dma_start3A_498 = arith.constant 0 : i32
      %dma_start3A_499 = arith.constant 0 : i32
      %dma_start3A_500 = tpu.memref_slice %arg3[%dma_start3A_498, %dma_start3A_499] : memref<10000x64xf32, #tpu.memory_space<hbm>> -> memref<10000x64xf32, #tpu.memory_space<hbm>>
      tpu.enqueue_indirect_dma source(%dma_start3A_500 : memref<10000x64xf32, #tpu.memory_space<hbm>>) target(%arg12 : memref<80x64xf32, #tpu.memory_space<vmem>>) offsets(%dma_start3A_497 : memref<80xi32, #tpu.memory_space<vmem>>) semaphore(%arg19 : memref<!tpu.dma_semaphore, #tpu.memory_space<semaphore_mem>>)
      %mul3A_501 = arith.constant 5 : i32
      %mul3A_502 = arith.muli %mul3A_501, %scan3A_366 : i32
      %add3A_503 = arith.constant 3 : i32
      %add3A_504 = arith.addi %mul3A_502, %add3A_503 : i32
      %dma_wait3A_505 = arith.constant 0 : i32
      %dma_wait3A_506 = tpu.memref_slice %arg9[%add3A_504, %dma_wait3A_505] : memref<130x80xi32, #tpu.memory_space<vmem>> -> memref<1x80xi32, #tpu.memory_space<vmem>>
      %dma_wait3A_507 = tpu.memref_squeeze %dma_wait3A_506 : memref<1x80xi32, #tpu.memory_space<vmem>> -> memref<80xi32, #tpu.memory_space<vmem>>
      %dma_wait3A_508 = arith.constant 0 : i32
      %dma_wait3A_509 = arith.constant 0 : i32
      %dma_wait3A_510 = tpu.memref_slice %arg16[%dma_wait3A_508, %dma_wait3A_509] : memref<10240x64xf32, #tpu.memory_space<vmem_shared>> -> memref<10240x64xf32, #tpu.memory_space<vmem_shared>>
      tpu.wait_indirect_dma semaphore(%arg25 : memref<!tpu.dma_semaphore, #tpu.memory_space<semaphore_mem>>) src(%arg13 : memref<80x64xf32, #tpu.memory_space<vmem>>) dst(%dma_wait3A_510 : memref<10240x64xf32, #tpu.memory_space<vmem_shared>>)
      %add3A_511 = arith.constant 5 : i32
      %add3A_512 = arith.addi %add3A_504, %add3A_511 : i32
      %dma_start3A_513 = arith.constant 0 : i32
      %dma_start3A_514 = tpu.memref_slice %arg8[%add3A_512, %dma_start3A_513] : memref<130x80xi32, #tpu.memory_space<vmem>> -> memref<1x80xi32, #tpu.memory_space<vmem>>
      %dma_start3A_515 = tpu.memref_squeeze %dma_start3A_514 : memref<1x80xi32, #tpu.memory_space<vmem>> -> memref<80xi32, #tpu.memory_space<vmem>>
      %dma_start3A_516 = arith.constant 0 : i32
      %dma_start3A_517 = arith.constant 0 : i32
      %dma_start3A_518 = tpu.memref_slice %arg3[%dma_start3A_516, %dma_start3A_517] : memref<10000x64xf32, #tpu.memory_space<hbm>> -> memref<10000x64xf32, #tpu.memory_space<hbm>>
      tpu.enqueue_indirect_dma source(%dma_start3A_518 : memref<10000x64xf32, #tpu.memory_space<hbm>>) target(%arg13 : memref<80x64xf32, #tpu.memory_space<vmem>>) offsets(%dma_start3A_515 : memref<80xi32, #tpu.memory_space<vmem>>) semaphore(%arg20 : memref<!tpu.dma_semaphore, #tpu.memory_space<semaphore_mem>>)
      %mul3A_519 = arith.constant 5 : i32
      %mul3A_520 = arith.muli %mul3A_519, %scan3A_366 : i32
      %add3A_521 = arith.constant 4 : i32
      %add3A_522 = arith.addi %mul3A_520, %add3A_521 : i32
      %dma_wait3A_523 = arith.constant 0 : i32
      %dma_wait3A_524 = tpu.memref_slice %arg9[%add3A_522, %dma_wait3A_523] : memref<130x80xi32, #tpu.memory_space<vmem>> -> memref<1x80xi32, #tpu.memory_space<vmem>>
      %dma_wait3A_525 = tpu.memref_squeeze %dma_wait3A_524 : memref<1x80xi32, #tpu.memory_space<vmem>> -> memref<80xi32, #tpu.memory_space<vmem>>
      %dma_wait3A_526 = arith.constant 0 : i32
      %dma_wait3A_527 = arith.constant 0 : i32
      %dma_wait3A_528 = tpu.memref_slice %arg16[%dma_wait3A_526, %dma_wait3A_527] : memref<10240x64xf32, #tpu.memory_space<vmem_shared>> -> memref<10240x64xf32, #tpu.memory_space<vmem_shared>>
      tpu.wait_indirect_dma semaphore(%arg26 : memref<!tpu.dma_semaphore, #tpu.memory_space<semaphore_mem>>) src(%arg14 : memref<80x64xf32, #tpu.memory_space<vmem>>) dst(%dma_wait3A_528 : memref<10240x64xf32, #tpu.memory_space<vmem_shared>>)
      %add3A_529 = arith.constant 5 : i32
      %add3A_530 = arith.addi %add3A_522, %add3A_529 : i32
      %dma_start3A_531 = arith.constant 0 : i32
      %dma_start3A_532 = tpu.memref_slice %arg8[%add3A_530, %dma_start3A_531] : memref<130x80xi32, #tpu.memory_space<vmem>> -> memref<1x80xi32, #tpu.memory_space<vmem>>
      %dma_start3A_533 = tpu.memref_squeeze %dma_start3A_532 : memref<1x80xi32, #tpu.memory_space<vmem>> -> memref<80xi32, #tpu.memory_space<vmem>>
      %dma_start3A_534 = arith.constant 0 : i32
      %dma_start3A_535 = arith.constant 0 : i32
      %dma_start3A_536 = tpu.memref_slice %arg3[%dma_start3A_534, %dma_start3A_535] : memref<10000x64xf32, #tpu.memory_space<hbm>> -> memref<10000x64xf32, #tpu.memory_space<hbm>>
      tpu.enqueue_indirect_dma source(%dma_start3A_536 : memref<10000x64xf32, #tpu.memory_space<hbm>>) target(%arg14 : memref<80x64xf32, #tpu.memory_space<vmem>>) offsets(%dma_start3A_533 : memref<80xi32, #tpu.memory_space<vmem>>) semaphore(%arg21 : memref<!tpu.dma_semaphore, #tpu.memory_space<semaphore_mem>>)
    }
    %scan3A_238 = arith.constant 25 : i32
    %dma_wait3A_239 = arith.constant 125 : i32
    %dma_wait3A_240 = arith.constant 0 : i32
    %dma_wait3A_241 = tpu.memref_slice %arg8[%dma_wait3A_239, %dma_wait3A_240] : memref<130x80xi32, #tpu.memory_space<vmem>> -> memref<1x80xi32, #tpu.memory_space<vmem>>
    %dma_wait3A_242 = tpu.memref_squeeze %dma_wait3A_241 : memref<1x80xi32, #tpu.memory_space<vmem>> -> memref<80xi32, #tpu.memory_space<vmem>>
    %dma_wait3A_243 = arith.constant 0 : i32
    %dma_wait3A_244 = arith.constant 0 : i32
    %dma_wait3A_245 = tpu.memref_slice %arg3[%dma_wait3A_243, %dma_wait3A_244] : memref<10000x64xf32, #tpu.memory_space<hbm>> -> memref<10000x64xf32, #tpu.memory_space<hbm>>
    tpu.wait_indirect_dma semaphore(%arg17 : memref<!tpu.dma_semaphore, #tpu.memory_space<semaphore_mem>>) src(%dma_wait3A_245 : memref<10000x64xf32, #tpu.memory_space<hbm>>) dst(%arg10 : memref<80x64xf32, #tpu.memory_space<vmem>>)
    %dma_start3A_246 = arith.constant 125 : i32
    %dma_start3A_247 = arith.constant 0 : i32
    %dma_start3A_248 = tpu.memref_slice %arg9[%dma_start3A_246, %dma_start3A_247] : memref<130x80xi32, #tpu.memory_space<vmem>> -> memref<1x80xi32, #tpu.memory_space<vmem>>
    %dma_start3A_249 = tpu.memref_squeeze %dma_start3A_248 : memref<1x80xi32, #tpu.memory_space<vmem>> -> memref<80xi32, #tpu.memory_space<vmem>>
    %dma_start3A_250 = arith.constant 0 : i32
    %dma_start3A_251 = arith.constant 0 : i32
    %dma_start3A_252 = tpu.memref_slice %arg16[%dma_start3A_250, %dma_start3A_251] : memref<10240x64xf32, #tpu.memory_space<vmem_shared>> -> memref<10240x64xf32, #tpu.memory_space<vmem_shared>>
    tpu.enqueue_indirect_dma source(%arg10 : memref<80x64xf32, #tpu.memory_space<vmem>>) target(%dma_start3A_252 : memref<10240x64xf32, #tpu.memory_space<vmem_shared>>) offsets(%dma_start3A_249 : memref<80xi32, #tpu.memory_space<vmem>>) semaphore(%arg22 : memref<!tpu.dma_semaphore, #tpu.memory_space<semaphore_mem>>) {add = true}
    %dma_wait3A_253 = arith.constant 126 : i32
    %dma_wait3A_254 = arith.constant 0 : i32
    %dma_wait3A_255 = tpu.memref_slice %arg8[%dma_wait3A_253, %dma_wait3A_254] : memref<130x80xi32, #tpu.memory_space<vmem>> -> memref<1x80xi32, #tpu.memory_space<vmem>>
    %dma_wait3A_256 = tpu.memref_squeeze %dma_wait3A_255 : memref<1x80xi32, #tpu.memory_space<vmem>> -> memref<80xi32, #tpu.memory_space<vmem>>
    %dma_wait3A_257 = arith.constant 0 : i32
    %dma_wait3A_258 = arith.constant 0 : i32
    %dma_wait3A_259 = tpu.memref_slice %arg3[%dma_wait3A_257, %dma_wait3A_258] : memref<10000x64xf32, #tpu.memory_space<hbm>> -> memref<10000x64xf32, #tpu.memory_space<hbm>>
    tpu.wait_indirect_dma semaphore(%arg18 : memref<!tpu.dma_semaphore, #tpu.memory_space<semaphore_mem>>) src(%dma_wait3A_259 : memref<10000x64xf32, #tpu.memory_space<hbm>>) dst(%arg11 : memref<80x64xf32, #tpu.memory_space<vmem>>)
    %dma_start3A_260 = arith.constant 126 : i32
    %dma_start3A_261 = arith.constant 0 : i32
    %dma_start3A_262 = tpu.memref_slice %arg9[%dma_start3A_260, %dma_start3A_261] : memref<130x80xi32, #tpu.memory_space<vmem>> -> memref<1x80xi32, #tpu.memory_space<vmem>>
    %dma_start3A_263 = tpu.memref_squeeze %dma_start3A_262 : memref<1x80xi32, #tpu.memory_space<vmem>> -> memref<80xi32, #tpu.memory_space<vmem>>
    %dma_start3A_264 = arith.constant 0 : i32
    %dma_start3A_265 = arith.constant 0 : i32
    %dma_start3A_266 = tpu.memref_slice %arg16[%dma_start3A_264, %dma_start3A_265] : memref<10240x64xf32, #tpu.memory_space<vmem_shared>> -> memref<10240x64xf32, #tpu.memory_space<vmem_shared>>
    tpu.enqueue_indirect_dma source(%arg11 : memref<80x64xf32, #tpu.memory_space<vmem>>) target(%dma_start3A_266 : memref<10240x64xf32, #tpu.memory_space<vmem_shared>>) offsets(%dma_start3A_263 : memref<80xi32, #tpu.memory_space<vmem>>) semaphore(%arg23 : memref<!tpu.dma_semaphore, #tpu.memory_space<semaphore_mem>>) {add = true}
    %dma_wait3A_267 = arith.constant 127 : i32
    %dma_wait3A_268 = arith.constant 0 : i32
    %dma_wait3A_269 = tpu.memref_slice %arg8[%dma_wait3A_267, %dma_wait3A_268] : memref<130x80xi32, #tpu.memory_space<vmem>> -> memref<1x80xi32, #tpu.memory_space<vmem>>
    %dma_wait3A_270 = tpu.memref_squeeze %dma_wait3A_269 : memref<1x80xi32, #tpu.memory_space<vmem>> -> memref<80xi32, #tpu.memory_space<vmem>>
    %dma_wait3A_271 = arith.constant 0 : i32
    %dma_wait3A_272 = arith.constant 0 : i32
    %dma_wait3A_273 = tpu.memref_slice %arg3[%dma_wait3A_271, %dma_wait3A_272] : memref<10000x64xf32, #tpu.memory_space<hbm>> -> memref<10000x64xf32, #tpu.memory_space<hbm>>
    tpu.wait_indirect_dma semaphore(%arg19 : memref<!tpu.dma_semaphore, #tpu.memory_space<semaphore_mem>>) src(%dma_wait3A_273 : memref<10000x64xf32, #tpu.memory_space<hbm>>) dst(%arg12 : memref<80x64xf32, #tpu.memory_space<vmem>>)
    %dma_start3A_274 = arith.constant 127 : i32
    %dma_start3A_275 = arith.constant 0 : i32
    %dma_start3A_276 = tpu.memref_slice %arg9[%dma_start3A_274, %dma_start3A_275] : memref<130x80xi32, #tpu.memory_space<vmem>> -> memref<1x80xi32, #tpu.memory_space<vmem>>
    %dma_start3A_277 = tpu.memref_squeeze %dma_start3A_276 : memref<1x80xi32, #tpu.memory_space<vmem>> -> memref<80xi32, #tpu.memory_space<vmem>>
    %dma_start3A_278 = arith.constant 0 : i32
    %dma_start3A_279 = arith.constant 0 : i32
    %dma_start3A_280 = tpu.memref_slice %arg16[%dma_start3A_278, %dma_start3A_279] : memref<10240x64xf32, #tpu.memory_space<vmem_shared>> -> memref<10240x64xf32, #tpu.memory_space<vmem_shared>>
    tpu.enqueue_indirect_dma source(%arg12 : memref<80x64xf32, #tpu.memory_space<vmem>>) target(%dma_start3A_280 : memref<10240x64xf32, #tpu.memory_space<vmem_shared>>) offsets(%dma_start3A_277 : memref<80xi32, #tpu.memory_space<vmem>>) semaphore(%arg24 : memref<!tpu.dma_semaphore, #tpu.memory_space<semaphore_mem>>) {add = true}
    %dma_wait3A_281 = arith.constant 128 : i32
    %dma_wait3A_282 = arith.constant 0 : i32
    %dma_wait3A_283 = tpu.memref_slice %arg8[%dma_wait3A_281, %dma_wait3A_282] : memref<130x80xi32, #tpu.memory_space<vmem>> -> memref<1x80xi32, #tpu.memory_space<vmem>>
    %dma_wait3A_284 = tpu.memref_squeeze %dma_wait3A_283 : memref<1x80xi32, #tpu.memory_space<vmem>> -> memref<80xi32, #tpu.memory_space<vmem>>
    %dma_wait3A_285 = arith.constant 0 : i32
    %dma_wait3A_286 = arith.constant 0 : i32
    %dma_wait3A_287 = tpu.memref_slice %arg3[%dma_wait3A_285, %dma_wait3A_286] : memref<10000x64xf32, #tpu.memory_space<hbm>> -> memref<10000x64xf32, #tpu.memory_space<hbm>>
    tpu.wait_indirect_dma semaphore(%arg20 : memref<!tpu.dma_semaphore, #tpu.memory_space<semaphore_mem>>) src(%dma_wait3A_287 : memref<10000x64xf32, #tpu.memory_space<hbm>>) dst(%arg13 : memref<80x64xf32, #tpu.memory_space<vmem>>)
    %dma_start3A_288 = arith.constant 128 : i32
    %dma_start3A_289 = arith.constant 0 : i32
    %dma_start3A_290 = tpu.memref_slice %arg9[%dma_start3A_288, %dma_start3A_289] : memref<130x80xi32, #tpu.memory_space<vmem>> -> memref<1x80xi32, #tpu.memory_space<vmem>>
    %dma_start3A_291 = tpu.memref_squeeze %dma_start3A_290 : memref<1x80xi32, #tpu.memory_space<vmem>> -> memref<80xi32, #tpu.memory_space<vmem>>
    %dma_start3A_292 = arith.constant 0 : i32
    %dma_start3A_293 = arith.constant 0 : i32
    %dma_start3A_294 = tpu.memref_slice %arg16[%dma_start3A_292, %dma_start3A_293] : memref<10240x64xf32, #tpu.memory_space<vmem_shared>> -> memref<10240x64xf32, #tpu.memory_space<vmem_shared>>
    tpu.enqueue_indirect_dma source(%arg13 : memref<80x64xf32, #tpu.memory_space<vmem>>) target(%dma_start3A_294 : memref<10240x64xf32, #tpu.memory_space<vmem_shared>>) offsets(%dma_start3A_291 : memref<80xi32, #tpu.memory_space<vmem>>) semaphore(%arg25 : memref<!tpu.dma_semaphore, #tpu.memory_space<semaphore_mem>>) {add = true}
    %dma_wait3A_295 = arith.constant 129 : i32
    %dma_wait3A_296 = arith.constant 0 : i32
    %dma_wait3A_297 = tpu.memref_slice %arg8[%dma_wait3A_295, %dma_wait3A_296] : memref<130x80xi32, #tpu.memory_space<vmem>> -> memref<1x80xi32, #tpu.memory_space<vmem>>
    %dma_wait3A_298 = tpu.memref_squeeze %dma_wait3A_297 : memref<1x80xi32, #tpu.memory_space<vmem>> -> memref<80xi32, #tpu.memory_space<vmem>>
    %dma_wait3A_299 = arith.constant 0 : i32
    %dma_wait3A_300 = arith.constant 0 : i32
    %dma_wait3A_301 = tpu.memref_slice %arg3[%dma_wait3A_299, %dma_wait3A_300] : memref<10000x64xf32, #tpu.memory_space<hbm>> -> memref<10000x64xf32, #tpu.memory_space<hbm>>
    tpu.wait_indirect_dma semaphore(%arg21 : memref<!tpu.dma_semaphore, #tpu.memory_space<semaphore_mem>>) src(%dma_wait3A_301 : memref<10000x64xf32, #tpu.memory_space<hbm>>) dst(%arg14 : memref<80x64xf32, #tpu.memory_space<vmem>>)
    %dma_start3A_302 = arith.constant 129 : i32
    %dma_start3A_303 = arith.constant 0 : i32
    %dma_start3A_304 = tpu.memref_slice %arg9[%dma_start3A_302, %dma_start3A_303] : memref<130x80xi32, #tpu.memory_space<vmem>> -> memref<1x80xi32, #tpu.memory_space<vmem>>
    %dma_start3A_305 = tpu.memref_squeeze %dma_start3A_304 : memref<1x80xi32, #tpu.memory_space<vmem>> -> memref<80xi32, #tpu.memory_space<vmem>>
    %dma_start3A_306 = arith.constant 0 : i32
    %dma_start3A_307 = arith.constant 0 : i32
    %dma_start3A_308 = tpu.memref_slice %arg16[%dma_start3A_306, %dma_start3A_307] : memref<10240x64xf32, #tpu.memory_space<vmem_shared>> -> memref<10240x64xf32, #tpu.memory_space<vmem_shared>>
    tpu.enqueue_indirect_dma source(%arg14 : memref<80x64xf32, #tpu.memory_space<vmem>>) target(%dma_start3A_308 : memref<10240x64xf32, #tpu.memory_space<vmem_shared>>) offsets(%dma_start3A_305 : memref<80xi32, #tpu.memory_space<vmem>>) semaphore(%arg26 : memref<!tpu.dma_semaphore, #tpu.memory_space<semaphore_mem>>) {add = true}
    %dma_wait3A_309 = arith.constant 125 : i32
    %dma_wait3A_310 = arith.constant 0 : i32
    %dma_wait3A_311 = tpu.memref_slice %arg9[%dma_wait3A_309, %dma_wait3A_310] : memref<130x80xi32, #tpu.memory_space<vmem>> -> memref<1x80xi32, #tpu.memory_space<vmem>>
    %dma_wait3A_312 = tpu.memref_squeeze %dma_wait3A_311 : memref<1x80xi32, #tpu.memory_space<vmem>> -> memref<80xi32, #tpu.memory_space<vmem>>
    %dma_wait3A_313 = arith.constant 0 : i32
    %dma_wait3A_314 = arith.constant 0 : i32
    %dma_wait3A_315 = tpu.memref_slice %arg16[%dma_wait3A_313, %dma_wait3A_314] : memref<10240x64xf32, #tpu.memory_space<vmem_shared>> -> memref<10240x64xf32, #tpu.memory_space<vmem_shared>>
    tpu.wait_indirect_dma semaphore(%arg22 : memref<!tpu.dma_semaphore, #tpu.memory_space<semaphore_mem>>) src(%arg10 : memref<80x64xf32, #tpu.memory_space<vmem>>) dst(%dma_wait3A_315 : memref<10240x64xf32, #tpu.memory_space<vmem_shared>>)
    %dma_wait3A_316 = arith.constant 126 : i32
    %dma_wait3A_317 = arith.constant 0 : i32
    %dma_wait3A_318 = tpu.memref_slice %arg9[%dma_wait3A_316, %dma_wait3A_317] : memref<130x80xi32, #tpu.memory_space<vmem>> -> memref<1x80xi32, #tpu.memory_space<vmem>>
    %dma_wait3A_319 = tpu.memref_squeeze %dma_wait3A_318 : memref<1x80xi32, #tpu.memory_space<vmem>> -> memref<80xi32, #tpu.memory_space<vmem>>
    %dma_wait3A_320 = arith.constant 0 : i32
    %dma_wait3A_321 = arith.constant 0 : i32
    %dma_wait3A_322 = tpu.memref_slice %arg16[%dma_wait3A_320, %dma_wait3A_321] : memref<10240x64xf32, #tpu.memory_space<vmem_shared>> -> memref<10240x64xf32, #tpu.memory_space<vmem_shared>>
    tpu.wait_indirect_dma semaphore(%arg23 : memref<!tpu.dma_semaphore, #tpu.memory_space<semaphore_mem>>) src(%arg11 : memref<80x64xf32, #tpu.memory_space<vmem>>) dst(%dma_wait3A_322 : memref<10240x64xf32, #tpu.memory_space<vmem_shared>>)
    %dma_wait3A_323 = arith.constant 127 : i32
    %dma_wait3A_324 = arith.constant 0 : i32
    %dma_wait3A_325 = tpu.memref_slice %arg9[%dma_wait3A_323, %dma_wait3A_324] : memref<130x80xi32, #tpu.memory_space<vmem>> -> memref<1x80xi32, #tpu.memory_space<vmem>>
    %dma_wait3A_326 = tpu.memref_squeeze %dma_wait3A_325 : memref<1x80xi32, #tpu.memory_space<vmem>> -> memref<80xi32, #tpu.memory_space<vmem>>
    %dma_wait3A_327 = arith.constant 0 : i32
    %dma_wait3A_328 = arith.constant 0 : i32
    %dma_wait3A_329 = tpu.memref_slice %arg16[%dma_wait3A_327, %dma_wait3A_328] : memref<10240x64xf32, #tpu.memory_space<vmem_shared>> -> memref<10240x64xf32, #tpu.memory_space<vmem_shared>>
    tpu.wait_indirect_dma semaphore(%arg24 : memref<!tpu.dma_semaphore, #tpu.memory_space<semaphore_mem>>) src(%arg12 : memref<80x64xf32, #tpu.memory_space<vmem>>) dst(%dma_wait3A_329 : memref<10240x64xf32, #tpu.memory_space<vmem_shared>>)
    %dma_wait3A_330 = arith.constant 128 : i32
    %dma_wait3A_331 = arith.constant 0 : i32
    %dma_wait3A_332 = tpu.memref_slice %arg9[%dma_wait3A_330, %dma_wait3A_331] : memref<130x80xi32, #tpu.memory_space<vmem>> -> memref<1x80xi32, #tpu.memory_space<vmem>>
    %dma_wait3A_333 = tpu.memref_squeeze %dma_wait3A_332 : memref<1x80xi32, #tpu.memory_space<vmem>> -> memref<80xi32, #tpu.memory_space<vmem>>
    %dma_wait3A_334 = arith.constant 0 : i32
    %dma_wait3A_335 = arith.constant 0 : i32
    %dma_wait3A_336 = tpu.memref_slice %arg16[%dma_wait3A_334, %dma_wait3A_335] : memref<10240x64xf32, #tpu.memory_space<vmem_shared>> -> memref<10240x64xf32, #tpu.memory_space<vmem_shared>>
    tpu.wait_indirect_dma semaphore(%arg25 : memref<!tpu.dma_semaphore, #tpu.memory_space<semaphore_mem>>) src(%arg13 : memref<80x64xf32, #tpu.memory_space<vmem>>) dst(%dma_wait3A_336 : memref<10240x64xf32, #tpu.memory_space<vmem_shared>>)
    %dma_wait3A_337 = arith.constant 129 : i32
    %dma_wait3A_338 = arith.constant 0 : i32
    %dma_wait3A_339 = tpu.memref_slice %arg9[%dma_wait3A_337, %dma_wait3A_338] : memref<130x80xi32, #tpu.memory_space<vmem>> -> memref<1x80xi32, #tpu.memory_space<vmem>>
    %dma_wait3A_340 = tpu.memref_squeeze %dma_wait3A_339 : memref<1x80xi32, #tpu.memory_space<vmem>> -> memref<80xi32, #tpu.memory_space<vmem>>
    %dma_wait3A_341 = arith.constant 0 : i32
    %dma_wait3A_342 = arith.constant 0 : i32
    %dma_wait3A_343 = tpu.memref_slice %arg16[%dma_wait3A_341, %dma_wait3A_342] : memref<10240x64xf32, #tpu.memory_space<vmem_shared>> -> memref<10240x64xf32, #tpu.memory_space<vmem_shared>>
    tpu.wait_indirect_dma semaphore(%arg26 : memref<!tpu.dma_semaphore, #tpu.memory_space<semaphore_mem>>) src(%arg14 : memref<80x64xf32, #tpu.memory_space<vmem>>) dst(%dma_wait3A_343 : memref<10240x64xf32, #tpu.memory_space<vmem_shared>>)
    %barrier3A_344 = arith.constant 0 : index
    tpu.barrier barrier_id(%barrier3A_344)
    %mul3A_345 = arith.constant 640 : i32
    %mul3A_346 = arith.muli %arg1, %mul3A_345 : i32
    %add3A_347 = arith.constant 0 : i32
    %add3A_348 = arith.addi %mul3A_346, %add3A_347 : i32
    "tpu.region"() ({
      %run_scoped3A_366 = tpu.sem_alloc : memref<!tpu.dma_semaphore, #tpu.memory_space<semaphore_mem>>
      %dma_start3A_367 = arith.constant 0 : i32
      %dma_start3A_368 = tpu.memref_slice %arg16[%add3A_348, %dma_start3A_367] : memref<10240x64xf32, #tpu.memory_space<vmem_shared>> -> memref<160x64xf32, #tpu.memory_space<vmem_shared>>
      %dma_start3A_369 = arith.constant 0 : i32
      %dma_start3A_370 = tpu.memref_slice %arg16[%add3A_348, %dma_start3A_369] : memref<10240x64xf32, #tpu.memory_space<vmem_shared>> -> memref<160x64xf32, #tpu.memory_space<vmem_shared>>
      tpu.enqueue_dma source(%dma_start3A_370 : memref<160x64xf32, #tpu.memory_space<vmem_shared>>) target(%arg15 : memref<160x64xf32, #tpu.memory_space<vmem>>) target_semaphore(%run_scoped3A_366 : memref<!tpu.dma_semaphore, #tpu.memory_space<semaphore_mem>>)
      %dma_wait3A_371 = arith.constant 0 : i32
      %dma_wait3A_372 = tpu.memref_slice %arg16[%add3A_348, %dma_wait3A_371] : memref<10240x64xf32, #tpu.memory_space<vmem_shared>> -> memref<160x64xf32, #tpu.memory_space<vmem_shared>>
      %dma_wait3A_373 = arith.constant 0 : i32
      %dma_wait3A_374 = tpu.memref_slice %arg16[%add3A_348, %dma_wait3A_373] : memref<10240x64xf32, #tpu.memory_space<vmem_shared>> -> memref<160x64xf32, #tpu.memory_space<vmem_shared>>
      tpu.wait_dma2 semaphore(%run_scoped3A_366 : memref<!tpu.dma_semaphore, #tpu.memory_space<semaphore_mem>>) src(%dma_wait3A_374 : memref<160x64xf32, #tpu.memory_space<vmem_shared>>) dst(%arg15 : memref<160x64xf32, #tpu.memory_space<vmem>>)
      tpu.yield
    }) : () -> ()
    %run_scoped3A_349 = arith.constant 1 : i32
    "tpu.region"() ({
      %run_scoped3A_366 = tpu.sem_alloc : memref<!tpu.dma_semaphore, #tpu.memory_space<semaphore_mem>>
      %dma_start3A_367 = arith.constant 0 : i32
      %dma_start3A_368 = arith.constant 0 : i32
      %dma_start3A_369 = tpu.memref_slice %arg7[%run_scoped3A_349, %arg0, %arg1, %dma_start3A_367, %dma_start3A_368] : memref<2x2x16x640x64xf32, #tpu.memory_space<hbm>> -> memref<1x1x1x160x64xf32, #tpu.memory_space<hbm>>
      %dma_start3A_370 = tpu.memref_squeeze %dma_start3A_369 : memref<1x1x1x160x64xf32, #tpu.memory_space<hbm>> -> memref<160x64xf32, #tpu.memory_space<hbm>>
      %dma_start3A_371 = arith.constant 0 : i32
      %dma_start3A_372 = arith.constant 0 : i32
      %dma_start3A_373 = tpu.memref_slice %arg7[%run_scoped3A_349, %arg0, %arg1, %dma_start3A_371, %dma_start3A_372] : memref<2x2x16x640x64xf32, #tpu.memory_space<hbm>> -> memref<1x1x1x160x64xf32, #tpu.memory_space<hbm>>
      %dma_start3A_374 = tpu.memref_squeeze %dma_start3A_373 : memref<1x1x1x160x64xf32, #tpu.memory_space<hbm>> -> memref<160x64xf32, #tpu.memory_space<hbm>>
      tpu.enqueue_dma source(%arg15 : memref<160x64xf32, #tpu.memory_space<vmem>>) target(%dma_start3A_374 : memref<160x64xf32, #tpu.memory_space<hbm>>) target_semaphore(%run_scoped3A_366 : memref<!tpu.dma_semaphore, #tpu.memory_space<semaphore_mem>>)
      %dma_wait3A_375 = arith.constant 0 : i32
      %dma_wait3A_376 = arith.constant 0 : i32
      %dma_wait3A_377 = tpu.memref_slice %arg7[%run_scoped3A_349, %arg0, %arg1, %dma_wait3A_375, %dma_wait3A_376] : memref<2x2x16x640x64xf32, #tpu.memory_space<hbm>> -> memref<1x1x1x160x64xf32, #tpu.memory_space<hbm>>
      %dma_wait3A_378 = tpu.memref_squeeze %dma_wait3A_377 : memref<1x1x1x160x64xf32, #tpu.memory_space<hbm>> -> memref<160x64xf32, #tpu.memory_space<hbm>>
      %dma_wait3A_379 = arith.constant 0 : i32
      %dma_wait3A_380 = arith.constant 0 : i32
      %dma_wait3A_381 = tpu.memref_slice %arg7[%run_scoped3A_349, %arg0, %arg1, %dma_wait3A_379, %dma_wait3A_380] : memref<2x2x16x640x64xf32, #tpu.memory_space<hbm>> -> memref<1x1x1x160x64xf32, #tpu.memory_space<hbm>>
      %dma_wait3A_382 = tpu.memref_squeeze %dma_wait3A_381 : memref<1x1x1x160x64xf32, #tpu.memory_space<hbm>> -> memref<160x64xf32, #tpu.memory_space<hbm>>
      tpu.wait_dma2 semaphore(%run_scoped3A_366 : memref<!tpu.dma_semaphore, #tpu.memory_space<semaphore_mem>>) src(%arg15 : memref<160x64xf32, #tpu.memory_space<vmem>>) dst(%dma_wait3A_382 : memref<160x64xf32, #tpu.memory_space<hbm>>)
      tpu.yield
    }) : () -> ()
    %mul3A_350 = arith.constant 640 : i32
    %mul3A_351 = arith.muli %arg1, %mul3A_350 : i32
    %add3A_352 = arith.constant 160 : i32
    %add3A_353 = arith.addi %mul3A_351, %add3A_352 : i32
    "tpu.region"() ({
      %run_scoped3A_366 = tpu.sem_alloc : memref<!tpu.dma_semaphore, #tpu.memory_space<semaphore_mem>>
      %dma_start3A_367 = arith.constant 0 : i32
      %dma_start3A_368 = tpu.memref_slice %arg16[%add3A_353, %dma_start3A_367] : memref<10240x64xf32, #tpu.memory_space<vmem_shared>> -> memref<160x64xf32, #tpu.memory_space<vmem_shared>>
      %dma_start3A_369 = arith.constant 0 : i32
      %dma_start3A_370 = tpu.memref_slice %arg16[%add3A_353, %dma_start3A_369] : memref<10240x64xf32, #tpu.memory_space<vmem_shared>> -> memref<160x64xf32, #tpu.memory_space<vmem_shared>>
      tpu.enqueue_dma source(%dma_start3A_370 : memref<160x64xf32, #tpu.memory_space<vmem_shared>>) target(%arg15 : memref<160x64xf32, #tpu.memory_space<vmem>>) target_semaphore(%run_scoped3A_366 : memref<!tpu.dma_semaphore, #tpu.memory_space<semaphore_mem>>)
      %dma_wait3A_371 = arith.constant 0 : i32
      %dma_wait3A_372 = tpu.memref_slice %arg16[%add3A_353, %dma_wait3A_371] : memref<10240x64xf32, #tpu.memory_space<vmem_shared>> -> memref<160x64xf32, #tpu.memory_space<vmem_shared>>
      %dma_wait3A_373 = arith.constant 0 : i32
      %dma_wait3A_374 = tpu.memref_slice %arg16[%add3A_353, %dma_wait3A_373] : memref<10240x64xf32, #tpu.memory_space<vmem_shared>> -> memref<160x64xf32, #tpu.memory_space<vmem_shared>>
      tpu.wait_dma2 semaphore(%run_scoped3A_366 : memref<!tpu.dma_semaphore, #tpu.memory_space<semaphore_mem>>) src(%dma_wait3A_374 : memref<160x64xf32, #tpu.memory_space<vmem_shared>>) dst(%arg15 : memref<160x64xf32, #tpu.memory_space<vmem>>)
      tpu.yield
    }) : () -> ()
    %run_scoped3A_354 = arith.constant 1 : i32
    "tpu.region"() ({
      %run_scoped3A_366 = tpu.sem_alloc : memref<!tpu.dma_semaphore, #tpu.memory_space<semaphore_mem>>
      %dma_start3A_367 = arith.constant 160 : i32
      %dma_start3A_368 = arith.constant 0 : i32
      %dma_start3A_369 = tpu.memref_slice %arg7[%run_scoped3A_354, %arg0, %arg1, %dma_start3A_367, %dma_start3A_368] : memref<2x2x16x640x64xf32, #tpu.memory_space<hbm>> -> memref<1x1x1x160x64xf32, #tpu.memory_space<hbm>>
      %dma_start3A_370 = tpu.memref_squeeze %dma_start3A_369 : memref<1x1x1x160x64xf32, #tpu.memory_space<hbm>> -> memref<160x64xf32, #tpu.memory_space<hbm>>
      %dma_start3A_371 = arith.constant 160 : i32
      %dma_start3A_372 = arith.constant 0 : i32
      %dma_start3A_373 = tpu.memref_slice %arg7[%run_scoped3A_354, %arg0, %arg1, %dma_start3A_371, %dma_start3A_372] : memref<2x2x16x640x64xf32, #tpu.memory_space<hbm>> -> memref<1x1x1x160x64xf32, #tpu.memory_space<hbm>>
      %dma_start3A_374 = tpu.memref_squeeze %dma_start3A_373 : memref<1x1x1x160x64xf32, #tpu.memory_space<hbm>> -> memref<160x64xf32, #tpu.memory_space<hbm>>
      tpu.enqueue_dma source(%arg15 : memref<160x64xf32, #tpu.memory_space<vmem>>) target(%dma_start3A_374 : memref<160x64xf32, #tpu.memory_space<hbm>>) target_semaphore(%run_scoped3A_366 : memref<!tpu.dma_semaphore, #tpu.memory_space<semaphore_mem>>)
      %dma_wait3A_375 = arith.constant 160 : i32
      %dma_wait3A_376 = arith.constant 0 : i32
      %dma_wait3A_377 = tpu.memref_slice %arg7[%run_scoped3A_354, %arg0, %arg1, %dma_wait3A_375, %dma_wait3A_376] : memref<2x2x16x640x64xf32, #tpu.memory_space<hbm>> -> memref<1x1x1x160x64xf32, #tpu.memory_space<hbm>>
      %dma_wait3A_378 = tpu.memref_squeeze %dma_wait3A_377 : memref<1x1x1x160x64xf32, #tpu.memory_space<hbm>> -> memref<160x64xf32, #tpu.memory_space<hbm>>
      %dma_wait3A_379 = arith.constant 160 : i32
      %dma_wait3A_380 = arith.constant 0 : i32
      %dma_wait3A_381 = tpu.memref_slice %arg7[%run_scoped3A_354, %arg0, %arg1, %dma_wait3A_379, %dma_wait3A_380] : memref<2x2x16x640x64xf32, #tpu.memory_space<hbm>> -> memref<1x1x1x160x64xf32, #tpu.memory_space<hbm>>
      %dma_wait3A_382 = tpu.memref_squeeze %dma_wait3A_381 : memref<1x1x1x160x64xf32, #tpu.memory_space<hbm>> -> memref<160x64xf32, #tpu.memory_space<hbm>>
      tpu.wait_dma2 semaphore(%run_scoped3A_366 : memref<!tpu.dma_semaphore, #tpu.memory_space<semaphore_mem>>) src(%arg15 : memref<160x64xf32, #tpu.memory_space<vmem>>) dst(%dma_wait3A_382 : memref<160x64xf32, #tpu.memory_space<hbm>>)
      tpu.yield
    }) : () -> ()
    %mul3A_355 = arith.constant 640 : i32
    %mul3A_356 = arith.muli %arg1, %mul3A_355 : i32
    %add3A_357 = arith.constant 320 : i32
    %add3A_358 = arith.addi %mul3A_356, %add3A_357 : i32
    "tpu.region"() ({
      %run_scoped3A_366 = tpu.sem_alloc : memref<!tpu.dma_semaphore, #tpu.memory_space<semaphore_mem>>
      %dma_start3A_367 = arith.constant 0 : i32
      %dma_start3A_368 = tpu.memref_slice %arg16[%add3A_358, %dma_start3A_367] : memref<10240x64xf32, #tpu.memory_space<vmem_shared>> -> memref<160x64xf32, #tpu.memory_space<vmem_shared>>
      %dma_start3A_369 = arith.constant 0 : i32
      %dma_start3A_370 = tpu.memref_slice %arg16[%add3A_358, %dma_start3A_369] : memref<10240x64xf32, #tpu.memory_space<vmem_shared>> -> memref<160x64xf32, #tpu.memory_space<vmem_shared>>
      tpu.enqueue_dma source(%dma_start3A_370 : memref<160x64xf32, #tpu.memory_space<vmem_shared>>) target(%arg15 : memref<160x64xf32, #tpu.memory_space<vmem>>) target_semaphore(%run_scoped3A_366 : memref<!tpu.dma_semaphore, #tpu.memory_space<semaphore_mem>>)
      %dma_wait3A_371 = arith.constant 0 : i32
      %dma_wait3A_372 = tpu.memref_slice %arg16[%add3A_358, %dma_wait3A_371] : memref<10240x64xf32, #tpu.memory_space<vmem_shared>> -> memref<160x64xf32, #tpu.memory_space<vmem_shared>>
      %dma_wait3A_373 = arith.constant 0 : i32
      %dma_wait3A_374 = tpu.memref_slice %arg16[%add3A_358, %dma_wait3A_373] : memref<10240x64xf32, #tpu.memory_space<vmem_shared>> -> memref<160x64xf32, #tpu.memory_space<vmem_shared>>
      tpu.wait_dma2 semaphore(%run_scoped3A_366 : memref<!tpu.dma_semaphore, #tpu.memory_space<semaphore_mem>>) src(%dma_wait3A_374 : memref<160x64xf32, #tpu.memory_space<vmem_shared>>) dst(%arg15 : memref<160x64xf32, #tpu.memory_space<vmem>>)
      tpu.yield
    }) : () -> ()
    %run_scoped3A_359 = arith.constant 1 : i32
    "tpu.region"() ({
      %run_scoped3A_366 = tpu.sem_alloc : memref<!tpu.dma_semaphore, #tpu.memory_space<semaphore_mem>>
      %dma_start3A_367 = arith.constant 320 : i32
      %dma_start3A_368 = arith.constant 0 : i32
      %dma_start3A_369 = tpu.memref_slice %arg7[%run_scoped3A_359, %arg0, %arg1, %dma_start3A_367, %dma_start3A_368] : memref<2x2x16x640x64xf32, #tpu.memory_space<hbm>> -> memref<1x1x1x160x64xf32, #tpu.memory_space<hbm>>
      %dma_start3A_370 = tpu.memref_squeeze %dma_start3A_369 : memref<1x1x1x160x64xf32, #tpu.memory_space<hbm>> -> memref<160x64xf32, #tpu.memory_space<hbm>>
      %dma_start3A_371 = arith.constant 320 : i32
      %dma_start3A_372 = arith.constant 0 : i32
      %dma_start3A_373 = tpu.memref_slice %arg7[%run_scoped3A_359, %arg0, %arg1, %dma_start3A_371, %dma_start3A_372] : memref<2x2x16x640x64xf32, #tpu.memory_space<hbm>> -> memref<1x1x1x160x64xf32, #tpu.memory_space<hbm>>
      %dma_start3A_374 = tpu.memref_squeeze %dma_start3A_373 : memref<1x1x1x160x64xf32, #tpu.memory_space<hbm>> -> memref<160x64xf32, #tpu.memory_space<hbm>>
      tpu.enqueue_dma source(%arg15 : memref<160x64xf32, #tpu.memory_space<vmem>>) target(%dma_start3A_374 : memref<160x64xf32, #tpu.memory_space<hbm>>) target_semaphore(%run_scoped3A_366 : memref<!tpu.dma_semaphore, #tpu.memory_space<semaphore_mem>>)
      %dma_wait3A_375 = arith.constant 320 : i32
      %dma_wait3A_376 = arith.constant 0 : i32
      %dma_wait3A_377 = tpu.memref_slice %arg7[%run_scoped3A_359, %arg0, %arg1, %dma_wait3A_375, %dma_wait3A_376] : memref<2x2x16x640x64xf32, #tpu.memory_space<hbm>> -> memref<1x1x1x160x64xf32, #tpu.memory_space<hbm>>
      %dma_wait3A_378 = tpu.memref_squeeze %dma_wait3A_377 : memref<1x1x1x160x64xf32, #tpu.memory_space<hbm>> -> memref<160x64xf32, #tpu.memory_space<hbm>>
      %dma_wait3A_379 = arith.constant 320 : i32
      %dma_wait3A_380 = arith.constant 0 : i32
      %dma_wait3A_381 = tpu.memref_slice %arg7[%run_scoped3A_359, %arg0, %arg1, %dma_wait3A_379, %dma_wait3A_380] : memref<2x2x16x640x64xf32, #tpu.memory_space<hbm>> -> memref<1x1x1x160x64xf32, #tpu.memory_space<hbm>>
      %dma_wait3A_382 = tpu.memref_squeeze %dma_wait3A_381 : memref<1x1x1x160x64xf32, #tpu.memory_space<hbm>> -> memref<160x64xf32, #tpu.memory_space<hbm>>
      tpu.wait_dma2 semaphore(%run_scoped3A_366 : memref<!tpu.dma_semaphore, #tpu.memory_space<semaphore_mem>>) src(%arg15 : memref<160x64xf32, #tpu.memory_space<vmem>>) dst(%dma_wait3A_382 : memref<160x64xf32, #tpu.memory_space<hbm>>)
      tpu.yield
    }) : () -> ()
    %mul3A_360 = arith.constant 640 : i32
    %mul3A_361 = arith.muli %arg1, %mul3A_360 : i32
    %add3A_362 = arith.constant 480 : i32
    %add3A_363 = arith.addi %mul3A_361, %add3A_362 : i32
    "tpu.region"() ({
      %run_scoped3A_366 = tpu.sem_alloc : memref<!tpu.dma_semaphore, #tpu.memory_space<semaphore_mem>>
      %dma_start3A_367 = arith.constant 0 : i32
      %dma_start3A_368 = tpu.memref_slice %arg16[%add3A_363, %dma_start3A_367] : memref<10240x64xf32, #tpu.memory_space<vmem_shared>> -> memref<160x64xf32, #tpu.memory_space<vmem_shared>>
      %dma_start3A_369 = arith.constant 0 : i32
      %dma_start3A_370 = tpu.memref_slice %arg16[%add3A_363, %dma_start3A_369] : memref<10240x64xf32, #tpu.memory_space<vmem_shared>> -> memref<160x64xf32, #tpu.memory_space<vmem_shared>>
      tpu.enqueue_dma source(%dma_start3A_370 : memref<160x64xf32, #tpu.memory_space<vmem_shared>>) target(%arg15 : memref<160x64xf32, #tpu.memory_space<vmem>>) target_semaphore(%run_scoped3A_366 : memref<!tpu.dma_semaphore, #tpu.memory_space<semaphore_mem>>)
      %dma_wait3A_371 = arith.constant 0 : i32
      %dma_wait3A_372 = tpu.memref_slice %arg16[%add3A_363, %dma_wait3A_371] : memref<10240x64xf32, #tpu.memory_space<vmem_shared>> -> memref<160x64xf32, #tpu.memory_space<vmem_shared>>
      %dma_wait3A_373 = arith.constant 0 : i32
      %dma_wait3A_374 = tpu.memref_slice %arg16[%add3A_363, %dma_wait3A_373] : memref<10240x64xf32, #tpu.memory_space<vmem_shared>> -> memref<160x64xf32, #tpu.memory_space<vmem_shared>>
      tpu.wait_dma2 semaphore(%run_scoped3A_366 : memref<!tpu.dma_semaphore, #tpu.memory_space<semaphore_mem>>) src(%dma_wait3A_374 : memref<160x64xf32, #tpu.memory_space<vmem_shared>>) dst(%arg15 : memref<160x64xf32, #tpu.memory_space<vmem>>)
      tpu.yield
    }) : () -> ()
    %run_scoped3A_364 = arith.constant 1 : i32
    "tpu.region"() ({
      %run_scoped3A_366 = tpu.sem_alloc : memref<!tpu.dma_semaphore, #tpu.memory_space<semaphore_mem>>
      %dma_start3A_367 = arith.constant 480 : i32
      %dma_start3A_368 = arith.constant 0 : i32
      %dma_start3A_369 = tpu.memref_slice %arg7[%run_scoped3A_364, %arg0, %arg1, %dma_start3A_367, %dma_start3A_368] : memref<2x2x16x640x64xf32, #tpu.memory_space<hbm>> -> memref<1x1x1x160x64xf32, #tpu.memory_space<hbm>>
      %dma_start3A_370 = tpu.memref_squeeze %dma_start3A_369 : memref<1x1x1x160x64xf32, #tpu.memory_space<hbm>> -> memref<160x64xf32, #tpu.memory_space<hbm>>
      %dma_start3A_371 = arith.constant 480 : i32
      %dma_start3A_372 = arith.constant 0 : i32
      %dma_start3A_373 = tpu.memref_slice %arg7[%run_scoped3A_364, %arg0, %arg1, %dma_start3A_371, %dma_start3A_372] : memref<2x2x16x640x64xf32, #tpu.memory_space<hbm>> -> memref<1x1x1x160x64xf32, #tpu.memory_space<hbm>>
      %dma_start3A_374 = tpu.memref_squeeze %dma_start3A_373 : memref<1x1x1x160x64xf32, #tpu.memory_space<hbm>> -> memref<160x64xf32, #tpu.memory_space<hbm>>
      tpu.enqueue_dma source(%arg15 : memref<160x64xf32, #tpu.memory_space<vmem>>) target(%dma_start3A_374 : memref<160x64xf32, #tpu.memory_space<hbm>>) target_semaphore(%run_scoped3A_366 : memref<!tpu.dma_semaphore, #tpu.memory_space<semaphore_mem>>)
      %dma_wait3A_375 = arith.constant 480 : i32
      %dma_wait3A_376 = arith.constant 0 : i32
      %dma_wait3A_377 = tpu.memref_slice %arg7[%run_scoped3A_364, %arg0, %arg1, %dma_wait3A_375, %dma_wait3A_376] : memref<2x2x16x640x64xf32, #tpu.memory_space<hbm>> -> memref<1x1x1x160x64xf32, #tpu.memory_space<hbm>>
      %dma_wait3A_378 = tpu.memref_squeeze %dma_wait3A_377 : memref<1x1x1x160x64xf32, #tpu.memory_space<hbm>> -> memref<160x64xf32, #tpu.memory_space<hbm>>
      %dma_wait3A_379 = arith.constant 480 : i32
      %dma_wait3A_380 = arith.constant 0 : i32
      %dma_wait3A_381 = tpu.memref_slice %arg7[%run_scoped3A_364, %arg0, %arg1, %dma_wait3A_379, %dma_wait3A_380] : memref<2x2x16x640x64xf32, #tpu.memory_space<hbm>> -> memref<1x1x1x160x64xf32, #tpu.memory_space<hbm>>
      %dma_wait3A_382 = tpu.memref_squeeze %dma_wait3A_381 : memref<1x1x1x160x64xf32, #tpu.memory_space<hbm>> -> memref<160x64xf32, #tpu.memory_space<hbm>>
      tpu.wait_dma2 semaphore(%run_scoped3A_366 : memref<!tpu.dma_semaphore, #tpu.memory_space<semaphore_mem>>) src(%arg15 : memref<160x64xf32, #tpu.memory_space<vmem>>) dst(%dma_wait3A_382 : memref<160x64xf32, #tpu.memory_space<hbm>>)
      tpu.yield
    }) : () -> ()
    %barrier3A_365 = arith.constant 0 : index
    tpu.barrier barrier_id(%barrier3A_365)
    return
  }
}

#map = affine_map<(d0, d1) -> (0, 0)>
#map1 = affine_map<(d0, d1) -> (0, 0, 0)>
#map2 = affine_map<(d0, d1) -> (0, 0, 0, 0, 0)>
module attributes {stable_mosaic.version = 14 : i64} {
  func.func @body(%arg0: i32, %arg1: i32, %arg2: memref<10000x64xf32, #tpu.memory_space<hbm>>, %arg3: memref<10000x64xf32, #tpu.memory_space<hbm>>, %arg4: memref<32x130x80xi32, #tpu.memory_space<hbm>>, %arg5: memref<32x130x80xi32, #tpu.memory_space<hbm>>, %arg6: memref<160x64xf32, #tpu.memory_space<hbm>>, %arg7: memref<2x2x16x640x64xf32, #tpu.memory_space<hbm>>, %arg8: memref<130x80xi32, #tpu.memory_space<vmem>>, %arg9: memref<130x80xi32, #tpu.memory_space<vmem>>, %arg10: memref<80x64xf32, #tpu.memory_space<vmem>>, %arg11: memref<80x64xf32, #tpu.memory_space<vmem>>, %arg12: memref<80x64xf32, #tpu.memory_space<vmem>>, %arg13: memref<80x64xf32, #tpu.memory_space<vmem>>, %arg14: memref<80x64xf32, #tpu.memory_space<vmem>>, %arg15: memref<160x64xf32, #tpu.memory_space<vmem>>, %arg16: memref<10240x64xf32, #tpu.memory_space<vmem_shared>>, %arg17: memref<!tpu.dma_semaphore, #tpu.memory_space<semaphore_mem>>, %arg18: memref<!tpu.dma_semaphore, #tpu.memory_space<semaphore_mem>>, %arg19: memref<!tpu.dma_semaphore, #tpu.memory_space<semaphore_mem>>, %arg20: memref<!tpu.dma_semaphore, #tpu.memory_space<semaphore_mem>>, %arg21: memref<!tpu.dma_semaphore, #tpu.memory_space<semaphore_mem>>, %arg22: memref<!tpu.dma_semaphore, #tpu.memory_space<semaphore_mem>>, %arg23: memref<!tpu.dma_semaphore, #tpu.memory_space<semaphore_mem>>, %arg24: memref<!tpu.dma_semaphore, #tpu.memory_space<semaphore_mem>>, %arg25: memref<!tpu.dma_semaphore, #tpu.memory_space<semaphore_mem>>, %arg26: memref<!tpu.dma_semaphore, #tpu.memory_space<semaphore_mem>>) attributes {dimension_semantics = [#tpu.dimension_semantics<core_parallel>, #tpu.dimension_semantics<subcore_parallel>], iteration_bounds = array<i64: 2, 16>, scalar_prefetch = 0 : i64, scratch_operands = 19 : i64, tpu.core_type = #tpu.core_type<sc_vector_subcore>, window_params = [{transform_indices = #map}, {transform_indices = #map}, {transform_indices = #map1}, {transform_indices = #map1}, {transform_indices = #map}, {transform_indices = #map2}]} {
    %mul3A = arith.constant 16 : i32
    %mul3A_0 = arith.muli %arg0, %mul3A : i32
    %add3A = arith.addi %mul3A_0, %arg1 : i32
    "tpu.region"() ({
      %run_scoped3A_366 = tpu.sem_alloc : memref<!tpu.dma_semaphore, #tpu.memory_space<semaphore_mem>>
      %dma_start3A_367 = arith.constant 0 : i32
      %dma_start3A_368 = arith.constant 0 : i32
      %dma_start3A_369 = tpu.memref_slice %arg4[%add3A, %dma_start3A_367, %dma_start3A_368] : memref<32x130x80xi32, #tpu.memory_space<hbm>> -> memref<1x130x80xi32, #tpu.memory_space<hbm>>
      %dma_start3A_370 = tpu.memref_squeeze %dma_start3A_369 : memref<1x130x80xi32, #tpu.memory_space<hbm>> -> memref<130x80xi32, #tpu.memory_space<hbm>>
      %dma_start3A_371 = arith.constant 0 : i32
      %dma_start3A_372 = arith.constant 0 : i32
      %dma_start3A_373 = tpu.memref_slice %arg4[%add3A, %dma_start3A_371, %dma_start3A_372] : memref<32x130x80xi32, #tpu.memory_space<hbm>> -> memref<1x130x80xi32, #tpu.memory_space<hbm>>
      %dma_start3A_374 = tpu.memref_squeeze %dma_start3A_373 : memref<1x130x80xi32, #tpu.memory_space<hbm>> -> memref<130x80xi32, #tpu.memory_space<hbm>>
      tpu.enqueue_dma source(%dma_start3A_374 : memref<130x80xi32, #tpu.memory_space<hbm>>) target(%arg8 : memref<130x80xi32, #tpu.memory_space<vmem>>) target_semaphore(%run_scoped3A_366 : memref<!tpu.dma_semaphore, #tpu.memory_space<semaphore_mem>>)
      %dma_wait3A_375 = arith.constant 0 : i32
      %dma_wait3A_376 = arith.constant 0 : i32
      %dma_wait3A_377 = tpu.memref_slice %arg4[%add3A, %dma_wait3A_375, %dma_wait3A_376] : memref<32x130x80xi32, #tpu.memory_space<hbm>> -> memref<1x130x80xi32, #tpu.memory_space<hbm>>
      %dma_wait3A_378 = tpu.memref_squeeze %dma_wait3A_377 : memref<1x130x80xi32, #tpu.memory_space<hbm>> -> memref<130x80xi32, #tpu.memory_space<hbm>>
      %dma_wait3A_379 = arith.constant 0 : i32
      %dma_wait3A_380 = arith.constant 0 : i32
      %dma_wait3A_381 = tpu.memref_slice %arg4[%add3A, %dma_wait3A_379, %dma_wait3A_380] : memref<32x130x80xi32, #tpu.memory_space<hbm>> -> memref<1x130x80xi32, #tpu.memory_space<hbm>>
      %dma_wait3A_382 = tpu.memref_squeeze %dma_wait3A_381 : memref<1x130x80xi32, #tpu.memory_space<hbm>> -> memref<130x80xi32, #tpu.memory_space<hbm>>
      tpu.wait_dma2 semaphore(%run_scoped3A_366 : memref<!tpu.dma_semaphore, #tpu.memory_space<semaphore_mem>>) src(%dma_wait3A_382 : memref<130x80xi32, #tpu.memory_space<hbm>>) dst(%arg8 : memref<130x80xi32, #tpu.memory_space<vmem>>)
      tpu.yield
    }) : () -> ()
    "tpu.region"() ({
      %run_scoped3A_366 = tpu.sem_alloc : memref<!tpu.dma_semaphore, #tpu.memory_space<semaphore_mem>>
      %dma_start3A_367 = arith.constant 0 : i32
      %dma_start3A_368 = arith.constant 0 : i32
      %dma_start3A_369 = tpu.memref_slice %arg5[%add3A, %dma_start3A_367, %dma_start3A_368] : memref<32x130x80xi32, #tpu.memory_space<hbm>> -> memref<1x130x80xi32, #tpu.memory_space<hbm>>
      %dma_start3A_370 = tpu.memref_squeeze %dma_start3A_369 : memref<1x130x80xi32, #tpu.memory_space<hbm>> -> memref<130x80xi32, #tpu.memory_space<hbm>>
      %dma_start3A_371 = arith.constant 0 : i32
      %dma_start3A_372 = arith.constant 0 : i32
      %dma_start3A_373 = tpu.memref_slice %arg5[%add3A, %dma_start3A_371, %dma_start3A_372] : memref<32x130x80xi32, #tpu.memory_space<hbm>> -> memref<1x130x80xi32, #tpu.memory_space<hbm>>
      %dma_start3A_374 = tpu.memref_squeeze %dma_start3A_373 : memref<1x130x80xi32, #tpu.memory_space<hbm>> -> memref<130x80xi32, #tpu.memory_space<hbm>>
      tpu.enqueue_dma source(%dma_start3A_374 : memref<130x80xi32, #tpu.memory_space<hbm>>) target(%arg9 : memref<130x80xi32, #tpu.memory_space<vmem>>) target_semaphore(%run_scoped3A_366 : memref<!tpu.dma_semaphore, #tpu.memory_space<semaphore_mem>>)
      %dma_wait3A_375 = arith.constant 0 : i32
      %dma_wait3A_376 = arith.constant 0 : i32
      %dma_wait3A_377 = tpu.memref_slice %arg5[%add3A, %dma_wait3A_375, %dma_wait3A_376] : memref<32x130x80xi32, #tpu.memory_space<hbm>> -> memref<1x130x80xi32, #tpu.memory_space<hbm>>
      %dma_wait3A_378 = tpu.memref_squeeze %dma_wait3A_377 : memref<1x130x80xi32, #tpu.memory_space<hbm>> -> memref<130x80xi32, #tpu.memory_space<hbm>>
      %dma_wait3A_379 = arith.constant 0 : i32
      %dma_wait3A_380 = arith.constant 0 : i32
      %dma_wait3A_381 = tpu.memref_slice %arg5[%add3A, %dma_wait3A_379, %dma_wait3A_380] : memref<32x130x80xi32, #tpu.memory_space<hbm>> -> memref<1x130x80xi32, #tpu.memory_space<hbm>>
      %dma_wait3A_382 = tpu.memref_squeeze %dma_wait3A_381 : memref<1x130x80xi32, #tpu.memory_space<hbm>> -> memref<130x80xi32, #tpu.memory_space<hbm>>
      tpu.wait_dma2 semaphore(%run_scoped3A_366 : memref<!tpu.dma_semaphore, #tpu.memory_space<semaphore_mem>>) src(%dma_wait3A_382 : memref<130x80xi32, #tpu.memory_space<hbm>>) dst(%arg9 : memref<130x80xi32, #tpu.memory_space<vmem>>)
      tpu.yield
    }) : () -> ()
    "tpu.region"() ({
      %run_scoped3A_366 = tpu.sem_alloc : memref<!tpu.dma_semaphore, #tpu.memory_space<semaphore_mem>>
      tpu.enqueue_dma source(%arg6 : memref<160x64xf32, #tpu.memory_space<hbm>>) target(%arg15 : memref<160x64xf32, #tpu.memory_space<vmem>>) target_semaphore(%run_scoped3A_366 : memref<!tpu.dma_semaphore, #tpu.memory_space<semaphore_mem>>)
      tpu.wait_dma2 semaphore(%run_scoped3A_366 : memref<!tpu.dma_semaphore, #tpu.memory_space<semaphore_mem>>) src(%arg6 : memref<160x64xf32, #tpu.memory_space<hbm>>) dst(%arg15 : memref<160x64xf32, #tpu.memory_space<vmem>>)
      tpu.yield
    }) : () -> ()
    %mul3A_1 = arith.constant 640 : i32
    %mul3A_2 = arith.muli %arg1, %mul3A_1 : i32
    %add3A_3 = arith.constant 0 : i32
    %add3A_4 = arith.addi %mul3A_2, %add3A_3 : i32
    "tpu.region"() ({
      %run_scoped3A_366 = tpu.sem_alloc : memref<!tpu.dma_semaphore, #tpu.memory_space<semaphore_mem>>
      %dma_start3A_367 = arith.constant 0 : i32
      %dma_start3A_368 = tpu.memref_slice %arg16[%add3A_4, %dma_start3A_367] : memref<10240x64xf32, #tpu.memory_space<vmem_shared>> -> memref<160x64xf32, #tpu.memory_space<vmem_shared>>
      %dma_start3A_369 = arith.constant 0 : i32
      %dma_start3A_370 = tpu.memref_slice %arg16[%add3A_4, %dma_start3A_369] : memref<10240x64xf32, #tpu.memory_space<vmem_shared>> -> memref<160x64xf32, #tpu.memory_space<vmem_shared>>
      tpu.enqueue_dma source(%arg15 : memref<160x64xf32, #tpu.memory_space<vmem>>) target(%dma_start3A_370 : memref<160x64xf32, #tpu.memory_space<vmem_shared>>) target_semaphore(%run_scoped3A_366 : memref<!tpu.dma_semaphore, #tpu.memory_space<semaphore_mem>>)
      %dma_wait3A_371 = arith.constant 0 : i32
      %dma_wait3A_372 = tpu.memref_slice %arg16[%add3A_4, %dma_wait3A_371] : memref<10240x64xf32, #tpu.memory_space<vmem_shared>> -> memref<160x64xf32, #tpu.memory_space<vmem_shared>>
      %dma_wait3A_373 = arith.constant 0 : i32
      %dma_wait3A_374 = tpu.memref_slice %arg16[%add3A_4, %dma_wait3A_373] : memref<10240x64xf32, #tpu.memory_space<vmem_shared>> -> memref<160x64xf32, #tpu.memory_space<vmem_shared>>
      tpu.wait_dma2 semaphore(%run_scoped3A_366 : memref<!tpu.dma_semaphore, #tpu.memory_space<semaphore_mem>>) src(%arg15 : memref<160x64xf32, #tpu.memory_space<vmem>>) dst(%dma_wait3A_374 : memref<160x64xf32, #tpu.memory_space<vmem_shared>>)
      tpu.yield
    }) : () -> ()
    %mul3A_5 = arith.constant 640 : i32
    %mul3A_6 = arith.muli %arg1, %mul3A_5 : i32
    %add3A_7 = arith.constant 160 : i32
    %add3A_8 = arith.addi %mul3A_6, %add3A_7 : i32
    "tpu.region"() ({
      %run_scoped3A_366 = tpu.sem_alloc : memref<!tpu.dma_semaphore, #tpu.memory_space<semaphore_mem>>
      %dma_start3A_367 = arith.constant 0 : i32
      %dma_start3A_368 = tpu.memref_slice %arg16[%add3A_8, %dma_start3A_367] : memref<10240x64xf32, #tpu.memory_space<vmem_shared>> -> memref<160x64xf32, #tpu.memory_space<vmem_shared>>
      %dma_start3A_369 = arith.constant 0 : i32
      %dma_start3A_370 = tpu.memref_slice %arg16[%add3A_8, %dma_start3A_369] : memref<10240x64xf32, #tpu.memory_space<vmem_shared>> -> memref<160x64xf32, #tpu.memory_space<vmem_shared>>
      tpu.enqueue_dma source(%arg15 : memref<160x64xf32, #tpu.memory_space<vmem>>) target(%dma_start3A_370 : memref<160x64xf32, #tpu.memory_space<vmem_shared>>) target_semaphore(%run_scoped3A_366 : memref<!tpu.dma_semaphore, #tpu.memory_space<semaphore_mem>>)
      %dma_wait3A_371 = arith.constant 0 : i32
      %dma_wait3A_372 = tpu.memref_slice %arg16[%add3A_8, %dma_wait3A_371] : memref<10240x64xf32, #tpu.memory_space<vmem_shared>> -> memref<160x64xf32, #tpu.memory_space<vmem_shared>>
      %dma_wait3A_373 = arith.constant 0 : i32
      %dma_wait3A_374 = tpu.memref_slice %arg16[%add3A_8, %dma_wait3A_373] : memref<10240x64xf32, #tpu.memory_space<vmem_shared>> -> memref<160x64xf32, #tpu.memory_space<vmem_shared>>
      tpu.wait_dma2 semaphore(%run_scoped3A_366 : memref<!tpu.dma_semaphore, #tpu.memory_space<semaphore_mem>>) src(%arg15 : memref<160x64xf32, #tpu.memory_space<vmem>>) dst(%dma_wait3A_374 : memref<160x64xf32, #tpu.memory_space<vmem_shared>>)
      tpu.yield
    }) : () -> ()
    %mul3A_9 = arith.constant 640 : i32
    %mul3A_10 = arith.muli %arg1, %mul3A_9 : i32
    %add3A_11 = arith.constant 320 : i32
    %add3A_12 = arith.addi %mul3A_10, %add3A_11 : i32
    "tpu.region"() ({
      %run_scoped3A_366 = tpu.sem_alloc : memref<!tpu.dma_semaphore, #tpu.memory_space<semaphore_mem>>
      %dma_start3A_367 = arith.constant 0 : i32
      %dma_start3A_368 = tpu.memref_slice %arg16[%add3A_12, %dma_start3A_367] : memref<10240x64xf32, #tpu.memory_space<vmem_shared>> -> memref<160x64xf32, #tpu.memory_space<vmem_shared>>
      %dma_start3A_369 = arith.constant 0 : i32
      %dma_start3A_370 = tpu.memref_slice %arg16[%add3A_12, %dma_start3A_369] : memref<10240x64xf32, #tpu.memory_space<vmem_shared>> -> memref<160x64xf32, #tpu.memory_space<vmem_shared>>
      tpu.enqueue_dma source(%arg15 : memref<160x64xf32, #tpu.memory_space<vmem>>) target(%dma_start3A_370 : memref<160x64xf32, #tpu.memory_space<vmem_shared>>) target_semaphore(%run_scoped3A_366 : memref<!tpu.dma_semaphore, #tpu.memory_space<semaphore_mem>>)
      %dma_wait3A_371 = arith.constant 0 : i32
      %dma_wait3A_372 = tpu.memref_slice %arg16[%add3A_12, %dma_wait3A_371] : memref<10240x64xf32, #tpu.memory_space<vmem_shared>> -> memref<160x64xf32, #tpu.memory_space<vmem_shared>>
      %dma_wait3A_373 = arith.constant 0 : i32
      %dma_wait3A_374 = tpu.memref_slice %arg16[%add3A_12, %dma_wait3A_373] : memref<10240x64xf32, #tpu.memory_space<vmem_shared>> -> memref<160x64xf32, #tpu.memory_space<vmem_shared>>
      tpu.wait_dma2 semaphore(%run_scoped3A_366 : memref<!tpu.dma_semaphore, #tpu.memory_space<semaphore_mem>>) src(%arg15 : memref<160x64xf32, #tpu.memory_space<vmem>>) dst(%dma_wait3A_374 : memref<160x64xf32, #tpu.memory_space<vmem_shared>>)
      tpu.yield
    }) : () -> ()
    %mul3A_13 = arith.constant 640 : i32
    %mul3A_14 = arith.muli %arg1, %mul3A_13 : i32
    %add3A_15 = arith.constant 480 : i32
    %add3A_16 = arith.addi %mul3A_14, %add3A_15 : i32
    "tpu.region"() ({
      %run_scoped3A_366 = tpu.sem_alloc : memref<!tpu.dma_semaphore, #tpu.memory_space<semaphore_mem>>
      %dma_start3A_367 = arith.constant 0 : i32
      %dma_start3A_368 = tpu.memref_slice %arg16[%add3A_16, %dma_start3A_367] : memref<10240x64xf32, #tpu.memory_space<vmem_shared>> -> memref<160x64xf32, #tpu.memory_space<vmem_shared>>
      %dma_start3A_369 = arith.constant 0 : i32
      %dma_start3A_370 = tpu.memref_slice %arg16[%add3A_16, %dma_start3A_369] : memref<10240x64xf32, #tpu.memory_space<vmem_shared>> -> memref<160x64xf32, #tpu.memory_space<vmem_shared>>
      tpu.enqueue_dma source(%arg15 : memref<160x64xf32, #tpu.memory_space<vmem>>) target(%dma_start3A_370 : memref<160x64xf32, #tpu.memory_space<vmem_shared>>) target_semaphore(%run_scoped3A_366 : memref<!tpu.dma_semaphore, #tpu.memory_space<semaphore_mem>>)
      %dma_wait3A_371 = arith.constant 0 : i32
      %dma_wait3A_372 = tpu.memref_slice %arg16[%add3A_16, %dma_wait3A_371] : memref<10240x64xf32, #tpu.memory_space<vmem_shared>> -> memref<160x64xf32, #tpu.memory_space<vmem_shared>>
      %dma_wait3A_373 = arith.constant 0 : i32
      %dma_wait3A_374 = tpu.memref_slice %arg16[%add3A_16, %dma_wait3A_373] : memref<10240x64xf32, #tpu.memory_space<vmem_shared>> -> memref<160x64xf32, #tpu.memory_space<vmem_shared>>
      tpu.wait_dma2 semaphore(%run_scoped3A_366 : memref<!tpu.dma_semaphore, #tpu.memory_space<semaphore_mem>>) src(%arg15 : memref<160x64xf32, #tpu.memory_space<vmem>>) dst(%dma_wait3A_374 : memref<160x64xf32, #tpu.memory_space<vmem_shared>>)
      tpu.yield
    }) : () -> ()
    %barrier3A = arith.constant 0 : index
    tpu.barrier barrier_id(%barrier3A)
    %dma_start3A = arith.constant 0 : i32
    %dma_start3A_17 = arith.constant 0 : i32
    %dma_start3A_18 = tpu.memref_slice %arg8[%dma_start3A, %dma_start3A_17] : memref<130x80xi32, #tpu.memory_space<vmem>> -> memref<1x80xi32, #tpu.memory_space<vmem>>
    %dma_start3A_19 = tpu.memref_squeeze %dma_start3A_18 : memref<1x80xi32, #tpu.memory_space<vmem>> -> memref<80xi32, #tpu.memory_space<vmem>>
    %dma_start3A_20 = arith.constant 0 : i32
    %dma_start3A_21 = arith.constant 0 : i32
    %dma_start3A_22 = tpu.memref_slice %arg2[%dma_start3A_20, %dma_start3A_21] : memref<10000x64xf32, #tpu.memory_space<hbm>> -> memref<10000x64xf32, #tpu.memory_space<hbm>>
    tpu.enqueue_indirect_dma source(%dma_start3A_22 : memref<10000x64xf32, #tpu.memory_space<hbm>>) target(%arg10 : memref<80x64xf32, #tpu.memory_space<vmem>>) offsets(%dma_start3A_19 : memref<80xi32, #tpu.memory_space<vmem>>) semaphore(%arg17 : memref<!tpu.dma_semaphore, #tpu.memory_space<semaphore_mem>>)
    %dma_start3A_23 = arith.constant 1 : i32
    %dma_start3A_24 = arith.constant 0 : i32
    %dma_start3A_25 = tpu.memref_slice %arg8[%dma_start3A_23, %dma_start3A_24] : memref<130x80xi32, #tpu.memory_space<vmem>> -> memref<1x80xi32, #tpu.memory_space<vmem>>
    %dma_start3A_26 = tpu.memref_squeeze %dma_start3A_25 : memref<1x80xi32, #tpu.memory_space<vmem>> -> memref<80xi32, #tpu.memory_space<vmem>>
    %dma_start3A_27 = arith.constant 0 : i32
    %dma_start3A_28 = arith.constant 0 : i32
    %dma_start3A_29 = tpu.memref_slice %arg2[%dma_start3A_27, %dma_start3A_28] : memref<10000x64xf32, #tpu.memory_space<hbm>> -> memref<10000x64xf32, #tpu.memory_space<hbm>>
    tpu.enqueue_indirect_dma source(%dma_start3A_29 : memref<10000x64xf32, #tpu.memory_space<hbm>>) target(%arg11 : memref<80x64xf32, #tpu.memory_space<vmem>>) offsets(%dma_start3A_26 : memref<80xi32, #tpu.memory_space<vmem>>) semaphore(%arg18 : memref<!tpu.dma_semaphore, #tpu.memory_space<semaphore_mem>>)
    %dma_start3A_30 = arith.constant 2 : i32
    %dma_start3A_31 = arith.constant 0 : i32
    %dma_start3A_32 = tpu.memref_slice %arg8[%dma_start3A_30, %dma_start3A_31] : memref<130x80xi32, #tpu.memory_space<vmem>> -> memref<1x80xi32, #tpu.memory_space<vmem>>
    %dma_start3A_33 = tpu.memref_squeeze %dma_start3A_32 : memref<1x80xi32, #tpu.memory_space<vmem>> -> memref<80xi32, #tpu.memory_space<vmem>>
    %dma_start3A_34 = arith.constant 0 : i32
    %dma_start3A_35 = arith.constant 0 : i32
    %dma_start3A_36 = tpu.memref_slice %arg2[%dma_start3A_34, %dma_start3A_35] : memref<10000x64xf32, #tpu.memory_space<hbm>> -> memref<10000x64xf32, #tpu.memory_space<hbm>>
    tpu.enqueue_indirect_dma source(%dma_start3A_36 : memref<10000x64xf32, #tpu.memory_space<hbm>>) target(%arg12 : memref<80x64xf32, #tpu.memory_space<vmem>>) offsets(%dma_start3A_33 : memref<80xi32, #tpu.memory_space<vmem>>) semaphore(%arg19 : memref<!tpu.dma_semaphore, #tpu.memory_space<semaphore_mem>>)
    %dma_start3A_37 = arith.constant 3 : i32
    %dma_start3A_38 = arith.constant 0 : i32
    %dma_start3A_39 = tpu.memref_slice %arg8[%dma_start3A_37, %dma_start3A_38] : memref<130x80xi32, #tpu.memory_space<vmem>> -> memref<1x80xi32, #tpu.memory_space<vmem>>
    %dma_start3A_40 = tpu.memref_squeeze %dma_start3A_39 : memref<1x80xi32, #tpu.memory_space<vmem>> -> memref<80xi32, #tpu.memory_space<vmem>>
    %dma_start3A_41 = arith.constant 0 : i32
    %dma_start3A_42 = arith.constant 0 : i32
    %dma_start3A_43 = tpu.memref_slice %arg2[%dma_start3A_41, %dma_start3A_42] : memref<10000x64xf32, #tpu.memory_space<hbm>> -> memref<10000x64xf32, #tpu.memory_space<hbm>>
    tpu.enqueue_indirect_dma source(%dma_start3A_43 : memref<10000x64xf32, #tpu.memory_space<hbm>>) target(%arg13 : memref<80x64xf32, #tpu.memory_space<vmem>>) offsets(%dma_start3A_40 : memref<80xi32, #tpu.memory_space<vmem>>) semaphore(%arg20 : memref<!tpu.dma_semaphore, #tpu.memory_space<semaphore_mem>>)
    %dma_start3A_44 = arith.constant 4 : i32
    %dma_start3A_45 = arith.constant 0 : i32
    %dma_start3A_46 = tpu.memref_slice %arg8[%dma_start3A_44, %dma_start3A_45] : memref<130x80xi32, #tpu.memory_space<vmem>> -> memref<1x80xi32, #tpu.memory_space<vmem>>
    %dma_start3A_47 = tpu.memref_squeeze %dma_start3A_46 : memref<1x80xi32, #tpu.memory_space<vmem>> -> memref<80xi32, #tpu.memory_space<vmem>>
    %dma_start3A_48 = arith.constant 0 : i32
    %dma_start3A_49 = arith.constant 0 : i32
    %dma_start3A_50 = tpu.memref_slice %arg2[%dma_start3A_48, %dma_start3A_49] : memref<10000x64xf32, #tpu.memory_space<hbm>> -> memref<10000x64xf32, #tpu.memory_space<hbm>>
    tpu.enqueue_indirect_dma source(%dma_start3A_50 : memref<10000x64xf32, #tpu.memory_space<hbm>>) target(%arg14 : memref<80x64xf32, #tpu.memory_space<vmem>>) offsets(%dma_start3A_47 : memref<80xi32, #tpu.memory_space<vmem>>) semaphore(%arg21 : memref<!tpu.dma_semaphore, #tpu.memory_space<semaphore_mem>>)
    %scan3A = arith.constant 0 : i32
    %scan3A_51 = arith.constant 0 : i32
    %scan3A_52 = arith.constant 25 : i32
    %scan3A_53 = arith.addi %scan3A_51, %scan3A_52 : i32
    %scan3A_54 = arith.constant 1 : i32
    scf.for %scan3A_366 = %scan3A_51 to %scan3A_53 step %scan3A_54  : i32 {
      %mul3A_367 = arith.constant 5 : i32
      %mul3A_368 = arith.muli %mul3A_367, %scan3A_366 : i32
      %add3A_369 = arith.constant 0 : i32
      %add3A_370 = arith.addi %mul3A_368, %add3A_369 : i32
      %dma_wait3A_371 = arith.constant 0 : i32
      %dma_wait3A_372 = tpu.memref_slice %arg8[%add3A_370, %dma_wait3A_371] : memref<130x80xi32, #tpu.memory_space<vmem>> -> memref<1x80xi32, #tpu.memory_space<vmem>>
      %dma_wait3A_373 = tpu.memref_squeeze %dma_wait3A_372 : memref<1x80xi32, #tpu.memory_space<vmem>> -> memref<80xi32, #tpu.memory_space<vmem>>
      %dma_wait3A_374 = arith.constant 0 : i32
      %dma_wait3A_375 = arith.constant 0 : i32
      %dma_wait3A_376 = tpu.memref_slice %arg2[%dma_wait3A_374, %dma_wait3A_375] : memref<10000x64xf32, #tpu.memory_space<hbm>> -> memref<10000x64xf32, #tpu.memory_space<hbm>>
      tpu.wait_indirect_dma semaphore(%arg17 : memref<!tpu.dma_semaphore, #tpu.memory_space<semaphore_mem>>) src(%dma_wait3A_376 : memref<10000x64xf32, #tpu.memory_space<hbm>>) dst(%arg10 : memref<80x64xf32, #tpu.memory_space<vmem>>)
      %dma_start3A_377 = arith.constant 0 : i32
      %dma_start3A_378 = tpu.memref_slice %arg9[%add3A_370, %dma_start3A_377] : memref<130x80xi32, #tpu.memory_space<vmem>> -> memref<1x80xi32, #tpu.memory_space<vmem>>
      %dma_start3A_379 = tpu.memref_squeeze %dma_start3A_378 : memref<1x80xi32, #tpu.memory_space<vmem>> -> memref<80xi32, #tpu.memory_space<vmem>>
      %dma_start3A_380 = arith.constant 0 : i32
      %dma_start3A_381 = arith.constant 0 : i32
      %dma_start3A_382 = tpu.memref_slice %arg16[%dma_start3A_380, %dma_start3A_381] : memref<10240x64xf32, #tpu.memory_space<vmem_shared>> -> memref<10240x64xf32, #tpu.memory_space<vmem_shared>>
      tpu.enqueue_indirect_dma source(%arg10 : memref<80x64xf32, #tpu.memory_space<vmem>>) target(%dma_start3A_382 : memref<10240x64xf32, #tpu.memory_space<vmem_shared>>) offsets(%dma_start3A_379 : memref<80xi32, #tpu.memory_space<vmem>>) semaphore(%arg22 : memref<!tpu.dma_semaphore, #tpu.memory_space<semaphore_mem>>) {add = true}
      %mul3A_383 = arith.constant 5 : i32
      %mul3A_384 = arith.muli %mul3A_383, %scan3A_366 : i32
      %add3A_385 = arith.constant 1 : i32
      %add3A_386 = arith.addi %mul3A_384, %add3A_385 : i32
      %dma_wait3A_387 = arith.constant 0 : i32
      %dma_wait3A_388 = tpu.memref_slice %arg8[%add3A_386, %dma_wait3A_387] : memref<130x80xi32, #tpu.memory_space<vmem>> -> memref<1x80xi32, #tpu.memory_space<vmem>>
      %dma_wait3A_389 = tpu.memref_squeeze %dma_wait3A_388 : memref<1x80xi32, #tpu.memory_space<vmem>> -> memref<80xi32, #tpu.memory_space<vmem>>
      %dma_wait3A_390 = arith.constant 0 : i32
      %dma_wait3A_391 = arith.constant 0 : i32
      %dma_wait3A_392 = tpu.memref_slice %arg2[%dma_wait3A_390, %dma_wait3A_391] : memref<10000x64xf32, #tpu.memory_space<hbm>> -> memref<10000x64xf32, #tpu.memory_space<hbm>>
      tpu.wait_indirect_dma semaphore(%arg18 : memref<!tpu.dma_semaphore, #tpu.memory_space<semaphore_mem>>) src(%dma_wait3A_392 : memref<10000x64xf32, #tpu.memory_space<hbm>>) dst(%arg11 : memref<80x64xf32, #tpu.memory_space<vmem>>)
      %dma_start3A_393 = arith.constant 0 : i32
      %dma_start3A_394 = tpu.memref_slice %arg9[%add3A_386, %dma_start3A_393] : memref<130x80xi32, #tpu.memory_space<vmem>> -> memref<1x80xi32, #tpu.memory_space<vmem>>
      %dma_start3A_395 = tpu.memref_squeeze %dma_start3A_394 : memref<1x80xi32, #tpu.memory_space<vmem>> -> memref<80xi32, #tpu.memory_space<vmem>>
      %dma_start3A_396 = arith.constant 0 : i32
      %dma_start3A_397 = arith.constant 0 : i32
      %dma_start3A_398 = tpu.memref_slice %arg16[%dma_start3A_396, %dma_start3A_397] : memref<10240x64xf32, #tpu.memory_space<vmem_shared>> -> memref<10240x64xf32, #tpu.memory_space<vmem_shared>>
      tpu.enqueue_indirect_dma source(%arg11 : memref<80x64xf32, #tpu.memory_space<vmem>>) target(%dma_start3A_398 : memref<10240x64xf32, #tpu.memory_space<vmem_shared>>) offsets(%dma_start3A_395 : memref<80xi32, #tpu.memory_space<vmem>>) semaphore(%arg23 : memref<!tpu.dma_semaphore, #tpu.memory_space<semaphore_mem>>) {add = true}
      %mul3A_399 = arith.constant 5 : i32
      %mul3A_400 = arith.muli %mul3A_399, %scan3A_366 : i32
      %add3A_401 = arith.constant 2 : i32
      %add3A_402 = arith.addi %mul3A_400, %add3A_401 : i32
      %dma_wait3A_403 = arith.constant 0 : i32
      %dma_wait3A_404 = tpu.memref_slice %arg8[%add3A_402, %dma_wait3A_403] : memref<130x80xi32, #tpu.memory_space<vmem>> -> memref<1x80xi32, #tpu.memory_space<vmem>>
      %dma_wait3A_405 = tpu.memref_squeeze %dma_wait3A_404 : memref<1x80xi32, #tpu.memory_space<vmem>> -> memref<80xi32, #tpu.memory_space<vmem>>
      %dma_wait3A_406 = arith.constant 0 : i32
      %dma_wait3A_407 = arith.constant 0 : i32
      %dma_wait3A_408 = tpu.memref_slice %arg2[%dma_wait3A_406, %dma_wait3A_407] : memref<10000x64xf32, #tpu.memory_space<hbm>> -> memref<10000x64xf32, #tpu.memory_space<hbm>>
      tpu.wait_indirect_dma semaphore(%arg19 : memref<!tpu.dma_semaphore, #tpu.memory_space<semaphore_mem>>) src(%dma_wait3A_408 : memref<10000x64xf32, #tpu.memory_space<hbm>>) dst(%arg12 : memref<80x64xf32, #tpu.memory_space<vmem>>)
      %dma_start3A_409 = arith.constant 0 : i32
      %dma_start3A_410 = tpu.memref_slice %arg9[%add3A_402, %dma_start3A_409] : memref<130x80xi32, #tpu.memory_space<vmem>> -> memref<1x80xi32, #tpu.memory_space<vmem>>
      %dma_start3A_411 = tpu.memref_squeeze %dma_start3A_410 : memref<1x80xi32, #tpu.memory_space<vmem>> -> memref<80xi32, #tpu.memory_space<vmem>>
      %dma_start3A_412 = arith.constant 0 : i32
      %dma_start3A_413 = arith.constant 0 : i32
      %dma_start3A_414 = tpu.memref_slice %arg16[%dma_start3A_412, %dma_start3A_413] : memref<10240x64xf32, #tpu.memory_space<vmem_shared>> -> memref<10240x64xf32, #tpu.memory_space<vmem_shared>>
      tpu.enqueue_indirect_dma source(%arg12 : memref<80x64xf32, #tpu.memory_space<vmem>>) target(%dma_start3A_414 : memref<10240x64xf32, #tpu.memory_space<vmem_shared>>) offsets(%dma_start3A_411 : memref<80xi32, #tpu.memory_space<vmem>>) semaphore(%arg24 : memref<!tpu.dma_semaphore, #tpu.memory_space<semaphore_mem>>) {add = true}
      %mul3A_415 = arith.constant 5 : i32
      %mul3A_416 = arith.muli %mul3A_415, %scan3A_366 : i32
      %add3A_417 = arith.constant 3 : i32
      %add3A_418 = arith.addi %mul3A_416, %add3A_417 : i32
      %dma_wait3A_419 = arith.constant 0 : i32
      %dma_wait3A_420 = tpu.memref_slice %arg8[%add3A_418, %dma_wait3A_419] : memref<130x80xi32, #tpu.memory_space<vmem>> -> memref<1x80xi32, #tpu.memory_space<vmem>>
      %dma_wait3A_421 = tpu.memref_squeeze %dma_wait3A_420 : memref<1x80xi32, #tpu.memory_space<vmem>> -> memref<80xi32, #tpu.memory_space<vmem>>
      %dma_wait3A_422 = arith.constant 0 : i32
      %dma_wait3A_423 = arith.constant 0 : i32
      %dma_wait3A_424 = tpu.memref_slice %arg2[%dma_wait3A_422, %dma_wait3A_423] : memref<10000x64xf32, #tpu.memory_space<hbm>> -> memref<10000x64xf32, #tpu.memory_space<hbm>>
      tpu.wait_indirect_dma semaphore(%arg20 : memref<!tpu.dma_semaphore, #tpu.memory_space<semaphore_mem>>) src(%dma_wait3A_424 : memref<10000x64xf32, #tpu.memory_space<hbm>>) dst(%arg13 : memref<80x64xf32, #tpu.memory_space<vmem>>)
      %dma_start3A_425 = arith.constant 0 : i32
      %dma_start3A_426 = tpu.memref_slice %arg9[%add3A_418, %dma_start3A_425] : memref<130x80xi32, #tpu.memory_space<vmem>> -> memref<1x80xi32, #tpu.memory_space<vmem>>
      %dma_start3A_427 = tpu.memref_squeeze %dma_start3A_426 : memref<1x80xi32, #tpu.memory_space<vmem>> -> memref<80xi32, #tpu.memory_space<vmem>>
      %dma_start3A_428 = arith.constant 0 : i32
      %dma_start3A_429 = arith.constant 0 : i32
      %dma_start3A_430 = tpu.memref_slice %arg16[%dma_start3A_428, %dma_start3A_429] : memref<10240x64xf32, #tpu.memory_space<vmem_shared>> -> memref<10240x64xf32, #tpu.memory_space<vmem_shared>>
      tpu.enqueue_indirect_dma source(%arg13 : memref<80x64xf32, #tpu.memory_space<vmem>>) target(%dma_start3A_430 : memref<10240x64xf32, #tpu.memory_space<vmem_shared>>) offsets(%dma_start3A_427 : memref<80xi32, #tpu.memory_space<vmem>>) semaphore(%arg25 : memref<!tpu.dma_semaphore, #tpu.memory_space<semaphore_mem>>) {add = true}
      %mul3A_431 = arith.constant 5 : i32
      %mul3A_432 = arith.muli %mul3A_431, %scan3A_366 : i32
      %add3A_433 = arith.constant 4 : i32
      %add3A_434 = arith.addi %mul3A_432, %add3A_433 : i32
      %dma_wait3A_435 = arith.constant 0 : i32
      %dma_wait3A_436 = tpu.memref_slice %arg8[%add3A_434, %dma_wait3A_435] : memref<130x80xi32, #tpu.memory_space<vmem>> -> memref<1x80xi32, #tpu.memory_space<vmem>>
      %dma_wait3A_437 = tpu.memref_squeeze %dma_wait3A_436 : memref<1x80xi32, #tpu.memory_space<vmem>> -> memref<80xi32, #tpu.memory_space<vmem>>
      %dma_wait3A_438 = arith.constant 0 : i32
      %dma_wait3A_439 = arith.constant 0 : i32
      %dma_wait3A_440 = tpu.memref_slice %arg2[%dma_wait3A_438, %dma_wait3A_439] : memref<10000x64xf32, #tpu.memory_space<hbm>> -> memref<10000x64xf32, #tpu.memory_space<hbm>>
      tpu.wait_indirect_dma semaphore(%arg21 : memref<!tpu.dma_semaphore, #tpu.memory_space<semaphore_mem>>) src(%dma_wait3A_440 : memref<10000x64xf32, #tpu.memory_space<hbm>>) dst(%arg14 : memref<80x64xf32, #tpu.memory_space<vmem>>)
      %dma_start3A_441 = arith.constant 0 : i32
      %dma_start3A_442 = tpu.memref_slice %arg9[%add3A_434, %dma_start3A_441] : memref<130x80xi32, #tpu.memory_space<vmem>> -> memref<1x80xi32, #tpu.memory_space<vmem>>
      %dma_start3A_443 = tpu.memref_squeeze %dma_start3A_442 : memref<1x80xi32, #tpu.memory_space<vmem>> -> memref<80xi32, #tpu.memory_space<vmem>>
      %dma_start3A_444 = arith.constant 0 : i32
      %dma_start3A_445 = arith.constant 0 : i32
      %dma_start3A_446 = tpu.memref_slice %arg16[%dma_start3A_444, %dma_start3A_445] : memref<10240x64xf32, #tpu.memory_space<vmem_shared>> -> memref<10240x64xf32, #tpu.memory_space<vmem_shared>>
      tpu.enqueue_indirect_dma source(%arg14 : memref<80x64xf32, #tpu.memory_space<vmem>>) target(%dma_start3A_446 : memref<10240x64xf32, #tpu.memory_space<vmem_shared>>) offsets(%dma_start3A_443 : memref<80xi32, #tpu.memory_space<vmem>>) semaphore(%arg26 : memref<!tpu.dma_semaphore, #tpu.memory_space<semaphore_mem>>) {add = true}
      %mul3A_447 = arith.constant 5 : i32
      %mul3A_448 = arith.muli %mul3A_447, %scan3A_366 : i32
      %add3A_449 = arith.constant 0 : i32
      %add3A_450 = arith.addi %mul3A_448, %add3A_449 : i32
      %dma_wait3A_451 = arith.constant 0 : i32
      %dma_wait3A_452 = tpu.memref_slice %arg9[%add3A_450, %dma_wait3A_451] : memref<130x80xi32, #tpu.memory_space<vmem>> -> memref<1x80xi32, #tpu.memory_space<vmem>>
      %dma_wait3A_453 = tpu.memref_squeeze %dma_wait3A_452 : memref<1x80xi32, #tpu.memory_space<vmem>> -> memref<80xi32, #tpu.memory_space<vmem>>
      %dma_wait3A_454 = arith.constant 0 : i32
      %dma_wait3A_455 = arith.constant 0 : i32
      %dma_wait3A_456 = tpu.memref_slice %arg16[%dma_wait3A_454, %dma_wait3A_455] : memref<10240x64xf32, #tpu.memory_space<vmem_shared>> -> memref<10240x64xf32, #tpu.memory_space<vmem_shared>>
      tpu.wait_indirect_dma semaphore(%arg22 : memref<!tpu.dma_semaphore, #tpu.memory_space<semaphore_mem>>) src(%arg10 : memref<80x64xf32, #tpu.memory_space<vmem>>) dst(%dma_wait3A_456 : memref<10240x64xf32, #tpu.memory_space<vmem_shared>>)
      %add3A_457 = arith.constant 5 : i32
      %add3A_458 = arith.addi %add3A_450, %add3A_457 : i32
      %dma_start3A_459 = arith.constant 0 : i32
      %dma_start3A_460 = tpu.memref_slice %arg8[%add3A_458, %dma_start3A_459] : memref<130x80xi32, #tpu.memory_space<vmem>> -> memref<1x80xi32, #tpu.memory_space<vmem>>
      %dma_start3A_461 = tpu.memref_squeeze %dma_start3A_460 : memref<1x80xi32, #tpu.memory_space<vmem>> -> memref<80xi32, #tpu.memory_space<vmem>>
      %dma_start3A_462 = arith.constant 0 : i32
      %dma_start3A_463 = arith.constant 0 : i32
      %dma_start3A_464 = tpu.memref_slice %arg2[%dma_start3A_462, %dma_start3A_463] : memref<10000x64xf32, #tpu.memory_space<hbm>> -> memref<10000x64xf32, #tpu.memory_space<hbm>>
      tpu.enqueue_indirect_dma source(%dma_start3A_464 : memref<10000x64xf32, #tpu.memory_space<hbm>>) target(%arg10 : memref<80x64xf32, #tpu.memory_space<vmem>>) offsets(%dma_start3A_461 : memref<80xi32, #tpu.memory_space<vmem>>) semaphore(%arg17 : memref<!tpu.dma_semaphore, #tpu.memory_space<semaphore_mem>>)
      %mul3A_465 = arith.constant 5 : i32
      %mul3A_466 = arith.muli %mul3A_465, %scan3A_366 : i32
      %add3A_467 = arith.constant 1 : i32
      %add3A_468 = arith.addi %mul3A_466, %add3A_467 : i32
      %dma_wait3A_469 = arith.constant 0 : i32
      %dma_wait3A_470 = tpu.memref_slice %arg9[%add3A_468, %dma_wait3A_469] : memref<130x80xi32, #tpu.memory_space<vmem>> -> memref<1x80xi32, #tpu.memory_space<vmem>>
      %dma_wait3A_471 = tpu.memref_squeeze %dma_wait3A_470 : memref<1x80xi32, #tpu.memory_space<vmem>> -> memref<80xi32, #tpu.memory_space<vmem>>
      %dma_wait3A_472 = arith.constant 0 : i32
      %dma_wait3A_473 = arith.constant 0 : i32
      %dma_wait3A_474 = tpu.memref_slice %arg16[%dma_wait3A_472, %dma_wait3A_473] : memref<10240x64xf32, #tpu.memory_space<vmem_shared>> -> memref<10240x64xf32, #tpu.memory_space<vmem_shared>>
      tpu.wait_indirect_dma semaphore(%arg23 : memref<!tpu.dma_semaphore, #tpu.memory_space<semaphore_mem>>) src(%arg11 : memref<80x64xf32, #tpu.memory_space<vmem>>) dst(%dma_wait3A_474 : memref<10240x64xf32, #tpu.memory_space<vmem_shared>>)
      %add3A_475 = arith.constant 5 : i32
      %add3A_476 = arith.addi %add3A_468, %add3A_475 : i32
      %dma_start3A_477 = arith.constant 0 : i32
      %dma_start3A_478 = tpu.memref_slice %arg8[%add3A_476, %dma_start3A_477] : memref<130x80xi32, #tpu.memory_space<vmem>> -> memref<1x80xi32, #tpu.memory_space<vmem>>
      %dma_start3A_479 = tpu.memref_squeeze %dma_start3A_478 : memref<1x80xi32, #tpu.memory_space<vmem>> -> memref<80xi32, #tpu.memory_space<vmem>>
      %dma_start3A_480 = arith.constant 0 : i32
      %dma_start3A_481 = arith.constant 0 : i32
      %dma_start3A_482 = tpu.memref_slice %arg2[%dma_start3A_480, %dma_start3A_481] : memref<10000x64xf32, #tpu.memory_space<hbm>> -> memref<10000x64xf32, #tpu.memory_space<hbm>>
      tpu.enqueue_indirect_dma source(%dma_start3A_482 : memref<10000x64xf32, #tpu.memory_space<hbm>>) target(%arg11 : memref<80x64xf32, #tpu.memory_space<vmem>>) offsets(%dma_start3A_479 : memref<80xi32, #tpu.memory_space<vmem>>) semaphore(%arg18 : memref<!tpu.dma_semaphore, #tpu.memory_space<semaphore_mem>>)
      %mul3A_483 = arith.constant 5 : i32
      %mul3A_484 = arith.muli %mul3A_483, %scan3A_366 : i32
      %add3A_485 = arith.constant 2 : i32
      %add3A_486 = arith.addi %mul3A_484, %add3A_485 : i32
      %dma_wait3A_487 = arith.constant 0 : i32
      %dma_wait3A_488 = tpu.memref_slice %arg9[%add3A_486, %dma_wait3A_487] : memref<130x80xi32, #tpu.memory_space<vmem>> -> memref<1x80xi32, #tpu.memory_space<vmem>>
      %dma_wait3A_489 = tpu.memref_squeeze %dma_wait3A_488 : memref<1x80xi32, #tpu.memory_space<vmem>> -> memref<80xi32, #tpu.memory_space<vmem>>
      %dma_wait3A_490 = arith.constant 0 : i32
      %dma_wait3A_491 = arith.constant 0 : i32
      %dma_wait3A_492 = tpu.memref_slice %arg16[%dma_wait3A_490, %dma_wait3A_491] : memref<10240x64xf32, #tpu.memory_space<vmem_shared>> -> memref<10240x64xf32, #tpu.memory_space<vmem_shared>>
      tpu.wait_indirect_dma semaphore(%arg24 : memref<!tpu.dma_semaphore, #tpu.memory_space<semaphore_mem>>) src(%arg12 : memref<80x64xf32, #tpu.memory_space<vmem>>) dst(%dma_wait3A_492 : memref<10240x64xf32, #tpu.memory_space<vmem_shared>>)
      %add3A_493 = arith.constant 5 : i32
      %add3A_494 = arith.addi %add3A_486, %add3A_493 : i32
      %dma_start3A_495 = arith.constant 0 : i32
      %dma_start3A_496 = tpu.memref_slice %arg8[%add3A_494, %dma_start3A_495] : memref<130x80xi32, #tpu.memory_space<vmem>> -> memref<1x80xi32, #tpu.memory_space<vmem>>
      %dma_start3A_497 = tpu.memref_squeeze %dma_start3A_496 : memref<1x80xi32, #tpu.memory_space<vmem>> -> memref<80xi32, #tpu.memory_space<vmem>>
      %dma_start3A_498 = arith.constant 0 : i32
      %dma_start3A_499 = arith.constant 0 : i32
      %dma_start3A_500 = tpu.memref_slice %arg2[%dma_start3A_498, %dma_start3A_499] : memref<10000x64xf32, #tpu.memory_space<hbm>> -> memref<10000x64xf32, #tpu.memory_space<hbm>>
      tpu.enqueue_indirect_dma source(%dma_start3A_500 : memref<10000x64xf32, #tpu.memory_space<hbm>>) target(%arg12 : memref<80x64xf32, #tpu.memory_space<vmem>>) offsets(%dma_start3A_497 : memref<80xi32, #tpu.memory_space<vmem>>) semaphore(%arg19 : memref<!tpu.dma_semaphore, #tpu.memory_space<semaphore_mem>>)
      %mul3A_501 = arith.constant 5 : i32
      %mul3A_502 = arith.muli %mul3A_501, %scan3A_366 : i32
      %add3A_503 = arith.constant 3 : i32
      %add3A_504 = arith.addi %mul3A_502, %add3A_503 : i32
      %dma_wait3A_505 = arith.constant 0 : i32
      %dma_wait3A_506 = tpu.memref_slice %arg9[%add3A_504, %dma_wait3A_505] : memref<130x80xi32, #tpu.memory_space<vmem>> -> memref<1x80xi32, #tpu.memory_space<vmem>>
      %dma_wait3A_507 = tpu.memref_squeeze %dma_wait3A_506 : memref<1x80xi32, #tpu.memory_space<vmem>> -> memref<80xi32, #tpu.memory_space<vmem>>
      %dma_wait3A_508 = arith.constant 0 : i32
      %dma_wait3A_509 = arith.constant 0 : i32
      %dma_wait3A_510 = tpu.memref_slice %arg16[%dma_wait3A_508, %dma_wait3A_509] : memref<10240x64xf32, #tpu.memory_space<vmem_shared>> -> memref<10240x64xf32, #tpu.memory_space<vmem_shared>>
      tpu.wait_indirect_dma semaphore(%arg25 : memref<!tpu.dma_semaphore, #tpu.memory_space<semaphore_mem>>) src(%arg13 : memref<80x64xf32, #tpu.memory_space<vmem>>) dst(%dma_wait3A_510 : memref<10240x64xf32, #tpu.memory_space<vmem_shared>>)
      %add3A_511 = arith.constant 5 : i32
      %add3A_512 = arith.addi %add3A_504, %add3A_511 : i32
      %dma_start3A_513 = arith.constant 0 : i32
      %dma_start3A_514 = tpu.memref_slice %arg8[%add3A_512, %dma_start3A_513] : memref<130x80xi32, #tpu.memory_space<vmem>> -> memref<1x80xi32, #tpu.memory_space<vmem>>
      %dma_start3A_515 = tpu.memref_squeeze %dma_start3A_514 : memref<1x80xi32, #tpu.memory_space<vmem>> -> memref<80xi32, #tpu.memory_space<vmem>>
      %dma_start3A_516 = arith.constant 0 : i32
      %dma_start3A_517 = arith.constant 0 : i32
      %dma_start3A_518 = tpu.memref_slice %arg2[%dma_start3A_516, %dma_start3A_517] : memref<10000x64xf32, #tpu.memory_space<hbm>> -> memref<10000x64xf32, #tpu.memory_space<hbm>>
      tpu.enqueue_indirect_dma source(%dma_start3A_518 : memref<10000x64xf32, #tpu.memory_space<hbm>>) target(%arg13 : memref<80x64xf32, #tpu.memory_space<vmem>>) offsets(%dma_start3A_515 : memref<80xi32, #tpu.memory_space<vmem>>) semaphore(%arg20 : memref<!tpu.dma_semaphore, #tpu.memory_space<semaphore_mem>>)
      %mul3A_519 = arith.constant 5 : i32
      %mul3A_520 = arith.muli %mul3A_519, %scan3A_366 : i32
      %add3A_521 = arith.constant 4 : i32
      %add3A_522 = arith.addi %mul3A_520, %add3A_521 : i32
      %dma_wait3A_523 = arith.constant 0 : i32
      %dma_wait3A_524 = tpu.memref_slice %arg9[%add3A_522, %dma_wait3A_523] : memref<130x80xi32, #tpu.memory_space<vmem>> -> memref<1x80xi32, #tpu.memory_space<vmem>>
      %dma_wait3A_525 = tpu.memref_squeeze %dma_wait3A_524 : memref<1x80xi32, #tpu.memory_space<vmem>> -> memref<80xi32, #tpu.memory_space<vmem>>
      %dma_wait3A_526 = arith.constant 0 : i32
      %dma_wait3A_527 = arith.constant 0 : i32
      %dma_wait3A_528 = tpu.memref_slice %arg16[%dma_wait3A_526, %dma_wait3A_527] : memref<10240x64xf32, #tpu.memory_space<vmem_shared>> -> memref<10240x64xf32, #tpu.memory_space<vmem_shared>>
      tpu.wait_indirect_dma semaphore(%arg26 : memref<!tpu.dma_semaphore, #tpu.memory_space<semaphore_mem>>) src(%arg14 : memref<80x64xf32, #tpu.memory_space<vmem>>) dst(%dma_wait3A_528 : memref<10240x64xf32, #tpu.memory_space<vmem_shared>>)
      %add3A_529 = arith.constant 5 : i32
      %add3A_530 = arith.addi %add3A_522, %add3A_529 : i32
      %dma_start3A_531 = arith.constant 0 : i32
      %dma_start3A_532 = tpu.memref_slice %arg8[%add3A_530, %dma_start3A_531] : memref<130x80xi32, #tpu.memory_space<vmem>> -> memref<1x80xi32, #tpu.memory_space<vmem>>
      %dma_start3A_533 = tpu.memref_squeeze %dma_start3A_532 : memref<1x80xi32, #tpu.memory_space<vmem>> -> memref<80xi32, #tpu.memory_space<vmem>>
      %dma_start3A_534 = arith.constant 0 : i32
      %dma_start3A_535 = arith.constant 0 : i32
      %dma_start3A_536 = tpu.memref_slice %arg2[%dma_start3A_534, %dma_start3A_535] : memref<10000x64xf32, #tpu.memory_space<hbm>> -> memref<10000x64xf32, #tpu.memory_space<hbm>>
      tpu.enqueue_indirect_dma source(%dma_start3A_536 : memref<10000x64xf32, #tpu.memory_space<hbm>>) target(%arg14 : memref<80x64xf32, #tpu.memory_space<vmem>>) offsets(%dma_start3A_533 : memref<80xi32, #tpu.memory_space<vmem>>) semaphore(%arg21 : memref<!tpu.dma_semaphore, #tpu.memory_space<semaphore_mem>>)
    }
    %scan3A_55 = arith.constant 25 : i32
    %dma_wait3A = arith.constant 125 : i32
    %dma_wait3A_56 = arith.constant 0 : i32
    %dma_wait3A_57 = tpu.memref_slice %arg8[%dma_wait3A, %dma_wait3A_56] : memref<130x80xi32, #tpu.memory_space<vmem>> -> memref<1x80xi32, #tpu.memory_space<vmem>>
    %dma_wait3A_58 = tpu.memref_squeeze %dma_wait3A_57 : memref<1x80xi32, #tpu.memory_space<vmem>> -> memref<80xi32, #tpu.memory_space<vmem>>
    %dma_wait3A_59 = arith.constant 0 : i32
    %dma_wait3A_60 = arith.constant 0 : i32
    %dma_wait3A_61 = tpu.memref_slice %arg2[%dma_wait3A_59, %dma_wait3A_60] : memref<10000x64xf32, #tpu.memory_space<hbm>> -> memref<10000x64xf32, #tpu.memory_space<hbm>>
    tpu.wait_indirect_dma semaphore(%arg17 : memref<!tpu.dma_semaphore, #tpu.memory_space<semaphore_mem>>) src(%dma_wait3A_61 : memref<10000x64xf32, #tpu.memory_space<hbm>>) dst(%arg10 : memref<80x64xf32, #tpu.memory_space<vmem>>)
    %dma_start3A_62 = arith.constant 125 : i32
    %dma_start3A_63 = arith.constant 0 : i32
    %dma_start3A_64 = tpu.memref_slice %arg9[%dma_start3A_62, %dma_start3A_63] : memref<130x80xi32, #tpu.memory_space<vmem>> -> memref<1x80xi32, #tpu.memory_space<vmem>>
    %dma_start3A_65 = tpu.memref_squeeze %dma_start3A_64 : memref<1x80xi32, #tpu.memory_space<vmem>> -> memref<80xi32, #tpu.memory_space<vmem>>
    %dma_start3A_66 = arith.constant 0 : i32
    %dma_start3A_67 = arith.constant 0 : i32
    %dma_start3A_68 = tpu.memref_slice %arg16[%dma_start3A_66, %dma_start3A_67] : memref<10240x64xf32, #tpu.memory_space<vmem_shared>> -> memref<10240x64xf32, #tpu.memory_space<vmem_shared>>
    tpu.enqueue_indirect_dma source(%arg10 : memref<80x64xf32, #tpu.memory_space<vmem>>) target(%dma_start3A_68 : memref<10240x64xf32, #tpu.memory_space<vmem_shared>>) offsets(%dma_start3A_65 : memref<80xi32, #tpu.memory_space<vmem>>) semaphore(%arg22 : memref<!tpu.dma_semaphore, #tpu.memory_space<semaphore_mem>>) {add = true}
    %dma_wait3A_69 = arith.constant 126 : i32
    %dma_wait3A_70 = arith.constant 0 : i32
    %dma_wait3A_71 = tpu.memref_slice %arg8[%dma_wait3A_69, %dma_wait3A_70] : memref<130x80xi32, #tpu.memory_space<vmem>> -> memref<1x80xi32, #tpu.memory_space<vmem>>
    %dma_wait3A_72 = tpu.memref_squeeze %dma_wait3A_71 : memref<1x80xi32, #tpu.memory_space<vmem>> -> memref<80xi32, #tpu.memory_space<vmem>>
    %dma_wait3A_73 = arith.constant 0 : i32
    %dma_wait3A_74 = arith.constant 0 : i32
    %dma_wait3A_75 = tpu.memref_slice %arg2[%dma_wait3A_73, %dma_wait3A_74] : memref<10000x64xf32, #tpu.memory_space<hbm>> -> memref<10000x64xf32, #tpu.memory_space<hbm>>
    tpu.wait_indirect_dma semaphore(%arg18 : memref<!tpu.dma_semaphore, #tpu.memory_space<semaphore_mem>>) src(%dma_wait3A_75 : memref<10000x64xf32, #tpu.memory_space<hbm>>) dst(%arg11 : memref<80x64xf32, #tpu.memory_space<vmem>>)
    %dma_start3A_76 = arith.constant 126 : i32
    %dma_start3A_77 = arith.constant 0 : i32
    %dma_start3A_78 = tpu.memref_slice %arg9[%dma_start3A_76, %dma_start3A_77] : memref<130x80xi32, #tpu.memory_space<vmem>> -> memref<1x80xi32, #tpu.memory_space<vmem>>
    %dma_start3A_79 = tpu.memref_squeeze %dma_start3A_78 : memref<1x80xi32, #tpu.memory_space<vmem>> -> memref<80xi32, #tpu.memory_space<vmem>>
    %dma_start3A_80 = arith.constant 0 : i32
    %dma_start3A_81 = arith.constant 0 : i32
    %dma_start3A_82 = tpu.memref_slice %arg16[%dma_start3A_80, %dma_start3A_81] : memref<10240x64xf32, #tpu.memory_space<vmem_shared>> -> memref<10240x64xf32, #tpu.memory_space<vmem_shared>>
    tpu.enqueue_indirect_dma source(%arg11 : memref<80x64xf32, #tpu.memory_space<vmem>>) target(%dma_start3A_82 : memref<10240x64xf32, #tpu.memory_space<vmem_shared>>) offsets(%dma_start3A_79 : memref<80xi32, #tpu.memory_space<vmem>>) semaphore(%arg23 : memref<!tpu.dma_semaphore, #tpu.memory_space<semaphore_mem>>) {add = true}
    %dma_wait3A_83 = arith.constant 127 : i32
    %dma_wait3A_84 = arith.constant 0 : i32
    %dma_wait3A_85 = tpu.memref_slice %arg8[%dma_wait3A_83, %dma_wait3A_84] : memref<130x80xi32, #tpu.memory_space<vmem>> -> memref<1x80xi32, #tpu.memory_space<vmem>>
    %dma_wait3A_86 = tpu.memref_squeeze %dma_wait3A_85 : memref<1x80xi32, #tpu.memory_space<vmem>> -> memref<80xi32, #tpu.memory_space<vmem>>
    %dma_wait3A_87 = arith.constant 0 : i32
    %dma_wait3A_88 = arith.constant 0 : i32
    %dma_wait3A_89 = tpu.memref_slice %arg2[%dma_wait3A_87, %dma_wait3A_88] : memref<10000x64xf32, #tpu.memory_space<hbm>> -> memref<10000x64xf32, #tpu.memory_space<hbm>>
    tpu.wait_indirect_dma semaphore(%arg19 : memref<!tpu.dma_semaphore, #tpu.memory_space<semaphore_mem>>) src(%dma_wait3A_89 : memref<10000x64xf32, #tpu.memory_space<hbm>>) dst(%arg12 : memref<80x64xf32, #tpu.memory_space<vmem>>)
    %dma_start3A_90 = arith.constant 127 : i32
    %dma_start3A_91 = arith.constant 0 : i32
    %dma_start3A_92 = tpu.memref_slice %arg9[%dma_start3A_90, %dma_start3A_91] : memref<130x80xi32, #tpu.memory_space<vmem>> -> memref<1x80xi32, #tpu.memory_space<vmem>>
    %dma_start3A_93 = tpu.memref_squeeze %dma_start3A_92 : memref<1x80xi32, #tpu.memory_space<vmem>> -> memref<80xi32, #tpu.memory_space<vmem>>
    %dma_start3A_94 = arith.constant 0 : i32
    %dma_start3A_95 = arith.constant 0 : i32
    %dma_start3A_96 = tpu.memref_slice %arg16[%dma_start3A_94, %dma_start3A_95] : memref<10240x64xf32, #tpu.memory_space<vmem_shared>> -> memref<10240x64xf32, #tpu.memory_space<vmem_shared>>
    tpu.enqueue_indirect_dma source(%arg12 : memref<80x64xf32, #tpu.memory_space<vmem>>) target(%dma_start3A_96 : memref<10240x64xf32, #tpu.memory_space<vmem_shared>>) offsets(%dma_start3A_93 : memref<80xi32, #tpu.memory_space<vmem>>) semaphore(%arg24 : memref<!tpu.dma_semaphore, #tpu.memory_space<semaphore_mem>>) {add = true}
    %dma_wait3A_97 = arith.constant 128 : i32
    %dma_wait3A_98 = arith.constant 0 : i32
    %dma_wait3A_99 = tpu.memref_slice %arg8[%dma_wait3A_97, %dma_wait3A_98] : memref<130x80xi32, #tpu.memory_space<vmem>> -> memref<1x80xi32, #tpu.memory_space<vmem>>
    %dma_wait3A_100 = tpu.memref_squeeze %dma_wait3A_99 : memref<1x80xi32, #tpu.memory_space<vmem>> -> memref<80xi32, #tpu.memory_space<vmem>>
    %dma_wait3A_101 = arith.constant 0 : i32
    %dma_wait3A_102 = arith.constant 0 : i32
    %dma_wait3A_103 = tpu.memref_slice %arg2[%dma_wait3A_101, %dma_wait3A_102] : memref<10000x64xf32, #tpu.memory_space<hbm>> -> memref<10000x64xf32, #tpu.memory_space<hbm>>
    tpu.wait_indirect_dma semaphore(%arg20 : memref<!tpu.dma_semaphore, #tpu.memory_space<semaphore_mem>>) src(%dma_wait3A_103 : memref<10000x64xf32, #tpu.memory_space<hbm>>) dst(%arg13 : memref<80x64xf32, #tpu.memory_space<vmem>>)
    %dma_start3A_104 = arith.constant 128 : i32
    %dma_start3A_105 = arith.constant 0 : i32
    %dma_start3A_106 = tpu.memref_slice %arg9[%dma_start3A_104, %dma_start3A_105] : memref<130x80xi32, #tpu.memory_space<vmem>> -> memref<1x80xi32, #tpu.memory_space<vmem>>
    %dma_start3A_107 = tpu.memref_squeeze %dma_start3A_106 : memref<1x80xi32, #tpu.memory_space<vmem>> -> memref<80xi32, #tpu.memory_space<vmem>>
    %dma_start3A_108 = arith.constant 0 : i32
    %dma_start3A_109 = arith.constant 0 : i32
    %dma_start3A_110 = tpu.memref_slice %arg16[%dma_start3A_108, %dma_start3A_109] : memref<10240x64xf32, #tpu.memory_space<vmem_shared>> -> memref<10240x64xf32, #tpu.memory_space<vmem_shared>>
    tpu.enqueue_indirect_dma source(%arg13 : memref<80x64xf32, #tpu.memory_space<vmem>>) target(%dma_start3A_110 : memref<10240x64xf32, #tpu.memory_space<vmem_shared>>) offsets(%dma_start3A_107 : memref<80xi32, #tpu.memory_space<vmem>>) semaphore(%arg25 : memref<!tpu.dma_semaphore, #tpu.memory_space<semaphore_mem>>) {add = true}
    %dma_wait3A_111 = arith.constant 129 : i32
    %dma_wait3A_112 = arith.constant 0 : i32
    %dma_wait3A_113 = tpu.memref_slice %arg8[%dma_wait3A_111, %dma_wait3A_112] : memref<130x80xi32, #tpu.memory_space<vmem>> -> memref<1x80xi32, #tpu.memory_space<vmem>>
    %dma_wait3A_114 = tpu.memref_squeeze %dma_wait3A_113 : memref<1x80xi32, #tpu.memory_space<vmem>> -> memref<80xi32, #tpu.memory_space<vmem>>
    %dma_wait3A_115 = arith.constant 0 : i32
    %dma_wait3A_116 = arith.constant 0 : i32
    %dma_wait3A_117 = tpu.memref_slice %arg2[%dma_wait3A_115, %dma_wait3A_116] : memref<10000x64xf32, #tpu.memory_space<hbm>> -> memref<10000x64xf32, #tpu.memory_space<hbm>>
    tpu.wait_indirect_dma semaphore(%arg21 : memref<!tpu.dma_semaphore, #tpu.memory_space<semaphore_mem>>) src(%dma_wait3A_117 : memref<10000x64xf32, #tpu.memory_space<hbm>>) dst(%arg14 : memref<80x64xf32, #tpu.memory_space<vmem>>)
    %dma_start3A_118 = arith.constant 129 : i32
    %dma_start3A_119 = arith.constant 0 : i32
    %dma_start3A_120 = tpu.memref_slice %arg9[%dma_start3A_118, %dma_start3A_119] : memref<130x80xi32, #tpu.memory_space<vmem>> -> memref<1x80xi32, #tpu.memory_space<vmem>>
    %dma_start3A_121 = tpu.memref_squeeze %dma_start3A_120 : memref<1x80xi32, #tpu.memory_space<vmem>> -> memref<80xi32, #tpu.memory_space<vmem>>
    %dma_start3A_122 = arith.constant 0 : i32
    %dma_start3A_123 = arith.constant 0 : i32
    %dma_start3A_124 = tpu.memref_slice %arg16[%dma_start3A_122, %dma_start3A_123] : memref<10240x64xf32, #tpu.memory_space<vmem_shared>> -> memref<10240x64xf32, #tpu.memory_space<vmem_shared>>
    tpu.enqueue_indirect_dma source(%arg14 : memref<80x64xf32, #tpu.memory_space<vmem>>) target(%dma_start3A_124 : memref<10240x64xf32, #tpu.memory_space<vmem_shared>>) offsets(%dma_start3A_121 : memref<80xi32, #tpu.memory_space<vmem>>) semaphore(%arg26 : memref<!tpu.dma_semaphore, #tpu.memory_space<semaphore_mem>>) {add = true}
    %dma_wait3A_125 = arith.constant 125 : i32
    %dma_wait3A_126 = arith.constant 0 : i32
    %dma_wait3A_127 = tpu.memref_slice %arg9[%dma_wait3A_125, %dma_wait3A_126] : memref<130x80xi32, #tpu.memory_space<vmem>> -> memref<1x80xi32, #tpu.memory_space<vmem>>
    %dma_wait3A_128 = tpu.memref_squeeze %dma_wait3A_127 : memref<1x80xi32, #tpu.memory_space<vmem>> -> memref<80xi32, #tpu.memory_space<vmem>>
    %dma_wait3A_129 = arith.constant 0 : i32
    %dma_wait3A_130 = arith.constant 0 : i32
    %dma_wait3A_131 = tpu.memref_slice %arg16[%dma_wait3A_129, %dma_wait3A_130] : memref<10240x64xf32, #tpu.memory_space<vmem_shared>> -> memref<10240x64xf32, #tpu.memory_space<vmem_shared>>
    tpu.wait_indirect_dma semaphore(%arg22 : memref<!tpu.dma_semaphore, #tpu.memory_space<semaphore_mem>>) src(%arg10 : memref<80x64xf32, #tpu.memory_space<vmem>>) dst(%dma_wait3A_131 : memref<10240x64xf32, #tpu.memory_space<vmem_shared>>)
    %dma_wait3A_132 = arith.constant 126 : i32
    %dma_wait3A_133 = arith.constant 0 : i32
    %dma_wait3A_134 = tpu.memref_slice %arg9[%dma_wait3A_132, %dma_wait3A_133] : memref<130x80xi32, #tpu.memory_space<vmem>> -> memref<1x80xi32, #tpu.memory_space<vmem>>
    %dma_wait3A_135 = tpu.memref_squeeze %dma_wait3A_134 : memref<1x80xi32, #tpu.memory_space<vmem>> -> memref<80xi32, #tpu.memory_space<vmem>>
    %dma_wait3A_136 = arith.constant 0 : i32
    %dma_wait3A_137 = arith.constant 0 : i32
    %dma_wait3A_138 = tpu.memref_slice %arg16[%dma_wait3A_136, %dma_wait3A_137] : memref<10240x64xf32, #tpu.memory_space<vmem_shared>> -> memref<10240x64xf32, #tpu.memory_space<vmem_shared>>
    tpu.wait_indirect_dma semaphore(%arg23 : memref<!tpu.dma_semaphore, #tpu.memory_space<semaphore_mem>>) src(%arg11 : memref<80x64xf32, #tpu.memory_space<vmem>>) dst(%dma_wait3A_138 : memref<10240x64xf32, #tpu.memory_space<vmem_shared>>)
    %dma_wait3A_139 = arith.constant 127 : i32
    %dma_wait3A_140 = arith.constant 0 : i32
    %dma_wait3A_141 = tpu.memref_slice %arg9[%dma_wait3A_139, %dma_wait3A_140] : memref<130x80xi32, #tpu.memory_space<vmem>> -> memref<1x80xi32, #tpu.memory_space<vmem>>
    %dma_wait3A_142 = tpu.memref_squeeze %dma_wait3A_141 : memref<1x80xi32, #tpu.memory_space<vmem>> -> memref<80xi32, #tpu.memory_space<vmem>>
    %dma_wait3A_143 = arith.constant 0 : i32
    %dma_wait3A_144 = arith.constant 0 : i32
    %dma_wait3A_145 = tpu.memref_slice %arg16[%dma_wait3A_143, %dma_wait3A_144] : memref<10240x64xf32, #tpu.memory_space<vmem_shared>> -> memref<10240x64xf32, #tpu.memory_space<vmem_shared>>
    tpu.wait_indirect_dma semaphore(%arg24 : memref<!tpu.dma_semaphore, #tpu.memory_space<semaphore_mem>>) src(%arg12 : memref<80x64xf32, #tpu.memory_space<vmem>>) dst(%dma_wait3A_145 : memref<10240x64xf32, #tpu.memory_space<vmem_shared>>)
    %dma_wait3A_146 = arith.constant 128 : i32
    %dma_wait3A_147 = arith.constant 0 : i32
    %dma_wait3A_148 = tpu.memref_slice %arg9[%dma_wait3A_146, %dma_wait3A_147] : memref<130x80xi32, #tpu.memory_space<vmem>> -> memref<1x80xi32, #tpu.memory_space<vmem>>
    %dma_wait3A_149 = tpu.memref_squeeze %dma_wait3A_148 : memref<1x80xi32, #tpu.memory_space<vmem>> -> memref<80xi32, #tpu.memory_space<vmem>>
    %dma_wait3A_150 = arith.constant 0 : i32
    %dma_wait3A_151 = arith.constant 0 : i32
    %dma_wait3A_152 = tpu.memref_slice %arg16[%dma_wait3A_150, %dma_wait3A_151] : memref<10240x64xf32, #tpu.memory_space<vmem_shared>> -> memref<10240x64xf32, #tpu.memory_space<vmem_shared>>
    tpu.wait_indirect_dma semaphore(%arg25 : memref<!tpu.dma_semaphore, #tpu.memory_space<semaphore_mem>>) src(%arg13 : memref<80x64xf32, #tpu.memory_space<vmem>>) dst(%dma_wait3A_152 : memref<10240x64xf32, #tpu.memory_space<vmem_shared>>)
    %dma_wait3A_153 = arith.constant 129 : i32
    %dma_wait3A_154 = arith.constant 0 : i32
    %dma_wait3A_155 = tpu.memref_slice %arg9[%dma_wait3A_153, %dma_wait3A_154] : memref<130x80xi32, #tpu.memory_space<vmem>> -> memref<1x80xi32, #tpu.memory_space<vmem>>
    %dma_wait3A_156 = tpu.memref_squeeze %dma_wait3A_155 : memref<1x80xi32, #tpu.memory_space<vmem>> -> memref<80xi32, #tpu.memory_space<vmem>>
    %dma_wait3A_157 = arith.constant 0 : i32
    %dma_wait3A_158 = arith.constant 0 : i32
    %dma_wait3A_159 = tpu.memref_slice %arg16[%dma_wait3A_157, %dma_wait3A_158] : memref<10240x64xf32, #tpu.memory_space<vmem_shared>> -> memref<10240x64xf32, #tpu.memory_space<vmem_shared>>
    tpu.wait_indirect_dma semaphore(%arg26 : memref<!tpu.dma_semaphore, #tpu.memory_space<semaphore_mem>>) src(%arg14 : memref<80x64xf32, #tpu.memory_space<vmem>>) dst(%dma_wait3A_159 : memref<10240x64xf32, #tpu.memory_space<vmem_shared>>)
    %barrier3A_160 = arith.constant 0 : index
    tpu.barrier barrier_id(%barrier3A_160)
    %mul3A_161 = arith.constant 640 : i32
    %mul3A_162 = arith.muli %arg1, %mul3A_161 : i32
    %add3A_163 = arith.constant 0 : i32
    %add3A_164 = arith.addi %mul3A_162, %add3A_163 : i32
    "tpu.region"() ({
      %run_scoped3A_366 = tpu.sem_alloc : memref<!tpu.dma_semaphore, #tpu.memory_space<semaphore_mem>>
      %dma_start3A_367 = arith.constant 0 : i32
      %dma_start3A_368 = tpu.memref_slice %arg16[%add3A_164, %dma_start3A_367] : memref<10240x64xf32, #tpu.memory_space<vmem_shared>> -> memref<160x64xf32, #tpu.memory_space<vmem_shared>>
      %dma_start3A_369 = arith.constant 0 : i32
      %dma_start3A_370 = tpu.memref_slice %arg16[%add3A_164, %dma_start3A_369] : memref<10240x64xf32, #tpu.memory_space<vmem_shared>> -> memref<160x64xf32, #tpu.memory_space<vmem_shared>>
      tpu.enqueue_dma source(%dma_start3A_370 : memref<160x64xf32, #tpu.memory_space<vmem_shared>>) target(%arg15 : memref<160x64xf32, #tpu.memory_space<vmem>>) target_semaphore(%run_scoped3A_366 : memref<!tpu.dma_semaphore, #tpu.memory_space<semaphore_mem>>)
      %dma_wait3A_371 = arith.constant 0 : i32
      %dma_wait3A_372 = tpu.memref_slice %arg16[%add3A_164, %dma_wait3A_371] : memref<10240x64xf32, #tpu.memory_space<vmem_shared>> -> memref<160x64xf32, #tpu.memory_space<vmem_shared>>
      %dma_wait3A_373 = arith.constant 0 : i32
      %dma_wait3A_374 = tpu.memref_slice %arg16[%add3A_164, %dma_wait3A_373] : memref<10240x64xf32, #tpu.memory_space<vmem_shared>> -> memref<160x64xf32, #tpu.memory_space<vmem_shared>>
      tpu.wait_dma2 semaphore(%run_scoped3A_366 : memref<!tpu.dma_semaphore, #tpu.memory_space<semaphore_mem>>) src(%dma_wait3A_374 : memref<160x64xf32, #tpu.memory_space<vmem_shared>>) dst(%arg15 : memref<160x64xf32, #tpu.memory_space<vmem>>)
      tpu.yield
    }) : () -> ()
    %run_scoped3A = arith.constant 0 : i32
    "tpu.region"() ({
      %run_scoped3A_366 = tpu.sem_alloc : memref<!tpu.dma_semaphore, #tpu.memory_space<semaphore_mem>>
      %dma_start3A_367 = arith.constant 0 : i32
      %dma_start3A_368 = arith.constant 0 : i32
      %dma_start3A_369 = tpu.memref_slice %arg7[%run_scoped3A, %arg0, %arg1, %dma_start3A_367, %dma_start3A_368] : memref<2x2x16x640x64xf32, #tpu.memory_space<hbm>> -> memref<1x1x1x160x64xf32, #tpu.memory_space<hbm>>
      %dma_start3A_370 = tpu.memref_squeeze %dma_start3A_369 : memref<1x1x1x160x64xf32, #tpu.memory_space<hbm>> -> memref<160x64xf32, #tpu.memory_space<hbm>>
      %dma_start3A_371 = arith.constant 0 : i32
      %dma_start3A_372 = arith.constant 0 : i32
      %dma_start3A_373 = tpu.memref_slice %arg7[%run_scoped3A, %arg0, %arg1, %dma_start3A_371, %dma_start3A_372] : memref<2x2x16x640x64xf32, #tpu.memory_space<hbm>> -> memref<1x1x1x160x64xf32, #tpu.memory_space<hbm>>
      %dma_start3A_374 = tpu.memref_squeeze %dma_start3A_373 : memref<1x1x1x160x64xf32, #tpu.memory_space<hbm>> -> memref<160x64xf32, #tpu.memory_space<hbm>>
      tpu.enqueue_dma source(%arg15 : memref<160x64xf32, #tpu.memory_space<vmem>>) target(%dma_start3A_374 : memref<160x64xf32, #tpu.memory_space<hbm>>) target_semaphore(%run_scoped3A_366 : memref<!tpu.dma_semaphore, #tpu.memory_space<semaphore_mem>>)
      %dma_wait3A_375 = arith.constant 0 : i32
      %dma_wait3A_376 = arith.constant 0 : i32
      %dma_wait3A_377 = tpu.memref_slice %arg7[%run_scoped3A, %arg0, %arg1, %dma_wait3A_375, %dma_wait3A_376] : memref<2x2x16x640x64xf32, #tpu.memory_space<hbm>> -> memref<1x1x1x160x64xf32, #tpu.memory_space<hbm>>
      %dma_wait3A_378 = tpu.memref_squeeze %dma_wait3A_377 : memref<1x1x1x160x64xf32, #tpu.memory_space<hbm>> -> memref<160x64xf32, #tpu.memory_space<hbm>>
      %dma_wait3A_379 = arith.constant 0 : i32
      %dma_wait3A_380 = arith.constant 0 : i32
      %dma_wait3A_381 = tpu.memref_slice %arg7[%run_scoped3A, %arg0, %arg1, %dma_wait3A_379, %dma_wait3A_380] : memref<2x2x16x640x64xf32, #tpu.memory_space<hbm>> -> memref<1x1x1x160x64xf32, #tpu.memory_space<hbm>>
      %dma_wait3A_382 = tpu.memref_squeeze %dma_wait3A_381 : memref<1x1x1x160x64xf32, #tpu.memory_space<hbm>> -> memref<160x64xf32, #tpu.memory_space<hbm>>
      tpu.wait_dma2 semaphore(%run_scoped3A_366 : memref<!tpu.dma_semaphore, #tpu.memory_space<semaphore_mem>>) src(%arg15 : memref<160x64xf32, #tpu.memory_space<vmem>>) dst(%dma_wait3A_382 : memref<160x64xf32, #tpu.memory_space<hbm>>)
      tpu.yield
    }) : () -> ()
    %mul3A_165 = arith.constant 640 : i32
    %mul3A_166 = arith.muli %arg1, %mul3A_165 : i32
    %add3A_167 = arith.constant 160 : i32
    %add3A_168 = arith.addi %mul3A_166, %add3A_167 : i32
    "tpu.region"() ({
      %run_scoped3A_366 = tpu.sem_alloc : memref<!tpu.dma_semaphore, #tpu.memory_space<semaphore_mem>>
      %dma_start3A_367 = arith.constant 0 : i32
      %dma_start3A_368 = tpu.memref_slice %arg16[%add3A_168, %dma_start3A_367] : memref<10240x64xf32, #tpu.memory_space<vmem_shared>> -> memref<160x64xf32, #tpu.memory_space<vmem_shared>>
      %dma_start3A_369 = arith.constant 0 : i32
      %dma_start3A_370 = tpu.memref_slice %arg16[%add3A_168, %dma_start3A_369] : memref<10240x64xf32, #tpu.memory_space<vmem_shared>> -> memref<160x64xf32, #tpu.memory_space<vmem_shared>>
      tpu.enqueue_dma source(%dma_start3A_370 : memref<160x64xf32, #tpu.memory_space<vmem_shared>>) target(%arg15 : memref<160x64xf32, #tpu.memory_space<vmem>>) target_semaphore(%run_scoped3A_366 : memref<!tpu.dma_semaphore, #tpu.memory_space<semaphore_mem>>)
      %dma_wait3A_371 = arith.constant 0 : i32
      %dma_wait3A_372 = tpu.memref_slice %arg16[%add3A_168, %dma_wait3A_371] : memref<10240x64xf32, #tpu.memory_space<vmem_shared>> -> memref<160x64xf32, #tpu.memory_space<vmem_shared>>
      %dma_wait3A_373 = arith.constant 0 : i32
      %dma_wait3A_374 = tpu.memref_slice %arg16[%add3A_168, %dma_wait3A_373] : memref<10240x64xf32, #tpu.memory_space<vmem_shared>> -> memref<160x64xf32, #tpu.memory_space<vmem_shared>>
      tpu.wait_dma2 semaphore(%run_scoped3A_366 : memref<!tpu.dma_semaphore, #tpu.memory_space<semaphore_mem>>) src(%dma_wait3A_374 : memref<160x64xf32, #tpu.memory_space<vmem_shared>>) dst(%arg15 : memref<160x64xf32, #tpu.memory_space<vmem>>)
      tpu.yield
    }) : () -> ()
    %run_scoped3A_169 = arith.constant 0 : i32
    "tpu.region"() ({
      %run_scoped3A_366 = tpu.sem_alloc : memref<!tpu.dma_semaphore, #tpu.memory_space<semaphore_mem>>
      %dma_start3A_367 = arith.constant 160 : i32
      %dma_start3A_368 = arith.constant 0 : i32
      %dma_start3A_369 = tpu.memref_slice %arg7[%run_scoped3A_169, %arg0, %arg1, %dma_start3A_367, %dma_start3A_368] : memref<2x2x16x640x64xf32, #tpu.memory_space<hbm>> -> memref<1x1x1x160x64xf32, #tpu.memory_space<hbm>>
      %dma_start3A_370 = tpu.memref_squeeze %dma_start3A_369 : memref<1x1x1x160x64xf32, #tpu.memory_space<hbm>> -> memref<160x64xf32, #tpu.memory_space<hbm>>
      %dma_start3A_371 = arith.constant 160 : i32
      %dma_start3A_372 = arith.constant 0 : i32
      %dma_start3A_373 = tpu.memref_slice %arg7[%run_scoped3A_169, %arg0, %arg1, %dma_start3A_371, %dma_start3A_372] : memref<2x2x16x640x64xf32, #tpu.memory_space<hbm>> -> memref<1x1x1x160x64xf32, #tpu.memory_space<hbm>>
      %dma_start3A_374 = tpu.memref_squeeze %dma_start3A_373 : memref<1x1x1x160x64xf32, #tpu.memory_space<hbm>> -> memref<160x64xf32, #tpu.memory_space<hbm>>
      tpu.enqueue_dma source(%arg15 : memref<160x64xf32, #tpu.memory_space<vmem>>) target(%dma_start3A_374 : memref<160x64xf32, #tpu.memory_space<hbm>>) target_semaphore(%run_scoped3A_366 : memref<!tpu.dma_semaphore, #tpu.memory_space<semaphore_mem>>)
      %dma_wait3A_375 = arith.constant 160 : i32
      %dma_wait3A_376 = arith.constant 0 : i32
      %dma_wait3A_377 = tpu.memref_slice %arg7[%run_scoped3A_169, %arg0, %arg1, %dma_wait3A_375, %dma_wait3A_376] : memref<2x2x16x640x64xf32, #tpu.memory_space<hbm>> -> memref<1x1x1x160x64xf32, #tpu.memory_space<hbm>>
      %dma_wait3A_378 = tpu.memref_squeeze %dma_wait3A_377 : memref<1x1x1x160x64xf32, #tpu.memory_space<hbm>> -> memref<160x64xf32, #tpu.memory_space<hbm>>
      %dma_wait3A_379 = arith.constant 160 : i32
      %dma_wait3A_380 = arith.constant 0 : i32
      %dma_wait3A_381 = tpu.memref_slice %arg7[%run_scoped3A_169, %arg0, %arg1, %dma_wait3A_379, %dma_wait3A_380] : memref<2x2x16x640x64xf32, #tpu.memory_space<hbm>> -> memref<1x1x1x160x64xf32, #tpu.memory_space<hbm>>
      %dma_wait3A_382 = tpu.memref_squeeze %dma_wait3A_381 : memref<1x1x1x160x64xf32, #tpu.memory_space<hbm>> -> memref<160x64xf32, #tpu.memory_space<hbm>>
      tpu.wait_dma2 semaphore(%run_scoped3A_366 : memref<!tpu.dma_semaphore, #tpu.memory_space<semaphore_mem>>) src(%arg15 : memref<160x64xf32, #tpu.memory_space<vmem>>) dst(%dma_wait3A_382 : memref<160x64xf32, #tpu.memory_space<hbm>>)
      tpu.yield
    }) : () -> ()
    %mul3A_170 = arith.constant 640 : i32
    %mul3A_171 = arith.muli %arg1, %mul3A_170 : i32
    %add3A_172 = arith.constant 320 : i32
    %add3A_173 = arith.addi %mul3A_171, %add3A_172 : i32
    "tpu.region"() ({
      %run_scoped3A_366 = tpu.sem_alloc : memref<!tpu.dma_semaphore, #tpu.memory_space<semaphore_mem>>
      %dma_start3A_367 = arith.constant 0 : i32
      %dma_start3A_368 = tpu.memref_slice %arg16[%add3A_173, %dma_start3A_367] : memref<10240x64xf32, #tpu.memory_space<vmem_shared>> -> memref<160x64xf32, #tpu.memory_space<vmem_shared>>
      %dma_start3A_369 = arith.constant 0 : i32
      %dma_start3A_370 = tpu.memref_slice %arg16[%add3A_173, %dma_start3A_369] : memref<10240x64xf32, #tpu.memory_space<vmem_shared>> -> memref<160x64xf32, #tpu.memory_space<vmem_shared>>
      tpu.enqueue_dma source(%dma_start3A_370 : memref<160x64xf32, #tpu.memory_space<vmem_shared>>) target(%arg15 : memref<160x64xf32, #tpu.memory_space<vmem>>) target_semaphore(%run_scoped3A_366 : memref<!tpu.dma_semaphore, #tpu.memory_space<semaphore_mem>>)
      %dma_wait3A_371 = arith.constant 0 : i32
      %dma_wait3A_372 = tpu.memref_slice %arg16[%add3A_173, %dma_wait3A_371] : memref<10240x64xf32, #tpu.memory_space<vmem_shared>> -> memref<160x64xf32, #tpu.memory_space<vmem_shared>>
      %dma_wait3A_373 = arith.constant 0 : i32
      %dma_wait3A_374 = tpu.memref_slice %arg16[%add3A_173, %dma_wait3A_373] : memref<10240x64xf32, #tpu.memory_space<vmem_shared>> -> memref<160x64xf32, #tpu.memory_space<vmem_shared>>
      tpu.wait_dma2 semaphore(%run_scoped3A_366 : memref<!tpu.dma_semaphore, #tpu.memory_space<semaphore_mem>>) src(%dma_wait3A_374 : memref<160x64xf32, #tpu.memory_space<vmem_shared>>) dst(%arg15 : memref<160x64xf32, #tpu.memory_space<vmem>>)
      tpu.yield
    }) : () -> ()
    %run_scoped3A_174 = arith.constant 0 : i32
    "tpu.region"() ({
      %run_scoped3A_366 = tpu.sem_alloc : memref<!tpu.dma_semaphore, #tpu.memory_space<semaphore_mem>>
      %dma_start3A_367 = arith.constant 320 : i32
      %dma_start3A_368 = arith.constant 0 : i32
      %dma_start3A_369 = tpu.memref_slice %arg7[%run_scoped3A_174, %arg0, %arg1, %dma_start3A_367, %dma_start3A_368] : memref<2x2x16x640x64xf32, #tpu.memory_space<hbm>> -> memref<1x1x1x160x64xf32, #tpu.memory_space<hbm>>
      %dma_start3A_370 = tpu.memref_squeeze %dma_start3A_369 : memref<1x1x1x160x64xf32, #tpu.memory_space<hbm>> -> memref<160x64xf32, #tpu.memory_space<hbm>>
      %dma_start3A_371 = arith.constant 320 : i32
      %dma_start3A_372 = arith.constant 0 : i32
      %dma_start3A_373 = tpu.memref_slice %arg7[%run_scoped3A_174, %arg0, %arg1, %dma_start3A_371, %dma_start3A_372] : memref<2x2x16x640x64xf32, #tpu.memory_space<hbm>> -> memref<1x1x1x160x64xf32, #tpu.memory_space<hbm>>
      %dma_start3A_374 = tpu.memref_squeeze %dma_start3A_373 : memref<1x1x1x160x64xf32, #tpu.memory_space<hbm>> -> memref<160x64xf32, #tpu.memory_space<hbm>>
      tpu.enqueue_dma source(%arg15 : memref<160x64xf32, #tpu.memory_space<vmem>>) target(%dma_start3A_374 : memref<160x64xf32, #tpu.memory_space<hbm>>) target_semaphore(%run_scoped3A_366 : memref<!tpu.dma_semaphore, #tpu.memory_space<semaphore_mem>>)
      %dma_wait3A_375 = arith.constant 320 : i32
      %dma_wait3A_376 = arith.constant 0 : i32
      %dma_wait3A_377 = tpu.memref_slice %arg7[%run_scoped3A_174, %arg0, %arg1, %dma_wait3A_375, %dma_wait3A_376] : memref<2x2x16x640x64xf32, #tpu.memory_space<hbm>> -> memref<1x1x1x160x64xf32, #tpu.memory_space<hbm>>
      %dma_wait3A_378 = tpu.memref_squeeze %dma_wait3A_377 : memref<1x1x1x160x64xf32, #tpu.memory_space<hbm>> -> memref<160x64xf32, #tpu.memory_space<hbm>>
      %dma_wait3A_379 = arith.constant 320 : i32
      %dma_wait3A_380 = arith.constant 0 : i32
      %dma_wait3A_381 = tpu.memref_slice %arg7[%run_scoped3A_174, %arg0, %arg1, %dma_wait3A_379, %dma_wait3A_380] : memref<2x2x16x640x64xf32, #tpu.memory_space<hbm>> -> memref<1x1x1x160x64xf32, #tpu.memory_space<hbm>>
      %dma_wait3A_382 = tpu.memref_squeeze %dma_wait3A_381 : memref<1x1x1x160x64xf32, #tpu.memory_space<hbm>> -> memref<160x64xf32, #tpu.memory_space<hbm>>
      tpu.wait_dma2 semaphore(%run_scoped3A_366 : memref<!tpu.dma_semaphore, #tpu.memory_space<semaphore_mem>>) src(%arg15 : memref<160x64xf32, #tpu.memory_space<vmem>>) dst(%dma_wait3A_382 : memref<160x64xf32, #tpu.memory_space<hbm>>)
      tpu.yield
    }) : () -> ()
    %mul3A_175 = arith.constant 640 : i32
    %mul3A_176 = arith.muli %arg1, %mul3A_175 : i32
    %add3A_177 = arith.constant 480 : i32
    %add3A_178 = arith.addi %mul3A_176, %add3A_177 : i32
    "tpu.region"() ({
      %run_scoped3A_366 = tpu.sem_alloc : memref<!tpu.dma_semaphore, #tpu.memory_space<semaphore_mem>>
      %dma_start3A_367 = arith.constant 0 : i32
      %dma_start3A_368 = tpu.memref_slice %arg16[%add3A_178, %dma_start3A_367] : memref<10240x64xf32, #tpu.memory_space<vmem_shared>> -> memref<160x64xf32, #tpu.memory_space<vmem_shared>>
      %dma_start3A_369 = arith.constant 0 : i32
      %dma_start3A_370 = tpu.memref_slice %arg16[%add3A_178, %dma_start3A_369] : memref<10240x64xf32, #tpu.memory_space<vmem_shared>> -> memref<160x64xf32, #tpu.memory_space<vmem_shared>>
      tpu.enqueue_dma source(%dma_start3A_370 : memref<160x64xf32, #tpu.memory_space<vmem_shared>>) target(%arg15 : memref<160x64xf32, #tpu.memory_space<vmem>>) target_semaphore(%run_scoped3A_366 : memref<!tpu.dma_semaphore, #tpu.memory_space<semaphore_mem>>)
      %dma_wait3A_371 = arith.constant 0 : i32
      %dma_wait3A_372 = tpu.memref_slice %arg16[%add3A_178, %dma_wait3A_371] : memref<10240x64xf32, #tpu.memory_space<vmem_shared>> -> memref<160x64xf32, #tpu.memory_space<vmem_shared>>
      %dma_wait3A_373 = arith.constant 0 : i32
      %dma_wait3A_374 = tpu.memref_slice %arg16[%add3A_178, %dma_wait3A_373] : memref<10240x64xf32, #tpu.memory_space<vmem_shared>> -> memref<160x64xf32, #tpu.memory_space<vmem_shared>>
      tpu.wait_dma2 semaphore(%run_scoped3A_366 : memref<!tpu.dma_semaphore, #tpu.memory_space<semaphore_mem>>) src(%dma_wait3A_374 : memref<160x64xf32, #tpu.memory_space<vmem_shared>>) dst(%arg15 : memref<160x64xf32, #tpu.memory_space<vmem>>)
      tpu.yield
    }) : () -> ()
    %run_scoped3A_179 = arith.constant 0 : i32
    "tpu.region"() ({
      %run_scoped3A_366 = tpu.sem_alloc : memref<!tpu.dma_semaphore, #tpu.memory_space<semaphore_mem>>
      %dma_start3A_367 = arith.constant 480 : i32
      %dma_start3A_368 = arith.constant 0 : i32
      %dma_start3A_369 = tpu.memref_slice %arg7[%run_scoped3A_179, %arg0, %arg1, %dma_start3A_367, %dma_start3A_368] : memref<2x2x16x640x64xf32, #tpu.memory_space<hbm>> -> memref<1x1x1x160x64xf32, #tpu.memory_space<hbm>>
      %dma_start3A_370 = tpu.memref_squeeze %dma_start3A_369 : memref<1x1x1x160x64xf32, #tpu.memory_space<hbm>> -> memref<160x64xf32, #tpu.memory_space<hbm>>
      %dma_start3A_371 = arith.constant 480 : i32
      %dma_start3A_372 = arith.constant 0 : i32
      %dma_start3A_373 = tpu.memref_slice %arg7[%run_scoped3A_179, %arg0, %arg1, %dma_start3A_371, %dma_start3A_372] : memref<2x2x16x640x64xf32, #tpu.memory_space<hbm>> -> memref<1x1x1x160x64xf32, #tpu.memory_space<hbm>>
      %dma_start3A_374 = tpu.memref_squeeze %dma_start3A_373 : memref<1x1x1x160x64xf32, #tpu.memory_space<hbm>> -> memref<160x64xf32, #tpu.memory_space<hbm>>
      tpu.enqueue_dma source(%arg15 : memref<160x64xf32, #tpu.memory_space<vmem>>) target(%dma_start3A_374 : memref<160x64xf32, #tpu.memory_space<hbm>>) target_semaphore(%run_scoped3A_366 : memref<!tpu.dma_semaphore, #tpu.memory_space<semaphore_mem>>)
      %dma_wait3A_375 = arith.constant 480 : i32
      %dma_wait3A_376 = arith.constant 0 : i32
      %dma_wait3A_377 = tpu.memref_slice %arg7[%run_scoped3A_179, %arg0, %arg1, %dma_wait3A_375, %dma_wait3A_376] : memref<2x2x16x640x64xf32, #tpu.memory_space<hbm>> -> memref<1x1x1x160x64xf32, #tpu.memory_space<hbm>>
      %dma_wait3A_378 = tpu.memref_squeeze %dma_wait3A_377 : memref<1x1x1x160x64xf32, #tpu.memory_space<hbm>> -> memref<160x64xf32, #tpu.memory_space<hbm>>
      %dma_wait3A_379 = arith.constant 480 : i32
      %dma_wait3A_380 = arith.constant 0 : i32
      %dma_wait3A_381 = tpu.memref_slice %arg7[%run_scoped3A_179, %arg0, %arg1, %dma_wait3A_379, %dma_wait3A_380] : memref<2x2x16x640x64xf32, #tpu.memory_space<hbm>> -> memref<1x1x1x160x64xf32, #tpu.memory_space<hbm>>
      %dma_wait3A_382 = tpu.memref_squeeze %dma_wait3A_381 : memref<1x1x1x160x64xf32, #tpu.memory_space<hbm>> -> memref<160x64xf32, #tpu.memory_space<hbm>>
      tpu.wait_dma2 semaphore(%run_scoped3A_366 : memref<!tpu.dma_semaphore, #tpu.memory_space<semaphore_mem>>) src(%arg15 : memref<160x64xf32, #tpu.memory_space<vmem>>) dst(%dma_wait3A_382 : memref<160x64xf32, #tpu.memory_space<hbm>>)
      tpu.yield
    }) : () -> ()
    %barrier3A_180 = arith.constant 0 : index
    tpu.barrier barrier_id(%barrier3A_180)
    "tpu.region"() ({
      %run_scoped3A_366 = tpu.sem_alloc : memref<!tpu.dma_semaphore, #tpu.memory_space<semaphore_mem>>
      tpu.enqueue_dma source(%arg6 : memref<160x64xf32, #tpu.memory_space<hbm>>) target(%arg15 : memref<160x64xf32, #tpu.memory_space<vmem>>) target_semaphore(%run_scoped3A_366 : memref<!tpu.dma_semaphore, #tpu.memory_space<semaphore_mem>>)
      tpu.wait_dma2 semaphore(%run_scoped3A_366 : memref<!tpu.dma_semaphore, #tpu.memory_space<semaphore_mem>>) src(%arg6 : memref<160x64xf32, #tpu.memory_space<hbm>>) dst(%arg15 : memref<160x64xf32, #tpu.memory_space<vmem>>)
      tpu.yield
    }) : () -> ()
    %mul3A_181 = arith.constant 640 : i32
    %mul3A_182 = arith.muli %arg1, %mul3A_181 : i32
    %add3A_183 = arith.constant 0 : i32
    %add3A_184 = arith.addi %mul3A_182, %add3A_183 : i32
    "tpu.region"() ({
      %run_scoped3A_366 = tpu.sem_alloc : memref<!tpu.dma_semaphore, #tpu.memory_space<semaphore_mem>>
      %dma_start3A_367 = arith.constant 0 : i32
      %dma_start3A_368 = tpu.memref_slice %arg16[%add3A_184, %dma_start3A_367] : memref<10240x64xf32, #tpu.memory_space<vmem_shared>> -> memref<160x64xf32, #tpu.memory_space<vmem_shared>>
      %dma_start3A_369 = arith.constant 0 : i32
      %dma_start3A_370 = tpu.memref_slice %arg16[%add3A_184, %dma_start3A_369] : memref<10240x64xf32, #tpu.memory_space<vmem_shared>> -> memref<160x64xf32, #tpu.memory_space<vmem_shared>>
      tpu.enqueue_dma source(%arg15 : memref<160x64xf32, #tpu.memory_space<vmem>>) target(%dma_start3A_370 : memref<160x64xf32, #tpu.memory_space<vmem_shared>>) target_semaphore(%run_scoped3A_366 : memref<!tpu.dma_semaphore, #tpu.memory_space<semaphore_mem>>)
      %dma_wait3A_371 = arith.constant 0 : i32
      %dma_wait3A_372 = tpu.memref_slice %arg16[%add3A_184, %dma_wait3A_371] : memref<10240x64xf32, #tpu.memory_space<vmem_shared>> -> memref<160x64xf32, #tpu.memory_space<vmem_shared>>
      %dma_wait3A_373 = arith.constant 0 : i32
      %dma_wait3A_374 = tpu.memref_slice %arg16[%add3A_184, %dma_wait3A_373] : memref<10240x64xf32, #tpu.memory_space<vmem_shared>> -> memref<160x64xf32, #tpu.memory_space<vmem_shared>>
      tpu.wait_dma2 semaphore(%run_scoped3A_366 : memref<!tpu.dma_semaphore, #tpu.memory_space<semaphore_mem>>) src(%arg15 : memref<160x64xf32, #tpu.memory_space<vmem>>) dst(%dma_wait3A_374 : memref<160x64xf32, #tpu.memory_space<vmem_shared>>)
      tpu.yield
    }) : () -> ()
    %mul3A_185 = arith.constant 640 : i32
    %mul3A_186 = arith.muli %arg1, %mul3A_185 : i32
    %add3A_187 = arith.constant 160 : i32
    %add3A_188 = arith.addi %mul3A_186, %add3A_187 : i32
    "tpu.region"() ({
      %run_scoped3A_366 = tpu.sem_alloc : memref<!tpu.dma_semaphore, #tpu.memory_space<semaphore_mem>>
      %dma_start3A_367 = arith.constant 0 : i32
      %dma_start3A_368 = tpu.memref_slice %arg16[%add3A_188, %dma_start3A_367] : memref<10240x64xf32, #tpu.memory_space<vmem_shared>> -> memref<160x64xf32, #tpu.memory_space<vmem_shared>>
      %dma_start3A_369 = arith.constant 0 : i32
      %dma_start3A_370 = tpu.memref_slice %arg16[%add3A_188, %dma_start3A_369] : memref<10240x64xf32, #tpu.memory_space<vmem_shared>> -> memref<160x64xf32, #tpu.memory_space<vmem_shared>>
      tpu.enqueue_dma source(%arg15 : memref<160x64xf32, #tpu.memory_space<vmem>>) target(%dma_start3A_370 : memref<160x64xf32, #tpu.memory_space<vmem_shared>>) target_semaphore(%run_scoped3A_366 : memref<!tpu.dma_semaphore, #tpu.memory_space<semaphore_mem>>)
      %dma_wait3A_371 = arith.constant 0 : i32
      %dma_wait3A_372 = tpu.memref_slice %arg16[%add3A_188, %dma_wait3A_371] : memref<10240x64xf32, #tpu.memory_space<vmem_shared>> -> memref<160x64xf32, #tpu.memory_space<vmem_shared>>
      %dma_wait3A_373 = arith.constant 0 : i32
      %dma_wait3A_374 = tpu.memref_slice %arg16[%add3A_188, %dma_wait3A_373] : memref<10240x64xf32, #tpu.memory_space<vmem_shared>> -> memref<160x64xf32, #tpu.memory_space<vmem_shared>>
      tpu.wait_dma2 semaphore(%run_scoped3A_366 : memref<!tpu.dma_semaphore, #tpu.memory_space<semaphore_mem>>) src(%arg15 : memref<160x64xf32, #tpu.memory_space<vmem>>) dst(%dma_wait3A_374 : memref<160x64xf32, #tpu.memory_space<vmem_shared>>)
      tpu.yield
    }) : () -> ()
    %mul3A_189 = arith.constant 640 : i32
    %mul3A_190 = arith.muli %arg1, %mul3A_189 : i32
    %add3A_191 = arith.constant 320 : i32
    %add3A_192 = arith.addi %mul3A_190, %add3A_191 : i32
    "tpu.region"() ({
      %run_scoped3A_366 = tpu.sem_alloc : memref<!tpu.dma_semaphore, #tpu.memory_space<semaphore_mem>>
      %dma_start3A_367 = arith.constant 0 : i32
      %dma_start3A_368 = tpu.memref_slice %arg16[%add3A_192, %dma_start3A_367] : memref<10240x64xf32, #tpu.memory_space<vmem_shared>> -> memref<160x64xf32, #tpu.memory_space<vmem_shared>>
      %dma_start3A_369 = arith.constant 0 : i32
      %dma_start3A_370 = tpu.memref_slice %arg16[%add3A_192, %dma_start3A_369] : memref<10240x64xf32, #tpu.memory_space<vmem_shared>> -> memref<160x64xf32, #tpu.memory_space<vmem_shared>>
      tpu.enqueue_dma source(%arg15 : memref<160x64xf32, #tpu.memory_space<vmem>>) target(%dma_start3A_370 : memref<160x64xf32, #tpu.memory_space<vmem_shared>>) target_semaphore(%run_scoped3A_366 : memref<!tpu.dma_semaphore, #tpu.memory_space<semaphore_mem>>)
      %dma_wait3A_371 = arith.constant 0 : i32
      %dma_wait3A_372 = tpu.memref_slice %arg16[%add3A_192, %dma_wait3A_371] : memref<10240x64xf32, #tpu.memory_space<vmem_shared>> -> memref<160x64xf32, #tpu.memory_space<vmem_shared>>
      %dma_wait3A_373 = arith.constant 0 : i32
      %dma_wait3A_374 = tpu.memref_slice %arg16[%add3A_192, %dma_wait3A_373] : memref<10240x64xf32, #tpu.memory_space<vmem_shared>> -> memref<160x64xf32, #tpu.memory_space<vmem_shared>>
      tpu.wait_dma2 semaphore(%run_scoped3A_366 : memref<!tpu.dma_semaphore, #tpu.memory_space<semaphore_mem>>) src(%arg15 : memref<160x64xf32, #tpu.memory_space<vmem>>) dst(%dma_wait3A_374 : memref<160x64xf32, #tpu.memory_space<vmem_shared>>)
      tpu.yield
    }) : () -> ()
    %mul3A_193 = arith.constant 640 : i32
    %mul3A_194 = arith.muli %arg1, %mul3A_193 : i32
    %add3A_195 = arith.constant 480 : i32
    %add3A_196 = arith.addi %mul3A_194, %add3A_195 : i32
    "tpu.region"() ({
      %run_scoped3A_366 = tpu.sem_alloc : memref<!tpu.dma_semaphore, #tpu.memory_space<semaphore_mem>>
      %dma_start3A_367 = arith.constant 0 : i32
      %dma_start3A_368 = tpu.memref_slice %arg16[%add3A_196, %dma_start3A_367] : memref<10240x64xf32, #tpu.memory_space<vmem_shared>> -> memref<160x64xf32, #tpu.memory_space<vmem_shared>>
      %dma_start3A_369 = arith.constant 0 : i32
      %dma_start3A_370 = tpu.memref_slice %arg16[%add3A_196, %dma_start3A_369] : memref<10240x64xf32, #tpu.memory_space<vmem_shared>> -> memref<160x64xf32, #tpu.memory_space<vmem_shared>>
      tpu.enqueue_dma source(%arg15 : memref<160x64xf32, #tpu.memory_space<vmem>>) target(%dma_start3A_370 : memref<160x64xf32, #tpu.memory_space<vmem_shared>>) target_semaphore(%run_scoped3A_366 : memref<!tpu.dma_semaphore, #tpu.memory_space<semaphore_mem>>)
      %dma_wait3A_371 = arith.constant 0 : i32
      %dma_wait3A_372 = tpu.memref_slice %arg16[%add3A_196, %dma_wait3A_371] : memref<10240x64xf32, #tpu.memory_space<vmem_shared>> -> memref<160x64xf32, #tpu.memory_space<vmem_shared>>
      %dma_wait3A_373 = arith.constant 0 : i32
      %dma_wait3A_374 = tpu.memref_slice %arg16[%add3A_196, %dma_wait3A_373] : memref<10240x64xf32, #tpu.memory_space<vmem_shared>> -> memref<160x64xf32, #tpu.memory_space<vmem_shared>>
      tpu.wait_dma2 semaphore(%run_scoped3A_366 : memref<!tpu.dma_semaphore, #tpu.memory_space<semaphore_mem>>) src(%arg15 : memref<160x64xf32, #tpu.memory_space<vmem>>) dst(%dma_wait3A_374 : memref<160x64xf32, #tpu.memory_space<vmem_shared>>)
      tpu.yield
    }) : () -> ()
    %barrier3A_197 = arith.constant 0 : index
    tpu.barrier barrier_id(%barrier3A_197)
    %dma_start3A_198 = arith.constant 0 : i32
    %dma_start3A_199 = arith.constant 0 : i32
    %dma_start3A_200 = tpu.memref_slice %arg8[%dma_start3A_198, %dma_start3A_199] : memref<130x80xi32, #tpu.memory_space<vmem>> -> memref<1x80xi32, #tpu.memory_space<vmem>>
    %dma_start3A_201 = tpu.memref_squeeze %dma_start3A_200 : memref<1x80xi32, #tpu.memory_space<vmem>> -> memref<80xi32, #tpu.memory_space<vmem>>
    %dma_start3A_202 = arith.constant 0 : i32
    %dma_start3A_203 = arith.constant 0 : i32
    %dma_start3A_204 = tpu.memref_slice %arg3[%dma_start3A_202, %dma_start3A_203] : memref<10000x64xf32, #tpu.memory_space<hbm>> -> memref<10000x64xf32, #tpu.memory_space<hbm>>
    tpu.enqueue_indirect_dma source(%dma_start3A_204 : memref<10000x64xf32, #tpu.memory_space<hbm>>) target(%arg10 : memref<80x64xf32, #tpu.memory_space<vmem>>) offsets(%dma_start3A_201 : memref<80xi32, #tpu.memory_space<vmem>>) semaphore(%arg17 : memref<!tpu.dma_semaphore, #tpu.memory_space<semaphore_mem>>)
    %dma_start3A_205 = arith.constant 1 : i32
    %dma_start3A_206 = arith.constant 0 : i32
    %dma_start3A_207 = tpu.memref_slice %arg8[%dma_start3A_205, %dma_start3A_206] : memref<130x80xi32, #tpu.memory_space<vmem>> -> memref<1x80xi32, #tpu.memory_space<vmem>>
    %dma_start3A_208 = tpu.memref_squeeze %dma_start3A_207 : memref<1x80xi32, #tpu.memory_space<vmem>> -> memref<80xi32, #tpu.memory_space<vmem>>
    %dma_start3A_209 = arith.constant 0 : i32
    %dma_start3A_210 = arith.constant 0 : i32
    %dma_start3A_211 = tpu.memref_slice %arg3[%dma_start3A_209, %dma_start3A_210] : memref<10000x64xf32, #tpu.memory_space<hbm>> -> memref<10000x64xf32, #tpu.memory_space<hbm>>
    tpu.enqueue_indirect_dma source(%dma_start3A_211 : memref<10000x64xf32, #tpu.memory_space<hbm>>) target(%arg11 : memref<80x64xf32, #tpu.memory_space<vmem>>) offsets(%dma_start3A_208 : memref<80xi32, #tpu.memory_space<vmem>>) semaphore(%arg18 : memref<!tpu.dma_semaphore, #tpu.memory_space<semaphore_mem>>)
    %dma_start3A_212 = arith.constant 2 : i32
    %dma_start3A_213 = arith.constant 0 : i32
    %dma_start3A_214 = tpu.memref_slice %arg8[%dma_start3A_212, %dma_start3A_213] : memref<130x80xi32, #tpu.memory_space<vmem>> -> memref<1x80xi32, #tpu.memory_space<vmem>>
    %dma_start3A_215 = tpu.memref_squeeze %dma_start3A_214 : memref<1x80xi32, #tpu.memory_space<vmem>> -> memref<80xi32, #tpu.memory_space<vmem>>
    %dma_start3A_216 = arith.constant 0 : i32
    %dma_start3A_217 = arith.constant 0 : i32
    %dma_start3A_218 = tpu.memref_slice %arg3[%dma_start3A_216, %dma_start3A_217] : memref<10000x64xf32, #tpu.memory_space<hbm>> -> memref<10000x64xf32, #tpu.memory_space<hbm>>
    tpu.enqueue_indirect_dma source(%dma_start3A_218 : memref<10000x64xf32, #tpu.memory_space<hbm>>) target(%arg12 : memref<80x64xf32, #tpu.memory_space<vmem>>) offsets(%dma_start3A_215 : memref<80xi32, #tpu.memory_space<vmem>>) semaphore(%arg19 : memref<!tpu.dma_semaphore, #tpu.memory_space<semaphore_mem>>)
    %dma_start3A_219 = arith.constant 3 : i32
    %dma_start3A_220 = arith.constant 0 : i32
    %dma_start3A_221 = tpu.memref_slice %arg8[%dma_start3A_219, %dma_start3A_220] : memref<130x80xi32, #tpu.memory_space<vmem>> -> memref<1x80xi32, #tpu.memory_space<vmem>>
    %dma_start3A_222 = tpu.memref_squeeze %dma_start3A_221 : memref<1x80xi32, #tpu.memory_space<vmem>> -> memref<80xi32, #tpu.memory_space<vmem>>
    %dma_start3A_223 = arith.constant 0 : i32
    %dma_start3A_224 = arith.constant 0 : i32
    %dma_start3A_225 = tpu.memref_slice %arg3[%dma_start3A_223, %dma_start3A_224] : memref<10000x64xf32, #tpu.memory_space<hbm>> -> memref<10000x64xf32, #tpu.memory_space<hbm>>
    tpu.enqueue_indirect_dma source(%dma_start3A_225 : memref<10000x64xf32, #tpu.memory_space<hbm>>) target(%arg13 : memref<80x64xf32, #tpu.memory_space<vmem>>) offsets(%dma_start3A_222 : memref<80xi32, #tpu.memory_space<vmem>>) semaphore(%arg20 : memref<!tpu.dma_semaphore, #tpu.memory_space<semaphore_mem>>)
    %dma_start3A_226 = arith.constant 4 : i32
    %dma_start3A_227 = arith.constant 0 : i32
    %dma_start3A_228 = tpu.memref_slice %arg8[%dma_start3A_226, %dma_start3A_227] : memref<130x80xi32, #tpu.memory_space<vmem>> -> memref<1x80xi32, #tpu.memory_space<vmem>>
    %dma_start3A_229 = tpu.memref_squeeze %dma_start3A_228 : memref<1x80xi32, #tpu.memory_space<vmem>> -> memref<80xi32, #tpu.memory_space<vmem>>
    %dma_start3A_230 = arith.constant 0 : i32
    %dma_start3A_231 = arith.constant 0 : i32
    %dma_start3A_232 = tpu.memref_slice %arg3[%dma_start3A_230, %dma_start3A_231] : memref<10000x64xf32, #tpu.memory_space<hbm>> -> memref<10000x64xf32, #tpu.memory_space<hbm>>
    tpu.enqueue_indirect_dma source(%dma_start3A_232 : memref<10000x64xf32, #tpu.memory_space<hbm>>) target(%arg14 : memref<80x64xf32, #tpu.memory_space<vmem>>) offsets(%dma_start3A_229 : memref<80xi32, #tpu.memory_space<vmem>>) semaphore(%arg21 : memref<!tpu.dma_semaphore, #tpu.memory_space<semaphore_mem>>)
    %scan3A_233 = arith.constant 0 : i32
    %scan3A_234 = arith.constant 0 : i32
    %scan3A_235 = arith.constant 25 : i32
    %scan3A_236 = arith.addi %scan3A_234, %scan3A_235 : i32
    %scan3A_237 = arith.constant 1 : i32
    scf.for %scan3A_366 = %scan3A_234 to %scan3A_236 step %scan3A_237  : i32 {
      %mul3A_367 = arith.constant 5 : i32
      %mul3A_368 = arith.muli %mul3A_367, %scan3A_366 : i32
      %add3A_369 = arith.constant 0 : i32
      %add3A_370 = arith.addi %mul3A_368, %add3A_369 : i32
      %dma_wait3A_371 = arith.constant 0 : i32
      %dma_wait3A_372 = tpu.memref_slice %arg8[%add3A_370, %dma_wait3A_371] : memref<130x80xi32, #tpu.memory_space<vmem>> -> memref<1x80xi32, #tpu.memory_space<vmem>>
      %dma_wait3A_373 = tpu.memref_squeeze %dma_wait3A_372 : memref<1x80xi32, #tpu.memory_space<vmem>> -> memref<80xi32, #tpu.memory_space<vmem>>
      %dma_wait3A_374 = arith.constant 0 : i32
      %dma_wait3A_375 = arith.constant 0 : i32
      %dma_wait3A_376 = tpu.memref_slice %arg3[%dma_wait3A_374, %dma_wait3A_375] : memref<10000x64xf32, #tpu.memory_space<hbm>> -> memref<10000x64xf32, #tpu.memory_space<hbm>>
      tpu.wait_indirect_dma semaphore(%arg17 : memref<!tpu.dma_semaphore, #tpu.memory_space<semaphore_mem>>) src(%dma_wait3A_376 : memref<10000x64xf32, #tpu.memory_space<hbm>>) dst(%arg10 : memref<80x64xf32, #tpu.memory_space<vmem>>)
      %dma_start3A_377 = arith.constant 0 : i32
      %dma_start3A_378 = tpu.memref_slice %arg9[%add3A_370, %dma_start3A_377] : memref<130x80xi32, #tpu.memory_space<vmem>> -> memref<1x80xi32, #tpu.memory_space<vmem>>
      %dma_start3A_379 = tpu.memref_squeeze %dma_start3A_378 : memref<1x80xi32, #tpu.memory_space<vmem>> -> memref<80xi32, #tpu.memory_space<vmem>>
      %dma_start3A_380 = arith.constant 0 : i32
      %dma_start3A_381 = arith.constant 0 : i32
      %dma_start3A_382 = tpu.memref_slice %arg16[%dma_start3A_380, %dma_start3A_381] : memref<10240x64xf32, #tpu.memory_space<vmem_shared>> -> memref<10240x64xf32, #tpu.memory_space<vmem_shared>>
      tpu.enqueue_indirect_dma source(%arg10 : memref<80x64xf32, #tpu.memory_space<vmem>>) target(%dma_start3A_382 : memref<10240x64xf32, #tpu.memory_space<vmem_shared>>) offsets(%dma_start3A_379 : memref<80xi32, #tpu.memory_space<vmem>>) semaphore(%arg22 : memref<!tpu.dma_semaphore, #tpu.memory_space<semaphore_mem>>) {add = true}
      %mul3A_383 = arith.constant 5 : i32
      %mul3A_384 = arith.muli %mul3A_383, %scan3A_366 : i32
      %add3A_385 = arith.constant 1 : i32
      %add3A_386 = arith.addi %mul3A_384, %add3A_385 : i32
      %dma_wait3A_387 = arith.constant 0 : i32
      %dma_wait3A_388 = tpu.memref_slice %arg8[%add3A_386, %dma_wait3A_387] : memref<130x80xi32, #tpu.memory_space<vmem>> -> memref<1x80xi32, #tpu.memory_space<vmem>>
      %dma_wait3A_389 = tpu.memref_squeeze %dma_wait3A_388 : memref<1x80xi32, #tpu.memory_space<vmem>> -> memref<80xi32, #tpu.memory_space<vmem>>
      %dma_wait3A_390 = arith.constant 0 : i32
      %dma_wait3A_391 = arith.constant 0 : i32
      %dma_wait3A_392 = tpu.memref_slice %arg3[%dma_wait3A_390, %dma_wait3A_391] : memref<10000x64xf32, #tpu.memory_space<hbm>> -> memref<10000x64xf32, #tpu.memory_space<hbm>>
      tpu.wait_indirect_dma semaphore(%arg18 : memref<!tpu.dma_semaphore, #tpu.memory_space<semaphore_mem>>) src(%dma_wait3A_392 : memref<10000x64xf32, #tpu.memory_space<hbm>>) dst(%arg11 : memref<80x64xf32, #tpu.memory_space<vmem>>)
      %dma_start3A_393 = arith.constant 0 : i32
      %dma_start3A_394 = tpu.memref_slice %arg9[%add3A_386, %dma_start3A_393] : memref<130x80xi32, #tpu.memory_space<vmem>> -> memref<1x80xi32, #tpu.memory_space<vmem>>
      %dma_start3A_395 = tpu.memref_squeeze %dma_start3A_394 : memref<1x80xi32, #tpu.memory_space<vmem>> -> memref<80xi32, #tpu.memory_space<vmem>>
      %dma_start3A_396 = arith.constant 0 : i32
      %dma_start3A_397 = arith.constant 0 : i32
      %dma_start3A_398 = tpu.memref_slice %arg16[%dma_start3A_396, %dma_start3A_397] : memref<10240x64xf32, #tpu.memory_space<vmem_shared>> -> memref<10240x64xf32, #tpu.memory_space<vmem_shared>>
      tpu.enqueue_indirect_dma source(%arg11 : memref<80x64xf32, #tpu.memory_space<vmem>>) target(%dma_start3A_398 : memref<10240x64xf32, #tpu.memory_space<vmem_shared>>) offsets(%dma_start3A_395 : memref<80xi32, #tpu.memory_space<vmem>>) semaphore(%arg23 : memref<!tpu.dma_semaphore, #tpu.memory_space<semaphore_mem>>) {add = true}
      %mul3A_399 = arith.constant 5 : i32
      %mul3A_400 = arith.muli %mul3A_399, %scan3A_366 : i32
      %add3A_401 = arith.constant 2 : i32
      %add3A_402 = arith.addi %mul3A_400, %add3A_401 : i32
      %dma_wait3A_403 = arith.constant 0 : i32
      %dma_wait3A_404 = tpu.memref_slice %arg8[%add3A_402, %dma_wait3A_403] : memref<130x80xi32, #tpu.memory_space<vmem>> -> memref<1x80xi32, #tpu.memory_space<vmem>>
      %dma_wait3A_405 = tpu.memref_squeeze %dma_wait3A_404 : memref<1x80xi32, #tpu.memory_space<vmem>> -> memref<80xi32, #tpu.memory_space<vmem>>
      %dma_wait3A_406 = arith.constant 0 : i32
      %dma_wait3A_407 = arith.constant 0 : i32
      %dma_wait3A_408 = tpu.memref_slice %arg3[%dma_wait3A_406, %dma_wait3A_407] : memref<10000x64xf32, #tpu.memory_space<hbm>> -> memref<10000x64xf32, #tpu.memory_space<hbm>>
      tpu.wait_indirect_dma semaphore(%arg19 : memref<!tpu.dma_semaphore, #tpu.memory_space<semaphore_mem>>) src(%dma_wait3A_408 : memref<10000x64xf32, #tpu.memory_space<hbm>>) dst(%arg12 : memref<80x64xf32, #tpu.memory_space<vmem>>)
      %dma_start3A_409 = arith.constant 0 : i32
      %dma_start3A_410 = tpu.memref_slice %arg9[%add3A_402, %dma_start3A_409] : memref<130x80xi32, #tpu.memory_space<vmem>> -> memref<1x80xi32, #tpu.memory_space<vmem>>
      %dma_start3A_411 = tpu.memref_squeeze %dma_start3A_410 : memref<1x80xi32, #tpu.memory_space<vmem>> -> memref<80xi32, #tpu.memory_space<vmem>>
      %dma_start3A_412 = arith.constant 0 : i32
      %dma_start3A_413 = arith.constant 0 : i32
      %dma_start3A_414 = tpu.memref_slice %arg16[%dma_start3A_412, %dma_start3A_413] : memref<10240x64xf32, #tpu.memory_space<vmem_shared>> -> memref<10240x64xf32, #tpu.memory_space<vmem_shared>>
      tpu.enqueue_indirect_dma source(%arg12 : memref<80x64xf32, #tpu.memory_space<vmem>>) target(%dma_start3A_414 : memref<10240x64xf32, #tpu.memory_space<vmem_shared>>) offsets(%dma_start3A_411 : memref<80xi32, #tpu.memory_space<vmem>>) semaphore(%arg24 : memref<!tpu.dma_semaphore, #tpu.memory_space<semaphore_mem>>) {add = true}
      %mul3A_415 = arith.constant 5 : i32
      %mul3A_416 = arith.muli %mul3A_415, %scan3A_366 : i32
      %add3A_417 = arith.constant 3 : i32
      %add3A_418 = arith.addi %mul3A_416, %add3A_417 : i32
      %dma_wait3A_419 = arith.constant 0 : i32
      %dma_wait3A_420 = tpu.memref_slice %arg8[%add3A_418, %dma_wait3A_419] : memref<130x80xi32, #tpu.memory_space<vmem>> -> memref<1x80xi32, #tpu.memory_space<vmem>>
      %dma_wait3A_421 = tpu.memref_squeeze %dma_wait3A_420 : memref<1x80xi32, #tpu.memory_space<vmem>> -> memref<80xi32, #tpu.memory_space<vmem>>
      %dma_wait3A_422 = arith.constant 0 : i32
      %dma_wait3A_423 = arith.constant 0 : i32
      %dma_wait3A_424 = tpu.memref_slice %arg3[%dma_wait3A_422, %dma_wait3A_423] : memref<10000x64xf32, #tpu.memory_space<hbm>> -> memref<10000x64xf32, #tpu.memory_space<hbm>>
      tpu.wait_indirect_dma semaphore(%arg20 : memref<!tpu.dma_semaphore, #tpu.memory_space<semaphore_mem>>) src(%dma_wait3A_424 : memref<10000x64xf32, #tpu.memory_space<hbm>>) dst(%arg13 : memref<80x64xf32, #tpu.memory_space<vmem>>)
      %dma_start3A_425 = arith.constant 0 : i32
      %dma_start3A_426 = tpu.memref_slice %arg9[%add3A_418, %dma_start3A_425] : memref<130x80xi32, #tpu.memory_space<vmem>> -> memref<1x80xi32, #tpu.memory_space<vmem>>
      %dma_start3A_427 = tpu.memref_squeeze %dma_start3A_426 : memref<1x80xi32, #tpu.memory_space<vmem>> -> memref<80xi32, #tpu.memory_space<vmem>>
      %dma_start3A_428 = arith.constant 0 : i32
      %dma_start3A_429 = arith.constant 0 : i32
      %dma_start3A_430 = tpu.memref_slice %arg16[%dma_start3A_428, %dma_start3A_429] : memref<10240x64xf32, #tpu.memory_space<vmem_shared>> -> memref<10240x64xf32, #tpu.memory_space<vmem_shared>>
      tpu.enqueue_indirect_dma source(%arg13 : memref<80x64xf32, #tpu.memory_space<vmem>>) target(%dma_start3A_430 : memref<10240x64xf32, #tpu.memory_space<vmem_shared>>) offsets(%dma_start3A_427 : memref<80xi32, #tpu.memory_space<vmem>>) semaphore(%arg25 : memref<!tpu.dma_semaphore, #tpu.memory_space<semaphore_mem>>) {add = true}
      %mul3A_431 = arith.constant 5 : i32
      %mul3A_432 = arith.muli %mul3A_431, %scan3A_366 : i32
      %add3A_433 = arith.constant 4 : i32
      %add3A_434 = arith.addi %mul3A_432, %add3A_433 : i32
      %dma_wait3A_435 = arith.constant 0 : i32
      %dma_wait3A_436 = tpu.memref_slice %arg8[%add3A_434, %dma_wait3A_435] : memref<130x80xi32, #tpu.memory_space<vmem>> -> memref<1x80xi32, #tpu.memory_space<vmem>>
      %dma_wait3A_437 = tpu.memref_squeeze %dma_wait3A_436 : memref<1x80xi32, #tpu.memory_space<vmem>> -> memref<80xi32, #tpu.memory_space<vmem>>
      %dma_wait3A_438 = arith.constant 0 : i32
      %dma_wait3A_439 = arith.constant 0 : i32
      %dma_wait3A_440 = tpu.memref_slice %arg3[%dma_wait3A_438, %dma_wait3A_439] : memref<10000x64xf32, #tpu.memory_space<hbm>> -> memref<10000x64xf32, #tpu.memory_space<hbm>>
      tpu.wait_indirect_dma semaphore(%arg21 : memref<!tpu.dma_semaphore, #tpu.memory_space<semaphore_mem>>) src(%dma_wait3A_440 : memref<10000x64xf32, #tpu.memory_space<hbm>>) dst(%arg14 : memref<80x64xf32, #tpu.memory_space<vmem>>)
      %dma_start3A_441 = arith.constant 0 : i32
      %dma_start3A_442 = tpu.memref_slice %arg9[%add3A_434, %dma_start3A_441] : memref<130x80xi32, #tpu.memory_space<vmem>> -> memref<1x80xi32, #tpu.memory_space<vmem>>
      %dma_start3A_443 = tpu.memref_squeeze %dma_start3A_442 : memref<1x80xi32, #tpu.memory_space<vmem>> -> memref<80xi32, #tpu.memory_space<vmem>>
      %dma_start3A_444 = arith.constant 0 : i32
      %dma_start3A_445 = arith.constant 0 : i32
      %dma_start3A_446 = tpu.memref_slice %arg16[%dma_start3A_444, %dma_start3A_445] : memref<10240x64xf32, #tpu.memory_space<vmem_shared>> -> memref<10240x64xf32, #tpu.memory_space<vmem_shared>>
      tpu.enqueue_indirect_dma source(%arg14 : memref<80x64xf32, #tpu.memory_space<vmem>>) target(%dma_start3A_446 : memref<10240x64xf32, #tpu.memory_space<vmem_shared>>) offsets(%dma_start3A_443 : memref<80xi32, #tpu.memory_space<vmem>>) semaphore(%arg26 : memref<!tpu.dma_semaphore, #tpu.memory_space<semaphore_mem>>) {add = true}
      %mul3A_447 = arith.constant 5 : i32
      %mul3A_448 = arith.muli %mul3A_447, %scan3A_366 : i32
      %add3A_449 = arith.constant 0 : i32
      %add3A_450 = arith.addi %mul3A_448, %add3A_449 : i32
      %dma_wait3A_451 = arith.constant 0 : i32
      %dma_wait3A_452 = tpu.memref_slice %arg9[%add3A_450, %dma_wait3A_451] : memref<130x80xi32, #tpu.memory_space<vmem>> -> memref<1x80xi32, #tpu.memory_space<vmem>>
      %dma_wait3A_453 = tpu.memref_squeeze %dma_wait3A_452 : memref<1x80xi32, #tpu.memory_space<vmem>> -> memref<80xi32, #tpu.memory_space<vmem>>
      %dma_wait3A_454 = arith.constant 0 : i32
      %dma_wait3A_455 = arith.constant 0 : i32
      %dma_wait3A_456 = tpu.memref_slice %arg16[%dma_wait3A_454, %dma_wait3A_455] : memref<10240x64xf32, #tpu.memory_space<vmem_shared>> -> memref<10240x64xf32, #tpu.memory_space<vmem_shared>>
      tpu.wait_indirect_dma semaphore(%arg22 : memref<!tpu.dma_semaphore, #tpu.memory_space<semaphore_mem>>) src(%arg10 : memref<80x64xf32, #tpu.memory_space<vmem>>) dst(%dma_wait3A_456 : memref<10240x64xf32, #tpu.memory_space<vmem_shared>>)
      %add3A_457 = arith.constant 5 : i32
      %add3A_458 = arith.addi %add3A_450, %add3A_457 : i32
      %dma_start3A_459 = arith.constant 0 : i32
      %dma_start3A_460 = tpu.memref_slice %arg8[%add3A_458, %dma_start3A_459] : memref<130x80xi32, #tpu.memory_space<vmem>> -> memref<1x80xi32, #tpu.memory_space<vmem>>
      %dma_start3A_461 = tpu.memref_squeeze %dma_start3A_460 : memref<1x80xi32, #tpu.memory_space<vmem>> -> memref<80xi32, #tpu.memory_space<vmem>>
      %dma_start3A_462 = arith.constant 0 : i32
      %dma_start3A_463 = arith.constant 0 : i32
      %dma_start3A_464 = tpu.memref_slice %arg3[%dma_start3A_462, %dma_start3A_463] : memref<10000x64xf32, #tpu.memory_space<hbm>> -> memref<10000x64xf32, #tpu.memory_space<hbm>>
      tpu.enqueue_indirect_dma source(%dma_start3A_464 : memref<10000x64xf32, #tpu.memory_space<hbm>>) target(%arg10 : memref<80x64xf32, #tpu.memory_space<vmem>>) offsets(%dma_start3A_461 : memref<80xi32, #tpu.memory_space<vmem>>) semaphore(%arg17 : memref<!tpu.dma_semaphore, #tpu.memory_space<semaphore_mem>>)
      %mul3A_465 = arith.constant 5 : i32
      %mul3A_466 = arith.muli %mul3A_465, %scan3A_366 : i32
      %add3A_467 = arith.constant 1 : i32
      %add3A_468 = arith.addi %mul3A_466, %add3A_467 : i32
      %dma_wait3A_469 = arith.constant 0 : i32
      %dma_wait3A_470 = tpu.memref_slice %arg9[%add3A_468, %dma_wait3A_469] : memref<130x80xi32, #tpu.memory_space<vmem>> -> memref<1x80xi32, #tpu.memory_space<vmem>>
      %dma_wait3A_471 = tpu.memref_squeeze %dma_wait3A_470 : memref<1x80xi32, #tpu.memory_space<vmem>> -> memref<80xi32, #tpu.memory_space<vmem>>
      %dma_wait3A_472 = arith.constant 0 : i32
      %dma_wait3A_473 = arith.constant 0 : i32
      %dma_wait3A_474 = tpu.memref_slice %arg16[%dma_wait3A_472, %dma_wait3A_473] : memref<10240x64xf32, #tpu.memory_space<vmem_shared>> -> memref<10240x64xf32, #tpu.memory_space<vmem_shared>>
      tpu.wait_indirect_dma semaphore(%arg23 : memref<!tpu.dma_semaphore, #tpu.memory_space<semaphore_mem>>) src(%arg11 : memref<80x64xf32, #tpu.memory_space<vmem>>) dst(%dma_wait3A_474 : memref<10240x64xf32, #tpu.memory_space<vmem_shared>>)
      %add3A_475 = arith.constant 5 : i32
      %add3A_476 = arith.addi %add3A_468, %add3A_475 : i32
      %dma_start3A_477 = arith.constant 0 : i32
      %dma_start3A_478 = tpu.memref_slice %arg8[%add3A_476, %dma_start3A_477] : memref<130x80xi32, #tpu.memory_space<vmem>> -> memref<1x80xi32, #tpu.memory_space<vmem>>
      %dma_start3A_479 = tpu.memref_squeeze %dma_start3A_478 : memref<1x80xi32, #tpu.memory_space<vmem>> -> memref<80xi32, #tpu.memory_space<vmem>>
      %dma_start3A_480 = arith.constant 0 : i32
      %dma_start3A_481 = arith.constant 0 : i32
      %dma_start3A_482 = tpu.memref_slice %arg3[%dma_start3A_480, %dma_start3A_481] : memref<10000x64xf32, #tpu.memory_space<hbm>> -> memref<10000x64xf32, #tpu.memory_space<hbm>>
      tpu.enqueue_indirect_dma source(%dma_start3A_482 : memref<10000x64xf32, #tpu.memory_space<hbm>>) target(%arg11 : memref<80x64xf32, #tpu.memory_space<vmem>>) offsets(%dma_start3A_479 : memref<80xi32, #tpu.memory_space<vmem>>) semaphore(%arg18 : memref<!tpu.dma_semaphore, #tpu.memory_space<semaphore_mem>>)
      %mul3A_483 = arith.constant 5 : i32
      %mul3A_484 = arith.muli %mul3A_483, %scan3A_366 : i32
      %add3A_485 = arith.constant 2 : i32
      %add3A_486 = arith.addi %mul3A_484, %add3A_485 : i32
      %dma_wait3A_487 = arith.constant 0 : i32
      %dma_wait3A_488 = tpu.memref_slice %arg9[%add3A_486, %dma_wait3A_487] : memref<130x80xi32, #tpu.memory_space<vmem>> -> memref<1x80xi32, #tpu.memory_space<vmem>>
      %dma_wait3A_489 = tpu.memref_squeeze %dma_wait3A_488 : memref<1x80xi32, #tpu.memory_space<vmem>> -> memref<80xi32, #tpu.memory_space<vmem>>
      %dma_wait3A_490 = arith.constant 0 : i32
      %dma_wait3A_491 = arith.constant 0 : i32
      %dma_wait3A_492 = tpu.memref_slice %arg16[%dma_wait3A_490, %dma_wait3A_491] : memref<10240x64xf32, #tpu.memory_space<vmem_shared>> -> memref<10240x64xf32, #tpu.memory_space<vmem_shared>>
      tpu.wait_indirect_dma semaphore(%arg24 : memref<!tpu.dma_semaphore, #tpu.memory_space<semaphore_mem>>) src(%arg12 : memref<80x64xf32, #tpu.memory_space<vmem>>) dst(%dma_wait3A_492 : memref<10240x64xf32, #tpu.memory_space<vmem_shared>>)
      %add3A_493 = arith.constant 5 : i32
      %add3A_494 = arith.addi %add3A_486, %add3A_493 : i32
      %dma_start3A_495 = arith.constant 0 : i32
      %dma_start3A_496 = tpu.memref_slice %arg8[%add3A_494, %dma_start3A_495] : memref<130x80xi32, #tpu.memory_space<vmem>> -> memref<1x80xi32, #tpu.memory_space<vmem>>
      %dma_start3A_497 = tpu.memref_squeeze %dma_start3A_496 : memref<1x80xi32, #tpu.memory_space<vmem>> -> memref<80xi32, #tpu.memory_space<vmem>>
      %dma_start3A_498 = arith.constant 0 : i32
      %dma_start3A_499 = arith.constant 0 : i32
      %dma_start3A_500 = tpu.memref_slice %arg3[%dma_start3A_498, %dma_start3A_499] : memref<10000x64xf32, #tpu.memory_space<hbm>> -> memref<10000x64xf32, #tpu.memory_space<hbm>>
      tpu.enqueue_indirect_dma source(%dma_start3A_500 : memref<10000x64xf32, #tpu.memory_space<hbm>>) target(%arg12 : memref<80x64xf32, #tpu.memory_space<vmem>>) offsets(%dma_start3A_497 : memref<80xi32, #tpu.memory_space<vmem>>) semaphore(%arg19 : memref<!tpu.dma_semaphore, #tpu.memory_space<semaphore_mem>>)
      %mul3A_501 = arith.constant 5 : i32
      %mul3A_502 = arith.muli %mul3A_501, %scan3A_366 : i32
      %add3A_503 = arith.constant 3 : i32
      %add3A_504 = arith.addi %mul3A_502, %add3A_503 : i32
      %dma_wait3A_505 = arith.constant 0 : i32
      %dma_wait3A_506 = tpu.memref_slice %arg9[%add3A_504, %dma_wait3A_505] : memref<130x80xi32, #tpu.memory_space<vmem>> -> memref<1x80xi32, #tpu.memory_space<vmem>>
      %dma_wait3A_507 = tpu.memref_squeeze %dma_wait3A_506 : memref<1x80xi32, #tpu.memory_space<vmem>> -> memref<80xi32, #tpu.memory_space<vmem>>
      %dma_wait3A_508 = arith.constant 0 : i32
      %dma_wait3A_509 = arith.constant 0 : i32
      %dma_wait3A_510 = tpu.memref_slice %arg16[%dma_wait3A_508, %dma_wait3A_509] : memref<10240x64xf32, #tpu.memory_space<vmem_shared>> -> memref<10240x64xf32, #tpu.memory_space<vmem_shared>>
      tpu.wait_indirect_dma semaphore(%arg25 : memref<!tpu.dma_semaphore, #tpu.memory_space<semaphore_mem>>) src(%arg13 : memref<80x64xf32, #tpu.memory_space<vmem>>) dst(%dma_wait3A_510 : memref<10240x64xf32, #tpu.memory_space<vmem_shared>>)
      %add3A_511 = arith.constant 5 : i32
      %add3A_512 = arith.addi %add3A_504, %add3A_511 : i32
      %dma_start3A_513 = arith.constant 0 : i32
      %dma_start3A_514 = tpu.memref_slice %arg8[%add3A_512, %dma_start3A_513] : memref<130x80xi32, #tpu.memory_space<vmem>> -> memref<1x80xi32, #tpu.memory_space<vmem>>
      %dma_start3A_515 = tpu.memref_squeeze %dma_start3A_514 : memref<1x80xi32, #tpu.memory_space<vmem>> -> memref<80xi32, #tpu.memory_space<vmem>>
      %dma_start3A_516 = arith.constant 0 : i32
      %dma_start3A_517 = arith.constant 0 : i32
      %dma_start3A_518 = tpu.memref_slice %arg3[%dma_start3A_516, %dma_start3A_517] : memref<10000x64xf32, #tpu.memory_space<hbm>> -> memref<10000x64xf32, #tpu.memory_space<hbm>>
      tpu.enqueue_indirect_dma source(%dma_start3A_518 : memref<10000x64xf32, #tpu.memory_space<hbm>>) target(%arg13 : memref<80x64xf32, #tpu.memory_space<vmem>>) offsets(%dma_start3A_515 : memref<80xi32, #tpu.memory_space<vmem>>) semaphore(%arg20 : memref<!tpu.dma_semaphore, #tpu.memory_space<semaphore_mem>>)
      %mul3A_519 = arith.constant 5 : i32
      %mul3A_520 = arith.muli %mul3A_519, %scan3A_366 : i32
      %add3A_521 = arith.constant 4 : i32
      %add3A_522 = arith.addi %mul3A_520, %add3A_521 : i32
      %dma_wait3A_523 = arith.constant 0 : i32
      %dma_wait3A_524 = tpu.memref_slice %arg9[%add3A_522, %dma_wait3A_523] : memref<130x80xi32, #tpu.memory_space<vmem>> -> memref<1x80xi32, #tpu.memory_space<vmem>>
      %dma_wait3A_525 = tpu.memref_squeeze %dma_wait3A_524 : memref<1x80xi32, #tpu.memory_space<vmem>> -> memref<80xi32, #tpu.memory_space<vmem>>
      %dma_wait3A_526 = arith.constant 0 : i32
      %dma_wait3A_527 = arith.constant 0 : i32
      %dma_wait3A_528 = tpu.memref_slice %arg16[%dma_wait3A_526, %dma_wait3A_527] : memref<10240x64xf32, #tpu.memory_space<vmem_shared>> -> memref<10240x64xf32, #tpu.memory_space<vmem_shared>>
      tpu.wait_indirect_dma semaphore(%arg26 : memref<!tpu.dma_semaphore, #tpu.memory_space<semaphore_mem>>) src(%arg14 : memref<80x64xf32, #tpu.memory_space<vmem>>) dst(%dma_wait3A_528 : memref<10240x64xf32, #tpu.memory_space<vmem_shared>>)
      %add3A_529 = arith.constant 5 : i32
      %add3A_530 = arith.addi %add3A_522, %add3A_529 : i32
      %dma_start3A_531 = arith.constant 0 : i32
      %dma_start3A_532 = tpu.memref_slice %arg8[%add3A_530, %dma_start3A_531] : memref<130x80xi32, #tpu.memory_space<vmem>> -> memref<1x80xi32, #tpu.memory_space<vmem>>
      %dma_start3A_533 = tpu.memref_squeeze %dma_start3A_532 : memref<1x80xi32, #tpu.memory_space<vmem>> -> memref<80xi32, #tpu.memory_space<vmem>>
      %dma_start3A_534 = arith.constant 0 : i32
      %dma_start3A_535 = arith.constant 0 : i32
      %dma_start3A_536 = tpu.memref_slice %arg3[%dma_start3A_534, %dma_start3A_535] : memref<10000x64xf32, #tpu.memory_space<hbm>> -> memref<10000x64xf32, #tpu.memory_space<hbm>>
      tpu.enqueue_indirect_dma source(%dma_start3A_536 : memref<10000x64xf32, #tpu.memory_space<hbm>>) target(%arg14 : memref<80x64xf32, #tpu.memory_space<vmem>>) offsets(%dma_start3A_533 : memref<80xi32, #tpu.memory_space<vmem>>) semaphore(%arg21 : memref<!tpu.dma_semaphore, #tpu.memory_space<semaphore_mem>>)
    }
    %scan3A_238 = arith.constant 25 : i32
    %dma_wait3A_239 = arith.constant 125 : i32
    %dma_wait3A_240 = arith.constant 0 : i32
    %dma_wait3A_241 = tpu.memref_slice %arg8[%dma_wait3A_239, %dma_wait3A_240] : memref<130x80xi32, #tpu.memory_space<vmem>> -> memref<1x80xi32, #tpu.memory_space<vmem>>
    %dma_wait3A_242 = tpu.memref_squeeze %dma_wait3A_241 : memref<1x80xi32, #tpu.memory_space<vmem>> -> memref<80xi32, #tpu.memory_space<vmem>>
    %dma_wait3A_243 = arith.constant 0 : i32
    %dma_wait3A_244 = arith.constant 0 : i32
    %dma_wait3A_245 = tpu.memref_slice %arg3[%dma_wait3A_243, %dma_wait3A_244] : memref<10000x64xf32, #tpu.memory_space<hbm>> -> memref<10000x64xf32, #tpu.memory_space<hbm>>
    tpu.wait_indirect_dma semaphore(%arg17 : memref<!tpu.dma_semaphore, #tpu.memory_space<semaphore_mem>>) src(%dma_wait3A_245 : memref<10000x64xf32, #tpu.memory_space<hbm>>) dst(%arg10 : memref<80x64xf32, #tpu.memory_space<vmem>>)
    %dma_start3A_246 = arith.constant 125 : i32
    %dma_start3A_247 = arith.constant 0 : i32
    %dma_start3A_248 = tpu.memref_slice %arg9[%dma_start3A_246, %dma_start3A_247] : memref<130x80xi32, #tpu.memory_space<vmem>> -> memref<1x80xi32, #tpu.memory_space<vmem>>
    %dma_start3A_249 = tpu.memref_squeeze %dma_start3A_248 : memref<1x80xi32, #tpu.memory_space<vmem>> -> memref<80xi32, #tpu.memory_space<vmem>>
    %dma_start3A_250 = arith.constant 0 : i32
    %dma_start3A_251 = arith.constant 0 : i32
    %dma_start3A_252 = tpu.memref_slice %arg16[%dma_start3A_250, %dma_start3A_251] : memref<10240x64xf32, #tpu.memory_space<vmem_shared>> -> memref<10240x64xf32, #tpu.memory_space<vmem_shared>>
    tpu.enqueue_indirect_dma source(%arg10 : memref<80x64xf32, #tpu.memory_space<vmem>>) target(%dma_start3A_252 : memref<10240x64xf32, #tpu.memory_space<vmem_shared>>) offsets(%dma_start3A_249 : memref<80xi32, #tpu.memory_space<vmem>>) semaphore(%arg22 : memref<!tpu.dma_semaphore, #tpu.memory_space<semaphore_mem>>) {add = true}
    %dma_wait3A_253 = arith.constant 126 : i32
    %dma_wait3A_254 = arith.constant 0 : i32
    %dma_wait3A_255 = tpu.memref_slice %arg8[%dma_wait3A_253, %dma_wait3A_254] : memref<130x80xi32, #tpu.memory_space<vmem>> -> memref<1x80xi32, #tpu.memory_space<vmem>>
    %dma_wait3A_256 = tpu.memref_squeeze %dma_wait3A_255 : memref<1x80xi32, #tpu.memory_space<vmem>> -> memref<80xi32, #tpu.memory_space<vmem>>
    %dma_wait3A_257 = arith.constant 0 : i32
    %dma_wait3A_258 = arith.constant 0 : i32
    %dma_wait3A_259 = tpu.memref_slice %arg3[%dma_wait3A_257, %dma_wait3A_258] : memref<10000x64xf32, #tpu.memory_space<hbm>> -> memref<10000x64xf32, #tpu.memory_space<hbm>>
    tpu.wait_indirect_dma semaphore(%arg18 : memref<!tpu.dma_semaphore, #tpu.memory_space<semaphore_mem>>) src(%dma_wait3A_259 : memref<10000x64xf32, #tpu.memory_space<hbm>>) dst(%arg11 : memref<80x64xf32, #tpu.memory_space<vmem>>)
    %dma_start3A_260 = arith.constant 126 : i32
    %dma_start3A_261 = arith.constant 0 : i32
    %dma_start3A_262 = tpu.memref_slice %arg9[%dma_start3A_260, %dma_start3A_261] : memref<130x80xi32, #tpu.memory_space<vmem>> -> memref<1x80xi32, #tpu.memory_space<vmem>>
    %dma_start3A_263 = tpu.memref_squeeze %dma_start3A_262 : memref<1x80xi32, #tpu.memory_space<vmem>> -> memref<80xi32, #tpu.memory_space<vmem>>
    %dma_start3A_264 = arith.constant 0 : i32
    %dma_start3A_265 = arith.constant 0 : i32
    %dma_start3A_266 = tpu.memref_slice %arg16[%dma_start3A_264, %dma_start3A_265] : memref<10240x64xf32, #tpu.memory_space<vmem_shared>> -> memref<10240x64xf32, #tpu.memory_space<vmem_shared>>
    tpu.enqueue_indirect_dma source(%arg11 : memref<80x64xf32, #tpu.memory_space<vmem>>) target(%dma_start3A_266 : memref<10240x64xf32, #tpu.memory_space<vmem_shared>>) offsets(%dma_start3A_263 : memref<80xi32, #tpu.memory_space<vmem>>) semaphore(%arg23 : memref<!tpu.dma_semaphore, #tpu.memory_space<semaphore_mem>>) {add = true}
    %dma_wait3A_267 = arith.constant 127 : i32
    %dma_wait3A_268 = arith.constant 0 : i32
    %dma_wait3A_269 = tpu.memref_slice %arg8[%dma_wait3A_267, %dma_wait3A_268] : memref<130x80xi32, #tpu.memory_space<vmem>> -> memref<1x80xi32, #tpu.memory_space<vmem>>
    %dma_wait3A_270 = tpu.memref_squeeze %dma_wait3A_269 : memref<1x80xi32, #tpu.memory_space<vmem>> -> memref<80xi32, #tpu.memory_space<vmem>>
    %dma_wait3A_271 = arith.constant 0 : i32
    %dma_wait3A_272 = arith.constant 0 : i32
    %dma_wait3A_273 = tpu.memref_slice %arg3[%dma_wait3A_271, %dma_wait3A_272] : memref<10000x64xf32, #tpu.memory_space<hbm>> -> memref<10000x64xf32, #tpu.memory_space<hbm>>
    tpu.wait_indirect_dma semaphore(%arg19 : memref<!tpu.dma_semaphore, #tpu.memory_space<semaphore_mem>>) src(%dma_wait3A_273 : memref<10000x64xf32, #tpu.memory_space<hbm>>) dst(%arg12 : memref<80x64xf32, #tpu.memory_space<vmem>>)
    %dma_start3A_274 = arith.constant 127 : i32
    %dma_start3A_275 = arith.constant 0 : i32
    %dma_start3A_276 = tpu.memref_slice %arg9[%dma_start3A_274, %dma_start3A_275] : memref<130x80xi32, #tpu.memory_space<vmem>> -> memref<1x80xi32, #tpu.memory_space<vmem>>
    %dma_start3A_277 = tpu.memref_squeeze %dma_start3A_276 : memref<1x80xi32, #tpu.memory_space<vmem>> -> memref<80xi32, #tpu.memory_space<vmem>>
    %dma_start3A_278 = arith.constant 0 : i32
    %dma_start3A_279 = arith.constant 0 : i32
    %dma_start3A_280 = tpu.memref_slice %arg16[%dma_start3A_278, %dma_start3A_279] : memref<10240x64xf32, #tpu.memory_space<vmem_shared>> -> memref<10240x64xf32, #tpu.memory_space<vmem_shared>>
    tpu.enqueue_indirect_dma source(%arg12 : memref<80x64xf32, #tpu.memory_space<vmem>>) target(%dma_start3A_280 : memref<10240x64xf32, #tpu.memory_space<vmem_shared>>) offsets(%dma_start3A_277 : memref<80xi32, #tpu.memory_space<vmem>>) semaphore(%arg24 : memref<!tpu.dma_semaphore, #tpu.memory_space<semaphore_mem>>) {add = true}
    %dma_wait3A_281 = arith.constant 128 : i32
    %dma_wait3A_282 = arith.constant 0 : i32
    %dma_wait3A_283 = tpu.memref_slice %arg8[%dma_wait3A_281, %dma_wait3A_282] : memref<130x80xi32, #tpu.memory_space<vmem>> -> memref<1x80xi32, #tpu.memory_space<vmem>>
    %dma_wait3A_284 = tpu.memref_squeeze %dma_wait3A_283 : memref<1x80xi32, #tpu.memory_space<vmem>> -> memref<80xi32, #tpu.memory_space<vmem>>
    %dma_wait3A_285 = arith.constant 0 : i32
    %dma_wait3A_286 = arith.constant 0 : i32
    %dma_wait3A_287 = tpu.memref_slice %arg3[%dma_wait3A_285, %dma_wait3A_286] : memref<10000x64xf32, #tpu.memory_space<hbm>> -> memref<10000x64xf32, #tpu.memory_space<hbm>>
    tpu.wait_indirect_dma semaphore(%arg20 : memref<!tpu.dma_semaphore, #tpu.memory_space<semaphore_mem>>) src(%dma_wait3A_287 : memref<10000x64xf32, #tpu.memory_space<hbm>>) dst(%arg13 : memref<80x64xf32, #tpu.memory_space<vmem>>)
    %dma_start3A_288 = arith.constant 128 : i32
    %dma_start3A_289 = arith.constant 0 : i32
    %dma_start3A_290 = tpu.memref_slice %arg9[%dma_start3A_288, %dma_start3A_289] : memref<130x80xi32, #tpu.memory_space<vmem>> -> memref<1x80xi32, #tpu.memory_space<vmem>>
    %dma_start3A_291 = tpu.memref_squeeze %dma_start3A_290 : memref<1x80xi32, #tpu.memory_space<vmem>> -> memref<80xi32, #tpu.memory_space<vmem>>
    %dma_start3A_292 = arith.constant 0 : i32
    %dma_start3A_293 = arith.constant 0 : i32
    %dma_start3A_294 = tpu.memref_slice %arg16[%dma_start3A_292, %dma_start3A_293] : memref<10240x64xf32, #tpu.memory_space<vmem_shared>> -> memref<10240x64xf32, #tpu.memory_space<vmem_shared>>
    tpu.enqueue_indirect_dma source(%arg13 : memref<80x64xf32, #tpu.memory_space<vmem>>) target(%dma_start3A_294 : memref<10240x64xf32, #tpu.memory_space<vmem_shared>>) offsets(%dma_start3A_291 : memref<80xi32, #tpu.memory_space<vmem>>) semaphore(%arg25 : memref<!tpu.dma_semaphore, #tpu.memory_space<semaphore_mem>>) {add = true}
    %dma_wait3A_295 = arith.constant 129 : i32
    %dma_wait3A_296 = arith.constant 0 : i32
    %dma_wait3A_297 = tpu.memref_slice %arg8[%dma_wait3A_295, %dma_wait3A_296] : memref<130x80xi32, #tpu.memory_space<vmem>> -> memref<1x80xi32, #tpu.memory_space<vmem>>
    %dma_wait3A_298 = tpu.memref_squeeze %dma_wait3A_297 : memref<1x80xi32, #tpu.memory_space<vmem>> -> memref<80xi32, #tpu.memory_space<vmem>>
    %dma_wait3A_299 = arith.constant 0 : i32
    %dma_wait3A_300 = arith.constant 0 : i32
    %dma_wait3A_301 = tpu.memref_slice %arg3[%dma_wait3A_299, %dma_wait3A_300] : memref<10000x64xf32, #tpu.memory_space<hbm>> -> memref<10000x64xf32, #tpu.memory_space<hbm>>
    tpu.wait_indirect_dma semaphore(%arg21 : memref<!tpu.dma_semaphore, #tpu.memory_space<semaphore_mem>>) src(%dma_wait3A_301 : memref<10000x64xf32, #tpu.memory_space<hbm>>) dst(%arg14 : memref<80x64xf32, #tpu.memory_space<vmem>>)
    %dma_start3A_302 = arith.constant 129 : i32
    %dma_start3A_303 = arith.constant 0 : i32
    %dma_start3A_304 = tpu.memref_slice %arg9[%dma_start3A_302, %dma_start3A_303] : memref<130x80xi32, #tpu.memory_space<vmem>> -> memref<1x80xi32, #tpu.memory_space<vmem>>
    %dma_start3A_305 = tpu.memref_squeeze %dma_start3A_304 : memref<1x80xi32, #tpu.memory_space<vmem>> -> memref<80xi32, #tpu.memory_space<vmem>>
    %dma_start3A_306 = arith.constant 0 : i32
    %dma_start3A_307 = arith.constant 0 : i32
    %dma_start3A_308 = tpu.memref_slice %arg16[%dma_start3A_306, %dma_start3A_307] : memref<10240x64xf32, #tpu.memory_space<vmem_shared>> -> memref<10240x64xf32, #tpu.memory_space<vmem_shared>>
    tpu.enqueue_indirect_dma source(%arg14 : memref<80x64xf32, #tpu.memory_space<vmem>>) target(%dma_start3A_308 : memref<10240x64xf32, #tpu.memory_space<vmem_shared>>) offsets(%dma_start3A_305 : memref<80xi32, #tpu.memory_space<vmem>>) semaphore(%arg26 : memref<!tpu.dma_semaphore, #tpu.memory_space<semaphore_mem>>) {add = true}
    %dma_wait3A_309 = arith.constant 125 : i32
    %dma_wait3A_310 = arith.constant 0 : i32
    %dma_wait3A_311 = tpu.memref_slice %arg9[%dma_wait3A_309, %dma_wait3A_310] : memref<130x80xi32, #tpu.memory_space<vmem>> -> memref<1x80xi32, #tpu.memory_space<vmem>>
    %dma_wait3A_312 = tpu.memref_squeeze %dma_wait3A_311 : memref<1x80xi32, #tpu.memory_space<vmem>> -> memref<80xi32, #tpu.memory_space<vmem>>
    %dma_wait3A_313 = arith.constant 0 : i32
    %dma_wait3A_314 = arith.constant 0 : i32
    %dma_wait3A_315 = tpu.memref_slice %arg16[%dma_wait3A_313, %dma_wait3A_314] : memref<10240x64xf32, #tpu.memory_space<vmem_shared>> -> memref<10240x64xf32, #tpu.memory_space<vmem_shared>>
    tpu.wait_indirect_dma semaphore(%arg22 : memref<!tpu.dma_semaphore, #tpu.memory_space<semaphore_mem>>) src(%arg10 : memref<80x64xf32, #tpu.memory_space<vmem>>) dst(%dma_wait3A_315 : memref<10240x64xf32, #tpu.memory_space<vmem_shared>>)
    %dma_wait3A_316 = arith.constant 126 : i32
    %dma_wait3A_317 = arith.constant 0 : i32
    %dma_wait3A_318 = tpu.memref_slice %arg9[%dma_wait3A_316, %dma_wait3A_317] : memref<130x80xi32, #tpu.memory_space<vmem>> -> memref<1x80xi32, #tpu.memory_space<vmem>>
    %dma_wait3A_319 = tpu.memref_squeeze %dma_wait3A_318 : memref<1x80xi32, #tpu.memory_space<vmem>> -> memref<80xi32, #tpu.memory_space<vmem>>
    %dma_wait3A_320 = arith.constant 0 : i32
    %dma_wait3A_321 = arith.constant 0 : i32
    %dma_wait3A_322 = tpu.memref_slice %arg16[%dma_wait3A_320, %dma_wait3A_321] : memref<10240x64xf32, #tpu.memory_space<vmem_shared>> -> memref<10240x64xf32, #tpu.memory_space<vmem_shared>>
    tpu.wait_indirect_dma semaphore(%arg23 : memref<!tpu.dma_semaphore, #tpu.memory_space<semaphore_mem>>) src(%arg11 : memref<80x64xf32, #tpu.memory_space<vmem>>) dst(%dma_wait3A_322 : memref<10240x64xf32, #tpu.memory_space<vmem_shared>>)
    %dma_wait3A_323 = arith.constant 127 : i32
    %dma_wait3A_324 = arith.constant 0 : i32
    %dma_wait3A_325 = tpu.memref_slice %arg9[%dma_wait3A_323, %dma_wait3A_324] : memref<130x80xi32, #tpu.memory_space<vmem>> -> memref<1x80xi32, #tpu.memory_space<vmem>>
    %dma_wait3A_326 = tpu.memref_squeeze %dma_wait3A_325 : memref<1x80xi32, #tpu.memory_space<vmem>> -> memref<80xi32, #tpu.memory_space<vmem>>
    %dma_wait3A_327 = arith.constant 0 : i32
    %dma_wait3A_328 = arith.constant 0 : i32
    %dma_wait3A_329 = tpu.memref_slice %arg16[%dma_wait3A_327, %dma_wait3A_328] : memref<10240x64xf32, #tpu.memory_space<vmem_shared>> -> memref<10240x64xf32, #tpu.memory_space<vmem_shared>>
    tpu.wait_indirect_dma semaphore(%arg24 : memref<!tpu.dma_semaphore, #tpu.memory_space<semaphore_mem>>) src(%arg12 : memref<80x64xf32, #tpu.memory_space<vmem>>) dst(%dma_wait3A_329 : memref<10240x64xf32, #tpu.memory_space<vmem_shared>>)
    %dma_wait3A_330 = arith.constant 128 : i32
    %dma_wait3A_331 = arith.constant 0 : i32
    %dma_wait3A_332 = tpu.memref_slice %arg9[%dma_wait3A_330, %dma_wait3A_331] : memref<130x80xi32, #tpu.memory_space<vmem>> -> memref<1x80xi32, #tpu.memory_space<vmem>>
    %dma_wait3A_333 = tpu.memref_squeeze %dma_wait3A_332 : memref<1x80xi32, #tpu.memory_space<vmem>> -> memref<80xi32, #tpu.memory_space<vmem>>
    %dma_wait3A_334 = arith.constant 0 : i32
    %dma_wait3A_335 = arith.constant 0 : i32
    %dma_wait3A_336 = tpu.memref_slice %arg16[%dma_wait3A_334, %dma_wait3A_335] : memref<10240x64xf32, #tpu.memory_space<vmem_shared>> -> memref<10240x64xf32, #tpu.memory_space<vmem_shared>>
    tpu.wait_indirect_dma semaphore(%arg25 : memref<!tpu.dma_semaphore, #tpu.memory_space<semaphore_mem>>) src(%arg13 : memref<80x64xf32, #tpu.memory_space<vmem>>) dst(%dma_wait3A_336 : memref<10240x64xf32, #tpu.memory_space<vmem_shared>>)
    %dma_wait3A_337 = arith.constant 129 : i32
    %dma_wait3A_338 = arith.constant 0 : i32
    %dma_wait3A_339 = tpu.memref_slice %arg9[%dma_wait3A_337, %dma_wait3A_338] : memref<130x80xi32, #tpu.memory_space<vmem>> -> memref<1x80xi32, #tpu.memory_space<vmem>>
    %dma_wait3A_340 = tpu.memref_squeeze %dma_wait3A_339 : memref<1x80xi32, #tpu.memory_space<vmem>> -> memref<80xi32, #tpu.memory_space<vmem>>
    %dma_wait3A_341 = arith.constant 0 : i32
    %dma_wait3A_342 = arith.constant 0 : i32
    %dma_wait3A_343 = tpu.memref_slice %arg16[%dma_wait3A_341, %dma_wait3A_342] : memref<10240x64xf32, #tpu.memory_space<vmem_shared>> -> memref<10240x64xf32, #tpu.memory_space<vmem_shared>>
    tpu.wait_indirect_dma semaphore(%arg26 : memref<!tpu.dma_semaphore, #tpu.memory_space<semaphore_mem>>) src(%arg14 : memref<80x64xf32, #tpu.memory_space<vmem>>) dst(%dma_wait3A_343 : memref<10240x64xf32, #tpu.memory_space<vmem_shared>>)
    %barrier3A_344 = arith.constant 0 : index
    tpu.barrier barrier_id(%barrier3A_344)
    %mul3A_345 = arith.constant 640 : i32
    %mul3A_346 = arith.muli %arg1, %mul3A_345 : i32
    %add3A_347 = arith.constant 0 : i32
    %add3A_348 = arith.addi %mul3A_346, %add3A_347 : i32
    "tpu.region"() ({
      %run_scoped3A_366 = tpu.sem_alloc : memref<!tpu.dma_semaphore, #tpu.memory_space<semaphore_mem>>
      %dma_start3A_367 = arith.constant 0 : i32
      %dma_start3A_368 = tpu.memref_slice %arg16[%add3A_348, %dma_start3A_367] : memref<10240x64xf32, #tpu.memory_space<vmem_shared>> -> memref<160x64xf32, #tpu.memory_space<vmem_shared>>
      %dma_start3A_369 = arith.constant 0 : i32
      %dma_start3A_370 = tpu.memref_slice %arg16[%add3A_348, %dma_start3A_369] : memref<10240x64xf32, #tpu.memory_space<vmem_shared>> -> memref<160x64xf32, #tpu.memory_space<vmem_shared>>
      tpu.enqueue_dma source(%dma_start3A_370 : memref<160x64xf32, #tpu.memory_space<vmem_shared>>) target(%arg15 : memref<160x64xf32, #tpu.memory_space<vmem>>) target_semaphore(%run_scoped3A_366 : memref<!tpu.dma_semaphore, #tpu.memory_space<semaphore_mem>>)
      %dma_wait3A_371 = arith.constant 0 : i32
      %dma_wait3A_372 = tpu.memref_slice %arg16[%add3A_348, %dma_wait3A_371] : memref<10240x64xf32, #tpu.memory_space<vmem_shared>> -> memref<160x64xf32, #tpu.memory_space<vmem_shared>>
      %dma_wait3A_373 = arith.constant 0 : i32
      %dma_wait3A_374 = tpu.memref_slice %arg16[%add3A_348, %dma_wait3A_373] : memref<10240x64xf32, #tpu.memory_space<vmem_shared>> -> memref<160x64xf32, #tpu.memory_space<vmem_shared>>
      tpu.wait_dma2 semaphore(%run_scoped3A_366 : memref<!tpu.dma_semaphore, #tpu.memory_space<semaphore_mem>>) src(%dma_wait3A_374 : memref<160x64xf32, #tpu.memory_space<vmem_shared>>) dst(%arg15 : memref<160x64xf32, #tpu.memory_space<vmem>>)
      tpu.yield
    }) : () -> ()
    %run_scoped3A_349 = arith.constant 1 : i32
    "tpu.region"() ({
      %run_scoped3A_366 = tpu.sem_alloc : memref<!tpu.dma_semaphore, #tpu.memory_space<semaphore_mem>>
      %dma_start3A_367 = arith.constant 0 : i32
      %dma_start3A_368 = arith.constant 0 : i32
      %dma_start3A_369 = tpu.memref_slice %arg7[%run_scoped3A_349, %arg0, %arg1, %dma_start3A_367, %dma_start3A_368] : memref<2x2x16x640x64xf32, #tpu.memory_space<hbm>> -> memref<1x1x1x160x64xf32, #tpu.memory_space<hbm>>
      %dma_start3A_370 = tpu.memref_squeeze %dma_start3A_369 : memref<1x1x1x160x64xf32, #tpu.memory_space<hbm>> -> memref<160x64xf32, #tpu.memory_space<hbm>>
      %dma_start3A_371 = arith.constant 0 : i32
      %dma_start3A_372 = arith.constant 0 : i32
      %dma_start3A_373 = tpu.memref_slice %arg7[%run_scoped3A_349, %arg0, %arg1, %dma_start3A_371, %dma_start3A_372] : memref<2x2x16x640x64xf32, #tpu.memory_space<hbm>> -> memref<1x1x1x160x64xf32, #tpu.memory_space<hbm>>
      %dma_start3A_374 = tpu.memref_squeeze %dma_start3A_373 : memref<1x1x1x160x64xf32, #tpu.memory_space<hbm>> -> memref<160x64xf32, #tpu.memory_space<hbm>>
      tpu.enqueue_dma source(%arg15 : memref<160x64xf32, #tpu.memory_space<vmem>>) target(%dma_start3A_374 : memref<160x64xf32, #tpu.memory_space<hbm>>) target_semaphore(%run_scoped3A_366 : memref<!tpu.dma_semaphore, #tpu.memory_space<semaphore_mem>>)
      %dma_wait3A_375 = arith.constant 0 : i32
      %dma_wait3A_376 = arith.constant 0 : i32
      %dma_wait3A_377 = tpu.memref_slice %arg7[%run_scoped3A_349, %arg0, %arg1, %dma_wait3A_375, %dma_wait3A_376] : memref<2x2x16x640x64xf32, #tpu.memory_space<hbm>> -> memref<1x1x1x160x64xf32, #tpu.memory_space<hbm>>
      %dma_wait3A_378 = tpu.memref_squeeze %dma_wait3A_377 : memref<1x1x1x160x64xf32, #tpu.memory_space<hbm>> -> memref<160x64xf32, #tpu.memory_space<hbm>>
      %dma_wait3A_379 = arith.constant 0 : i32
      %dma_wait3A_380 = arith.constant 0 : i32
      %dma_wait3A_381 = tpu.memref_slice %arg7[%run_scoped3A_349, %arg0, %arg1, %dma_wait3A_379, %dma_wait3A_380] : memref<2x2x16x640x64xf32, #tpu.memory_space<hbm>> -> memref<1x1x1x160x64xf32, #tpu.memory_space<hbm>>
      %dma_wait3A_382 = tpu.memref_squeeze %dma_wait3A_381 : memref<1x1x1x160x64xf32, #tpu.memory_space<hbm>> -> memref<160x64xf32, #tpu.memory_space<hbm>>
      tpu.wait_dma2 semaphore(%run_scoped3A_366 : memref<!tpu.dma_semaphore, #tpu.memory_space<semaphore_mem>>) src(%arg15 : memref<160x64xf32, #tpu.memory_space<vmem>>) dst(%dma_wait3A_382 : memref<160x64xf32, #tpu.memory_space<hbm>>)
      tpu.yield
    }) : () -> ()
    %mul3A_350 = arith.constant 640 : i32
    %mul3A_351 = arith.muli %arg1, %mul3A_350 : i32
    %add3A_352 = arith.constant 160 : i32
    %add3A_353 = arith.addi %mul3A_351, %add3A_352 : i32
    "tpu.region"() ({
      %run_scoped3A_366 = tpu.sem_alloc : memref<!tpu.dma_semaphore, #tpu.memory_space<semaphore_mem>>
      %dma_start3A_367 = arith.constant 0 : i32
      %dma_start3A_368 = tpu.memref_slice %arg16[%add3A_353, %dma_start3A_367] : memref<10240x64xf32, #tpu.memory_space<vmem_shared>> -> memref<160x64xf32, #tpu.memory_space<vmem_shared>>
      %dma_start3A_369 = arith.constant 0 : i32
      %dma_start3A_370 = tpu.memref_slice %arg16[%add3A_353, %dma_start3A_369] : memref<10240x64xf32, #tpu.memory_space<vmem_shared>> -> memref<160x64xf32, #tpu.memory_space<vmem_shared>>
      tpu.enqueue_dma source(%dma_start3A_370 : memref<160x64xf32, #tpu.memory_space<vmem_shared>>) target(%arg15 : memref<160x64xf32, #tpu.memory_space<vmem>>) target_semaphore(%run_scoped3A_366 : memref<!tpu.dma_semaphore, #tpu.memory_space<semaphore_mem>>)
      %dma_wait3A_371 = arith.constant 0 : i32
      %dma_wait3A_372 = tpu.memref_slice %arg16[%add3A_353, %dma_wait3A_371] : memref<10240x64xf32, #tpu.memory_space<vmem_shared>> -> memref<160x64xf32, #tpu.memory_space<vmem_shared>>
      %dma_wait3A_373 = arith.constant 0 : i32
      %dma_wait3A_374 = tpu.memref_slice %arg16[%add3A_353, %dma_wait3A_373] : memref<10240x64xf32, #tpu.memory_space<vmem_shared>> -> memref<160x64xf32, #tpu.memory_space<vmem_shared>>
      tpu.wait_dma2 semaphore(%run_scoped3A_366 : memref<!tpu.dma_semaphore, #tpu.memory_space<semaphore_mem>>) src(%dma_wait3A_374 : memref<160x64xf32, #tpu.memory_space<vmem_shared>>) dst(%arg15 : memref<160x64xf32, #tpu.memory_space<vmem>>)
      tpu.yield
    }) : () -> ()
    %run_scoped3A_354 = arith.constant 1 : i32
    "tpu.region"() ({
      %run_scoped3A_366 = tpu.sem_alloc : memref<!tpu.dma_semaphore, #tpu.memory_space<semaphore_mem>>
      %dma_start3A_367 = arith.constant 160 : i32
      %dma_start3A_368 = arith.constant 0 : i32
      %dma_start3A_369 = tpu.memref_slice %arg7[%run_scoped3A_354, %arg0, %arg1, %dma_start3A_367, %dma_start3A_368] : memref<2x2x16x640x64xf32, #tpu.memory_space<hbm>> -> memref<1x1x1x160x64xf32, #tpu.memory_space<hbm>>
      %dma_start3A_370 = tpu.memref_squeeze %dma_start3A_369 : memref<1x1x1x160x64xf32, #tpu.memory_space<hbm>> -> memref<160x64xf32, #tpu.memory_space<hbm>>
      %dma_start3A_371 = arith.constant 160 : i32
      %dma_start3A_372 = arith.constant 0 : i32
      %dma_start3A_373 = tpu.memref_slice %arg7[%run_scoped3A_354, %arg0, %arg1, %dma_start3A_371, %dma_start3A_372] : memref<2x2x16x640x64xf32, #tpu.memory_space<hbm>> -> memref<1x1x1x160x64xf32, #tpu.memory_space<hbm>>
      %dma_start3A_374 = tpu.memref_squeeze %dma_start3A_373 : memref<1x1x1x160x64xf32, #tpu.memory_space<hbm>> -> memref<160x64xf32, #tpu.memory_space<hbm>>
      tpu.enqueue_dma source(%arg15 : memref<160x64xf32, #tpu.memory_space<vmem>>) target(%dma_start3A_374 : memref<160x64xf32, #tpu.memory_space<hbm>>) target_semaphore(%run_scoped3A_366 : memref<!tpu.dma_semaphore, #tpu.memory_space<semaphore_mem>>)
      %dma_wait3A_375 = arith.constant 160 : i32
      %dma_wait3A_376 = arith.constant 0 : i32
      %dma_wait3A_377 = tpu.memref_slice %arg7[%run_scoped3A_354, %arg0, %arg1, %dma_wait3A_375, %dma_wait3A_376] : memref<2x2x16x640x64xf32, #tpu.memory_space<hbm>> -> memref<1x1x1x160x64xf32, #tpu.memory_space<hbm>>
      %dma_wait3A_378 = tpu.memref_squeeze %dma_wait3A_377 : memref<1x1x1x160x64xf32, #tpu.memory_space<hbm>> -> memref<160x64xf32, #tpu.memory_space<hbm>>
      %dma_wait3A_379 = arith.constant 160 : i32
      %dma_wait3A_380 = arith.constant 0 : i32
      %dma_wait3A_381 = tpu.memref_slice %arg7[%run_scoped3A_354, %arg0, %arg1, %dma_wait3A_379, %dma_wait3A_380] : memref<2x2x16x640x64xf32, #tpu.memory_space<hbm>> -> memref<1x1x1x160x64xf32, #tpu.memory_space<hbm>>
      %dma_wait3A_382 = tpu.memref_squeeze %dma_wait3A_381 : memref<1x1x1x160x64xf32, #tpu.memory_space<hbm>> -> memref<160x64xf32, #tpu.memory_space<hbm>>
      tpu.wait_dma2 semaphore(%run_scoped3A_366 : memref<!tpu.dma_semaphore, #tpu.memory_space<semaphore_mem>>) src(%arg15 : memref<160x64xf32, #tpu.memory_space<vmem>>) dst(%dma_wait3A_382 : memref<160x64xf32, #tpu.memory_space<hbm>>)
      tpu.yield
    }) : () -> ()
    %mul3A_355 = arith.constant 640 : i32
    %mul3A_356 = arith.muli %arg1, %mul3A_355 : i32
    %add3A_357 = arith.constant 320 : i32
    %add3A_358 = arith.addi %mul3A_356, %add3A_357 : i32
    "tpu.region"() ({
      %run_scoped3A_366 = tpu.sem_alloc : memref<!tpu.dma_semaphore, #tpu.memory_space<semaphore_mem>>
      %dma_start3A_367 = arith.constant 0 : i32
      %dma_start3A_368 = tpu.memref_slice %arg16[%add3A_358, %dma_start3A_367] : memref<10240x64xf32, #tpu.memory_space<vmem_shared>> -> memref<160x64xf32, #tpu.memory_space<vmem_shared>>
      %dma_start3A_369 = arith.constant 0 : i32
      %dma_start3A_370 = tpu.memref_slice %arg16[%add3A_358, %dma_start3A_369] : memref<10240x64xf32, #tpu.memory_space<vmem_shared>> -> memref<160x64xf32, #tpu.memory_space<vmem_shared>>
      tpu.enqueue_dma source(%dma_start3A_370 : memref<160x64xf32, #tpu.memory_space<vmem_shared>>) target(%arg15 : memref<160x64xf32, #tpu.memory_space<vmem>>) target_semaphore(%run_scoped3A_366 : memref<!tpu.dma_semaphore, #tpu.memory_space<semaphore_mem>>)
      %dma_wait3A_371 = arith.constant 0 : i32
      %dma_wait3A_372 = tpu.memref_slice %arg16[%add3A_358, %dma_wait3A_371] : memref<10240x64xf32, #tpu.memory_space<vmem_shared>> -> memref<160x64xf32, #tpu.memory_space<vmem_shared>>
      %dma_wait3A_373 = arith.constant 0 : i32
      %dma_wait3A_374 = tpu.memref_slice %arg16[%add3A_358, %dma_wait3A_373] : memref<10240x64xf32, #tpu.memory_space<vmem_shared>> -> memref<160x64xf32, #tpu.memory_space<vmem_shared>>
      tpu.wait_dma2 semaphore(%run_scoped3A_366 : memref<!tpu.dma_semaphore, #tpu.memory_space<semaphore_mem>>) src(%dma_wait3A_374 : memref<160x64xf32, #tpu.memory_space<vmem_shared>>) dst(%arg15 : memref<160x64xf32, #tpu.memory_space<vmem>>)
      tpu.yield
    }) : () -> ()
    %run_scoped3A_359 = arith.constant 1 : i32
    "tpu.region"() ({
      %run_scoped3A_366 = tpu.sem_alloc : memref<!tpu.dma_semaphore, #tpu.memory_space<semaphore_mem>>
      %dma_start3A_367 = arith.constant 320 : i32
      %dma_start3A_368 = arith.constant 0 : i32
      %dma_start3A_369 = tpu.memref_slice %arg7[%run_scoped3A_359, %arg0, %arg1, %dma_start3A_367, %dma_start3A_368] : memref<2x2x16x640x64xf32, #tpu.memory_space<hbm>> -> memref<1x1x1x160x64xf32, #tpu.memory_space<hbm>>
      %dma_start3A_370 = tpu.memref_squeeze %dma_start3A_369 : memref<1x1x1x160x64xf32, #tpu.memory_space<hbm>> -> memref<160x64xf32, #tpu.memory_space<hbm>>
      %dma_start3A_371 = arith.constant 320 : i32
      %dma_start3A_372 = arith.constant 0 : i32
      %dma_start3A_373 = tpu.memref_slice %arg7[%run_scoped3A_359, %arg0, %arg1, %dma_start3A_371, %dma_start3A_372] : memref<2x2x16x640x64xf32, #tpu.memory_space<hbm>> -> memref<1x1x1x160x64xf32, #tpu.memory_space<hbm>>
      %dma_start3A_374 = tpu.memref_squeeze %dma_start3A_373 : memref<1x1x1x160x64xf32, #tpu.memory_space<hbm>> -> memref<160x64xf32, #tpu.memory_space<hbm>>
      tpu.enqueue_dma source(%arg15 : memref<160x64xf32, #tpu.memory_space<vmem>>) target(%dma_start3A_374 : memref<160x64xf32, #tpu.memory_space<hbm>>) target_semaphore(%run_scoped3A_366 : memref<!tpu.dma_semaphore, #tpu.memory_space<semaphore_mem>>)
      %dma_wait3A_375 = arith.constant 320 : i32
      %dma_wait3A_376 = arith.constant 0 : i32
      %dma_wait3A_377 = tpu.memref_slice %arg7[%run_scoped3A_359, %arg0, %arg1, %dma_wait3A_375, %dma_wait3A_376] : memref<2x2x16x640x64xf32, #tpu.memory_space<hbm>> -> memref<1x1x1x160x64xf32, #tpu.memory_space<hbm>>
      %dma_wait3A_378 = tpu.memref_squeeze %dma_wait3A_377 : memref<1x1x1x160x64xf32, #tpu.memory_space<hbm>> -> memref<160x64xf32, #tpu.memory_space<hbm>>
      %dma_wait3A_379 = arith.constant 320 : i32
      %dma_wait3A_380 = arith.constant 0 : i32
      %dma_wait3A_381 = tpu.memref_slice %arg7[%run_scoped3A_359, %arg0, %arg1, %dma_wait3A_379, %dma_wait3A_380] : memref<2x2x16x640x64xf32, #tpu.memory_space<hbm>> -> memref<1x1x1x160x64xf32, #tpu.memory_space<hbm>>
      %dma_wait3A_382 = tpu.memref_squeeze %dma_wait3A_381 : memref<1x1x1x160x64xf32, #tpu.memory_space<hbm>> -> memref<160x64xf32, #tpu.memory_space<hbm>>
      tpu.wait_dma2 semaphore(%run_scoped3A_366 : memref<!tpu.dma_semaphore, #tpu.memory_space<semaphore_mem>>) src(%arg15 : memref<160x64xf32, #tpu.memory_space<vmem>>) dst(%dma_wait3A_382 : memref<160x64xf32, #tpu.memory_space<hbm>>)
      tpu.yield
    }) : () -> ()
    %mul3A_360 = arith.constant 640 : i32
    %mul3A_361 = arith.muli %arg1, %mul3A_360 : i32
    %add3A_362 = arith.constant 480 : i32
    %add3A_363 = arith.addi %mul3A_361, %add3A_362 : i32
    "tpu.region"() ({
      %run_scoped3A_366 = tpu.sem_alloc : memref<!tpu.dma_semaphore, #tpu.memory_space<semaphore_mem>>
      %dma_start3A_367 = arith.constant 0 : i32
      %dma_start3A_368 = tpu.memref_slice %arg16[%add3A_363, %dma_start3A_367] : memref<10240x64xf32, #tpu.memory_space<vmem_shared>> -> memref<160x64xf32, #tpu.memory_space<vmem_shared>>
      %dma_start3A_369 = arith.constant 0 : i32
      %dma_start3A_370 = tpu.memref_slice %arg16[%add3A_363, %dma_start3A_369] : memref<10240x64xf32, #tpu.memory_space<vmem_shared>> -> memref<160x64xf32, #tpu.memory_space<vmem_shared>>
      tpu.enqueue_dma source(%dma_start3A_370 : memref<160x64xf32, #tpu.memory_space<vmem_shared>>) target(%arg15 : memref<160x64xf32, #tpu.memory_space<vmem>>) target_semaphore(%run_scoped3A_366 : memref<!tpu.dma_semaphore, #tpu.memory_space<semaphore_mem>>)
      %dma_wait3A_371 = arith.constant 0 : i32
      %dma_wait3A_372 = tpu.memref_slice %arg16[%add3A_363, %dma_wait3A_371] : memref<10240x64xf32, #tpu.memory_space<vmem_shared>> -> memref<160x64xf32, #tpu.memory_space<vmem_shared>>
      %dma_wait3A_373 = arith.constant 0 : i32
      %dma_wait3A_374 = tpu.memref_slice %arg16[%add3A_363, %dma_wait3A_373] : memref<10240x64xf32, #tpu.memory_space<vmem_shared>> -> memref<160x64xf32, #tpu.memory_space<vmem_shared>>
      tpu.wait_dma2 semaphore(%run_scoped3A_366 : memref<!tpu.dma_semaphore, #tpu.memory_space<semaphore_mem>>) src(%dma_wait3A_374 : memref<160x64xf32, #tpu.memory_space<vmem_shared>>) dst(%arg15 : memref<160x64xf32, #tpu.memory_space<vmem>>)
      tpu.yield
    }) : () -> ()
    %run_scoped3A_364 = arith.constant 1 : i32
    "tpu.region"() ({
      %run_scoped3A_366 = tpu.sem_alloc : memref<!tpu.dma_semaphore, #tpu.memory_space<semaphore_mem>>
      %dma_start3A_367 = arith.constant 480 : i32
      %dma_start3A_368 = arith.constant 0 : i32
      %dma_start3A_369 = tpu.memref_slice %arg7[%run_scoped3A_364, %arg0, %arg1, %dma_start3A_367, %dma_start3A_368] : memref<2x2x16x640x64xf32, #tpu.memory_space<hbm>> -> memref<1x1x1x160x64xf32, #tpu.memory_space<hbm>>
      %dma_start3A_370 = tpu.memref_squeeze %dma_start3A_369 : memref<1x1x1x160x64xf32, #tpu.memory_space<hbm>> -> memref<160x64xf32, #tpu.memory_space<hbm>>
      %dma_start3A_371 = arith.constant 480 : i32
      %dma_start3A_372 = arith.constant 0 : i32
      %dma_start3A_373 = tpu.memref_slice %arg7[%run_scoped3A_364, %arg0, %arg1, %dma_start3A_371, %dma_start3A_372] : memref<2x2x16x640x64xf32, #tpu.memory_space<hbm>> -> memref<1x1x1x160x64xf32, #tpu.memory_space<hbm>>
      %dma_start3A_374 = tpu.memref_squeeze %dma_start3A_373 : memref<1x1x1x160x64xf32, #tpu.memory_space<hbm>> -> memref<160x64xf32, #tpu.memory_space<hbm>>
      tpu.enqueue_dma source(%arg15 : memref<160x64xf32, #tpu.memory_space<vmem>>) target(%dma_start3A_374 : memref<160x64xf32, #tpu.memory_space<hbm>>) target_semaphore(%run_scoped3A_366 : memref<!tpu.dma_semaphore, #tpu.memory_space<semaphore_mem>>)
      %dma_wait3A_375 = arith.constant 480 : i32
      %dma_wait3A_376 = arith.constant 0 : i32
      %dma_wait3A_377 = tpu.memref_slice %arg7[%run_scoped3A_364, %arg0, %arg1, %dma_wait3A_375, %dma_wait3A_376] : memref<2x2x16x640x64xf32, #tpu.memory_space<hbm>> -> memref<1x1x1x160x64xf32, #tpu.memory_space<hbm>>
      %dma_wait3A_378 = tpu.memref_squeeze %dma_wait3A_377 : memref<1x1x1x160x64xf32, #tpu.memory_space<hbm>> -> memref<160x64xf32, #tpu.memory_space<hbm>>
      %dma_wait3A_379 = arith.constant 480 : i32
      %dma_wait3A_380 = arith.constant 0 : i32
      %dma_wait3A_381 = tpu.memref_slice %arg7[%run_scoped3A_364, %arg0, %arg1, %dma_wait3A_379, %dma_wait3A_380] : memref<2x2x16x640x64xf32, #tpu.memory_space<hbm>> -> memref<1x1x1x160x64xf32, #tpu.memory_space<hbm>>
      %dma_wait3A_382 = tpu.memref_squeeze %dma_wait3A_381 : memref<1x1x1x160x64xf32, #tpu.memory_space<hbm>> -> memref<160x64xf32, #tpu.memory_space<hbm>>
      tpu.wait_dma2 semaphore(%run_scoped3A_366 : memref<!tpu.dma_semaphore, #tpu.memory_space<semaphore_mem>>) src(%arg15 : memref<160x64xf32, #tpu.memory_space<vmem>>) dst(%dma_wait3A_382 : memref<160x64xf32, #tpu.memory_space<hbm>>)
      tpu.yield
    }) : () -> ()
    %barrier3A_365 = arith.constant 0 : index
    tpu.barrier barrier_id(%barrier3A_365)
    return
  }
}

module attributes {stable_mosaic.version = 14 : i64} {
  func.func @body(%arg0: i32, %arg1: memref<1000x16xf32, #tpu.memory_space<vmem>>, %arg2: memref<1000x16xf32, #tpu.memory_space<vmem>>, %arg3: memref<1000x128xf32, #tpu.memory_space<vmem>>, %arg4: memref<128x128xf32, #tpu.memory_space<vmem>>, %arg5: memref<1000x64xf32, #tpu.memory_space<vmem>>, %arg6: memref<1000x64xf32, #tpu.memory_space<vmem>>, %arg7: memref<1000x1xf32, #tpu.memory_space<vmem>>) attributes {dimension_semantics = [#tpu.dimension_semantics<arbitrary>], iteration_bounds = array<i64: 10>, scalar_prefetch = 0 : i64, scratch_operands = 0 : i64, tpu.core_type = #tpu.core_type<tc>, window_params = [{transform_indices = @transform_0, window_bounds = array<i64: 1000, 16>}, {transform_indices = @transform_1, window_bounds = array<i64: 1000, 16>}, {transform_indices = @transform_2, window_bounds = array<i64: 1000, 128>}, {pipeline_mode = #tpu.pipeline_mode<synchronous>, transform_indices = @transform_3, window_bounds = array<i64: 128, 128>}, {transform_indices = @transform_4, window_bounds = array<i64: 1000, 64>}, {transform_indices = @transform_5, window_bounds = array<i64: 1000, 64>}, {transform_indices = @transform_6, window_bounds = array<i64: 1000, 1>}]} {
    %get3A = arith.constant 0 : index
    %get3A_0 = arith.constant 0 : index
    %get3A_1 = vector.load %arg1[%get3A, %get3A_0] : memref<1000x16xf32, #tpu.memory_space<vmem>>, vector<1000x1xf32>
    %get3A_2 = arith.constant 0 : index
    %get3A_3 = arith.constant 0 : index
    %get3A_4 = vector.load %arg2[%get3A_2, %get3A_3] : memref<1000x16xf32, #tpu.memory_space<vmem>>, vector<1000x1xf32>
    %add3A = arith.addf %get3A_1, %get3A_4 : vector<1000x1xf32>
    %add3A_5 = arith.constant 1.000000e+00 : f32
    %add3A_6 = vector.broadcast %add3A_5 : f32 to vector<1000x1xf32>
    %add3A_7 = arith.addf %add3A, %add3A_6 : vector<1000x1xf32>
    %rsqrt3A = math.rsqrt %add3A_7 : vector<1000x1xf32>
    %swap3A = arith.constant 0 : index
    %swap3A_8 = arith.constant 0 : index
    %swap3A_9 = vector.load %arg7[%swap3A, %swap3A_8] : memref<1000x1xf32, #tpu.memory_space<vmem>>, vector<1000x1xf32>
    tpu.vector_store %arg7[%swap3A, %swap3A_8], %rsqrt3A {strides = array<i32>} : memref<1000x1xf32, #tpu.memory_space<vmem>>, vector<1000x1xf32>,
    %get3A_10 = arith.constant 0 : index
    %get3A_11 = arith.constant 0 : index
    %get3A_12 = vector.load %arg3[%get3A_10, %get3A_11] : memref<1000x128xf32, #tpu.memory_space<vmem>>, vector<1000x128xf32>
    %get3A_13 = arith.constant 0 : index
    %get3A_14 = arith.constant 0 : index
    %get3A_15 = vector.load %arg4[%get3A_13, %get3A_14] : memref<128x128xf32, #tpu.memory_space<vmem>>, vector<128x128xf32>
    %dot_general3A = arith.constant dense<0.000000e+00> : vector<1000x128xf32>
    %dot_general3A_16 = tpu.matmul %get3A_12, %get3A_15, %dot_general3A {dimension_numbers = #tpu.dot_dimension_numbers<[1], [0], [0], [1], [0, 0, 1, 1], [], []>, transpose_lhs_hint = false} : vector<1000x128xf32>, vector<128x128xf32>, vector<1000x128xf32> -> vector<1000x128xf32>
    %mul3A = vector.broadcast %rsqrt3A : vector<1000x1xf32> to vector<1000x128xf32>
    %mul3A_17 = arith.mulf %mul3A, %dot_general3A_16 : vector<1000x128xf32>
    %slice3A = vector.extract_strided_slice %mul3A_17 {offsets = [0, 0], sizes = [1000, 64], strides = [1, 1]} : vector<1000x128xf32> to vector<1000x64xf32>
    %swap3A_18 = arith.constant 0 : index
    %swap3A_19 = arith.constant 0 : index
    %swap3A_20 = vector.load %arg5[%swap3A_18, %swap3A_19] : memref<1000x64xf32, #tpu.memory_space<vmem>>, vector<1000x64xf32>
    tpu.vector_store %arg5[%swap3A_18, %swap3A_19], %slice3A {strides = array<i32>} : memref<1000x64xf32, #tpu.memory_space<vmem>>, vector<1000x64xf32>,
    %slice3A_21 = vector.extract_strided_slice %mul3A_17 {offsets = [0, 64], sizes = [1000, 64], strides = [1, 1]} : vector<1000x128xf32> to vector<1000x64xf32>
    %swap3A_22 = arith.constant 0 : index
    %swap3A_23 = arith.constant 0 : index
    %swap3A_24 = vector.load %arg6[%swap3A_22, %swap3A_23] : memref<1000x64xf32, #tpu.memory_space<vmem>>, vector<1000x64xf32>
    tpu.vector_store %arg6[%swap3A_22, %swap3A_23], %slice3A_21 {strides = array<i32>} : memref<1000x64xf32, #tpu.memory_space<vmem>>, vector<1000x64xf32>,
    return
  }
  func.func @transform_0(%arg0: i32) -> (i32, i32) {
    %c0_i32 = arith.constant 0 : i32
    %c0_i32_0 = arith.constant 0 : i32
    return %arg0, %c0_i32 : i32, i32
  }
  func.func @transform_1(%arg0: i32) -> (i32, i32) {
    %c0_i32 = arith.constant 0 : i32
    %c0_i32_0 = arith.constant 0 : i32
    return %arg0, %c0_i32 : i32, i32
  }
  func.func @transform_2(%arg0: i32) -> (i32, i32) {
    %c0_i32 = arith.constant 0 : i32
    %c0_i32_0 = arith.constant 0 : i32
    return %arg0, %c0_i32 : i32, i32
  }
  func.func @transform_3(%arg0: i32) -> (i32, i32) {
    %c0_i32 = arith.constant 0 : i32
    %c0_i32_0 = arith.constant 0 : i32
    %c0_i32_1 = arith.constant 0 : i32
    return %c0_i32, %c0_i32_0 : i32, i32
  }
  func.func @transform_4(%arg0: i32) -> (i32, i32) {
    %c0_i32 = arith.constant 0 : i32
    %c0_i32_0 = arith.constant 0 : i32
    return %arg0, %c0_i32 : i32, i32
  }
  func.func @transform_5(%arg0: i32) -> (i32, i32) {
    %c0_i32 = arith.constant 0 : i32
    %c0_i32_0 = arith.constant 0 : i32
    return %arg0, %c0_i32 : i32, i32
  }
  func.func @transform_6(%arg0: i32) -> (i32, i32) {
    %c0_i32 = arith.constant 0 : i32
    %c0_i32_0 = arith.constant 0 : i32
    return %arg0, %c0_i32 : i32, i32
  }
}

module attributes {stable_mosaic.version = 14 : i64} {
  func.func @body(%arg0: i32, %arg1: memref<1000x64xf32, #tpu.memory_space<vmem>>, %arg2: memref<1000x64xf32, #tpu.memory_space<vmem>>, %arg3: memref<1000x64xf32, #tpu.memory_space<vmem>>, %arg4: memref<1000x64xf32, #tpu.memory_space<vmem>>, %arg5: memref<1000x64xf32, #tpu.memory_space<vmem>>, %arg6: memref<1000x64xf32, #tpu.memory_space<vmem>>, %arg7: memref<1000x1xf32, #tpu.memory_space<vmem>>, %arg8: memref<1x128xf32, #tpu.memory_space<vmem>>, %arg9: memref<64x128xf32, #tpu.memory_space<vmem>>, %arg10: memref<64x128xf32, #tpu.memory_space<vmem>>, %arg11: memref<1000x64xf32, #tpu.memory_space<vmem>>, %arg12: memref<1000x64xf32, #tpu.memory_space<vmem>>) attributes {dimension_semantics = [#tpu.dimension_semantics<arbitrary>], iteration_bounds = array<i64: 10>, scalar_prefetch = 0 : i64, scratch_operands = 0 : i64, tpu.core_type = #tpu.core_type<tc>, window_params = [{transform_indices = @transform_0, window_bounds = array<i64: 1000, 64>}, {transform_indices = @transform_1, window_bounds = array<i64: 1000, 64>}, {transform_indices = @transform_2, window_bounds = array<i64: 1000, 64>}, {transform_indices = @transform_3, window_bounds = array<i64: 1000, 64>}, {transform_indices = @transform_4, window_bounds = array<i64: 1000, 64>}, {transform_indices = @transform_5, window_bounds = array<i64: 1000, 64>}, {transform_indices = @transform_6, window_bounds = array<i64: 1000, 1>}, {pipeline_mode = #tpu.pipeline_mode<synchronous>, transform_indices = @transform_7, window_bounds = array<i64: 1, 128>}, {pipeline_mode = #tpu.pipeline_mode<synchronous>, transform_indices = @transform_8, window_bounds = array<i64: 64, 128>}, {pipeline_mode = #tpu.pipeline_mode<synchronous>, transform_indices = @transform_9, window_bounds = array<i64: 64, 128>}, {transform_indices = @transform_10, window_bounds = array<i64: 1000, 64>}, {transform_indices = @transform_11, window_bounds = array<i64: 1000, 64>}]} {
    %get3A = arith.constant 0 : index
    %get3A_0 = arith.constant 0 : index
    %get3A_1 = vector.load %arg7[%get3A, %get3A_0] : memref<1000x1xf32, #tpu.memory_space<vmem>>, vector<1000x1xf32>
    %get3A_2 = arith.constant 0 : index
    %get3A_3 = arith.constant 0 : index
    %get3A_4 = vector.load %arg1[%get3A_2, %get3A_3] : memref<1000x64xf32, #tpu.memory_space<vmem>>, vector<1000x64xf32>
    %get3A_5 = arith.constant 0 : index
    %get3A_6 = arith.constant 0 : index
    %get3A_7 = vector.load %arg2[%get3A_5, %get3A_6] : memref<1000x64xf32, #tpu.memory_space<vmem>>, vector<1000x64xf32>
    %add3A = arith.addf %get3A_4, %get3A_7 : vector<1000x64xf32>
    %get3A_8 = arith.constant 0 : index
    %get3A_9 = arith.constant 0 : index
    %get3A_10 = vector.load %arg5[%get3A_8, %get3A_9] : memref<1000x64xf32, #tpu.memory_space<vmem>>, vector<1000x64xf32>
    %add3A_11 = arith.addf %add3A, %get3A_10 : vector<1000x64xf32>
    %mul3A = vector.broadcast %get3A_1 : vector<1000x1xf32> to vector<1000x64xf32>
    %mul3A_12 = arith.mulf %mul3A, %add3A_11 : vector<1000x64xf32>
    %get3A_13 = arith.constant 0 : index
    %get3A_14 = arith.constant 0 : index
    %get3A_15 = vector.load %arg8[%get3A_13, %get3A_14] : memref<1x128xf32, #tpu.memory_space<vmem>>, vector<1x64xf32>
    %add3A_16 = vector.broadcast %get3A_15 : vector<1x64xf32> to vector<1000x64xf32>
    %add3A_17 = arith.addf %mul3A_12, %add3A_16 : vector<1000x64xf32>
    %get3A_18 = arith.constant 0 : index
    %get3A_19 = arith.constant 0 : index
    %get3A_20 = vector.load %arg3[%get3A_18, %get3A_19] : memref<1000x64xf32, #tpu.memory_space<vmem>>, vector<1000x64xf32>
    %get3A_21 = arith.constant 0 : index
    %get3A_22 = arith.constant 0 : index
    %get3A_23 = vector.load %arg4[%get3A_21, %get3A_22] : memref<1000x64xf32, #tpu.memory_space<vmem>>, vector<1000x64xf32>
    %add3A_24 = arith.addf %get3A_20, %get3A_23 : vector<1000x64xf32>
    %get3A_25 = arith.constant 0 : index
    %get3A_26 = arith.constant 0 : index
    %get3A_27 = vector.load %arg6[%get3A_25, %get3A_26] : memref<1000x64xf32, #tpu.memory_space<vmem>>, vector<1000x64xf32>
    %add3A_28 = arith.addf %add3A_24, %get3A_27 : vector<1000x64xf32>
    %mul3A_29 = vector.broadcast %get3A_1 : vector<1000x1xf32> to vector<1000x64xf32>
    %mul3A_30 = arith.mulf %mul3A_29, %add3A_28 : vector<1000x64xf32>
    %get3A_31 = arith.constant 0 : index
    %get3A_32 = arith.constant 64 : index
    %get3A_33 = vector.load %arg8[%get3A_31, %get3A_32] : memref<1x128xf32, #tpu.memory_space<vmem>>, vector<1x64xf32>
    %add3A_34 = vector.broadcast %get3A_33 : vector<1x64xf32> to vector<1000x64xf32>
    %add3A_35 = arith.addf %mul3A_30, %add3A_34 : vector<1000x64xf32>
    %max3A = arith.constant 0.000000e+00 : f32
    %max3A_36 = vector.broadcast %max3A : f32 to vector<1000x64xf32>
    %max3A_37 = arith.maximumf %add3A_17, %max3A_36 : vector<1000x64xf32>
    %max3A_38 = arith.constant 0.000000e+00 : f32
    %max3A_39 = vector.broadcast %max3A_38 : f32 to vector<1000x64xf32>
    %max3A_40 = arith.maximumf %add3A_35, %max3A_39 : vector<1000x64xf32>
    %mul3A_41 = arith.mulf %max3A_37, %max3A_37 : vector<1000x64xf32>
    %reduce_sum3A = arith.constant dense<0.000000e+00> : vector<1000xf32>
    %reduce_sum3A_42 = vector.multi_reduction <add>, %mul3A_41, %reduce_sum3A [1] : vector<1000x64xf32> to vector<1000xf32>
    %broadcast_in_dim3A = vector.shape_cast %reduce_sum3A_42 : vector<1000xf32> to vector<1000x1xf32>
    %mul3A_43 = arith.mulf %max3A_40, %max3A_40 : vector<1000x64xf32>
    %reduce_sum3A_44 = arith.constant dense<0.000000e+00> : vector<1000xf32>
    %reduce_sum3A_45 = vector.multi_reduction <add>, %mul3A_43, %reduce_sum3A_44 [1] : vector<1000x64xf32> to vector<1000xf32>
    %broadcast_in_dim3A_46 = vector.shape_cast %reduce_sum3A_45 : vector<1000xf32> to vector<1000x1xf32>
    %add3A_47 = arith.addf %broadcast_in_dim3A, %broadcast_in_dim3A_46 : vector<1000x1xf32>
    %sqrt3A = math.sqrt %add3A_47 : vector<1000x1xf32>
    %max3A_48 = arith.constant 9.99999996E-13 : f32
    %max3A_49 = vector.broadcast %max3A_48 : f32 to vector<1000x1xf32>
    %max3A_50 = arith.maximumf %sqrt3A, %max3A_49 : vector<1000x1xf32>
    %div3A = arith.constant 1.000000e+00 : f32
    %div3A_51 = vector.broadcast %div3A : f32 to vector<1000x1xf32>
    %div3A_52 = arith.divf %div3A_51, %max3A_50 : vector<1000x1xf32>
    %mul3A_53 = vector.broadcast %div3A_52 : vector<1000x1xf32> to vector<1000x64xf32>
    %mul3A_54 = arith.mulf %max3A_37, %mul3A_53 : vector<1000x64xf32>
    %mul3A_55 = vector.broadcast %div3A_52 : vector<1000x1xf32> to vector<1000x64xf32>
    %mul3A_56 = arith.mulf %max3A_40, %mul3A_55 : vector<1000x64xf32>
    %max3A_57 = arith.constant 0.000000e+00 : f32
    %max3A_58 = vector.broadcast %max3A_57 : f32 to vector<1000x64xf32>
    %max3A_59 = arith.maximumf %mul3A_54, %max3A_58 : vector<1000x64xf32>
    %max3A_60 = arith.constant 0.000000e+00 : f32
    %max3A_61 = vector.broadcast %max3A_60 : f32 to vector<1000x64xf32>
    %max3A_62 = arith.maximumf %mul3A_56, %max3A_61 : vector<1000x64xf32>
    %get3A_63 = arith.constant 0 : index
    %get3A_64 = arith.constant 0 : index
    %get3A_65 = vector.load %arg9[%get3A_63, %get3A_64] : memref<64x128xf32, #tpu.memory_space<vmem>>, vector<64x128xf32>
    %dot_general3A = arith.constant dense<0.000000e+00> : vector<1000x128xf32>
    %dot_general3A_66 = tpu.matmul %max3A_59, %get3A_65, %dot_general3A {dimension_numbers = #tpu.dot_dimension_numbers<[1], [0], [0], [1], [0, 0, 1, 1], [], []>, transpose_lhs_hint = false} : vector<1000x64xf32>, vector<64x128xf32>, vector<1000x128xf32> -> vector<1000x128xf32>
    %get3A_67 = arith.constant 0 : index
    %get3A_68 = arith.constant 0 : index
    %get3A_69 = vector.load %arg10[%get3A_67, %get3A_68] : memref<64x128xf32, #tpu.memory_space<vmem>>, vector<64x128xf32>
    %dot_general3A_70 = arith.constant dense<0.000000e+00> : vector<1000x128xf32>
    %dot_general3A_71 = tpu.matmul %max3A_62, %get3A_69, %dot_general3A_70 {dimension_numbers = #tpu.dot_dimension_numbers<[1], [0], [0], [1], [0, 0, 1, 1], [], []>, transpose_lhs_hint = false} : vector<1000x64xf32>, vector<64x128xf32>, vector<1000x128xf32> -> vector<1000x128xf32>
    %add3A_72 = arith.addf %dot_general3A_66, %dot_general3A_71 : vector<1000x128xf32>
    %mul3A_73 = vector.broadcast %get3A_1 : vector<1000x1xf32> to vector<1000x128xf32>
    %mul3A_74 = arith.mulf %mul3A_73, %add3A_72 : vector<1000x128xf32>
    %slice3A = vector.extract_strided_slice %mul3A_74 {offsets = [0, 0], sizes = [1000, 64], strides = [1, 1]} : vector<1000x128xf32> to vector<1000x64xf32>
    %swap3A = arith.constant 0 : index
    %swap3A_75 = arith.constant 0 : index
    %swap3A_76 = vector.load %arg11[%swap3A, %swap3A_75] : memref<1000x64xf32, #tpu.memory_space<vmem>>, vector<1000x64xf32>
    tpu.vector_store %arg11[%swap3A, %swap3A_75], %slice3A {strides = array<i32>} : memref<1000x64xf32, #tpu.memory_space<vmem>>, vector<1000x64xf32>,
    %slice3A_77 = vector.extract_strided_slice %mul3A_74 {offsets = [0, 64], sizes = [1000, 64], strides = [1, 1]} : vector<1000x128xf32> to vector<1000x64xf32>
    %swap3A_78 = arith.constant 0 : index
    %swap3A_79 = arith.constant 0 : index
    %swap3A_80 = vector.load %arg12[%swap3A_78, %swap3A_79] : memref<1000x64xf32, #tpu.memory_space<vmem>>, vector<1000x64xf32>
    tpu.vector_store %arg12[%swap3A_78, %swap3A_79], %slice3A_77 {strides = array<i32>} : memref<1000x64xf32, #tpu.memory_space<vmem>>, vector<1000x64xf32>,
    return
  }
  func.func @transform_0(%arg0: i32) -> (i32, i32) {
    %c0_i32 = arith.constant 0 : i32
    %c0_i32_0 = arith.constant 0 : i32
    return %arg0, %c0_i32 : i32, i32
  }
  func.func @transform_1(%arg0: i32) -> (i32, i32) {
    %c0_i32 = arith.constant 0 : i32
    %c0_i32_0 = arith.constant 0 : i32
    return %arg0, %c0_i32 : i32, i32
  }
  func.func @transform_2(%arg0: i32) -> (i32, i32) {
    %c0_i32 = arith.constant 0 : i32
    %c0_i32_0 = arith.constant 0 : i32
    return %arg0, %c0_i32 : i32, i32
  }
  func.func @transform_3(%arg0: i32) -> (i32, i32) {
    %c0_i32 = arith.constant 0 : i32
    %c0_i32_0 = arith.constant 0 : i32
    return %arg0, %c0_i32 : i32, i32
  }
  func.func @transform_4(%arg0: i32) -> (i32, i32) {
    %c0_i32 = arith.constant 0 : i32
    %c0_i32_0 = arith.constant 0 : i32
    return %arg0, %c0_i32 : i32, i32
  }
  func.func @transform_5(%arg0: i32) -> (i32, i32) {
    %c0_i32 = arith.constant 0 : i32
    %c0_i32_0 = arith.constant 0 : i32
    return %arg0, %c0_i32 : i32, i32
  }
  func.func @transform_6(%arg0: i32) -> (i32, i32) {
    %c0_i32 = arith.constant 0 : i32
    %c0_i32_0 = arith.constant 0 : i32
    return %arg0, %c0_i32 : i32, i32
  }
  func.func @transform_7(%arg0: i32) -> (i32, i32) {
    %c0_i32 = arith.constant 0 : i32
    %c0_i32_0 = arith.constant 0 : i32
    %c0_i32_1 = arith.constant 0 : i32
    return %c0_i32, %c0_i32_0 : i32, i32
  }
  func.func @transform_8(%arg0: i32) -> (i32, i32) {
    %c0_i32 = arith.constant 0 : i32
    %c0_i32_0 = arith.constant 0 : i32
    %c0_i32_1 = arith.constant 0 : i32
    return %c0_i32, %c0_i32_0 : i32, i32
  }
  func.func @transform_9(%arg0: i32) -> (i32, i32) {
    %c0_i32 = arith.constant 0 : i32
    %c0_i32_0 = arith.constant 0 : i32
    %c0_i32_1 = arith.constant 0 : i32
    return %c0_i32, %c0_i32_0 : i32, i32
  }
  func.func @transform_10(%arg0: i32) -> (i32, i32) {
    %c0_i32 = arith.constant 0 : i32
    %c0_i32_0 = arith.constant 0 : i32
    return %arg0, %c0_i32 : i32, i32
  }
  func.func @transform_11(%arg0: i32) -> (i32, i32) {
    %c0_i32 = arith.constant 0 : i32
    %c0_i32_0 = arith.constant 0 : i32
    return %arg0, %c0_i32 : i32, i32
  }
}

module attributes {stable_mosaic.version = 14 : i64} {
  func.func @body(%arg0: i32, %arg1: memref<1000x64xf32, #tpu.memory_space<vmem>>, %arg2: memref<1000x64xf32, #tpu.memory_space<vmem>>, %arg3: memref<1000x64xf32, #tpu.memory_space<vmem>>, %arg4: memref<1000x64xf32, #tpu.memory_space<vmem>>, %arg5: memref<1000x64xf32, #tpu.memory_space<vmem>>, %arg6: memref<1000x64xf32, #tpu.memory_space<vmem>>, %arg7: memref<1000x1xf32, #tpu.memory_space<vmem>>, %arg8: memref<1x64xf32, #tpu.memory_space<vmem>>, %arg9: memref<1x64xf32, #tpu.memory_space<vmem>>, %arg10: memref<1000x64xf32, #tpu.memory_space<vmem>>, %arg11: memref<1000x64xf32, #tpu.memory_space<vmem>>) attributes {dimension_semantics = [#tpu.dimension_semantics<arbitrary>], iteration_bounds = array<i64: 10>, scalar_prefetch = 0 : i64, scratch_operands = 0 : i64, tpu.core_type = #tpu.core_type<tc>, window_params = [{transform_indices = @transform_0, window_bounds = array<i64: 1000, 64>}, {transform_indices = @transform_1, window_bounds = array<i64: 1000, 64>}, {transform_indices = @transform_2, window_bounds = array<i64: 1000, 64>}, {transform_indices = @transform_3, window_bounds = array<i64: 1000, 64>}, {transform_indices = @transform_4, window_bounds = array<i64: 1000, 64>}, {transform_indices = @transform_5, window_bounds = array<i64: 1000, 64>}, {transform_indices = @transform_6, window_bounds = array<i64: 1000, 1>}, {pipeline_mode = #tpu.pipeline_mode<synchronous>, transform_indices = @transform_7, window_bounds = array<i64: 1, 64>}, {pipeline_mode = #tpu.pipeline_mode<synchronous>, transform_indices = @transform_8, window_bounds = array<i64: 1, 64>}, {transform_indices = @transform_9, window_bounds = array<i64: 1000, 64>}, {transform_indices = @transform_10, window_bounds = array<i64: 1000, 64>}]} {
    %get3A = arith.constant 0 : index
    %get3A_0 = arith.constant 0 : index
    %get3A_1 = vector.load %arg7[%get3A, %get3A_0] : memref<1000x1xf32, #tpu.memory_space<vmem>>, vector<1000x1xf32>
    %get3A_2 = arith.constant 0 : index
    %get3A_3 = arith.constant 0 : index
    %get3A_4 = vector.load %arg1[%get3A_2, %get3A_3] : memref<1000x64xf32, #tpu.memory_space<vmem>>, vector<1000x64xf32>
    %get3A_5 = arith.constant 0 : index
    %get3A_6 = arith.constant 0 : index
    %get3A_7 = vector.load %arg2[%get3A_5, %get3A_6] : memref<1000x64xf32, #tpu.memory_space<vmem>>, vector<1000x64xf32>
    %add3A = arith.addf %get3A_4, %get3A_7 : vector<1000x64xf32>
    %get3A_8 = arith.constant 0 : index
    %get3A_9 = arith.constant 0 : index
    %get3A_10 = vector.load %arg5[%get3A_8, %get3A_9] : memref<1000x64xf32, #tpu.memory_space<vmem>>, vector<1000x64xf32>
    %add3A_11 = arith.addf %add3A, %get3A_10 : vector<1000x64xf32>
    %mul3A = vector.broadcast %get3A_1 : vector<1000x1xf32> to vector<1000x64xf32>
    %mul3A_12 = arith.mulf %mul3A, %add3A_11 : vector<1000x64xf32>
    %get3A_13 = arith.constant 0 : index
    %get3A_14 = arith.constant 0 : index
    %get3A_15 = vector.load %arg8[%get3A_13, %get3A_14] : memref<1x64xf32, #tpu.memory_space<vmem>>, vector<1x64xf32>
    %add3A_16 = vector.broadcast %get3A_15 : vector<1x64xf32> to vector<1000x64xf32>
    %add3A_17 = arith.addf %mul3A_12, %add3A_16 : vector<1000x64xf32>
    %swap3A = arith.constant 0 : index
    %swap3A_18 = arith.constant 0 : index
    %swap3A_19 = vector.load %arg10[%swap3A, %swap3A_18] : memref<1000x64xf32, #tpu.memory_space<vmem>>, vector<1000x64xf32>
    tpu.vector_store %arg10[%swap3A, %swap3A_18], %add3A_17 {strides = array<i32>} : memref<1000x64xf32, #tpu.memory_space<vmem>>, vector<1000x64xf32>,
    %get3A_20 = arith.constant 0 : index
    %get3A_21 = arith.constant 0 : index
    %get3A_22 = vector.load %arg3[%get3A_20, %get3A_21] : memref<1000x64xf32, #tpu.memory_space<vmem>>, vector<1000x64xf32>
    %get3A_23 = arith.constant 0 : index
    %get3A_24 = arith.constant 0 : index
    %get3A_25 = vector.load %arg4[%get3A_23, %get3A_24] : memref<1000x64xf32, #tpu.memory_space<vmem>>, vector<1000x64xf32>
    %add3A_26 = arith.addf %get3A_22, %get3A_25 : vector<1000x64xf32>
    %get3A_27 = arith.constant 0 : index
    %get3A_28 = arith.constant 0 : index
    %get3A_29 = vector.load %arg6[%get3A_27, %get3A_28] : memref<1000x64xf32, #tpu.memory_space<vmem>>, vector<1000x64xf32>
    %add3A_30 = arith.addf %add3A_26, %get3A_29 : vector<1000x64xf32>
    %mul3A_31 = vector.broadcast %get3A_1 : vector<1000x1xf32> to vector<1000x64xf32>
    %mul3A_32 = arith.mulf %mul3A_31, %add3A_30 : vector<1000x64xf32>
    %get3A_33 = arith.constant 0 : index
    %get3A_34 = arith.constant 0 : index
    %get3A_35 = vector.load %arg9[%get3A_33, %get3A_34] : memref<1x64xf32, #tpu.memory_space<vmem>>, vector<1x64xf32>
    %add3A_36 = vector.broadcast %get3A_35 : vector<1x64xf32> to vector<1000x64xf32>
    %add3A_37 = arith.addf %mul3A_32, %add3A_36 : vector<1000x64xf32>
    %swap3A_38 = arith.constant 0 : index
    %swap3A_39 = arith.constant 0 : index
    %swap3A_40 = vector.load %arg11[%swap3A_38, %swap3A_39] : memref<1000x64xf32, #tpu.memory_space<vmem>>, vector<1000x64xf32>
    tpu.vector_store %arg11[%swap3A_38, %swap3A_39], %add3A_37 {strides = array<i32>} : memref<1000x64xf32, #tpu.memory_space<vmem>>, vector<1000x64xf32>,
    return
  }
  func.func @transform_0(%arg0: i32) -> (i32, i32) {
    %c0_i32 = arith.constant 0 : i32
    %c0_i32_0 = arith.constant 0 : i32
    return %arg0, %c0_i32 : i32, i32
  }
  func.func @transform_1(%arg0: i32) -> (i32, i32) {
    %c0_i32 = arith.constant 0 : i32
    %c0_i32_0 = arith.constant 0 : i32
    return %arg0, %c0_i32 : i32, i32
  }
  func.func @transform_2(%arg0: i32) -> (i32, i32) {
    %c0_i32 = arith.constant 0 : i32
    %c0_i32_0 = arith.constant 0 : i32
    return %arg0, %c0_i32 : i32, i32
  }
  func.func @transform_3(%arg0: i32) -> (i32, i32) {
    %c0_i32 = arith.constant 0 : i32
    %c0_i32_0 = arith.constant 0 : i32
    return %arg0, %c0_i32 : i32, i32
  }
  func.func @transform_4(%arg0: i32) -> (i32, i32) {
    %c0_i32 = arith.constant 0 : i32
    %c0_i32_0 = arith.constant 0 : i32
    return %arg0, %c0_i32 : i32, i32
  }
  func.func @transform_5(%arg0: i32) -> (i32, i32) {
    %c0_i32 = arith.constant 0 : i32
    %c0_i32_0 = arith.constant 0 : i32
    return %arg0, %c0_i32 : i32, i32
  }
  func.func @transform_6(%arg0: i32) -> (i32, i32) {
    %c0_i32 = arith.constant 0 : i32
    %c0_i32_0 = arith.constant 0 : i32
    return %arg0, %c0_i32 : i32, i32
  }
  func.func @transform_7(%arg0: i32) -> (i32, i32) {
    %c0_i32 = arith.constant 0 : i32
    %c0_i32_0 = arith.constant 0 : i32
    %c0_i32_1 = arith.constant 0 : i32
    return %c0_i32, %c0_i32_0 : i32, i32
  }
  func.func @transform_8(%arg0: i32) -> (i32, i32) {
    %c0_i32 = arith.constant 0 : i32
    %c0_i32_0 = arith.constant 0 : i32
    %c0_i32_1 = arith.constant 0 : i32
    return %c0_i32, %c0_i32_0 : i32, i32
  }
  func.func @transform_9(%arg0: i32) -> (i32, i32) {
    %c0_i32 = arith.constant 0 : i32
    %c0_i32_0 = arith.constant 0 : i32
    return %arg0, %c0_i32 : i32, i32
  }
  func.func @transform_10(%arg0: i32) -> (i32, i32) {
    %c0_i32 = arith.constant 0 : i32
    %c0_i32_0 = arith.constant 0 : i32
    return %arg0, %c0_i32 : i32, i32
  }
}

</mosaic_0001>

<sc_bundles>
// kernel: kernel.11.cloned.1.call-start
scs
__scs_entry_jumppad:
0x0: {  	(pc) =	sbr.rel $0x88, $3  }
0x1: {  	(tag) =	ssettag $0x0;
	lr =	simm.s32 $0x1  }
0x2: {  	[smem:$0x3F99] =	sst lr;
	_ =	strace $0xD0000000  }
0x3: {  	_ = 	snop  }
0x4: {  	_ = 	snop  }
0x5: {  	_ = 	snop  }
0x6: {  	_ = 	snop  }
0x7: {  	_ = 	snop  }
__scs_overlays_trampoline_lowered:
0x8: {  	[smem:$0x3FA8] =	sst s0  }
0x9: {  	[smem:$0x3FA9] =	sst s1  }
0xa: {  	[smem:$0x3FAA] =	sst s2  }
0xb: {  	[smem:$0x3FAB] =	sst s3  }
0xc: {  	[smem:$0x3FAC] =	sst s4  }
0xd: {  	[smem:$0x3FAD] =	sst s5  }
0xe: {  	[smem:$0x3FAE] =	sst s6  }
0xf: {  	[smem:$0x3FAF] =	sst s7  }
0x10: {  	[smem:$0x3FB0] =	sst s8  }
0x11: {  	[smem:$0x3FB1] =	sst s9;
	s0 =	simm.s32 @!p0 $0x0  }
0x12: {  	s1 =	sld [smem:$0x3F97];
	s0 =	simm.s32 @p0 $0x1  }
0x13: {  	[smem:$0x3FB2] =	sst s0;
	s0 =	simm.s32 @!p1 $0x0  }
0x14: {  	s2 =	sld [smem:$0x3F96];
	s0 =	simm.s32 @p1 $0x1  }
0x15: {  	[smem:$0x3FB3] =	sst s0;
	s0 =	simm.s32 @!p2 $0x0  }
0x16: {  	s3 =	sld [smem:$0x3FDB];
	s0 =	simm.s32 @p2 $0x1  }
0x17: {  	s4 =	simm.s32 $0x1BF5;
	[smem:$0x3FB5] =	sst s0  }
0x18: {  	s0 =	sld [smem:$0x3F98];
	_ =	swait.ge [sflag:s4], $0x0  }
0x19: {  	s7 =	sld [smem:$0x3F99]  }
0x1a: {  	s8 =	sadd.s32 $0xFFFFE003, lr  }
0x1b: {  	s9 =	sadd.s32 $0xFFFFFEF7, lr;
	s5 =	simm.s32 $0xFFFFFFFF;
	p2 =	slt.u32 s8, $0xFFFFF086  }
0x1c: {  	p1 =	slt.u32 s9, $0xF7A;
	s5 =	simm.s32 @!p2 $0x0  }
0x1d: {  	s5 =	simm.s32 @p1 $0x1;
	p0 =	seq.s32 s7, s2  }
0x1e: {  	s7 =	smul.u32 @!p0 $0xF7A, s2;
	p2 =	seq.s32 @!p0 s5, $0x0  }
0x1f: {  	s9 =	smul.u32 $0xF7A, s1;
	s8 =	simm.s32 @!p0 $0x1BF5;
	p2 =	por !p2, p0  }
0x20: {  	[sflag:s8] =	ssyncset.s32 @!p0 $0xFFFFF086;
	s6 =	sadd.s32 @!p0 s3, s7;
	s7 =	simm.s32 @!p0 $0x108  }
0x21: {  	s3 =	sadd.s32 s3, s9;
	s6 =	sadd.s32 @!p0 $0x88, s6;
	s7 =	simm.s32 @p2 $0x1082  }
0x22: {  	[simem:s7], [sflag:s8] =	dma.local @!p0 [hbm:s6], $0xF7A  }
0x23: {  	s9 =	sor.u32 $0xD0000000, s2;
	s6 =	simm.s32 $0x108;
	_ =	swait.ge @!p0 [sflag:s8], $0x0  }
0x24: {  	s3 =	sadd.s32 $0x88, s3;
	s6 =	simm.s32 @!p1 $0x1082;
	[sflag:s4] =	ssyncset.s32 $0xFFFFF086  }
0x25: {  	[simem:s6], [sflag:s4] =	dma.local [hbm:s3], $0xF7A  }
0x26: {  	[smem:$0x3F99] =	sst s1;
	(tag) =	ssettag s2;
	_ =	strace s9  }
0x27: {  	s1 =	sld [smem:$0x3FA9]  }
0x28: {  	s2 =	sld [smem:$0x3FAA]  }
0x29: {  	s4 =	sld [smem:$0x3FAC]  }
0x2a: {  	p0 =	seq.s32 s5, $0x0;
	s5 =	sld [smem:$0x3FAD]  }
0x2b: {  	s6 =	sld [smem:$0x3FAE]  }
0x2c: {  	s7 =	sld [smem:$0x3FAF]  }
0x2d: {  	s3 =	simm.s32 $0x108;
	s8 =	sld [smem:$0x3FB0]  }
0x2e: {  	s3 =	simm.s32 @!p0 $0x1082;
	s9 =	sld [smem:$0x3FB1]  }
0x2f: {  	lr =	sadd.s32 s0, s3;
	s0 =	sld [smem:$0x3FA8]  }
0x30: {  	s3 =	sld [smem:$0x3FAB]  }
0x31: {  	[smem:$0x3FB4] =	sst s10  }
0x32: {  	s10 =	sld [smem:$0x3FB2];
	_ =	sdelay $0x3  }
0x33: {  	p0 =	seq.s32 s10, $0x1;
	s10 =	sld [smem:$0x3FB4];
	_ =	sdelay $0x3  }
0x34: {  	[smem:$0x3FB4] =	sst s10  }
0x35: {  	s10 =	sld [smem:$0x3FB3];
	_ =	sdelay $0x3  }
0x36: {  	p1 =	seq.s32 s10, $0x1;
	s10 =	sld [smem:$0x3FB4];
	_ =	sdelay $0x3  }
0x37: {  	[smem:$0x3FB4] =	sst s10  }
0x38: {  	s10 =	sld [smem:$0x3FB5]  }
0x39: {  	_ = 	snop;
	(pc) =	sbr.ind lr, $3  }
0x3a: {  	_ = 	snop  }
0x3b: {  	_ = 	snop  }
0x3c: {  	p2 =	seq.s32 s10, $0x1;
	s10 =	sld [smem:$0x3FB4]  }
0x3d: {  	_ =	shalt  }
0x3e: {  	_ =	shalt  }
0x3f: {  	_ =	shalt  }
0x40: {  	_ =	shalt  }
0x41: {  	_ =	shalt  }
0x42: {  	_ =	shalt  }
0x43: {  	_ =	shalt  }
0x44: {  	_ =	shalt  }
0x45: {  	_ =	shalt  }
0x46: {  	_ =	shalt  }
0x47: {  	_ =	shalt  }
0x48: {  	_ =	shalt  }
0x49: {  	_ =	shalt  }
0x4a: {  	_ =	shalt  }
0x4b: {  	_ =	shalt  }
0x4c: {  	_ =	shalt  }
0x4d: {  	_ =	shalt  }
0x4e: {  	_ =	shalt  }
0x4f: {  	_ =	shalt  }
0x50: {  	_ =	shalt  }
0x51: {  	_ =	shalt  }
0x52: {  	_ =	shalt  }
0x53: {  	_ =	shalt  }
0x54: {  	_ =	shalt  }
0x55: {  	_ =	shalt  }
0x56: {  	_ =	shalt  }
0x57: {  	_ =	shalt  }
0x58: {  	_ =	shalt  }
0x59: {  	_ =	shalt  }
0x5a: {  	_ =	shalt  }
0x5b: {  	_ =	shalt  }
0x5c: {  	_ =	shalt  }
0x5d: {  	_ =	shalt  }
0x5e: {  	_ =	shalt  }
0x5f: {  	_ =	shalt  }
0x60: {  	_ =	shalt  }
0x61: {  	_ =	shalt  }
0x62: {  	_ =	shalt  }
0x63: {  	_ =	shalt  }
0x64: {  	_ =	shalt  }
0x65: {  	_ =	shalt  }
0x66: {  	_ =	shalt  }
0x67: {  	_ =	shalt  }
0x68: {  	_ =	shalt  }
0x69: {  	_ =	shalt  }
0x6a: {  	_ =	shalt  }
0x6b: {  	_ =	shalt  }
0x6c: {  	_ =	shalt  }
0x6d: {  	_ =	shalt  }
0x6e: {  	_ =	shalt  }
0x6f: {  	_ =	shalt  }
0x70: {  	_ =	shalt  }
0x71: {  	_ =	shalt  }
0x72: {  	_ =	shalt  }
0x73: {  	_ =	shalt  }
0x74: {  	_ =	shalt  }
0x75: {  	_ =	shalt  }
0x76: {  	_ =	shalt  }
0x77: {  	_ =	shalt  }
0x78: {  	_ =	shalt  }
0x79: {  	_ =	shalt  }
0x7a: {  	_ =	shalt  }
0x7b: {  	_ =	shalt  }
0x7c: {  	_ =	shalt  }
0x7d: {  	_ =	shalt  }
0x7e: {  	_ =	shalt  }
0x7f: {  	_ =	shalt  }
0x80: {  	_ =	shalt  }
0x81: {  	_ =	shalt  }
0x82: {  	_ =	shalt  }
0x83: {  	_ =	shalt  }
0x84: {  	_ =	shalt  }
0x85: {  	_ =	shalt  }
0x86: {  	_ =	shalt  }
0x87: {  	_ =	shalt  }
.Lfunc_end0:
.L_simem_size_0:
called_computation.1_lowered:
.L_overlay_start_0:
0x88: {  	s2 =	sld [smem:$0x3FD9]  }
0x89: {  	s3 =	sld [smem:$0x3FFE];
	_ =	sdelay $0x1  }
0x8a: {  	s1 =	srdreg.scid  }
0x8b: {  	s0 =	sand.u32 $0x1, s1  }
0x8c: {  	s14 =	sshll.u32 s0, $0xA;
	s2 =	sadd.s32 s3, s2  }
0x8d: {  	s2 =	sadd.s32 s2, s14  }
0x8e: {  	[smem:$0x3FC0] =	sst s2  }
0x8f: {  	_ = 	snop  }
0x90: {  	s2 =	sld [smem:$0x3FD0];
	_ =	sdelay $0x2  }
0x91: {  	s15 =	simm.s32 $0xA;
	s4 =	simm.s32 $0x10  }
0x92: {  	[smem:s4], [sflag:s15] =	dma.local [hbm:s2], $0x1  }
0x93: {  	_ =	swait.eq [sflag:s15], $0x1  }
0x94: {  	[sflag:s15] =	ssyncset.done $0x0  }
0x95: {  	s16 =	sld [smem:$0x10];
	[sflag:s15] =	ssyncadd.s32 $0xFFFFFFFF  }
0x96: {  	s17 =	sld [smem:$0x11];
	(tm) =	ssettm $0x1  }
0x97: {  	s18 =	sld [smem:$0x3FFB];
	_ =	sdelay $0x3  }
0x98: {  	_ =	strace s18  }
0x99: {  	s4 =	sld [smem:$0x3FFC];
	_ =	sdelay $0x3  }
0x9a: {  	_ =	strace s4  }
0x9b: {  	s4 =	sld [smem:$0x3FFD];
	_ =	sdelay $0x3  }
0x9c: {  	_ =	strace s4  }
0x9d: {  	_ =	strace $0x8FFFFFFF  }
0x9e: {  	s19 =	sld [smem:$0x3FDB];
	_ =	sdelay $0x1  }
0x9f: {  	s5 =	simm.s32 $_scs_section_size  }
0xa0: {  	s6 =	simm.s32 $_size__tile_overlayer_lowered;
	s7 =	simm.s32 $_tile_overlayer_lowered  }
0xa1: {  	s22 =	simm.s32 $0x1BFF;
	s21 =	sshll.u32 s7, $0x1;
	s4 =	sadd.s32 s5, s19  }
0xa2: {  	s8 =	simm.s32 $0x0;
	s20 =	sshll.u32 s6, $0x1;
	s6 =	sadd.s32 s21, s4  }
0xa3: {  	[timem:s8], [sflag:s22] =	dma.local [hbm:s6], s20  }
0xa4: {  	_ =	swait.ge [sflag:s22], s20  }
0xa5: {  	s5 =	ssub.s32 $0x0, s20;
	[sflag:s22] =	ssyncset.done $0x0  }
0xa6: {  	[sflag:s22] =	ssyncadd.s32 s5;
	_ =	sdelay $0x1  }
0xa7: {  	s23 =	simm.s32 $0x1B8B  }
0xa8: {  	_ =	swait.ge [sflag:s23], $0x1  }
0xa9: {  	[sflag:s23] =	ssyncset.done $0x0  }
0xaa: {  	s25 =	simm.s32 $0x1B8E;
	s24 =	sld [smem:$0x3FFE];
	[sflag:s23] =	ssyncadd.s32 $0xFFFFFFFF  }
0xab: {  	s26 =	simm.s32 $execute0_lowered;
	[smem:$0x3FD2] =	sst s25  }
0xac: {  	s6 =	sshll.u32 s26, $0x1;
	_ =	strace $0x80000049;
	[dreg:$0x1] =	wrdreg $0xFFFFFFFF  }
0xad: {  	s28 =	simm.s32 $_size_execute0_lowered;
	s4 =	sadd.s32 s4, s6;
	[dreg:$0x0] =	wrdreg $0x0  }
0xae: {  	s6 =	sshll.u32 s28, $0x1;
	[dreg:$0x2] =	wrdreg s4  }
0xaf: {  	[dreg:$0x3] =	wrdreg s6  }
0xb0: {  	[dreg:$0x4] =	wrdreg $0xC0  }
0xb1: {  	_ =	task [dreg:s8], $0x5FFFF  }
0xb2: {  	[dreg:$0x1] =	wrdreg $0xFFFFFFFF  }
0xb3: {  	[dreg:$0x0] =	wrdreg $0x60  }
0xb4: {  	[dreg:$0x2] =	wrdreg s17  }
0xb5: {  	[dreg:$0x3] =	wrdreg s16  }
0xb6: {  	[dreg:$0x4] =	wrdreg s24  }
0xb7: {  	[dreg:$0x5] =	wrdreg $0xDD400  }
0xb8: {  	[dreg:$0x6] =	wrdreg $0x9  }
0xb9: {  	_ =	task.clear_ibuf [dreg:s8], $0x7FFFF;
	_ =	strace $0x90000049  }
0xba: {  	s29 =	simm.s32 $0x9;
	_ =	strace $0x8000004B  }
0xbb: {  	_ =	swait.ge [sflag:s29], $0x1  }
0xbc: {  	[sflag:s29] =	ssyncadd.s32 $0xFFFFFFFF  }
0xbd: {  	_ =	strace $0x9000004B  }
0xbe: {  	_ =	sfence  }
0xbf: {  	s30 =	sld [smem:$0x0];
	_ =	sdelay $0x2  }
0xc0: {  	s31 =	sshll.u32 s1, $0xD;
	s1 =	sshrl.u32 s1, $0x2  }
0xc1: {  	s3 =	sand.u32 $0x4000, s31;
	s1 =	sadd.s32 s1, s30  }
0xc2: {  	s0 =	sor.u32 s3, s0;
	s1 =	sshll.u32 s1, $0x11  }
0xc3: {  	s0 =	sor.u32 s1, s0  }
0xc4: {  	s0 =	sadd.s32 $0x8F2B, s0  }
0xc5: {  	[sflag:s0] =	ssyncadd.remote.s32 $0x1  }
0xc6: {  	_ =	sfence.sel $0xFFFF  }
0xc7: {  	[dreg:$0x0] =	wrdreg $0xFFFFFFFF;
	(pc) =	sbr.abs _section_cstart, $3  }
0xc8: {  	[dreg:$0x1] =	wrdreg $0xFFFFFFFF  }
0xc9: {  	_ =	task.clear_ibuf [dreg:s8], $0x2FFFF;
	_ =	strace $0x9FFFFFFF  }
0xca: {  	(tm) =	ssettm $0x7FFFFFFF  }
0xcb: {  	_ =	shalt  }
tec
execute0_lowered:
.L_overlay_start_1:
0x0: {  	(tag) =	ssettag $0x1  }
0x1: {  	s1 =	rddreg [dreg:$0x0]  }
0x2: {  	s2 =	rddreg [dreg:$0x1]  }
0x3: {  	s0 =	srdreg.scid;
	s7 =	rddreg [dreg:$0x2]  }
0x4: {  	s6 =	stileid.u32;
	s4 =	rddreg [dreg:$0x3];
	s5 =	simm.s32 $0x0  }
0x5: {  	s28 =	simm.s32 $0x6540;
	s30 =	simm.s32 $0x7940;
	s13 =	simm.s32 $0x3  }
0x6: {  	s14 =	simm.s32 $0x4;
	s15 =	simm.s32 $0x5;
	s16 =	simm.s32 $0x6  }
0x7: {  	s17 =	simm.s32 $0x7;
	s0 =	sand.u32 $0x1, s0;
	s9 =	smul.u32 $0xA000, s6  }
0x8: {  	s29 =	simm.s32 $0xA;
	s10 =	smul.u32 $0x28000, s6;
	s3 =	sshll.u32 s0, $0x4  }
0x9: {  	s8 =	smul.u32 $0xA0000, s0;
	s0 =	ssub.s32 $0x2, s0;
	s3 =	sor.u32 s6, s3  }
0xa: {  	[smem:$0x7FF] =	sst s5;
	s18 =	sshrl.u32 s0, $0x1;
	s3 =	smul.u32 $0x514, s3  }
0xb: {  	_ =	strace $0x8000004A;
	s6 =	sadd.s32 $0x8C800, s7;
	s0 =	ssub.s32 s0, s18  }
0xc: {  	s8 =	sadd.s32 s9, s8;
	s0 =	smax.u32 s0, $0x1;
	s3 =	sadd.s32 s3, s7  }
0xd: {  	s8 =	sshrl.u32 s8, $0x3;
	[dreg:$0xf] =	wrdreg s0;
	s19 =	sadd.s32 $0xCE00, s3  }
0xe: {  	s8 =	sadd.s32 s8, s7;
	s3 =	sadd.s32 $0x2800, s3;
	[dreg:$0x5] =	wrdreg s19  }
0xf: {  	s10 =	sshrl.u32 s10, $0x2;
	s20 =	sadd.s32 $0x8CE00, s8;
	[dreg:$0x6] =	wrdreg s3  }
0x10: {  	s9 =	simm.s32 $0x2;
	s21 =	sadd.s32 $0x8D300, s8;
	[dreg:$0x7] =	wrdreg s20  }
0x11: {  	s18 =	simm.s32 $0x8;
	s22 =	sadd.s32 $0x8D800, s8;
	[dreg:$0x8] =	wrdreg s21  }
0x12: {  	s7 =	sadd.s32 s10, s4;
	s23 =	sadd.s32 $0x8DD00, s8;
	[dreg:$0x9] =	wrdreg s22  }
0x13: {  	s10 =	sadd.s32 $0x2800, s7;
	s24 =	sadd.s32 $0xB4E00, s8;
	[dreg:$0xa] =	wrdreg s23  }
0x14: {  	s11 =	sadd.s32 $0x5000, s7;
	s25 =	sadd.s32 $0xB5300, s8;
	[dreg:$0xb] =	wrdreg s24  }
0x15: {  	s12 =	sadd.s32 $0x7800, s7;
	s26 =	sadd.s32 $0xB5800, s8;
	[dreg:$0xc] =	wrdreg s25  }
0x16: {  	s31 =	sadd.s32 $0xB5D00, s8;
	s8 =	simm.s32 $0x1;
	[dreg:$0xd] =	wrdreg s26  }
0x17: {  	[dreg:$0xe] =	wrdreg s31;
	s22 =	simm.s32 $0xB;
	s24 =	simm.s32 $0xB540  }
0x18: {  	s25 =	simm.s32 $0x50;
	s26 =	simm.s32 $0x5140;
	s3 =	simm.s32 $0x8D40  }
0x19: {  	s23 =	simm.s32 $0xA140;
	s19 =	simm.s32 $0x9;
	s21 =	simm.s32 $0x0  }
.LBB2_1:
0x1a: {  	s0 =	rddreg [dreg:$0x5]  }
0x1b: {  	[tilespmem:s5], [sflag:$0xB] =	stream.linear.gather [hbm4b:s0+s5], $0x28A0, $0x38;
	[tilespmem:$0x17D40] =	vst v63  }
0x1c: {  	_ =	swait.ge [sflag:s22], $0x28A0  }
0x1d: {  	[sflag:s22] =	ssyncset.done $0x0  }
0x1e: {  	s20 =	simm.s32 $0x28A0;
	s0 =	rddreg [dreg:$0x6];
	[sflag:s22] =	ssyncadd.s32 $0xFFFFD760  }
0x1f: {  	[tilespmem:s20], [sflag:$0xB] =	stream.linear.gather [hbm4b:s0+s5], $0x28A0, $0x38;
	[tilespmem:$0x17D40] =	vst v63  }
0x20: {  	_ =	swait.ge [sflag:s22], $0x28A0  }
0x21: {  	[sflag:s22] =	ssyncset.done $0x0  }
0x22: {  	[sflag:s22] =	ssyncadd.s32 $0xFFFFD760  }
0x23: {  	[tilespmem:s24], [sflag:$0xB] =	stream.linear.gather [hbm4b:s6+s5], $0x2800, $0x38;
	[tilespmem:$0x17D40] =	vst v63  }
0x24: {  	_ =	swait.ge [sflag:s22], $0x2800  }
0x25: {  	[sflag:s22] =	ssyncset.done $0x0  }
0x26: {  	[sflag:s22] =	ssyncadd.s32 $0xFFFFD800  }
0x27: {  	[spmem:s7] =	stream.linear.scatter [tilespmem:s24], [sflag:$0xB], $0x2800, $0x38;
	[tilespmem:$0x17D40] =	vst v63  }
0x28: {  	_ =	swait.ge [sflag:s22], $0x2800  }
0x29: {  	[sflag:s22] =	ssyncset.done $0x0  }
0x2a: {  	[sflag:s22] =	ssyncadd.s32 $0xFFFFD800  }
0x2b: {  	[spmem:s10] =	stream.linear.scatter [tilespmem:s24], [sflag:$0xB], $0x2800, $0x38;
	[tilespmem:$0x17D40] =	vst v63  }
0x2c: {  	_ =	swait.ge [sflag:s22], $0x2800  }
0x2d: {  	[sflag:s22] =	ssyncset.done $0x0  }
0x2e: {  	[sflag:s22] =	ssyncadd.s32 $0xFFFFD800  }
0x2f: {  	[spmem:s11] =	stream.linear.scatter [tilespmem:s24], [sflag:$0xB], $0x2800, $0x38;
	[tilespmem:$0x17D40] =	vst v63  }
0x30: {  	_ =	swait.ge [sflag:s22], $0x2800  }
0x31: {  	[sflag:s22] =	ssyncset.done $0x0  }
0x32: {  	[sflag:s22] =	ssyncadd.s32 $0xFFFFD800  }
0x33: {  	[spmem:s12] =	stream.linear.scatter [tilespmem:s24], [sflag:$0xB], $0x2800, $0x38;
	[tilespmem:$0x17D40] =	vst v63  }
0x34: {  	_ =	swait.ge [sflag:s22], $0x2800  }
0x35: {  	[sflag:s22] =	ssyncset.done $0x0  }
0x36: {  	[sflag:s22] =	ssyncadd.s32 $0xFFFFD800  }
0x37: {  	[bflag:$0x0] =	sbarrier.arrive $0xFFFF  }
0x38: {  	[tilespmem:s26], [sflag:$0x1] =	stream.indirect.gather [hbm4b:s1+s25], $0x40, s5, s25, $0xb8;
	[tilespmem:$0x17D40] =	vst v63  }
0x39: {  	_ = 	snop  }
0x3a: {  	[tilespmem:s28], [sflag:$0x2] =	stream.indirect.gather [hbm4b:s1+s25], $0x40, s25, s25, $0xb8;
	[tilespmem:$0x17D40] =	vst v63  }
0x3b: {  	s20 =	simm.s32 $0xA0  }
0x3c: {  	[tilespmem:s30], [sflag:$0x3] =	stream.indirect.gather [hbm4b:s1+s25], $0x40, s20, s25, $0xb8;
	[tilespmem:$0x17D40] =	vst v63  }
0x3d: {  	s20 =	simm.s32 $0xF0  }
0x3e: {  	[tilespmem:s3], [sflag:$0x4] =	stream.indirect.gather [hbm4b:s1+s25], $0x40, s20, s25, $0xb8;
	[tilespmem:$0x17D40] =	vst v63  }
0x3f: {  	s20 =	simm.s32 $0x140  }
0x40: {  	[tilespmem:s23], [sflag:$0x5] =	stream.indirect.gather [hbm4b:s1+s25], $0x40, s20, s25, $0xb8;
	[tilespmem:$0x17D40] =	vst v63  }
0x41: {  	_ =	swait.ge [sflag:s8], $0x1400  }
0x42: {  	[sflag:s8] =	ssyncset.done $0x0  }
0x43: {  	s20 =	simm.s32 $0x28A0;
	[sflag:s8] =	ssyncadd.s32 $0xFFFFEC00  }
0x44: {  	[spmem:s4] =	stream.indirect.scatter.add.f32 [tilespmem:s26], [sflag:$0x6], $0x40, s20, s25, $0xb8;
	[tilespmem:$0x17D40] =	vst v63  }
0x45: {  	_ =	swait.ge [sflag:s9], $0x1400  }
0x46: {  	[sflag:s9] =	ssyncset.done $0x0  }
0x47: {  	s20 =	simm.s32 $0x28F0;
	[sflag:s9] =	ssyncadd.s32 $0xFFFFEC00  }
0x48: {  	[spmem:s4] =	stream.indirect.scatter.add.f32 [tilespmem:s28], [sflag:$0x7], $0x40, s20, s25, $0xb8;
	[tilespmem:$0x17D40] =	vst v63  }
0x49: {  	_ =	swait.ge [sflag:s13], $0x1400  }
0x4a: {  	[sflag:s13] =	ssyncset.done $0x0  }
0x4b: {  	s20 =	simm.s32 $0x2940;
	[sflag:s13] =	ssyncadd.s32 $0xFFFFEC00  }
0x4c: {  	[spmem:s4] =	stream.indirect.scatter.add.f32 [tilespmem:s30], [sflag:$0x8], $0x40, s20, s25, $0xb8;
	[tilespmem:$0x17D40] =	vst v63  }
0x4d: {  	_ =	swait.ge [sflag:s14], $0x1400  }
0x4e: {  	[sflag:s14] =	ssyncset.done $0x0  }
0x4f: {  	s20 =	simm.s32 $0x2990;
	[sflag:s14] =	ssyncadd.s32 $0xFFFFEC00  }
0x50: {  	[spmem:s4] =	stream.indirect.scatter.add.f32 [tilespmem:s3], [sflag:$0x9], $0x40, s20, s25, $0xb8;
	[tilespmem:$0x17D40] =	vst v63  }
0x51: {  	_ =	swait.ge [sflag:s15], $0x1400  }
0x52: {  	[sflag:s15] =	ssyncset.done $0x0  }
0x53: {  	s20 =	simm.s32 $0x29E0;
	[sflag:s15] =	ssyncadd.s32 $0xFFFFEC00  }
0x54: {  	[spmem:s4] =	stream.indirect.scatter.add.f32 [tilespmem:s23], [sflag:$0xA], $0x40, s20, s25, $0xb8;
	[tilespmem:$0x17D40] =	vst v63  }
0x55: {  	_ =	swait.ge [sflag:s16], $0x1400  }
0x56: {  	[sflag:s16] =	ssyncset.done $0x0  }
0x57: {  	s20 =	simm.s32 $0x190;
	[sflag:s16] =	ssyncadd.s32 $0xFFFFEC00  }
0x58: {  	[tilespmem:s26], [sflag:$0x1] =	stream.indirect.gather [hbm4b:s1+s25], $0x40, s20, s25, $0xb8;
	[tilespmem:$0x17D40] =	vst v63  }
0x59: {  	_ =	swait.ge [sflag:s17], $0x1400  }
0x5a: {  	[sflag:s17] =	ssyncset.done $0x0  }
0x5b: {  	s20 =	simm.s32 $0x1E0;
	[sflag:s17] =	ssyncadd.s32 $0xFFFFEC00  }
0x5c: {  	[tilespmem:s28], [sflag:$0x2] =	stream.indirect.gather [hbm4b:s1+s25], $0x40, s20, s25, $0xb8;
	[tilespmem:$0x17D40] =	vst v63  }
0x5d: {  	_ =	swait.ge [sflag:s18], $0x1400  }
0x5e: {  	[sflag:s18] =	ssyncset.done $0x0  }
0x5f: {  	s20 =	simm.s32 $0x230;
	[sflag:s18] =	ssyncadd.s32 $0xFFFFEC00  }
0x60: {  	[tilespmem:s30], [sflag:$0x3] =	stream.indirect.gather [hbm4b:s1+s25], $0x40, s20, s25, $0xb8;
	[tilespmem:$0x17D40] =	vst v63  }
0x61: {  	_ =	swait.ge [sflag:s19], $0x1400  }
0x62: {  	[sflag:s19] =	ssyncset.done $0x0  }
0x63: {  	s20 =	simm.s32 $0x280;
	[sflag:s19] =	ssyncadd.s32 $0xFFFFEC00  }
0x64: {  	[tilespmem:s3], [sflag:$0x4] =	stream.indirect.gather [hbm4b:s1+s25], $0x40, s20, s25, $0xb8;
	[tilespmem:$0x17D40] =	vst v63  }
0x65: {  	_ =	swait.ge [sflag:s29], $0x1400  }
0x66: {  	[sflag:s29] =	ssyncset.done $0x0  }
0x67: {  	s31 =	simm.s32 $0x640;
	s0 =	simm.s32 $0x2D0;
	[sflag:s29] =	ssyncadd.s32 $0xFFFFEC00  }
.LBB2_2:
0x68: {  	[tilespmem:s23], [sflag:$0x5] =	stream.indirect.gather [hbm4b:s1+s25], $0x40, s0, s25, $0xb8;
	[tilespmem:$0x17D40] =	vst v63  }
0x69: {  	s0 =	smov.u32 s31  }
0x6a: {  	p0 =	sne.s32 s31, $0x9600;
	s31 =	sadd.s32 $0x640, s31;
	_ =	swait.ge [sflag:s8], $0x1400  }
0x6b: {  	s0 =	sshra.s32 s0, $0x2;
	[sflag:s8] =	ssyncset.done $0x0  }
0x6c: {  	s20 =	sadd.s32 $0x28A0, s0;
	[sflag:s8] =	ssyncadd.s32 $0xFFFFEC00  }
0x6d: {  	[spmem:s4] =	stream.indirect.scatter.add.f32 [tilespmem:s26], [sflag:$0x6], $0x40, s20, s25, $0xb8;
	[tilespmem:$0x17D40] =	vst v63  }
0x6e: {  	_ =	swait.ge [sflag:s9], $0x1400  }
0x6f: {  	[sflag:s9] =	ssyncset.done $0x0  }
0x70: {  	s20 =	sadd.s32 $0x28F0, s0;
	[sflag:s9] =	ssyncadd.s32 $0xFFFFEC00  }
0x71: {  	[spmem:s4] =	stream.indirect.scatter.add.f32 [tilespmem:s28], [sflag:$0x7], $0x40, s20, s25, $0xb8;
	[tilespmem:$0x17D40] =	vst v63  }
0x72: {  	_ =	swait.ge [sflag:s13], $0x1400  }
0x73: {  	[sflag:s13] =	ssyncset.done $0x0  }
0x74: {  	s20 =	sadd.s32 $0x2940, s0;
	[sflag:s13] =	ssyncadd.s32 $0xFFFFEC00  }
0x75: {  	[spmem:s4] =	stream.indirect.scatter.add.f32 [tilespmem:s30], [sflag:$0x8], $0x40, s20, s25, $0xb8;
	[tilespmem:$0x17D40] =	vst v63  }
0x76: {  	_ =	swait.ge [sflag:s14], $0x1400  }
0x77: {  	[sflag:s14] =	ssyncset.done $0x0  }
0x78: {  	s20 =	sadd.s32 $0x2990, s0;
	[sflag:s14] =	ssyncadd.s32 $0xFFFFEC00  }
0x79: {  	[spmem:s4] =	stream.indirect.scatter.add.f32 [tilespmem:s3], [sflag:$0x9], $0x40, s20, s25, $0xb8;
	[tilespmem:$0x17D40] =	vst v63  }
0x7a: {  	_ =	swait.ge [sflag:s15], $0x1400  }
0x7b: {  	[sflag:s15] =	ssyncset.done $0x0  }
0x7c: {  	s20 =	sadd.s32 $0x29E0, s0;
	[sflag:s15] =	ssyncadd.s32 $0xFFFFEC00  }
0x7d: {  	[spmem:s4] =	stream.indirect.scatter.add.f32 [tilespmem:s23], [sflag:$0xA], $0x40, s20, s25, $0xb8;
	[tilespmem:$0x17D40] =	vst v63  }
0x7e: {  	_ =	swait.ge [sflag:s16], $0x1400  }
0x7f: {  	[sflag:s16] =	ssyncset.done $0x0  }
0x80: {  	s20 =	sadd.s32 $0x190, s0;
	[sflag:s16] =	ssyncadd.s32 $0xFFFFEC00  }
0x81: {  	[tilespmem:s26], [sflag:$0x1] =	stream.indirect.gather [hbm4b:s1+s25], $0x40, s20, s25, $0xb8;
	[tilespmem:$0x17D40] =	vst v63  }
0x82: {  	_ =	swait.ge [sflag:s17], $0x1400  }
0x83: {  	[sflag:s17] =	ssyncset.done $0x0  }
0x84: {  	s20 =	sadd.s32 $0x1E0, s0;
	[sflag:s17] =	ssyncadd.s32 $0xFFFFEC00  }
0x85: {  	[tilespmem:s28], [sflag:$0x2] =	stream.indirect.gather [hbm4b:s1+s25], $0x40, s20, s25, $0xb8;
	[tilespmem:$0x17D40] =	vst v63  }
0x86: {  	_ =	swait.ge [sflag:s18], $0x1400  }
0x87: {  	[sflag:s18] =	ssyncset.done $0x0  }
0x88: {  	s20 =	sadd.s32 $0x230, s0;
	[sflag:s18] =	ssyncadd.s32 $0xFFFFEC00  }
0x89: {  	[tilespmem:s30], [sflag:$0x3] =	stream.indirect.gather [hbm4b:s1+s25], $0x40, s20, s25, $0xb8;
	[tilespmem:$0x17D40] =	vst v63  }
0x8a: {  	_ =	swait.ge [sflag:s19], $0x1400  }
0x8b: {  	[sflag:s19] =	ssyncset.done $0x0  }
.Ltmp0:
0x8c: {  	s20 =	sadd.s32 $0x280, s0;
	[sflag:s19] =	ssyncadd.s32 $0xFFFFEC00;
	(pc) =	sbr.rel @p0 .LBB2_2-.Ltmp0, $4  }
0x8d: {  	[tilespmem:s3], [sflag:$0x4] =	stream.indirect.gather [hbm4b:s1+s25], $0x40, s20, s25, $0xb8;
	[tilespmem:$0x17D40] =	vst v63  }
0x8e: {  	_ =	swait.ge [sflag:s29], $0x1400  }
0x8f: {  	[sflag:s29] =	ssyncset.done $0x0  }
0x90: {  	s0 =	sadd.s32 $0x2D0, s0;
	[sflag:s29] =	ssyncadd.s32 $0xFFFFEC00  }
0x91: {  	[tilespmem:s23], [sflag:$0x5] =	stream.indirect.gather [hbm4b:s1+s25], $0x40, s0, s25, $0xb8;
	[tilespmem:$0x17D40] =	vst v63  }
0x92: {  	_ =	swait.ge [sflag:s8], $0x1400  }
0x93: {  	[sflag:s8] =	ssyncset.done $0x0  }
0x94: {  	s20 =	simm.s32 $0x4FB0;
	[sflag:s8] =	ssyncadd.s32 $0xFFFFEC00  }
0x95: {  	[spmem:s4] =	stream.indirect.scatter.add.f32 [tilespmem:s26], [sflag:$0x6], $0x40, s20, s25, $0xb8;
	[tilespmem:$0x17D40] =	vst v63  }
0x96: {  	_ =	swait.ge [sflag:s9], $0x1400  }
0x97: {  	[sflag:s9] =	ssyncset.done $0x0  }
0x98: {  	s20 =	simm.s32 $0x5000;
	[sflag:s9] =	ssyncadd.s32 $0xFFFFEC00  }
0x99: {  	[spmem:s4] =	stream.indirect.scatter.add.f32 [tilespmem:s28], [sflag:$0x7], $0x40, s20, s25, $0xb8;
	[tilespmem:$0x17D40] =	vst v63  }
0x9a: {  	_ =	swait.ge [sflag:s13], $0x1400  }
0x9b: {  	[sflag:s13] =	ssyncset.done $0x0  }
0x9c: {  	s20 =	simm.s32 $0x5050;
	[sflag:s13] =	ssyncadd.s32 $0xFFFFEC00  }
0x9d: {  	[spmem:s4] =	stream.indirect.scatter.add.f32 [tilespmem:s30], [sflag:$0x8], $0x40, s20, s25, $0xb8;
	[tilespmem:$0x17D40] =	vst v63  }
0x9e: {  	_ =	swait.ge [sflag:s14], $0x1400  }
0x9f: {  	[sflag:s14] =	ssyncset.done $0x0  }
0xa0: {  	s20 =	simm.s32 $0x50A0;
	[sflag:s14] =	ssyncadd.s32 $0xFFFFEC00  }
0xa1: {  	[spmem:s4] =	stream.indirect.scatter.add.f32 [tilespmem:s3], [sflag:$0x9], $0x40, s20, s25, $0xb8;
	[tilespmem:$0x17D40] =	vst v63  }
0xa2: {  	_ =	swait.ge [sflag:s15], $0x1400  }
0xa3: {  	[sflag:s15] =	ssyncset.done $0x0  }
0xa4: {  	s20 =	simm.s32 $0x50F0;
	[sflag:s15] =	ssyncadd.s32 $0xFFFFEC00  }
0xa5: {  	[spmem:s4] =	stream.indirect.scatter.add.f32 [tilespmem:s23], [sflag:$0xA], $0x40, s20, s25, $0xb8;
	[tilespmem:$0x17D40] =	vst v63  }
0xa6: {  	_ =	swait.ge [sflag:s16], $0x1400  }
0xa7: {  	[sflag:s16] =	ssyncset.done $0x0  }
0xa8: {  	[sflag:s16] =	ssyncadd.s32 $0xFFFFEC00  }
0xa9: {  	_ =	swait.ge [sflag:s17], $0x1400  }
0xaa: {  	[sflag:s17] =	ssyncset.done $0x0  }
0xab: {  	[sflag:s17] =	ssyncadd.s32 $0xFFFFEC00  }
0xac: {  	_ =	swait.ge [sflag:s18], $0x1400  }
0xad: {  	[sflag:s18] =	ssyncset.done $0x0  }
0xae: {  	[sflag:s18] =	ssyncadd.s32 $0xFFFFEC00  }
0xaf: {  	_ =	swait.ge [sflag:s19], $0x1400  }
0xb0: {  	[sflag:s19] =	ssyncset.done $0x0  }
0xb1: {  	[sflag:s19] =	ssyncadd.s32 $0xFFFFEC00  }
0xb2: {  	_ =	swait.ge [sflag:s29], $0x1400  }
0xb3: {  	[sflag:s29] =	ssyncset.done $0x0  }
0xb4: {  	[sflag:s29] =	ssyncadd.s32 $0xFFFFEC00  }
0xb5: {  	[bflag:$0x0] =	sbarrier.arrive $0xFFFF  }
0xb6: {  	[tilespmem:s24], [sflag:$0xB] =	stream.linear.gather [spmem:s7], $0x2800, $0x38;
	[tilespmem:$0x17D40] =	vst v63  }
0xb7: {  	_ =	swait.ge [sflag:s22], $0x2800  }
0xb8: {  	[sflag:s22] =	ssyncset.done $0x0  }
0xb9: {  	s0 =	simm.s32 $0x0;
	s20 =	rddreg [dreg:$0x7];
	[sflag:s22] =	ssyncadd.s32 $0xFFFFD800  }
0xba: {  	[hbm4b:s20+s0] =	stream.linear.scatter [tilespmem:s24], [sflag:$0xB], $0x2800, $0x38;
	[tilespmem:$0x17D40] =	vst v63  }
0xbb: {  	_ =	swait.ge [sflag:s22], $0x2800  }
0xbc: {  	[sflag:s22] =	ssyncset.done $0x0  }
0xbd: {  	[sflag:s22] =	ssyncadd.s32 $0xFFFFD800  }
0xbe: {  	[tilespmem:s24], [sflag:$0xB] =	stream.linear.gather [spmem:s10], $0x2800, $0x38;
	[tilespmem:$0x17D40] =	vst v63  }
0xbf: {  	_ =	swait.ge [sflag:s22], $0x2800  }
0xc0: {  	[sflag:s22] =	ssyncset.done $0x0  }
0xc1: {  	s20 =	rddreg [dreg:$0x8];
	[sflag:s22] =	ssyncadd.s32 $0xFFFFD800  }
0xc2: {  	[hbm4b:s20+s0] =	stream.linear.scatter [tilespmem:s24], [sflag:$0xB], $0x2800, $0x38;
	[tilespmem:$0x17D40] =	vst v63  }
0xc3: {  	_ =	swait.ge [sflag:s22], $0x2800  }
0xc4: {  	[sflag:s22] =	ssyncset.done $0x0  }
0xc5: {  	[sflag:s22] =	ssyncadd.s32 $0xFFFFD800  }
0xc6: {  	[tilespmem:s24], [sflag:$0xB] =	stream.linear.gather [spmem:s11], $0x2800, $0x38;
	[tilespmem:$0x17D40] =	vst v63  }
0xc7: {  	_ =	swait.ge [sflag:s22], $0x2800  }
0xc8: {  	[sflag:s22] =	ssyncset.done $0x0  }
0xc9: {  	s20 =	rddreg [dreg:$0x9];
	[sflag:s22] =	ssyncadd.s32 $0xFFFFD800  }
0xca: {  	[hbm4b:s20+s0] =	stream.linear.scatter [tilespmem:s24], [sflag:$0xB], $0x2800, $0x38;
	[tilespmem:$0x17D40] =	vst v63  }
0xcb: {  	_ =	swait.ge [sflag:s22], $0x2800  }
0xcc: {  	[sflag:s22] =	ssyncset.done $0x0  }
0xcd: {  	[sflag:s22] =	ssyncadd.s32 $0xFFFFD800  }
0xce: {  	[tilespmem:s24], [sflag:$0xB] =	stream.linear.gather [spmem:s12], $0x2800, $0x38;
	[tilespmem:$0x17D40] =	vst v63  }
0xcf: {  	_ =	swait.ge [sflag:s22], $0x2800  }
0xd0: {  	[sflag:s22] =	ssyncset.done $0x0  }
0xd1: {  	s20 =	rddreg [dreg:$0xa];
	[sflag:s22] =	ssyncadd.s32 $0xFFFFD800  }
0xd2: {  	[hbm4b:s20+s0] =	stream.linear.scatter [tilespmem:s24], [sflag:$0xB], $0x2800, $0x38;
	[tilespmem:$0x17D40] =	vst v63  }
0xd3: {  	_ =	swait.ge [sflag:s22], $0x2800  }
0xd4: {  	[sflag:s22] =	ssyncset.done $0x0  }
0xd5: {  	[sflag:s22] =	ssyncadd.s32 $0xFFFFD800  }
0xd6: {  	[bflag:$0x0] =	sbarrier.arrive $0xFFFF  }
0xd7: {  	[tilespmem:s24], [sflag:$0xB] =	stream.linear.gather [hbm4b:s6+s0], $0x2800, $0x38;
	[tilespmem:$0x17D40] =	vst v63  }
0xd8: {  	_ =	swait.ge [sflag:s22], $0x2800  }
0xd9: {  	[sflag:s22] =	ssyncset.done $0x0  }
0xda: {  	[sflag:s22] =	ssyncadd.s32 $0xFFFFD800  }
0xdb: {  	[spmem:s7] =	stream.linear.scatter [tilespmem:s24], [sflag:$0xB], $0x2800, $0x38;
	[tilespmem:$0x17D40] =	vst v63  }
0xdc: {  	_ =	swait.ge [sflag:s22], $0x2800  }
0xdd: {  	[sflag:s22] =	ssyncset.done $0x0  }
0xde: {  	[sflag:s22] =	ssyncadd.s32 $0xFFFFD800  }
0xdf: {  	[spmem:s10] =	stream.linear.scatter [tilespmem:s24], [sflag:$0xB], $0x2800, $0x38;
	[tilespmem:$0x17D40] =	vst v63  }
0xe0: {  	_ =	swait.ge [sflag:s22], $0x2800  }
0xe1: {  	[sflag:s22] =	ssyncset.done $0x0  }
0xe2: {  	[sflag:s22] =	ssyncadd.s32 $0xFFFFD800  }
0xe3: {  	[spmem:s11] =	stream.linear.scatter [tilespmem:s24], [sflag:$0xB], $0x2800, $0x38;
	[tilespmem:$0x17D40] =	vst v63  }
0xe4: {  	_ =	swait.ge [sflag:s22], $0x2800  }
0xe5: {  	[sflag:s22] =	ssyncset.done $0x0  }
0xe6: {  	[sflag:s22] =	ssyncadd.s32 $0xFFFFD800  }
0xe7: {  	[spmem:s12] =	stream.linear.scatter [tilespmem:s24], [sflag:$0xB], $0x2800, $0x38;
	[tilespmem:$0x17D40] =	vst v63  }
0xe8: {  	_ =	swait.ge [sflag:s22], $0x2800  }
0xe9: {  	[sflag:s22] =	ssyncset.done $0x0  }
0xea: {  	[sflag:s22] =	ssyncadd.s32 $0xFFFFD800  }
0xeb: {  	[bflag:$0x0] =	sbarrier.arrive $0xFFFF  }
0xec: {  	[tilespmem:s26], [sflag:$0x1] =	stream.indirect.gather [hbm4b:s2+s25], $0x40, s0, s25, $0xb8;
	[tilespmem:$0x17D40] =	vst v63  }
0xed: {  	_ = 	snop  }
0xee: {  	[tilespmem:s28], [sflag:$0x2] =	stream.indirect.gather [hbm4b:s2+s25], $0x40, s25, s25, $0xb8;
	[tilespmem:$0x17D40] =	vst v63  }
0xef: {  	s20 =	simm.s32 $0xA0  }
0xf0: {  	[tilespmem:s30], [sflag:$0x3] =	stream.indirect.gather [hbm4b:s2+s25], $0x40, s20, s25, $0xb8;
	[tilespmem:$0x17D40] =	vst v63  }
0xf1: {  	s20 =	simm.s32 $0xF0  }
0xf2: {  	[tilespmem:s3], [sflag:$0x4] =	stream.indirect.gather [hbm4b:s2+s25], $0x40, s20, s25, $0xb8;
	[tilespmem:$0x17D40] =	vst v63  }
0xf3: {  	s20 =	simm.s32 $0x140  }
0xf4: {  	[tilespmem:s23], [sflag:$0x5] =	stream.indirect.gather [hbm4b:s2+s25], $0x40, s20, s25, $0xb8;
	[tilespmem:$0x17D40] =	vst v63  }
0xf5: {  	_ =	swait.ge [sflag:s8], $0x1400  }
0xf6: {  	[sflag:s8] =	ssyncset.done $0x0  }
0xf7: {  	s20 =	simm.s32 $0x28A0;
	[sflag:s8] =	ssyncadd.s32 $0xFFFFEC00  }
0xf8: {  	[spmem:s4] =	stream.indirect.scatter.add.f32 [tilespmem:s26], [sflag:$0x6], $0x40, s20, s25, $0xb8;
	[tilespmem:$0x17D40] =	vst v63  }
0xf9: {  	_ =	swait.ge [sflag:s9], $0x1400  }
0xfa: {  	[sflag:s9] =	ssyncset.done $0x0  }
0xfb: {  	s20 =	simm.s32 $0x28F0;
	[sflag:s9] =	ssyncadd.s32 $0xFFFFEC00  }
0xfc: {  	[spmem:s4] =	stream.indirect.scatter.add.f32 [tilespmem:s28], [sflag:$0x7], $0x40, s20, s25, $0xb8;
	[tilespmem:$0x17D40] =	vst v63  }
0xfd: {  	_ =	swait.ge [sflag:s13], $0x1400  }
0xfe: {  	[sflag:s13] =	ssyncset.done $0x0  }
0xff: {  	s20 =	simm.s32 $0x2940;
	[sflag:s13] =	ssyncadd.s32 $0xFFFFEC00  }
0x100: {  	[spmem:s4] =	stream.indirect.scatter.add.f32 [tilespmem:s30], [sflag:$0x8], $0x40, s20, s25, $0xb8;
	[tilespmem:$0x17D40] =	vst v63  }
0x101: {  	_ =	swait.ge [sflag:s14], $0x1400  }
0x102: {  	[sflag:s14] =	ssyncset.done $0x0  }
0x103: {  	s20 =	simm.s32 $0x2990;
	[sflag:s14] =	ssyncadd.s32 $0xFFFFEC00  }
0x104: {  	[spmem:s4] =	stream.indirect.scatter.add.f32 [tilespmem:s3], [sflag:$0x9], $0x40, s20, s25, $0xb8;
	[tilespmem:$0x17D40] =	vst v63  }
0x105: {  	_ =	swait.ge [sflag:s15], $0x1400  }
0x106: {  	[sflag:s15] =	ssyncset.done $0x0  }
0x107: {  	s20 =	simm.s32 $0x29E0;
	[sflag:s15] =	ssyncadd.s32 $0xFFFFEC00  }
0x108: {  	[spmem:s4] =	stream.indirect.scatter.add.f32 [tilespmem:s23], [sflag:$0xA], $0x40, s20, s25, $0xb8;
	[tilespmem:$0x17D40] =	vst v63  }
0x109: {  	_ =	swait.ge [sflag:s16], $0x1400  }
0x10a: {  	[sflag:s16] =	ssyncset.done $0x0  }
0x10b: {  	s20 =	simm.s32 $0x190;
	[sflag:s16] =	ssyncadd.s32 $0xFFFFEC00  }
0x10c: {  	[tilespmem:s26], [sflag:$0x1] =	stream.indirect.gather [hbm4b:s2+s25], $0x40, s20, s25, $0xb8;
	[tilespmem:$0x17D40] =	vst v63  }
0x10d: {  	_ =	swait.ge [sflag:s17], $0x1400  }
0x10e: {  	[sflag:s17] =	ssyncset.done $0x0  }
0x10f: {  	s20 =	simm.s32 $0x1E0;
	[sflag:s17] =	ssyncadd.s32 $0xFFFFEC00  }
0x110: {  	[tilespmem:s28], [sflag:$0x2] =	stream.indirect.gather [hbm4b:s2+s25], $0x40, s20, s25, $0xb8;
	[tilespmem:$0x17D40] =	vst v63  }
0x111: {  	_ =	swait.ge [sflag:s18], $0x1400  }
0x112: {  	[sflag:s18] =	ssyncset.done $0x0  }
0x113: {  	s20 =	simm.s32 $0x230;
	[sflag:s18] =	ssyncadd.s32 $0xFFFFEC00  }
0x114: {  	[tilespmem:s30], [sflag:$0x3] =	stream.indirect.gather [hbm4b:s2+s25], $0x40, s20, s25, $0xb8;
	[tilespmem:$0x17D40] =	vst v63  }
0x115: {  	_ =	swait.ge [sflag:s19], $0x1400  }
0x116: {  	[sflag:s19] =	ssyncset.done $0x0  }
0x117: {  	s20 =	simm.s32 $0x280;
	[sflag:s19] =	ssyncadd.s32 $0xFFFFEC00  }
0x118: {  	[tilespmem:s3], [sflag:$0x4] =	stream.indirect.gather [hbm4b:s2+s25], $0x40, s20, s25, $0xb8;
	[tilespmem:$0x17D40] =	vst v63  }
0x119: {  	_ =	swait.ge [sflag:s29], $0x1400  }
0x11a: {  	[sflag:s29] =	ssyncset.done $0x0  }
0x11b: {  	s31 =	simm.s32 $0x640;
	s0 =	simm.s32 $0x2D0;
	[sflag:s29] =	ssyncadd.s32 $0xFFFFEC00  }
.LBB2_4:
0x11c: {  	[tilespmem:s23], [sflag:$0x5] =	stream.indirect.gather [hbm4b:s2+s25], $0x40, s0, s25, $0xb8;
	[tilespmem:$0x17D40] =	vst v63  }
0x11d: {  	s0 =	smov.u32 s31  }
0x11e: {  	p0 =	sne.s32 s31, $0x9600;
	s31 =	sadd.s32 $0x640, s31;
	_ =	swait.ge [sflag:s8], $0x1400  }
0x11f: {  	s0 =	sshra.s32 s0, $0x2;
	[sflag:s8] =	ssyncset.done $0x0  }
0x120: {  	s20 =	sadd.s32 $0x28A0, s0;
	[sflag:s8] =	ssyncadd.s32 $0xFFFFEC00  }
0x121: {  	[spmem:s4] =	stream.indirect.scatter.add.f32 [tilespmem:s26], [sflag:$0x6], $0x40, s20, s25, $0xb8;
	[tilespmem:$0x17D40] =	vst v63  }
0x122: {  	_ =	swait.ge [sflag:s9], $0x1400  }
0x123: {  	[sflag:s9] =	ssyncset.done $0x0  }
0x124: {  	s20 =	sadd.s32 $0x28F0, s0;
	[sflag:s9] =	ssyncadd.s32 $0xFFFFEC00  }
0x125: {  	[spmem:s4] =	stream.indirect.scatter.add.f32 [tilespmem:s28], [sflag:$0x7], $0x40, s20, s25, $0xb8;
	[tilespmem:$0x17D40] =	vst v63  }
0x126: {  	_ =	swait.ge [sflag:s13], $0x1400  }
0x127: {  	[sflag:s13] =	ssyncset.done $0x0  }
0x128: {  	s20 =	sadd.s32 $0x2940, s0;
	[sflag:s13] =	ssyncadd.s32 $0xFFFFEC00  }
0x129: {  	[spmem:s4] =	stream.indirect.scatter.add.f32 [tilespmem:s30], [sflag:$0x8], $0x40, s20, s25, $0xb8;
	[tilespmem:$0x17D40] =	vst v63  }
0x12a: {  	_ =	swait.ge [sflag:s14], $0x1400  }
0x12b: {  	[sflag:s14] =	ssyncset.done $0x0  }
0x12c: {  	s20 =	sadd.s32 $0x2990, s0;
	[sflag:s14] =	ssyncadd.s32 $0xFFFFEC00  }
0x12d: {  	[spmem:s4] =	stream.indirect.scatter.add.f32 [tilespmem:s3], [sflag:$0x9], $0x40, s20, s25, $0xb8;
	[tilespmem:$0x17D40] =	vst v63  }
0x12e: {  	_ =	swait.ge [sflag:s15], $0x1400  }
0x12f: {  	[sflag:s15] =	ssyncset.done $0x0  }
0x130: {  	s20 =	sadd.s32 $0x29E0, s0;
	[sflag:s15] =	ssyncadd.s32 $0xFFFFEC00  }
0x131: {  	[spmem:s4] =	stream.indirect.scatter.add.f32 [tilespmem:s23], [sflag:$0xA], $0x40, s20, s25, $0xb8;
	[tilespmem:$0x17D40] =	vst v63  }
0x132: {  	_ =	swait.ge [sflag:s16], $0x1400  }
0x133: {  	[sflag:s16] =	ssyncset.done $0x0  }
0x134: {  	s20 =	sadd.s32 $0x190, s0;
	[sflag:s16] =	ssyncadd.s32 $0xFFFFEC00  }
0x135: {  	[tilespmem:s26], [sflag:$0x1] =	stream.indirect.gather [hbm4b:s2+s25], $0x40, s20, s25, $0xb8;
	[tilespmem:$0x17D40] =	vst v63  }
0x136: {  	_ =	swait.ge [sflag:s17], $0x1400  }
0x137: {  	[sflag:s17] =	ssyncset.done $0x0  }
0x138: {  	s20 =	sadd.s32 $0x1E0, s0;
	[sflag:s17] =	ssyncadd.s32 $0xFFFFEC00  }
0x139: {  	[tilespmem:s28], [sflag:$0x2] =	stream.indirect.gather [hbm4b:s2+s25], $0x40, s20, s25, $0xb8;
	[tilespmem:$0x17D40] =	vst v63  }
0x13a: {  	_ =	swait.ge [sflag:s18], $0x1400  }
0x13b: {  	[sflag:s18] =	ssyncset.done $0x0  }
0x13c: {  	s20 =	sadd.s32 $0x230, s0;
	[sflag:s18] =	ssyncadd.s32 $0xFFFFEC00  }
0x13d: {  	[tilespmem:s30], [sflag:$0x3] =	stream.indirect.gather [hbm4b:s2+s25], $0x40, s20, s25, $0xb8;
	[tilespmem:$0x17D40] =	vst v63  }
0x13e: {  	_ =	swait.ge [sflag:s19], $0x1400  }
0x13f: {  	[sflag:s19] =	ssyncset.done $0x0  }
.Ltmp1:
0x140: {  	s20 =	sadd.s32 $0x280, s0;
	[sflag:s19] =	ssyncadd.s32 $0xFFFFEC00;
	(pc) =	sbr.rel @p0 .LBB2_4-.Ltmp1, $4  }
0x141: {  	[tilespmem:s3], [sflag:$0x4] =	stream.indirect.gather [hbm4b:s2+s25], $0x40, s20, s25, $0xb8;
	[tilespmem:$0x17D40] =	vst v63  }
0x142: {  	_ =	swait.ge [sflag:s29], $0x1400  }
0x143: {  	[sflag:s29] =	ssyncset.done $0x0  }
0x144: {  	s0 =	sadd.s32 $0x2D0, s0;
	[sflag:s29] =	ssyncadd.s32 $0xFFFFEC00  }
0x145: {  	[tilespmem:s23], [sflag:$0x5] =	stream.indirect.gather [hbm4b:s2+s25], $0x40, s0, s25, $0xb8;
	[tilespmem:$0x17D40] =	vst v63  }
0x146: {  	_ =	swait.ge [sflag:s8], $0x1400  }
0x147: {  	[sflag:s8] =	ssyncset.done $0x0  }
0x148: {  	s20 =	simm.s32 $0x4FB0;
	[sflag:s8] =	ssyncadd.s32 $0xFFFFEC00  }
0x149: {  	[spmem:s4] =	stream.indirect.scatter.add.f32 [tilespmem:s26], [sflag:$0x6], $0x40, s20, s25, $0xb8;
	[tilespmem:$0x17D40] =	vst v63  }
0x14a: {  	_ =	swait.ge [sflag:s9], $0x1400  }
0x14b: {  	[sflag:s9] =	ssyncset.done $0x0  }
0x14c: {  	s31 =	simm.s32 $0x5000;
	[sflag:s9] =	ssyncadd.s32 $0xFFFFEC00  }
0x14d: {  	[spmem:s4] =	stream.indirect.scatter.add.f32 [tilespmem:s28], [sflag:$0x7], $0x40, s31, s25, $0xb8;
	[tilespmem:$0x17D40] =	vst v63  }
0x14e: {  	_ =	swait.ge [sflag:s13], $0x1400  }
0x14f: {  	[sflag:s13] =	ssyncset.done $0x0  }
0x150: {  	s20 =	simm.s32 $0x5050;
	[sflag:s13] =	ssyncadd.s32 $0xFFFFEC00  }
0x151: {  	[spmem:s4] =	stream.indirect.scatter.add.f32 [tilespmem:s30], [sflag:$0x8], $0x40, s20, s25, $0xb8;
	[tilespmem:$0x17D40] =	vst v63  }
0x152: {  	_ =	swait.ge [sflag:s14], $0x1400  }
0x153: {  	[sflag:s14] =	ssyncset.done $0x0  }
0x154: {  	s31 =	simm.s32 $0x50A0;
	[sflag:s14] =	ssyncadd.s32 $0xFFFFEC00  }
0x155: {  	[spmem:s4] =	stream.indirect.scatter.add.f32 [tilespmem:s3], [sflag:$0x9], $0x40, s31, s25, $0xb8;
	[tilespmem:$0x17D40] =	vst v63  }
0x156: {  	_ =	swait.ge [sflag:s15], $0x1400  }
0x157: {  	[sflag:s15] =	ssyncset.done $0x0  }
0x158: {  	s20 =	simm.s32 $0x50F0;
	[sflag:s15] =	ssyncadd.s32 $0xFFFFEC00  }
0x159: {  	[spmem:s4] =	stream.indirect.scatter.add.f32 [tilespmem:s23], [sflag:$0xA], $0x40, s20, s25, $0xb8;
	[tilespmem:$0x17D40] =	vst v63  }
0x15a: {  	_ =	swait.ge [sflag:s16], $0x1400  }
0x15b: {  	[sflag:s16] =	ssyncset.done $0x0  }
0x15c: {  	[sflag:s16] =	ssyncadd.s32 $0xFFFFEC00  }
0x15d: {  	_ =	swait.ge [sflag:s17], $0x1400  }
0x15e: {  	[sflag:s17] =	ssyncset.done $0x0  }
0x15f: {  	[sflag:s17] =	ssyncadd.s32 $0xFFFFEC00  }
0x160: {  	_ =	swait.ge [sflag:s18], $0x1400  }
0x161: {  	[sflag:s18] =	ssyncset.done $0x0  }
0x162: {  	[sflag:s18] =	ssyncadd.s32 $0xFFFFEC00  }
0x163: {  	_ =	swait.ge [sflag:s19], $0x1400  }
0x164: {  	[sflag:s19] =	ssyncset.done $0x0  }
0x165: {  	[sflag:s19] =	ssyncadd.s32 $0xFFFFEC00  }
0x166: {  	_ =	swait.ge [sflag:s29], $0x1400  }
0x167: {  	[sflag:s29] =	ssyncset.done $0x0  }
0x168: {  	[sflag:s29] =	ssyncadd.s32 $0xFFFFEC00  }
0x169: {  	[bflag:$0x0] =	sbarrier.arrive $0xFFFF  }
0x16a: {  	[tilespmem:s24], [sflag:$0xB] =	stream.linear.gather [spmem:s7], $0x2800, $0x38;
	[tilespmem:$0x17D40] =	vst v63  }
0x16b: {  	_ =	swait.ge [sflag:s22], $0x2800  }
0x16c: {  	[sflag:s22] =	ssyncset.done $0x0  }
0x16d: {  	s31 =	rddreg [dreg:$0xb];
	[sflag:s22] =	ssyncadd.s32 $0xFFFFD800  }
0x16e: {  	[hbm4b:s31+s5] =	stream.linear.scatter [tilespmem:s24], [sflag:$0xB], $0x2800, $0x38;
	[tilespmem:$0x17D40] =	vst v63  }
0x16f: {  	_ =	swait.ge [sflag:s22], $0x2800  }
0x170: {  	[sflag:s22] =	ssyncset.done $0x0  }
0x171: {  	[sflag:s22] =	ssyncadd.s32 $0xFFFFD800  }
0x172: {  	[tilespmem:s24], [sflag:$0xB] =	stream.linear.gather [spmem:s10], $0x2800, $0x38;
	[tilespmem:$0x17D40] =	vst v63  }
0x173: {  	_ =	swait.ge [sflag:s22], $0x2800  }
0x174: {  	[sflag:s22] =	ssyncset.done $0x0  }
0x175: {  	s20 =	rddreg [dreg:$0xc];
	[sflag:s22] =	ssyncadd.s32 $0xFFFFD800  }
0x176: {  	[hbm4b:s20+s5] =	stream.linear.scatter [tilespmem:s24], [sflag:$0xB], $0x2800, $0x38;
	[tilespmem:$0x17D40] =	vst v63  }
0x177: {  	_ =	swait.ge [sflag:s22], $0x2800  }
0x178: {  	[sflag:s22] =	ssyncset.done $0x0  }
0x179: {  	[sflag:s22] =	ssyncadd.s32 $0xFFFFD800  }
0x17a: {  	[tilespmem:s24], [sflag:$0xB] =	stream.linear.gather [spmem:s11], $0x2800, $0x38;
	[tilespmem:$0x17D40] =	vst v63  }
0x17b: {  	_ =	swait.ge [sflag:s22], $0x2800  }
0x17c: {  	[sflag:s22] =	ssyncset.done $0x0  }
0x17d: {  	s31 =	rddreg [dreg:$0xd];
	[sflag:s22] =	ssyncadd.s32 $0xFFFFD800  }
0x17e: {  	[hbm4b:s31+s5] =	stream.linear.scatter [tilespmem:s24], [sflag:$0xB], $0x2800, $0x38;
	[tilespmem:$0x17D40] =	vst v63  }
0x17f: {  	_ =	swait.ge [sflag:s22], $0x2800  }
0x180: {  	[sflag:s22] =	ssyncset.done $0x0  }
0x181: {  	[sflag:s22] =	ssyncadd.s32 $0xFFFFD800  }
0x182: {  	[tilespmem:s24], [sflag:$0xB] =	stream.linear.gather [spmem:s12], $0x2800, $0x38;
	[tilespmem:$0x17D40] =	vst v63  }
0x183: {  	_ =	swait.ge [sflag:s22], $0x2800  }
0x184: {  	[sflag:s22] =	ssyncset.done $0x0  }
0x185: {  	s20 =	rddreg [dreg:$0xe];
	[sflag:s22] =	ssyncadd.s32 $0xFFFFD800  }
0x186: {  	[hbm4b:s20+s5] =	stream.linear.scatter [tilespmem:s24], [sflag:$0xB], $0x2800, $0x38;
	[tilespmem:$0x17D40] =	vst v63  }
0x187: {  	_ =	swait.ge [sflag:s22], $0x2800  }
0x188: {  	s21 =	sadd.s32 $0x1, s21;
	s31 =	rddreg [dreg:$0xf]  }
0x189: {  	p0 =	sne.s32 s21, s31  }
.Ltmp2:
0x18a: {  	_ = 	snop;
	(pc) =	sbr.rel @p0 .LBB2_1-.Ltmp2, $3  }
0x18b: {  	[sflag:s22] =	ssyncset.done $0x0  }
0x18c: {  	[sflag:s22] =	ssyncadd.s32 $0xFFFFD800  }
0x18d: {  	[bflag:$0x0] =	sbarrier.arrive $0xFFFF;
	_ =	sdelay $0x1  }
0x18e: {  	_ =	sfence.sel $0x180000  }
0x18f: {  	[bflag:$0x0] =	sbarrier.arrive $0xFFFF  }
0x190: {  	_ =	strace $0x9000004A  }
0x191: {  	s0 =	stileid.u32;
	[bflag:$0x2] =	sbarrier.arrive $0xFFFF  }
0x192: {  	p0 =	sne.s32 s0, $0x0;
	s0 =	rddreg [dreg:$0x4]  }
0x193: {  	s0 =	sadd.s32 @!p0 $0x100000, s0  }
0x194: {  	[sflag:s0] =	ssyncadd.tile.s32 @!p0 $0x1;
	_ =	shalt  }
.Lfunc_end2:
_tile_overlayer_lowered:
.L_overlay_start_2:
0x195: {  	(tag) =	ssettag $0x2  }
0x196: {  	s0 =	rddreg [dreg:$0x0];
	s2 =	stileid.u32  }
0x197: {  	s1 =	rddreg [dreg:$0x1];
	p0 =	sne.s32 s2, $0x0  }
0x198: {  	s3 =	rddreg [dreg:$0x2];
	[bflag:$0x3] =	sbarrier.arrive $0xFFFF;
	s2 =	simm.s32 @!p0 $0x1C0B  }
0x199: {  	[timem:s3], [sflag:s2] =	dma.local @!p0 [hbm:s0], s1  }
0x19a: {  	s0 =	simm.s32 @!p0 $0xB  }
0x19b: {  	_ =	swait.ge @!p0 [sflag:s0], s1  }
0x19c: {  	s1 =	ssub.s32 @!p0 $0x0, s1;
	[sflag:s0] =	ssyncset.done @!p0 $0x0  }
0x19d: {  	[sflag:s0] =	ssyncadd.s32 @!p0 s1  }
0x19e: {  	[bflag:$0x3] =	sbarrier.arrive $0xFFFF  }
0x19f: {  	_ =	shalt  }

// kernel: kernel.14.cloned.1.call-start
scs
__scs_entry_jumppad:
0x0: {  	(pc) =	sbr.rel $0x88, $3  }
0x1: {  	(tag) =	ssettag $0x0;
	lr =	simm.s32 $0x1  }
0x2: {  	[smem:$0x3F99] =	sst lr;
	_ =	strace $0xD0000000  }
0x3: {  	_ = 	snop  }
0x4: {  	_ = 	snop  }
0x5: {  	_ = 	snop  }
0x6: {  	_ = 	snop  }
0x7: {  	_ = 	snop  }
__scs_overlays_trampoline_lowered:
0x8: {  	[smem:$0x3FA8] =	sst s0  }
0x9: {  	[smem:$0x3FA9] =	sst s1  }
0xa: {  	[smem:$0x3FAA] =	sst s2  }
0xb: {  	[smem:$0x3FAB] =	sst s3  }
0xc: {  	[smem:$0x3FAC] =	sst s4  }
0xd: {  	[smem:$0x3FAD] =	sst s5  }
0xe: {  	[smem:$0x3FAE] =	sst s6  }
0xf: {  	[smem:$0x3FAF] =	sst s7  }
0x10: {  	[smem:$0x3FB0] =	sst s8  }
0x11: {  	[smem:$0x3FB1] =	sst s9;
	s0 =	simm.s32 @!p0 $0x0  }
0x12: {  	s1 =	sld [smem:$0x3F97];
	s0 =	simm.s32 @p0 $0x1  }
0x13: {  	[smem:$0x3FB2] =	sst s0;
	s0 =	simm.s32 @!p1 $0x0  }
0x14: {  	s2 =	sld [smem:$0x3F96];
	s0 =	simm.s32 @p1 $0x1  }
0x15: {  	[smem:$0x3FB3] =	sst s0;
	s0 =	simm.s32 @!p2 $0x0  }
0x16: {  	s3 =	sld [smem:$0x3FDB];
	s0 =	simm.s32 @p2 $0x1  }
0x17: {  	s4 =	simm.s32 $0x1BF5;
	[smem:$0x3FB5] =	sst s0  }
0x18: {  	s0 =	sld [smem:$0x3F98];
	_ =	swait.ge [sflag:s4], $0x0  }
0x19: {  	s7 =	sld [smem:$0x3F99]  }
0x1a: {  	s8 =	sadd.s32 $0xFFFFE003, lr  }
0x1b: {  	s9 =	sadd.s32 $0xFFFFFEF7, lr;
	s5 =	simm.s32 $0xFFFFFFFF;
	p2 =	slt.u32 s8, $0xFFFFF086  }
0x1c: {  	p1 =	slt.u32 s9, $0xF7A;
	s5 =	simm.s32 @!p2 $0x0  }
0x1d: {  	s5 =	simm.s32 @p1 $0x1;
	p0 =	seq.s32 s7, s2  }
0x1e: {  	s7 =	smul.u32 @!p0 $0xF7A, s2;
	p2 =	seq.s32 @!p0 s5, $0x0  }
0x1f: {  	s9 =	smul.u32 $0xF7A, s1;
	s8 =	simm.s32 @!p0 $0x1BF5;
	p2 =	por !p2, p0  }
0x20: {  	[sflag:s8] =	ssyncset.s32 @!p0 $0xFFFFF086;
	s6 =	sadd.s32 @!p0 s3, s7;
	s7 =	simm.s32 @!p0 $0x108  }
0x21: {  	s3 =	sadd.s32 s3, s9;
	s6 =	sadd.s32 @!p0 $0x88, s6;
	s7 =	simm.s32 @p2 $0x1082  }
0x22: {  	[simem:s7], [sflag:s8] =	dma.local @!p0 [hbm:s6], $0xF7A  }
0x23: {  	s9 =	sor.u32 $0xD0000000, s2;
	s6 =	simm.s32 $0x108;
	_ =	swait.ge @!p0 [sflag:s8], $0x0  }
0x24: {  	s3 =	sadd.s32 $0x88, s3;
	s6 =	simm.s32 @!p1 $0x1082;
	[sflag:s4] =	ssyncset.s32 $0xFFFFF086  }
0x25: {  	[simem:s6], [sflag:s4] =	dma.local [hbm:s3], $0xF7A  }
0x26: {  	[smem:$0x3F99] =	sst s1;
	(tag) =	ssettag s2;
	_ =	strace s9  }
0x27: {  	s1 =	sld [smem:$0x3FA9]  }
0x28: {  	s2 =	sld [smem:$0x3FAA]  }
0x29: {  	s4 =	sld [smem:$0x3FAC]  }
0x2a: {  	p0 =	seq.s32 s5, $0x0;
	s5 =	sld [smem:$0x3FAD]  }
0x2b: {  	s6 =	sld [smem:$0x3FAE]  }
0x2c: {  	s7 =	sld [smem:$0x3FAF]  }
0x2d: {  	s3 =	simm.s32 $0x108;
	s8 =	sld [smem:$0x3FB0]  }
0x2e: {  	s3 =	simm.s32 @!p0 $0x1082;
	s9 =	sld [smem:$0x3FB1]  }
0x2f: {  	lr =	sadd.s32 s0, s3;
	s0 =	sld [smem:$0x3FA8]  }
0x30: {  	s3 =	sld [smem:$0x3FAB]  }
0x31: {  	[smem:$0x3FB4] =	sst s10  }
0x32: {  	s10 =	sld [smem:$0x3FB2];
	_ =	sdelay $0x3  }
0x33: {  	p0 =	seq.s32 s10, $0x1;
	s10 =	sld [smem:$0x3FB4];
	_ =	sdelay $0x3  }
0x34: {  	[smem:$0x3FB4] =	sst s10  }
0x35: {  	s10 =	sld [smem:$0x3FB3];
	_ =	sdelay $0x3  }
0x36: {  	p1 =	seq.s32 s10, $0x1;
	s10 =	sld [smem:$0x3FB4];
	_ =	sdelay $0x3  }
0x37: {  	[smem:$0x3FB4] =	sst s10  }
0x38: {  	s10 =	sld [smem:$0x3FB5]  }
0x39: {  	_ = 	snop;
	(pc) =	sbr.ind lr, $3  }
0x3a: {  	_ = 	snop  }
0x3b: {  	_ = 	snop  }
0x3c: {  	p2 =	seq.s32 s10, $0x1;
	s10 =	sld [smem:$0x3FB4]  }
0x3d: {  	_ =	shalt  }
0x3e: {  	_ =	shalt  }
0x3f: {  	_ =	shalt  }
0x40: {  	_ =	shalt  }
0x41: {  	_ =	shalt  }
0x42: {  	_ =	shalt  }
0x43: {  	_ =	shalt  }
0x44: {  	_ =	shalt  }
0x45: {  	_ =	shalt  }
0x46: {  	_ =	shalt  }
0x47: {  	_ =	shalt  }
0x48: {  	_ =	shalt  }
0x49: {  	_ =	shalt  }
0x4a: {  	_ =	shalt  }
0x4b: {  	_ =	shalt  }
0x4c: {  	_ =	shalt  }
0x4d: {  	_ =	shalt  }
0x4e: {  	_ =	shalt  }
0x4f: {  	_ =	shalt  }
0x50: {  	_ =	shalt  }
0x51: {  	_ =	shalt  }
0x52: {  	_ =	shalt  }
0x53: {  	_ =	shalt  }
0x54: {  	_ =	shalt  }
0x55: {  	_ =	shalt  }
0x56: {  	_ =	shalt  }
0x57: {  	_ =	shalt  }
0x58: {  	_ =	shalt  }
0x59: {  	_ =	shalt  }
0x5a: {  	_ =	shalt  }
0x5b: {  	_ =	shalt  }
0x5c: {  	_ =	shalt  }
0x5d: {  	_ =	shalt  }
0x5e: {  	_ =	shalt  }
0x5f: {  	_ =	shalt  }
0x60: {  	_ =	shalt  }
0x61: {  	_ =	shalt  }
0x62: {  	_ =	shalt  }
0x63: {  	_ =	shalt  }
0x64: {  	_ =	shalt  }
0x65: {  	_ =	shalt  }
0x66: {  	_ =	shalt  }
0x67: {  	_ =	shalt  }
0x68: {  	_ =	shalt  }
0x69: {  	_ =	shalt  }
0x6a: {  	_ =	shalt  }
0x6b: {  	_ =	shalt  }
0x6c: {  	_ =	shalt  }
0x6d: {  	_ =	shalt  }
0x6e: {  	_ =	shalt  }
0x6f: {  	_ =	shalt  }
0x70: {  	_ =	shalt  }
0x71: {  	_ =	shalt  }
0x72: {  	_ =	shalt  }
0x73: {  	_ =	shalt  }
0x74: {  	_ =	shalt  }
0x75: {  	_ =	shalt  }
0x76: {  	_ =	shalt  }
0x77: {  	_ =	shalt  }
0x78: {  	_ =	shalt  }
0x79: {  	_ =	shalt  }
0x7a: {  	_ =	shalt  }
0x7b: {  	_ =	shalt  }
0x7c: {  	_ =	shalt  }
0x7d: {  	_ =	shalt  }
0x7e: {  	_ =	shalt  }
0x7f: {  	_ =	shalt  }
0x80: {  	_ =	shalt  }
0x81: {  	_ =	shalt  }
0x82: {  	_ =	shalt  }
0x83: {  	_ =	shalt  }
0x84: {  	_ =	shalt  }
0x85: {  	_ =	shalt  }
0x86: {  	_ =	shalt  }
0x87: {  	_ =	shalt  }
.Lfunc_end0:
.L_simem_size_0:
called_computation.2_lowered:
.L_overlay_start_0:
0x88: {  	s2 =	sld [smem:$0x3FD9]  }
0x89: {  	s3 =	sld [smem:$0x3FFE];
	_ =	sdelay $0x1  }
0x8a: {  	s1 =	srdreg.scid  }
0x8b: {  	s0 =	sand.u32 $0x1, s1  }
0x8c: {  	s14 =	sshll.u32 s0, $0xA;
	s2 =	sadd.s32 s3, s2  }
0x8d: {  	s2 =	sadd.s32 s2, s14  }
0x8e: {  	[smem:$0x3FC0] =	sst s2  }
0x8f: {  	_ = 	snop  }
0x90: {  	s2 =	sld [smem:$0x3FD0];
	_ =	sdelay $0x2  }
0x91: {  	s15 =	simm.s32 $0xA;
	s4 =	simm.s32 $0x10  }
0x92: {  	[smem:s4], [sflag:s15] =	dma.local [hbm:s2], $0x1  }
0x93: {  	_ =	swait.eq [sflag:s15], $0x1  }
0x94: {  	[sflag:s15] =	ssyncset.done $0x0  }
0x95: {  	s16 =	sld [smem:$0x10];
	[sflag:s15] =	ssyncadd.s32 $0xFFFFFFFF  }
0x96: {  	s17 =	sld [smem:$0x11];
	(tm) =	ssettm $0x1  }
0x97: {  	s18 =	sld [smem:$0x3FFB];
	_ =	sdelay $0x3  }
0x98: {  	_ =	strace s18  }
0x99: {  	s4 =	sld [smem:$0x3FFC];
	_ =	sdelay $0x3  }
0x9a: {  	_ =	strace s4  }
0x9b: {  	s4 =	sld [smem:$0x3FFD];
	_ =	sdelay $0x3  }
0x9c: {  	_ =	strace s4  }
0x9d: {  	_ =	strace $0x8FFFFFFF  }
0x9e: {  	s19 =	sld [smem:$0x3FDB];
	_ =	sdelay $0x1  }
0x9f: {  	s5 =	simm.s32 $_scs_section_size  }
0xa0: {  	s6 =	simm.s32 $_size__tile_overlayer_lowered;
	s7 =	simm.s32 $_tile_overlayer_lowered  }
0xa1: {  	s22 =	simm.s32 $0x1BFF;
	s21 =	sshll.u32 s7, $0x1;
	s4 =	sadd.s32 s5, s19  }
0xa2: {  	s8 =	simm.s32 $0x0;
	s20 =	sshll.u32 s6, $0x1;
	s6 =	sadd.s32 s21, s4  }
0xa3: {  	[timem:s8], [sflag:s22] =	dma.local [hbm:s6], s20  }
0xa4: {  	_ =	swait.ge [sflag:s22], s20  }
0xa5: {  	s5 =	ssub.s32 $0x0, s20;
	[sflag:s22] =	ssyncset.done $0x0  }
0xa6: {  	[sflag:s22] =	ssyncadd.s32 s5;
	_ =	sdelay $0x1  }
0xa7: {  	s23 =	simm.s32 $0x1B8B  }
0xa8: {  	_ =	swait.ge [sflag:s23], $0x1  }
0xa9: {  	[sflag:s23] =	ssyncset.done $0x0  }
0xaa: {  	s25 =	simm.s32 $0x1B8E;
	s24 =	sld [smem:$0x3FFE];
	[sflag:s23] =	ssyncadd.s32 $0xFFFFFFFF  }
0xab: {  	s26 =	simm.s32 $execute0_lowered;
	[smem:$0x3FD2] =	sst s25  }
0xac: {  	s6 =	sshll.u32 s26, $0x1;
	_ =	strace $0x8000004C;
	[dreg:$0x1] =	wrdreg $0xFFFFFFFF  }
0xad: {  	s28 =	simm.s32 $_size_execute0_lowered;
	s4 =	sadd.s32 s4, s6;
	[dreg:$0x0] =	wrdreg $0x0  }
0xae: {  	s6 =	sshll.u32 s28, $0x1;
	[dreg:$0x2] =	wrdreg s4  }
0xaf: {  	[dreg:$0x3] =	wrdreg s6  }
0xb0: {  	[dreg:$0x4] =	wrdreg $0xC0  }
0xb1: {  	_ =	task [dreg:s8], $0x5FFFF  }
0xb2: {  	[dreg:$0x1] =	wrdreg $0xFFFFFFFF  }
0xb3: {  	[dreg:$0x0] =	wrdreg $0x60  }
0xb4: {  	[dreg:$0x2] =	wrdreg s17  }
0xb5: {  	[dreg:$0x3] =	wrdreg s16  }
0xb6: {  	[dreg:$0x4] =	wrdreg s24  }
0xb7: {  	[dreg:$0x5] =	wrdreg $0xDD400  }
0xb8: {  	[dreg:$0x6] =	wrdreg $0x9  }
0xb9: {  	_ =	task.clear_ibuf [dreg:s8], $0x7FFFF;
	_ =	strace $0x9000004C  }
0xba: {  	s29 =	simm.s32 $0x9;
	_ =	strace $0x8000004E  }
0xbb: {  	_ =	swait.ge [sflag:s29], $0x1  }
0xbc: {  	[sflag:s29] =	ssyncadd.s32 $0xFFFFFFFF  }
0xbd: {  	_ =	strace $0x9000004E  }
0xbe: {  	_ =	sfence  }
0xbf: {  	s30 =	sld [smem:$0x0];
	_ =	sdelay $0x2  }
0xc0: {  	s31 =	sshll.u32 s1, $0xD;
	s1 =	sshrl.u32 s1, $0x2  }
0xc1: {  	s3 =	sand.u32 $0x4000, s31;
	s1 =	sadd.s32 s1, s30  }
0xc2: {  	s0 =	sor.u32 s3, s0;
	s1 =	sshll.u32 s1, $0x11  }
0xc3: {  	s0 =	sor.u32 s1, s0  }
0xc4: {  	s0 =	sadd.s32 $0x8F2B, s0  }
0xc5: {  	[sflag:s0] =	ssyncadd.remote.s32 $0x1  }
0xc6: {  	_ =	sfence.sel $0xFFFF  }
0xc7: {  	[dreg:$0x0] =	wrdreg $0xFFFFFFFF;
	(pc) =	sbr.abs _section_cstart, $3  }
0xc8: {  	[dreg:$0x1] =	wrdreg $0xFFFFFFFF  }
0xc9: {  	_ =	task.clear_ibuf [dreg:s8], $0x2FFFF;
	_ =	strace $0x9FFFFFFF  }
0xca: {  	(tm) =	ssettm $0x7FFFFFFF  }
0xcb: {  	_ =	shalt  }
tec
execute0_lowered:
.L_overlay_start_1:
0x0: {  	(tag) =	ssettag $0x1  }
0x1: {  	s1 =	rddreg [dreg:$0x0]  }
0x2: {  	s2 =	rddreg [dreg:$0x1]  }
0x3: {  	s0 =	srdreg.scid;
	s7 =	rddreg [dreg:$0x2]  }
0x4: {  	s6 =	stileid.u32;
	s4 =	rddreg [dreg:$0x3];
	s5 =	simm.s32 $0x0  }
0x5: {  	s28 =	simm.s32 $0x6540;
	s30 =	simm.s32 $0x7940;
	s13 =	simm.s32 $0x3  }
0x6: {  	s14 =	simm.s32 $0x4;
	s15 =	simm.s32 $0x5;
	s16 =	simm.s32 $0x6  }
0x7: {  	s17 =	simm.s32 $0x7;
	s0 =	sand.u32 $0x1, s0;
	s9 =	smul.u32 $0xA000, s6  }
0x8: {  	s29 =	simm.s32 $0xA;
	s10 =	smul.u32 $0x28000, s6;
	s3 =	sshll.u32 s0, $0x4  }
0x9: {  	s8 =	smul.u32 $0xA0000, s0;
	s0 =	ssub.s32 $0x2, s0;
	s3 =	sor.u32 s6, s3  }
0xa: {  	[smem:$0x7FF] =	sst s5;
	s18 =	sshrl.u32 s0, $0x1;
	s3 =	smul.u32 $0x514, s3  }
0xb: {  	_ =	strace $0x8000004D;
	s6 =	sadd.s32 $0x8C800, s7;
	s0 =	ssub.s32 s0, s18  }
0xc: {  	s8 =	sadd.s32 s9, s8;
	s0 =	smax.u32 s0, $0x1;
	s3 =	sadd.s32 s3, s7  }
0xd: {  	s8 =	sshrl.u32 s8, $0x3;
	[dreg:$0xf] =	wrdreg s0;
	s19 =	sadd.s32 $0xCE00, s3  }
0xe: {  	s8 =	sadd.s32 s8, s7;
	s3 =	sadd.s32 $0x2800, s3;
	[dreg:$0x5] =	wrdreg s19  }
0xf: {  	s10 =	sshrl.u32 s10, $0x2;
	s20 =	sadd.s32 $0x8CE00, s8;
	[dreg:$0x6] =	wrdreg s3  }
0x10: {  	s9 =	simm.s32 $0x2;
	s21 =	sadd.s32 $0x8D300, s8;
	[dreg:$0x7] =	wrdreg s20  }
0x11: {  	s18 =	simm.s32 $0x8;
	s22 =	sadd.s32 $0x8D800, s8;
	[dreg:$0x8] =	wrdreg s21  }
0x12: {  	s7 =	sadd.s32 s10, s4;
	s23 =	sadd.s32 $0x8DD00, s8;
	[dreg:$0x9] =	wrdreg s22  }
0x13: {  	s10 =	sadd.s32 $0x2800, s7;
	s24 =	sadd.s32 $0xB4E00, s8;
	[dreg:$0xa] =	wrdreg s23  }
0x14: {  	s11 =	sadd.s32 $0x5000, s7;
	s25 =	sadd.s32 $0xB5300, s8;
	[dreg:$0xb] =	wrdreg s24  }
0x15: {  	s12 =	sadd.s32 $0x7800, s7;
	s26 =	sadd.s32 $0xB5800, s8;
	[dreg:$0xc] =	wrdreg s25  }
0x16: {  	s31 =	sadd.s32 $0xB5D00, s8;
	s8 =	simm.s32 $0x1;
	[dreg:$0xd] =	wrdreg s26  }
0x17: {  	[dreg:$0xe] =	wrdreg s31;
	s22 =	simm.s32 $0xB;
	s24 =	simm.s32 $0xB540  }
0x18: {  	s25 =	simm.s32 $0x50;
	s26 =	simm.s32 $0x5140;
	s3 =	simm.s32 $0x8D40  }
0x19: {  	s23 =	simm.s32 $0xA140;
	s19 =	simm.s32 $0x9;
	s21 =	simm.s32 $0x0  }
.LBB2_1:
0x1a: {  	s0 =	rddreg [dreg:$0x5]  }
0x1b: {  	[tilespmem:s5], [sflag:$0xB] =	stream.linear.gather [hbm4b:s0+s5], $0x28A0, $0x38;
	[tilespmem:$0x17D40] =	vst v63  }
0x1c: {  	_ =	swait.ge [sflag:s22], $0x28A0  }
0x1d: {  	[sflag:s22] =	ssyncset.done $0x0  }
0x1e: {  	s20 =	simm.s32 $0x28A0;
	s0 =	rddreg [dreg:$0x6];
	[sflag:s22] =	ssyncadd.s32 $0xFFFFD760  }
0x1f: {  	[tilespmem:s20], [sflag:$0xB] =	stream.linear.gather [hbm4b:s0+s5], $0x28A0, $0x38;
	[tilespmem:$0x17D40] =	vst v63  }
0x20: {  	_ =	swait.ge [sflag:s22], $0x28A0  }
0x21: {  	[sflag:s22] =	ssyncset.done $0x0  }
0x22: {  	[sflag:s22] =	ssyncadd.s32 $0xFFFFD760  }
0x23: {  	[tilespmem:s24], [sflag:$0xB] =	stream.linear.gather [hbm4b:s6+s5], $0x2800, $0x38;
	[tilespmem:$0x17D40] =	vst v63  }
0x24: {  	_ =	swait.ge [sflag:s22], $0x2800  }
0x25: {  	[sflag:s22] =	ssyncset.done $0x0  }
0x26: {  	[sflag:s22] =	ssyncadd.s32 $0xFFFFD800  }
0x27: {  	[spmem:s7] =	stream.linear.scatter [tilespmem:s24], [sflag:$0xB], $0x2800, $0x38;
	[tilespmem:$0x17D40] =	vst v63  }
0x28: {  	_ =	swait.ge [sflag:s22], $0x2800  }
0x29: {  	[sflag:s22] =	ssyncset.done $0x0  }
0x2a: {  	[sflag:s22] =	ssyncadd.s32 $0xFFFFD800  }
0x2b: {  	[spmem:s10] =	stream.linear.scatter [tilespmem:s24], [sflag:$0xB], $0x2800, $0x38;
	[tilespmem:$0x17D40] =	vst v63  }
0x2c: {  	_ =	swait.ge [sflag:s22], $0x2800  }
0x2d: {  	[sflag:s22] =	ssyncset.done $0x0  }
0x2e: {  	[sflag:s22] =	ssyncadd.s32 $0xFFFFD800  }
0x2f: {  	[spmem:s11] =	stream.linear.scatter [tilespmem:s24], [sflag:$0xB], $0x2800, $0x38;
	[tilespmem:$0x17D40] =	vst v63  }
0x30: {  	_ =	swait.ge [sflag:s22], $0x2800  }
0x31: {  	[sflag:s22] =	ssyncset.done $0x0  }
0x32: {  	[sflag:s22] =	ssyncadd.s32 $0xFFFFD800  }
0x33: {  	[spmem:s12] =	stream.linear.scatter [tilespmem:s24], [sflag:$0xB], $0x2800, $0x38;
	[tilespmem:$0x17D40] =	vst v63  }
0x34: {  	_ =	swait.ge [sflag:s22], $0x2800  }
0x35: {  	[sflag:s22] =	ssyncset.done $0x0  }
0x36: {  	[sflag:s22] =	ssyncadd.s32 $0xFFFFD800  }
0x37: {  	[bflag:$0x0] =	sbarrier.arrive $0xFFFF  }
0x38: {  	[tilespmem:s26], [sflag:$0x1] =	stream.indirect.gather [hbm4b:s1+s25], $0x40, s5, s25, $0xb8;
	[tilespmem:$0x17D40] =	vst v63  }
0x39: {  	_ = 	snop  }
0x3a: {  	[tilespmem:s28], [sflag:$0x2] =	stream.indirect.gather [hbm4b:s1+s25], $0x40, s25, s25, $0xb8;
	[tilespmem:$0x17D40] =	vst v63  }
0x3b: {  	s20 =	simm.s32 $0xA0  }
0x3c: {  	[tilespmem:s30], [sflag:$0x3] =	stream.indirect.gather [hbm4b:s1+s25], $0x40, s20, s25, $0xb8;
	[tilespmem:$0x17D40] =	vst v63  }
0x3d: {  	s20 =	simm.s32 $0xF0  }
0x3e: {  	[tilespmem:s3], [sflag:$0x4] =	stream.indirect.gather [hbm4b:s1+s25], $0x40, s20, s25, $0xb8;
	[tilespmem:$0x17D40] =	vst v63  }
0x3f: {  	s20 =	simm.s32 $0x140  }
0x40: {  	[tilespmem:s23], [sflag:$0x5] =	stream.indirect.gather [hbm4b:s1+s25], $0x40, s20, s25, $0xb8;
	[tilespmem:$0x17D40] =	vst v63  }
0x41: {  	_ =	swait.ge [sflag:s8], $0x1400  }
0x42: {  	[sflag:s8] =	ssyncset.done $0x0  }
0x43: {  	s20 =	simm.s32 $0x28A0;
	[sflag:s8] =	ssyncadd.s32 $0xFFFFEC00  }
0x44: {  	[spmem:s4] =	stream.indirect.scatter.add.f32 [tilespmem:s26], [sflag:$0x6], $0x40, s20, s25, $0xb8;
	[tilespmem:$0x17D40] =	vst v63  }
0x45: {  	_ =	swait.ge [sflag:s9], $0x1400  }
0x46: {  	[sflag:s9] =	ssyncset.done $0x0  }
0x47: {  	s20 =	simm.s32 $0x28F0;
	[sflag:s9] =	ssyncadd.s32 $0xFFFFEC00  }
0x48: {  	[spmem:s4] =	stream.indirect.scatter.add.f32 [tilespmem:s28], [sflag:$0x7], $0x40, s20, s25, $0xb8;
	[tilespmem:$0x17D40] =	vst v63  }
0x49: {  	_ =	swait.ge [sflag:s13], $0x1400  }
0x4a: {  	[sflag:s13] =	ssyncset.done $0x0  }
0x4b: {  	s20 =	simm.s32 $0x2940;
	[sflag:s13] =	ssyncadd.s32 $0xFFFFEC00  }
0x4c: {  	[spmem:s4] =	stream.indirect.scatter.add.f32 [tilespmem:s30], [sflag:$0x8], $0x40, s20, s25, $0xb8;
	[tilespmem:$0x17D40] =	vst v63  }
0x4d: {  	_ =	swait.ge [sflag:s14], $0x1400  }
0x4e: {  	[sflag:s14] =	ssyncset.done $0x0  }
0x4f: {  	s20 =	simm.s32 $0x2990;
	[sflag:s14] =	ssyncadd.s32 $0xFFFFEC00  }
0x50: {  	[spmem:s4] =	stream.indirect.scatter.add.f32 [tilespmem:s3], [sflag:$0x9], $0x40, s20, s25, $0xb8;
	[tilespmem:$0x17D40] =	vst v63  }
0x51: {  	_ =	swait.ge [sflag:s15], $0x1400  }
0x52: {  	[sflag:s15] =	ssyncset.done $0x0  }
0x53: {  	s20 =	simm.s32 $0x29E0;
	[sflag:s15] =	ssyncadd.s32 $0xFFFFEC00  }
0x54: {  	[spmem:s4] =	stream.indirect.scatter.add.f32 [tilespmem:s23], [sflag:$0xA], $0x40, s20, s25, $0xb8;
	[tilespmem:$0x17D40] =	vst v63  }
0x55: {  	_ =	swait.ge [sflag:s16], $0x1400  }
0x56: {  	[sflag:s16] =	ssyncset.done $0x0  }
0x57: {  	s20 =	simm.s32 $0x190;
	[sflag:s16] =	ssyncadd.s32 $0xFFFFEC00  }
0x58: {  	[tilespmem:s26], [sflag:$0x1] =	stream.indirect.gather [hbm4b:s1+s25], $0x40, s20, s25, $0xb8;
	[tilespmem:$0x17D40] =	vst v63  }
0x59: {  	_ =	swait.ge [sflag:s17], $0x1400  }
0x5a: {  	[sflag:s17] =	ssyncset.done $0x0  }
0x5b: {  	s20 =	simm.s32 $0x1E0;
	[sflag:s17] =	ssyncadd.s32 $0xFFFFEC00  }
0x5c: {  	[tilespmem:s28], [sflag:$0x2] =	stream.indirect.gather [hbm4b:s1+s25], $0x40, s20, s25, $0xb8;
	[tilespmem:$0x17D40] =	vst v63  }
0x5d: {  	_ =	swait.ge [sflag:s18], $0x1400  }
0x5e: {  	[sflag:s18] =	ssyncset.done $0x0  }
0x5f: {  	s20 =	simm.s32 $0x230;
	[sflag:s18] =	ssyncadd.s32 $0xFFFFEC00  }
0x60: {  	[tilespmem:s30], [sflag:$0x3] =	stream.indirect.gather [hbm4b:s1+s25], $0x40, s20, s25, $0xb8;
	[tilespmem:$0x17D40] =	vst v63  }
0x61: {  	_ =	swait.ge [sflag:s19], $0x1400  }
0x62: {  	[sflag:s19] =	ssyncset.done $0x0  }
0x63: {  	s20 =	simm.s32 $0x280;
	[sflag:s19] =	ssyncadd.s32 $0xFFFFEC00  }
0x64: {  	[tilespmem:s3], [sflag:$0x4] =	stream.indirect.gather [hbm4b:s1+s25], $0x40, s20, s25, $0xb8;
	[tilespmem:$0x17D40] =	vst v63  }
0x65: {  	_ =	swait.ge [sflag:s29], $0x1400  }
0x66: {  	[sflag:s29] =	ssyncset.done $0x0  }
0x67: {  	s31 =	simm.s32 $0x640;
	s0 =	simm.s32 $0x2D0;
	[sflag:s29] =	ssyncadd.s32 $0xFFFFEC00  }
.LBB2_2:
0x68: {  	[tilespmem:s23], [sflag:$0x5] =	stream.indirect.gather [hbm4b:s1+s25], $0x40, s0, s25, $0xb8;
	[tilespmem:$0x17D40] =	vst v63  }
0x69: {  	s0 =	smov.u32 s31  }
0x6a: {  	p0 =	sne.s32 s31, $0x9600;
	s31 =	sadd.s32 $0x640, s31;
	_ =	swait.ge [sflag:s8], $0x1400  }
0x6b: {  	s0 =	sshra.s32 s0, $0x2;
	[sflag:s8] =	ssyncset.done $0x0  }
0x6c: {  	s20 =	sadd.s32 $0x28A0, s0;
	[sflag:s8] =	ssyncadd.s32 $0xFFFFEC00  }
0x6d: {  	[spmem:s4] =	stream.indirect.scatter.add.f32 [tilespmem:s26], [sflag:$0x6], $0x40, s20, s25, $0xb8;
	[tilespmem:$0x17D40] =	vst v63  }
0x6e: {  	_ =	swait.ge [sflag:s9], $0x1400  }
0x6f: {  	[sflag:s9] =	ssyncset.done $0x0  }
0x70: {  	s20 =	sadd.s32 $0x28F0, s0;
	[sflag:s9] =	ssyncadd.s32 $0xFFFFEC00  }
0x71: {  	[spmem:s4] =	stream.indirect.scatter.add.f32 [tilespmem:s28], [sflag:$0x7], $0x40, s20, s25, $0xb8;
	[tilespmem:$0x17D40] =	vst v63  }
0x72: {  	_ =	swait.ge [sflag:s13], $0x1400  }
0x73: {  	[sflag:s13] =	ssyncset.done $0x0  }
0x74: {  	s20 =	sadd.s32 $0x2940, s0;
	[sflag:s13] =	ssyncadd.s32 $0xFFFFEC00  }
0x75: {  	[spmem:s4] =	stream.indirect.scatter.add.f32 [tilespmem:s30], [sflag:$0x8], $0x40, s20, s25, $0xb8;
	[tilespmem:$0x17D40] =	vst v63  }
0x76: {  	_ =	swait.ge [sflag:s14], $0x1400  }
0x77: {  	[sflag:s14] =	ssyncset.done $0x0  }
0x78: {  	s20 =	sadd.s32 $0x2990, s0;
	[sflag:s14] =	ssyncadd.s32 $0xFFFFEC00  }
0x79: {  	[spmem:s4] =	stream.indirect.scatter.add.f32 [tilespmem:s3], [sflag:$0x9], $0x40, s20, s25, $0xb8;
	[tilespmem:$0x17D40] =	vst v63  }
0x7a: {  	_ =	swait.ge [sflag:s15], $0x1400  }
0x7b: {  	[sflag:s15] =	ssyncset.done $0x0  }
0x7c: {  	s20 =	sadd.s32 $0x29E0, s0;
	[sflag:s15] =	ssyncadd.s32 $0xFFFFEC00  }
0x7d: {  	[spmem:s4] =	stream.indirect.scatter.add.f32 [tilespmem:s23], [sflag:$0xA], $0x40, s20, s25, $0xb8;
	[tilespmem:$0x17D40] =	vst v63  }
0x7e: {  	_ =	swait.ge [sflag:s16], $0x1400  }
0x7f: {  	[sflag:s16] =	ssyncset.done $0x0  }
0x80: {  	s20 =	sadd.s32 $0x190, s0;
	[sflag:s16] =	ssyncadd.s32 $0xFFFFEC00  }
0x81: {  	[tilespmem:s26], [sflag:$0x1] =	stream.indirect.gather [hbm4b:s1+s25], $0x40, s20, s25, $0xb8;
	[tilespmem:$0x17D40] =	vst v63  }
0x82: {  	_ =	swait.ge [sflag:s17], $0x1400  }
0x83: {  	[sflag:s17] =	ssyncset.done $0x0  }
0x84: {  	s20 =	sadd.s32 $0x1E0, s0;
	[sflag:s17] =	ssyncadd.s32 $0xFFFFEC00  }
0x85: {  	[tilespmem:s28], [sflag:$0x2] =	stream.indirect.gather [hbm4b:s1+s25], $0x40, s20, s25, $0xb8;
	[tilespmem:$0x17D40] =	vst v63  }
0x86: {  	_ =	swait.ge [sflag:s18], $0x1400  }
0x87: {  	[sflag:s18] =	ssyncset.done $0x0  }
0x88: {  	s20 =	sadd.s32 $0x230, s0;
	[sflag:s18] =	ssyncadd.s32 $0xFFFFEC00  }
0x89: {  	[tilespmem:s30], [sflag:$0x3] =	stream.indirect.gather [hbm4b:s1+s25], $0x40, s20, s25, $0xb8;
	[tilespmem:$0x17D40] =	vst v63  }
0x8a: {  	_ =	swait.ge [sflag:s19], $0x1400  }
0x8b: {  	[sflag:s19] =	ssyncset.done $0x0  }
.Ltmp0:
0x8c: {  	s20 =	sadd.s32 $0x280, s0;
	[sflag:s19] =	ssyncadd.s32 $0xFFFFEC00;
	(pc) =	sbr.rel @p0 .LBB2_2-.Ltmp0, $4  }
0x8d: {  	[tilespmem:s3], [sflag:$0x4] =	stream.indirect.gather [hbm4b:s1+s25], $0x40, s20, s25, $0xb8;
	[tilespmem:$0x17D40] =	vst v63  }
0x8e: {  	_ =	swait.ge [sflag:s29], $0x1400  }
0x8f: {  	[sflag:s29] =	ssyncset.done $0x0  }
0x90: {  	s0 =	sadd.s32 $0x2D0, s0;
	[sflag:s29] =	ssyncadd.s32 $0xFFFFEC00  }
0x91: {  	[tilespmem:s23], [sflag:$0x5] =	stream.indirect.gather [hbm4b:s1+s25], $0x40, s0, s25, $0xb8;
	[tilespmem:$0x17D40] =	vst v63  }
0x92: {  	_ =	swait.ge [sflag:s8], $0x1400  }
0x93: {  	[sflag:s8] =	ssyncset.done $0x0  }
0x94: {  	s20 =	simm.s32 $0x4FB0;
	[sflag:s8] =	ssyncadd.s32 $0xFFFFEC00  }
0x95: {  	[spmem:s4] =	stream.indirect.scatter.add.f32 [tilespmem:s26], [sflag:$0x6], $0x40, s20, s25, $0xb8;
	[tilespmem:$0x17D40] =	vst v63  }
0x96: {  	_ =	swait.ge [sflag:s9], $0x1400  }
0x97: {  	[sflag:s9] =	ssyncset.done $0x0  }
0x98: {  	s20 =	simm.s32 $0x5000;
	[sflag:s9] =	ssyncadd.s32 $0xFFFFEC00  }
0x99: {  	[spmem:s4] =	stream.indirect.scatter.add.f32 [tilespmem:s28], [sflag:$0x7], $0x40, s20, s25, $0xb8;
	[tilespmem:$0x17D40] =	vst v63  }
0x9a: {  	_ =	swait.ge [sflag:s13], $0x1400  }
0x9b: {  	[sflag:s13] =	ssyncset.done $0x0  }
0x9c: {  	s20 =	simm.s32 $0x5050;
	[sflag:s13] =	ssyncadd.s32 $0xFFFFEC00  }
0x9d: {  	[spmem:s4] =	stream.indirect.scatter.add.f32 [tilespmem:s30], [sflag:$0x8], $0x40, s20, s25, $0xb8;
	[tilespmem:$0x17D40] =	vst v63  }
0x9e: {  	_ =	swait.ge [sflag:s14], $0x1400  }
0x9f: {  	[sflag:s14] =	ssyncset.done $0x0  }
0xa0: {  	s20 =	simm.s32 $0x50A0;
	[sflag:s14] =	ssyncadd.s32 $0xFFFFEC00  }
0xa1: {  	[spmem:s4] =	stream.indirect.scatter.add.f32 [tilespmem:s3], [sflag:$0x9], $0x40, s20, s25, $0xb8;
	[tilespmem:$0x17D40] =	vst v63  }
0xa2: {  	_ =	swait.ge [sflag:s15], $0x1400  }
0xa3: {  	[sflag:s15] =	ssyncset.done $0x0  }
0xa4: {  	s20 =	simm.s32 $0x50F0;
	[sflag:s15] =	ssyncadd.s32 $0xFFFFEC00  }
0xa5: {  	[spmem:s4] =	stream.indirect.scatter.add.f32 [tilespmem:s23], [sflag:$0xA], $0x40, s20, s25, $0xb8;
	[tilespmem:$0x17D40] =	vst v63  }
0xa6: {  	_ =	swait.ge [sflag:s16], $0x1400  }
0xa7: {  	[sflag:s16] =	ssyncset.done $0x0  }
0xa8: {  	[sflag:s16] =	ssyncadd.s32 $0xFFFFEC00  }
0xa9: {  	_ =	swait.ge [sflag:s17], $0x1400  }
0xaa: {  	[sflag:s17] =	ssyncset.done $0x0  }
0xab: {  	[sflag:s17] =	ssyncadd.s32 $0xFFFFEC00  }
0xac: {  	_ =	swait.ge [sflag:s18], $0x1400  }
0xad: {  	[sflag:s18] =	ssyncset.done $0x0  }
0xae: {  	[sflag:s18] =	ssyncadd.s32 $0xFFFFEC00  }
0xaf: {  	_ =	swait.ge [sflag:s19], $0x1400  }
0xb0: {  	[sflag:s19] =	ssyncset.done $0x0  }
0xb1: {  	[sflag:s19] =	ssyncadd.s32 $0xFFFFEC00  }
0xb2: {  	_ =	swait.ge [sflag:s29], $0x1400  }
0xb3: {  	[sflag:s29] =	ssyncset.done $0x0  }
0xb4: {  	[sflag:s29] =	ssyncadd.s32 $0xFFFFEC00  }
0xb5: {  	[bflag:$0x0] =	sbarrier.arrive $0xFFFF  }
0xb6: {  	[tilespmem:s24], [sflag:$0xB] =	stream.linear.gather [spmem:s7], $0x2800, $0x38;
	[tilespmem:$0x17D40] =	vst v63  }
0xb7: {  	_ =	swait.ge [sflag:s22], $0x2800  }
0xb8: {  	[sflag:s22] =	ssyncset.done $0x0  }
0xb9: {  	s0 =	simm.s32 $0x0;
	s20 =	rddreg [dreg:$0x7];
	[sflag:s22] =	ssyncadd.s32 $0xFFFFD800  }
0xba: {  	[hbm4b:s20+s0] =	stream.linear.scatter [tilespmem:s24], [sflag:$0xB], $0x2800, $0x38;
	[tilespmem:$0x17D40] =	vst v63  }
0xbb: {  	_ =	swait.ge [sflag:s22], $0x2800  }
0xbc: {  	[sflag:s22] =	ssyncset.done $0x0  }
0xbd: {  	[sflag:s22] =	ssyncadd.s32 $0xFFFFD800  }
0xbe: {  	[tilespmem:s24], [sflag:$0xB] =	stream.linear.gather [spmem:s10], $0x2800, $0x38;
	[tilespmem:$0x17D40] =	vst v63  }
0xbf: {  	_ =	swait.ge [sflag:s22], $0x2800  }
0xc0: {  	[sflag:s22] =	ssyncset.done $0x0  }
0xc1: {  	s20 =	rddreg [dreg:$0x8];
	[sflag:s22] =	ssyncadd.s32 $0xFFFFD800  }
0xc2: {  	[hbm4b:s20+s0] =	stream.linear.scatter [tilespmem:s24], [sflag:$0xB], $0x2800, $0x38;
	[tilespmem:$0x17D40] =	vst v63  }
0xc3: {  	_ =	swait.ge [sflag:s22], $0x2800  }
0xc4: {  	[sflag:s22] =	ssyncset.done $0x0  }
0xc5: {  	[sflag:s22] =	ssyncadd.s32 $0xFFFFD800  }
0xc6: {  	[tilespmem:s24], [sflag:$0xB] =	stream.linear.gather [spmem:s11], $0x2800, $0x38;
	[tilespmem:$0x17D40] =	vst v63  }
0xc7: {  	_ =	swait.ge [sflag:s22], $0x2800  }
0xc8: {  	[sflag:s22] =	ssyncset.done $0x0  }
0xc9: {  	s20 =	rddreg [dreg:$0x9];
	[sflag:s22] =	ssyncadd.s32 $0xFFFFD800  }
0xca: {  	[hbm4b:s20+s0] =	stream.linear.scatter [tilespmem:s24], [sflag:$0xB], $0x2800, $0x38;
	[tilespmem:$0x17D40] =	vst v63  }
0xcb: {  	_ =	swait.ge [sflag:s22], $0x2800  }
0xcc: {  	[sflag:s22] =	ssyncset.done $0x0  }
0xcd: {  	[sflag:s22] =	ssyncadd.s32 $0xFFFFD800  }
0xce: {  	[tilespmem:s24], [sflag:$0xB] =	stream.linear.gather [spmem:s12], $0x2800, $0x38;
	[tilespmem:$0x17D40] =	vst v63  }
0xcf: {  	_ =	swait.ge [sflag:s22], $0x2800  }
0xd0: {  	[sflag:s22] =	ssyncset.done $0x0  }
0xd1: {  	s20 =	rddreg [dreg:$0xa];
	[sflag:s22] =	ssyncadd.s32 $0xFFFFD800  }
0xd2: {  	[hbm4b:s20+s0] =	stream.linear.scatter [tilespmem:s24], [sflag:$0xB], $0x2800, $0x38;
	[tilespmem:$0x17D40] =	vst v63  }
0xd3: {  	_ =	swait.ge [sflag:s22], $0x2800  }
0xd4: {  	[sflag:s22] =	ssyncset.done $0x0  }
0xd5: {  	[sflag:s22] =	ssyncadd.s32 $0xFFFFD800  }
0xd6: {  	[bflag:$0x0] =	sbarrier.arrive $0xFFFF  }
0xd7: {  	[tilespmem:s24], [sflag:$0xB] =	stream.linear.gather [hbm4b:s6+s0], $0x2800, $0x38;
	[tilespmem:$0x17D40] =	vst v63  }
0xd8: {  	_ =	swait.ge [sflag:s22], $0x2800  }
0xd9: {  	[sflag:s22] =	ssyncset.done $0x0  }
0xda: {  	[sflag:s22] =	ssyncadd.s32 $0xFFFFD800  }
0xdb: {  	[spmem:s7] =	stream.linear.scatter [tilespmem:s24], [sflag:$0xB], $0x2800, $0x38;
	[tilespmem:$0x17D40] =	vst v63  }
0xdc: {  	_ =	swait.ge [sflag:s22], $0x2800  }
0xdd: {  	[sflag:s22] =	ssyncset.done $0x0  }
0xde: {  	[sflag:s22] =	ssyncadd.s32 $0xFFFFD800  }
0xdf: {  	[spmem:s10] =	stream.linear.scatter [tilespmem:s24], [sflag:$0xB], $0x2800, $0x38;
	[tilespmem:$0x17D40] =	vst v63  }
0xe0: {  	_ =	swait.ge [sflag:s22], $0x2800  }
0xe1: {  	[sflag:s22] =	ssyncset.done $0x0  }
0xe2: {  	[sflag:s22] =	ssyncadd.s32 $0xFFFFD800  }
0xe3: {  	[spmem:s11] =	stream.linear.scatter [tilespmem:s24], [sflag:$0xB], $0x2800, $0x38;
	[tilespmem:$0x17D40] =	vst v63  }
0xe4: {  	_ =	swait.ge [sflag:s22], $0x2800  }
0xe5: {  	[sflag:s22] =	ssyncset.done $0x0  }
0xe6: {  	[sflag:s22] =	ssyncadd.s32 $0xFFFFD800  }
0xe7: {  	[spmem:s12] =	stream.linear.scatter [tilespmem:s24], [sflag:$0xB], $0x2800, $0x38;
	[tilespmem:$0x17D40] =	vst v63  }
0xe8: {  	_ =	swait.ge [sflag:s22], $0x2800  }
0xe9: {  	[sflag:s22] =	ssyncset.done $0x0  }
0xea: {  	[sflag:s22] =	ssyncadd.s32 $0xFFFFD800  }
0xeb: {  	[bflag:$0x0] =	sbarrier.arrive $0xFFFF  }
0xec: {  	[tilespmem:s26], [sflag:$0x1] =	stream.indirect.gather [hbm4b:s2+s25], $0x40, s0, s25, $0xb8;
	[tilespmem:$0x17D40] =	vst v63  }
0xed: {  	_ = 	snop  }
0xee: {  	[tilespmem:s28], [sflag:$0x2] =	stream.indirect.gather [hbm4b:s2+s25], $0x40, s25, s25, $0xb8;
	[tilespmem:$0x17D40] =	vst v63  }
0xef: {  	s20 =	simm.s32 $0xA0  }
0xf0: {  	[tilespmem:s30], [sflag:$0x3] =	stream.indirect.gather [hbm4b:s2+s25], $0x40, s20, s25, $0xb8;
	[tilespmem:$0x17D40] =	vst v63  }
0xf1: {  	s20 =	simm.s32 $0xF0  }
0xf2: {  	[tilespmem:s3], [sflag:$0x4] =	stream.indirect.gather [hbm4b:s2+s25], $0x40, s20, s25, $0xb8;
	[tilespmem:$0x17D40] =	vst v63  }
0xf3: {  	s20 =	simm.s32 $0x140  }
0xf4: {  	[tilespmem:s23], [sflag:$0x5] =	stream.indirect.gather [hbm4b:s2+s25], $0x40, s20, s25, $0xb8;
	[tilespmem:$0x17D40] =	vst v63  }
0xf5: {  	_ =	swait.ge [sflag:s8], $0x1400  }
0xf6: {  	[sflag:s8] =	ssyncset.done $0x0  }
0xf7: {  	s20 =	simm.s32 $0x28A0;
	[sflag:s8] =	ssyncadd.s32 $0xFFFFEC00  }
0xf8: {  	[spmem:s4] =	stream.indirect.scatter.add.f32 [tilespmem:s26], [sflag:$0x6], $0x40, s20, s25, $0xb8;
	[tilespmem:$0x17D40] =	vst v63  }
0xf9: {  	_ =	swait.ge [sflag:s9], $0x1400  }
0xfa: {  	[sflag:s9] =	ssyncset.done $0x0  }
0xfb: {  	s20 =	simm.s32 $0x28F0;
	[sflag:s9] =	ssyncadd.s32 $0xFFFFEC00  }
0xfc: {  	[spmem:s4] =	stream.indirect.scatter.add.f32 [tilespmem:s28], [sflag:$0x7], $0x40, s20, s25, $0xb8;
	[tilespmem:$0x17D40] =	vst v63  }
0xfd: {  	_ =	swait.ge [sflag:s13], $0x1400  }
0xfe: {  	[sflag:s13] =	ssyncset.done $0x0  }
0xff: {  	s20 =	simm.s32 $0x2940;
	[sflag:s13] =	ssyncadd.s32 $0xFFFFEC00  }
0x100: {  	[spmem:s4] =	stream.indirect.scatter.add.f32 [tilespmem:s30], [sflag:$0x8], $0x40, s20, s25, $0xb8;
	[tilespmem:$0x17D40] =	vst v63  }
0x101: {  	_ =	swait.ge [sflag:s14], $0x1400  }
0x102: {  	[sflag:s14] =	ssyncset.done $0x0  }
0x103: {  	s20 =	simm.s32 $0x2990;
	[sflag:s14] =	ssyncadd.s32 $0xFFFFEC00  }
0x104: {  	[spmem:s4] =	stream.indirect.scatter.add.f32 [tilespmem:s3], [sflag:$0x9], $0x40, s20, s25, $0xb8;
	[tilespmem:$0x17D40] =	vst v63  }
0x105: {  	_ =	swait.ge [sflag:s15], $0x1400  }
0x106: {  	[sflag:s15] =	ssyncset.done $0x0  }
0x107: {  	s20 =	simm.s32 $0x29E0;
	[sflag:s15] =	ssyncadd.s32 $0xFFFFEC00  }
0x108: {  	[spmem:s4] =	stream.indirect.scatter.add.f32 [tilespmem:s23], [sflag:$0xA], $0x40, s20, s25, $0xb8;
	[tilespmem:$0x17D40] =	vst v63  }
0x109: {  	_ =	swait.ge [sflag:s16], $0x1400  }
0x10a: {  	[sflag:s16] =	ssyncset.done $0x0  }
0x10b: {  	s20 =	simm.s32 $0x190;
	[sflag:s16] =	ssyncadd.s32 $0xFFFFEC00  }
0x10c: {  	[tilespmem:s26], [sflag:$0x1] =	stream.indirect.gather [hbm4b:s2+s25], $0x40, s20, s25, $0xb8;
	[tilespmem:$0x17D40] =	vst v63  }
0x10d: {  	_ =	swait.ge [sflag:s17], $0x1400  }
0x10e: {  	[sflag:s17] =	ssyncset.done $0x0  }
0x10f: {  	s20 =	simm.s32 $0x1E0;
	[sflag:s17] =	ssyncadd.s32 $0xFFFFEC00  }
0x110: {  	[tilespmem:s28], [sflag:$0x2] =	stream.indirect.gather [hbm4b:s2+s25], $0x40, s20, s25, $0xb8;
	[tilespmem:$0x17D40] =	vst v63  }
0x111: {  	_ =	swait.ge [sflag:s18], $0x1400  }
0x112: {  	[sflag:s18] =	ssyncset.done $0x0  }
0x113: {  	s20 =	simm.s32 $0x230;
	[sflag:s18] =	ssyncadd.s32 $0xFFFFEC00  }
0x114: {  	[tilespmem:s30], [sflag:$0x3] =	stream.indirect.gather [hbm4b:s2+s25], $0x40, s20, s25, $0xb8;
	[tilespmem:$0x17D40] =	vst v63  }
0x115: {  	_ =	swait.ge [sflag:s19], $0x1400  }
0x116: {  	[sflag:s19] =	ssyncset.done $0x0  }
0x117: {  	s20 =	simm.s32 $0x280;
	[sflag:s19] =	ssyncadd.s32 $0xFFFFEC00  }
0x118: {  	[tilespmem:s3], [sflag:$0x4] =	stream.indirect.gather [hbm4b:s2+s25], $0x40, s20, s25, $0xb8;
	[tilespmem:$0x17D40] =	vst v63  }
0x119: {  	_ =	swait.ge [sflag:s29], $0x1400  }
0x11a: {  	[sflag:s29] =	ssyncset.done $0x0  }
0x11b: {  	s31 =	simm.s32 $0x640;
	s0 =	simm.s32 $0x2D0;
	[sflag:s29] =	ssyncadd.s32 $0xFFFFEC00  }
.LBB2_4:
0x11c: {  	[tilespmem:s23], [sflag:$0x5] =	stream.indirect.gather [hbm4b:s2+s25], $0x40, s0, s25, $0xb8;
	[tilespmem:$0x17D40] =	vst v63  }
0x11d: {  	s0 =	smov.u32 s31  }
0x11e: {  	p0 =	sne.s32 s31, $0x9600;
	s31 =	sadd.s32 $0x640, s31;
	_ =	swait.ge [sflag:s8], $0x1400  }
0x11f: {  	s0 =	sshra.s32 s0, $0x2;
	[sflag:s8] =	ssyncset.done $0x0  }
0x120: {  	s20 =	sadd.s32 $0x28A0, s0;
	[sflag:s8] =	ssyncadd.s32 $0xFFFFEC00  }
0x121: {  	[spmem:s4] =	stream.indirect.scatter.add.f32 [tilespmem:s26], [sflag:$0x6], $0x40, s20, s25, $0xb8;
	[tilespmem:$0x17D40] =	vst v63  }
0x122: {  	_ =	swait.ge [sflag:s9], $0x1400  }
0x123: {  	[sflag:s9] =	ssyncset.done $0x0  }
0x124: {  	s20 =	sadd.s32 $0x28F0, s0;
	[sflag:s9] =	ssyncadd.s32 $0xFFFFEC00  }
0x125: {  	[spmem:s4] =	stream.indirect.scatter.add.f32 [tilespmem:s28], [sflag:$0x7], $0x40, s20, s25, $0xb8;
	[tilespmem:$0x17D40] =	vst v63  }
0x126: {  	_ =	swait.ge [sflag:s13], $0x1400  }
0x127: {  	[sflag:s13] =	ssyncset.done $0x0  }
0x128: {  	s20 =	sadd.s32 $0x2940, s0;
	[sflag:s13] =	ssyncadd.s32 $0xFFFFEC00  }
0x129: {  	[spmem:s4] =	stream.indirect.scatter.add.f32 [tilespmem:s30], [sflag:$0x8], $0x40, s20, s25, $0xb8;
	[tilespmem:$0x17D40] =	vst v63  }
0x12a: {  	_ =	swait.ge [sflag:s14], $0x1400  }
0x12b: {  	[sflag:s14] =	ssyncset.done $0x0  }
0x12c: {  	s20 =	sadd.s32 $0x2990, s0;
	[sflag:s14] =	ssyncadd.s32 $0xFFFFEC00  }
0x12d: {  	[spmem:s4] =	stream.indirect.scatter.add.f32 [tilespmem:s3], [sflag:$0x9], $0x40, s20, s25, $0xb8;
	[tilespmem:$0x17D40] =	vst v63  }
0x12e: {  	_ =	swait.ge [sflag:s15], $0x1400  }
0x12f: {  	[sflag:s15] =	ssyncset.done $0x0  }
0x130: {  	s20 =	sadd.s32 $0x29E0, s0;
	[sflag:s15] =	ssyncadd.s32 $0xFFFFEC00  }
0x131: {  	[spmem:s4] =	stream.indirect.scatter.add.f32 [tilespmem:s23], [sflag:$0xA], $0x40, s20, s25, $0xb8;
	[tilespmem:$0x17D40] =	vst v63  }
0x132: {  	_ =	swait.ge [sflag:s16], $0x1400  }
0x133: {  	[sflag:s16] =	ssyncset.done $0x0  }
0x134: {  	s20 =	sadd.s32 $0x190, s0;
	[sflag:s16] =	ssyncadd.s32 $0xFFFFEC00  }
0x135: {  	[tilespmem:s26], [sflag:$0x1] =	stream.indirect.gather [hbm4b:s2+s25], $0x40, s20, s25, $0xb8;
	[tilespmem:$0x17D40] =	vst v63  }
0x136: {  	_ =	swait.ge [sflag:s17], $0x1400  }
0x137: {  	[sflag:s17] =	ssyncset.done $0x0  }
0x138: {  	s20 =	sadd.s32 $0x1E0, s0;
	[sflag:s17] =	ssyncadd.s32 $0xFFFFEC00  }
0x139: {  	[tilespmem:s28], [sflag:$0x2] =	stream.indirect.gather [hbm4b:s2+s25], $0x40, s20, s25, $0xb8;
	[tilespmem:$0x17D40] =	vst v63  }
0x13a: {  	_ =	swait.ge [sflag:s18], $0x1400  }
0x13b: {  	[sflag:s18] =	ssyncset.done $0x0  }
0x13c: {  	s20 =	sadd.s32 $0x230, s0;
	[sflag:s18] =	ssyncadd.s32 $0xFFFFEC00  }
0x13d: {  	[tilespmem:s30], [sflag:$0x3] =	stream.indirect.gather [hbm4b:s2+s25], $0x40, s20, s25, $0xb8;
	[tilespmem:$0x17D40] =	vst v63  }
0x13e: {  	_ =	swait.ge [sflag:s19], $0x1400  }
0x13f: {  	[sflag:s19] =	ssyncset.done $0x0  }
.Ltmp1:
0x140: {  	s20 =	sadd.s32 $0x280, s0;
	[sflag:s19] =	ssyncadd.s32 $0xFFFFEC00;
	(pc) =	sbr.rel @p0 .LBB2_4-.Ltmp1, $4  }
0x141: {  	[tilespmem:s3], [sflag:$0x4] =	stream.indirect.gather [hbm4b:s2+s25], $0x40, s20, s25, $0xb8;
	[tilespmem:$0x17D40] =	vst v63  }
0x142: {  	_ =	swait.ge [sflag:s29], $0x1400  }
0x143: {  	[sflag:s29] =	ssyncset.done $0x0  }
0x144: {  	s0 =	sadd.s32 $0x2D0, s0;
	[sflag:s29] =	ssyncadd.s32 $0xFFFFEC00  }
0x145: {  	[tilespmem:s23], [sflag:$0x5] =	stream.indirect.gather [hbm4b:s2+s25], $0x40, s0, s25, $0xb8;
	[tilespmem:$0x17D40] =	vst v63  }
0x146: {  	_ =	swait.ge [sflag:s8], $0x1400  }
0x147: {  	[sflag:s8] =	ssyncset.done $0x0  }
0x148: {  	s20 =	simm.s32 $0x4FB0;
	[sflag:s8] =	ssyncadd.s32 $0xFFFFEC00  }
0x149: {  	[spmem:s4] =	stream.indirect.scatter.add.f32 [tilespmem:s26], [sflag:$0x6], $0x40, s20, s25, $0xb8;
	[tilespmem:$0x17D40] =	vst v63  }
0x14a: {  	_ =	swait.ge [sflag:s9], $0x1400  }
0x14b: {  	[sflag:s9] =	ssyncset.done $0x0  }
0x14c: {  	s31 =	simm.s32 $0x5000;
	[sflag:s9] =	ssyncadd.s32 $0xFFFFEC00  }
0x14d: {  	[spmem:s4] =	stream.indirect.scatter.add.f32 [tilespmem:s28], [sflag:$0x7], $0x40, s31, s25, $0xb8;
	[tilespmem:$0x17D40] =	vst v63  }
0x14e: {  	_ =	swait.ge [sflag:s13], $0x1400  }
0x14f: {  	[sflag:s13] =	ssyncset.done $0x0  }
0x150: {  	s20 =	simm.s32 $0x5050;
	[sflag:s13] =	ssyncadd.s32 $0xFFFFEC00  }
0x151: {  	[spmem:s4] =	stream.indirect.scatter.add.f32 [tilespmem:s30], [sflag:$0x8], $0x40, s20, s25, $0xb8;
	[tilespmem:$0x17D40] =	vst v63  }
0x152: {  	_ =	swait.ge [sflag:s14], $0x1400  }
0x153: {  	[sflag:s14] =	ssyncset.done $0x0  }
0x154: {  	s31 =	simm.s32 $0x50A0;
	[sflag:s14] =	ssyncadd.s32 $0xFFFFEC00  }
0x155: {  	[spmem:s4] =	stream.indirect.scatter.add.f32 [tilespmem:s3], [sflag:$0x9], $0x40, s31, s25, $0xb8;
	[tilespmem:$0x17D40] =	vst v63  }
0x156: {  	_ =	swait.ge [sflag:s15], $0x1400  }
0x157: {  	[sflag:s15] =	ssyncset.done $0x0  }
0x158: {  	s20 =	simm.s32 $0x50F0;
	[sflag:s15] =	ssyncadd.s32 $0xFFFFEC00  }
0x159: {  	[spmem:s4] =	stream.indirect.scatter.add.f32 [tilespmem:s23], [sflag:$0xA], $0x40, s20, s25, $0xb8;
	[tilespmem:$0x17D40] =	vst v63  }
0x15a: {  	_ =	swait.ge [sflag:s16], $0x1400  }
0x15b: {  	[sflag:s16] =	ssyncset.done $0x0  }
0x15c: {  	[sflag:s16] =	ssyncadd.s32 $0xFFFFEC00  }
0x15d: {  	_ =	swait.ge [sflag:s17], $0x1400  }
0x15e: {  	[sflag:s17] =	ssyncset.done $0x0  }
0x15f: {  	[sflag:s17] =	ssyncadd.s32 $0xFFFFEC00  }
0x160: {  	_ =	swait.ge [sflag:s18], $0x1400  }
0x161: {  	[sflag:s18] =	ssyncset.done $0x0  }
0x162: {  	[sflag:s18] =	ssyncadd.s32 $0xFFFFEC00  }
0x163: {  	_ =	swait.ge [sflag:s19], $0x1400  }
0x164: {  	[sflag:s19] =	ssyncset.done $0x0  }
0x165: {  	[sflag:s19] =	ssyncadd.s32 $0xFFFFEC00  }
0x166: {  	_ =	swait.ge [sflag:s29], $0x1400  }
0x167: {  	[sflag:s29] =	ssyncset.done $0x0  }
0x168: {  	[sflag:s29] =	ssyncadd.s32 $0xFFFFEC00  }
0x169: {  	[bflag:$0x0] =	sbarrier.arrive $0xFFFF  }
0x16a: {  	[tilespmem:s24], [sflag:$0xB] =	stream.linear.gather [spmem:s7], $0x2800, $0x38;
	[tilespmem:$0x17D40] =	vst v63  }
0x16b: {  	_ =	swait.ge [sflag:s22], $0x2800  }
0x16c: {  	[sflag:s22] =	ssyncset.done $0x0  }
0x16d: {  	s31 =	rddreg [dreg:$0xb];
	[sflag:s22] =	ssyncadd.s32 $0xFFFFD800  }
0x16e: {  	[hbm4b:s31+s5] =	stream.linear.scatter [tilespmem:s24], [sflag:$0xB], $0x2800, $0x38;
	[tilespmem:$0x17D40] =	vst v63  }
0x16f: {  	_ =	swait.ge [sflag:s22], $0x2800  }
0x170: {  	[sflag:s22] =	ssyncset.done $0x0  }
0x171: {  	[sflag:s22] =	ssyncadd.s32 $0xFFFFD800  }
0x172: {  	[tilespmem:s24], [sflag:$0xB] =	stream.linear.gather [spmem:s10], $0x2800, $0x38;
	[tilespmem:$0x17D40] =	vst v63  }
0x173: {  	_ =	swait.ge [sflag:s22], $0x2800  }
0x174: {  	[sflag:s22] =	ssyncset.done $0x0  }
0x175: {  	s20 =	rddreg [dreg:$0xc];
	[sflag:s22] =	ssyncadd.s32 $0xFFFFD800  }
0x176: {  	[hbm4b:s20+s5] =	stream.linear.scatter [tilespmem:s24], [sflag:$0xB], $0x2800, $0x38;
	[tilespmem:$0x17D40] =	vst v63  }
0x177: {  	_ =	swait.ge [sflag:s22], $0x2800  }
0x178: {  	[sflag:s22] =	ssyncset.done $0x0  }
0x179: {  	[sflag:s22] =	ssyncadd.s32 $0xFFFFD800  }
0x17a: {  	[tilespmem:s24], [sflag:$0xB] =	stream.linear.gather [spmem:s11], $0x2800, $0x38;
	[tilespmem:$0x17D40] =	vst v63  }
0x17b: {  	_ =	swait.ge [sflag:s22], $0x2800  }
0x17c: {  	[sflag:s22] =	ssyncset.done $0x0  }
0x17d: {  	s31 =	rddreg [dreg:$0xd];
	[sflag:s22] =	ssyncadd.s32 $0xFFFFD800  }
0x17e: {  	[hbm4b:s31+s5] =	stream.linear.scatter [tilespmem:s24], [sflag:$0xB], $0x2800, $0x38;
	[tilespmem:$0x17D40] =	vst v63  }
0x17f: {  	_ =	swait.ge [sflag:s22], $0x2800  }
0x180: {  	[sflag:s22] =	ssyncset.done $0x0  }
0x181: {  	[sflag:s22] =	ssyncadd.s32 $0xFFFFD800  }
0x182: {  	[tilespmem:s24], [sflag:$0xB] =	stream.linear.gather [spmem:s12], $0x2800, $0x38;
	[tilespmem:$0x17D40] =	vst v63  }
0x183: {  	_ =	swait.ge [sflag:s22], $0x2800  }
0x184: {  	[sflag:s22] =	ssyncset.done $0x0  }
0x185: {  	s20 =	rddreg [dreg:$0xe];
	[sflag:s22] =	ssyncadd.s32 $0xFFFFD800  }
0x186: {  	[hbm4b:s20+s5] =	stream.linear.scatter [tilespmem:s24], [sflag:$0xB], $0x2800, $0x38;
	[tilespmem:$0x17D40] =	vst v63  }
0x187: {  	_ =	swait.ge [sflag:s22], $0x2800  }
0x188: {  	s21 =	sadd.s32 $0x1, s21;
	s31 =	rddreg [dreg:$0xf]  }
0x189: {  	p0 =	sne.s32 s21, s31  }
.Ltmp2:
0x18a: {  	_ = 	snop;
	(pc) =	sbr.rel @p0 .LBB2_1-.Ltmp2, $3  }
0x18b: {  	[sflag:s22] =	ssyncset.done $0x0  }
0x18c: {  	[sflag:s22] =	ssyncadd.s32 $0xFFFFD800  }
0x18d: {  	[bflag:$0x0] =	sbarrier.arrive $0xFFFF;
	_ =	sdelay $0x1  }
0x18e: {  	_ =	sfence.sel $0x180000  }
0x18f: {  	[bflag:$0x0] =	sbarrier.arrive $0xFFFF  }
0x190: {  	_ =	strace $0x9000004D  }
0x191: {  	s0 =	stileid.u32;
	[bflag:$0x2] =	sbarrier.arrive $0xFFFF  }
0x192: {  	p0 =	sne.s32 s0, $0x0;
	s0 =	rddreg [dreg:$0x4]  }
0x193: {  	s0 =	sadd.s32 @!p0 $0x100000, s0  }
0x194: {  	[sflag:s0] =	ssyncadd.tile.s32 @!p0 $0x1;
	_ =	shalt  }
.Lfunc_end2:
_tile_overlayer_lowered:
.L_overlay_start_2:
0x195: {  	(tag) =	ssettag $0x2  }
0x196: {  	s0 =	rddreg [dreg:$0x0];
	s2 =	stileid.u32  }
0x197: {  	s1 =	rddreg [dreg:$0x1];
	p0 =	sne.s32 s2, $0x0  }
0x198: {  	s3 =	rddreg [dreg:$0x2];
	[bflag:$0x3] =	sbarrier.arrive $0xFFFF;
	s2 =	simm.s32 @!p0 $0x1C0B  }
0x199: {  	[timem:s3], [sflag:s2] =	dma.local @!p0 [hbm:s0], s1  }
0x19a: {  	s0 =	simm.s32 @!p0 $0xB  }
0x19b: {  	_ =	swait.ge @!p0 [sflag:s0], s1  }
0x19c: {  	s1 =	ssub.s32 @!p0 $0x0, s1;
	[sflag:s0] =	ssyncset.done @!p0 $0x0  }
0x19d: {  	[sflag:s0] =	ssyncadd.s32 @!p0 s1  }
0x19e: {  	[bflag:$0x3] =	sbarrier.arrive $0xFFFF  }
0x19f: {  	_ =	shalt  }

// kernel: kernel.8.cloned.1.call-start
scs
__scs_entry_jumppad:
0x0: {  	(pc) =	sbr.rel $0x88, $3  }
0x1: {  	(tag) =	ssettag $0x0;
	lr =	simm.s32 $0x1  }
0x2: {  	[smem:$0x3F99] =	sst lr;
	_ =	strace $0xD0000000  }
0x3: {  	_ = 	snop  }
0x4: {  	_ = 	snop  }
0x5: {  	_ = 	snop  }
0x6: {  	_ = 	snop  }
0x7: {  	_ = 	snop  }
__scs_overlays_trampoline_lowered:
0x8: {  	[smem:$0x3FA8] =	sst s0  }
0x9: {  	[smem:$0x3FA9] =	sst s1  }
0xa: {  	[smem:$0x3FAA] =	sst s2  }
0xb: {  	[smem:$0x3FAB] =	sst s3  }
0xc: {  	[smem:$0x3FAC] =	sst s4  }
0xd: {  	[smem:$0x3FAD] =	sst s5  }
0xe: {  	[smem:$0x3FAE] =	sst s6  }
0xf: {  	[smem:$0x3FAF] =	sst s7  }
0x10: {  	[smem:$0x3FB0] =	sst s8  }
0x11: {  	[smem:$0x3FB1] =	sst s9;
	s0 =	simm.s32 @!p0 $0x0  }
0x12: {  	s1 =	sld [smem:$0x3F97];
	s0 =	simm.s32 @p0 $0x1  }
0x13: {  	[smem:$0x3FB2] =	sst s0;
	s0 =	simm.s32 @!p1 $0x0  }
0x14: {  	s2 =	sld [smem:$0x3F96];
	s0 =	simm.s32 @p1 $0x1  }
0x15: {  	[smem:$0x3FB3] =	sst s0;
	s0 =	simm.s32 @!p2 $0x0  }
0x16: {  	s3 =	sld [smem:$0x3FDB];
	s0 =	simm.s32 @p2 $0x1  }
0x17: {  	s4 =	simm.s32 $0x1BF5;
	[smem:$0x3FB5] =	sst s0  }
0x18: {  	s0 =	sld [smem:$0x3F98];
	_ =	swait.ge [sflag:s4], $0x0  }
0x19: {  	s7 =	sld [smem:$0x3F99]  }
0x1a: {  	s8 =	sadd.s32 $0xFFFFE003, lr  }
0x1b: {  	s9 =	sadd.s32 $0xFFFFFEF7, lr;
	s5 =	simm.s32 $0xFFFFFFFF;
	p2 =	slt.u32 s8, $0xFFFFF086  }
0x1c: {  	p1 =	slt.u32 s9, $0xF7A;
	s5 =	simm.s32 @!p2 $0x0  }
0x1d: {  	s5 =	simm.s32 @p1 $0x1;
	p0 =	seq.s32 s7, s2  }
0x1e: {  	s7 =	smul.u32 @!p0 $0xF7A, s2;
	p2 =	seq.s32 @!p0 s5, $0x0  }
0x1f: {  	s9 =	smul.u32 $0xF7A, s1;
	s8 =	simm.s32 @!p0 $0x1BF5;
	p2 =	por !p2, p0  }
0x20: {  	[sflag:s8] =	ssyncset.s32 @!p0 $0xFFFFF086;
	s6 =	sadd.s32 @!p0 s3, s7;
	s7 =	simm.s32 @!p0 $0x108  }
0x21: {  	s3 =	sadd.s32 s3, s9;
	s6 =	sadd.s32 @!p0 $0x88, s6;
	s7 =	simm.s32 @p2 $0x1082  }
0x22: {  	[simem:s7], [sflag:s8] =	dma.local @!p0 [hbm:s6], $0xF7A  }
0x23: {  	s9 =	sor.u32 $0xD0000000, s2;
	s6 =	simm.s32 $0x108;
	_ =	swait.ge @!p0 [sflag:s8], $0x0  }
0x24: {  	s3 =	sadd.s32 $0x88, s3;
	s6 =	simm.s32 @!p1 $0x1082;
	[sflag:s4] =	ssyncset.s32 $0xFFFFF086  }
0x25: {  	[simem:s6], [sflag:s4] =	dma.local [hbm:s3], $0xF7A  }
0x26: {  	[smem:$0x3F99] =	sst s1;
	(tag) =	ssettag s2;
	_ =	strace s9  }
0x27: {  	s1 =	sld [smem:$0x3FA9]  }
0x28: {  	s2 =	sld [smem:$0x3FAA]  }
0x29: {  	s4 =	sld [smem:$0x3FAC]  }
0x2a: {  	p0 =	seq.s32 s5, $0x0;
	s5 =	sld [smem:$0x3FAD]  }
0x2b: {  	s6 =	sld [smem:$0x3FAE]  }
0x2c: {  	s7 =	sld [smem:$0x3FAF]  }
0x2d: {  	s3 =	simm.s32 $0x108;
	s8 =	sld [smem:$0x3FB0]  }
0x2e: {  	s3 =	simm.s32 @!p0 $0x1082;
	s9 =	sld [smem:$0x3FB1]  }
0x2f: {  	lr =	sadd.s32 s0, s3;
	s0 =	sld [smem:$0x3FA8]  }
0x30: {  	s3 =	sld [smem:$0x3FAB]  }
0x31: {  	[smem:$0x3FB4] =	sst s10  }
0x32: {  	s10 =	sld [smem:$0x3FB2];
	_ =	sdelay $0x3  }
0x33: {  	p0 =	seq.s32 s10, $0x1;
	s10 =	sld [smem:$0x3FB4];
	_ =	sdelay $0x3  }
0x34: {  	[smem:$0x3FB4] =	sst s10  }
0x35: {  	s10 =	sld [smem:$0x3FB3];
	_ =	sdelay $0x3  }
0x36: {  	p1 =	seq.s32 s10, $0x1;
	s10 =	sld [smem:$0x3FB4];
	_ =	sdelay $0x3  }
0x37: {  	[smem:$0x3FB4] =	sst s10  }
0x38: {  	s10 =	sld [smem:$0x3FB5]  }
0x39: {  	_ = 	snop;
	(pc) =	sbr.ind lr, $3  }
0x3a: {  	_ = 	snop  }
0x3b: {  	_ = 	snop  }
0x3c: {  	p2 =	seq.s32 s10, $0x1;
	s10 =	sld [smem:$0x3FB4]  }
0x3d: {  	_ =	shalt  }
0x3e: {  	_ =	shalt  }
0x3f: {  	_ =	shalt  }
0x40: {  	_ =	shalt  }
0x41: {  	_ =	shalt  }
0x42: {  	_ =	shalt  }
0x43: {  	_ =	shalt  }
0x44: {  	_ =	shalt  }
0x45: {  	_ =	shalt  }
0x46: {  	_ =	shalt  }
0x47: {  	_ =	shalt  }
0x48: {  	_ =	shalt  }
0x49: {  	_ =	shalt  }
0x4a: {  	_ =	shalt  }
0x4b: {  	_ =	shalt  }
0x4c: {  	_ =	shalt  }
0x4d: {  	_ =	shalt  }
0x4e: {  	_ =	shalt  }
0x4f: {  	_ =	shalt  }
0x50: {  	_ =	shalt  }
0x51: {  	_ =	shalt  }
0x52: {  	_ =	shalt  }
0x53: {  	_ =	shalt  }
0x54: {  	_ =	shalt  }
0x55: {  	_ =	shalt  }
0x56: {  	_ =	shalt  }
0x57: {  	_ =	shalt  }
0x58: {  	_ =	shalt  }
0x59: {  	_ =	shalt  }
0x5a: {  	_ =	shalt  }
0x5b: {  	_ =	shalt  }
0x5c: {  	_ =	shalt  }
0x5d: {  	_ =	shalt  }
0x5e: {  	_ =	shalt  }
0x5f: {  	_ =	shalt  }
0x60: {  	_ =	shalt  }
0x61: {  	_ =	shalt  }
0x62: {  	_ =	shalt  }
0x63: {  	_ =	shalt  }
0x64: {  	_ =	shalt  }
0x65: {  	_ =	shalt  }
0x66: {  	_ =	shalt  }
0x67: {  	_ =	shalt  }
0x68: {  	_ =	shalt  }
0x69: {  	_ =	shalt  }
0x6a: {  	_ =	shalt  }
0x6b: {  	_ =	shalt  }
0x6c: {  	_ =	shalt  }
0x6d: {  	_ =	shalt  }
0x6e: {  	_ =	shalt  }
0x6f: {  	_ =	shalt  }
0x70: {  	_ =	shalt  }
0x71: {  	_ =	shalt  }
0x72: {  	_ =	shalt  }
0x73: {  	_ =	shalt  }
0x74: {  	_ =	shalt  }
0x75: {  	_ =	shalt  }
0x76: {  	_ =	shalt  }
0x77: {  	_ =	shalt  }
0x78: {  	_ =	shalt  }
0x79: {  	_ =	shalt  }
0x7a: {  	_ =	shalt  }
0x7b: {  	_ =	shalt  }
0x7c: {  	_ =	shalt  }
0x7d: {  	_ =	shalt  }
0x7e: {  	_ =	shalt  }
0x7f: {  	_ =	shalt  }
0x80: {  	_ =	shalt  }
0x81: {  	_ =	shalt  }
0x82: {  	_ =	shalt  }
0x83: {  	_ =	shalt  }
0x84: {  	_ =	shalt  }
0x85: {  	_ =	shalt  }
0x86: {  	_ =	shalt  }
0x87: {  	_ =	shalt  }
.Lfunc_end0:
.L_simem_size_0:
called_computation_lowered:
.L_overlay_start_0:
0x88: {  	s2 =	sld [smem:$0x3FD9]  }
0x89: {  	s3 =	sld [smem:$0x3FFE];
	_ =	sdelay $0x1  }
0x8a: {  	s1 =	srdreg.scid  }
0x8b: {  	s0 =	sand.u32 $0x1, s1  }
0x8c: {  	s14 =	sshll.u32 s0, $0xA;
	s2 =	sadd.s32 s3, s2  }
0x8d: {  	s2 =	sadd.s32 s2, s14  }
0x8e: {  	[smem:$0x3FC0] =	sst s2  }
0x8f: {  	_ = 	snop  }
0x90: {  	s2 =	sld [smem:$0x3FD0];
	_ =	sdelay $0x2  }
0x91: {  	s15 =	simm.s32 $0xA;
	s4 =	simm.s32 $0x10  }
0x92: {  	[smem:s4], [sflag:s15] =	dma.local [hbm:s2], $0x1  }
0x93: {  	_ =	swait.eq [sflag:s15], $0x1  }
0x94: {  	[sflag:s15] =	ssyncset.done $0x0  }
0x95: {  	s16 =	sld [smem:$0x10];
	[sflag:s15] =	ssyncadd.s32 $0xFFFFFFFF  }
0x96: {  	s17 =	sld [smem:$0x11];
	(tm) =	ssettm $0x1  }
0x97: {  	s18 =	sld [smem:$0x3FFB];
	_ =	sdelay $0x3  }
0x98: {  	_ =	strace s18  }
0x99: {  	s4 =	sld [smem:$0x3FFC];
	_ =	sdelay $0x3  }
0x9a: {  	_ =	strace s4  }
0x9b: {  	s4 =	sld [smem:$0x3FFD];
	_ =	sdelay $0x3  }
0x9c: {  	_ =	strace s4  }
0x9d: {  	_ =	strace $0x8FFFFFFF  }
0x9e: {  	s19 =	sld [smem:$0x3FDB];
	_ =	sdelay $0x1  }
0x9f: {  	s5 =	simm.s32 $_scs_section_size  }
0xa0: {  	s6 =	simm.s32 $_size__tile_overlayer_lowered;
	s7 =	simm.s32 $_tile_overlayer_lowered  }
0xa1: {  	s22 =	simm.s32 $0x1BFF;
	s21 =	sshll.u32 s7, $0x1;
	s4 =	sadd.s32 s5, s19  }
0xa2: {  	s8 =	simm.s32 $0x0;
	s20 =	sshll.u32 s6, $0x1;
	s6 =	sadd.s32 s21, s4  }
0xa3: {  	[timem:s8], [sflag:s22] =	dma.local [hbm:s6], s20  }
0xa4: {  	_ =	swait.ge [sflag:s22], s20  }
0xa5: {  	s5 =	ssub.s32 $0x0, s20;
	[sflag:s22] =	ssyncset.done $0x0  }
0xa6: {  	[sflag:s22] =	ssyncadd.s32 s5;
	_ =	sdelay $0x1  }
0xa7: {  	s23 =	simm.s32 $0x1B8B  }
0xa8: {  	_ =	swait.ge [sflag:s23], $0x1  }
0xa9: {  	[sflag:s23] =	ssyncset.done $0x0  }
0xaa: {  	s25 =	simm.s32 $0x1B8E;
	s24 =	sld [smem:$0x3FFE];
	[sflag:s23] =	ssyncadd.s32 $0xFFFFFFFF  }
0xab: {  	s26 =	simm.s32 $execute0_lowered;
	[smem:$0x3FD2] =	sst s25  }
0xac: {  	s6 =	sshll.u32 s26, $0x1;
	_ =	strace $0x80000046;
	[dreg:$0x1] =	wrdreg $0xFFFFFFFF  }
0xad: {  	s28 =	simm.s32 $_size_execute0_lowered;
	s4 =	sadd.s32 s4, s6;
	[dreg:$0x0] =	wrdreg $0x0  }
0xae: {  	s6 =	sshll.u32 s28, $0x1;
	[dreg:$0x2] =	wrdreg s4  }
0xaf: {  	[dreg:$0x3] =	wrdreg s6  }
0xb0: {  	[dreg:$0x4] =	wrdreg $0xC0  }
0xb1: {  	_ =	task [dreg:s8], $0x5FFFF  }
0xb2: {  	[dreg:$0x1] =	wrdreg $0xFFFFFFFF  }
0xb3: {  	[dreg:$0x0] =	wrdreg $0x60  }
0xb4: {  	[dreg:$0x2] =	wrdreg s24  }
0xb5: {  	[dreg:$0x3] =	wrdreg s16  }
0xb6: {  	[dreg:$0x4] =	wrdreg s17  }
0xb7: {  	[dreg:$0x5] =	wrdreg $0x37A00  }
0xb8: {  	[dreg:$0x6] =	wrdreg $0x9  }
0xb9: {  	_ =	task.clear_ibuf [dreg:s8], $0x7FFFF;
	_ =	strace $0x90000046  }
0xba: {  	s29 =	simm.s32 $0x9;
	_ =	strace $0x80000048  }
0xbb: {  	_ =	swait.ge [sflag:s29], $0x1  }
0xbc: {  	[sflag:s29] =	ssyncadd.s32 $0xFFFFFFFF  }
0xbd: {  	_ =	strace $0x90000048  }
0xbe: {  	_ =	sfence  }
0xbf: {  	s30 =	sld [smem:$0x0];
	_ =	sdelay $0x2  }
0xc0: {  	s31 =	sshll.u32 s1, $0xD;
	s1 =	sshrl.u32 s1, $0x2  }
0xc1: {  	s3 =	sand.u32 $0x4000, s31;
	s1 =	sadd.s32 s1, s30  }
0xc2: {  	s0 =	sor.u32 s3, s0;
	s1 =	sshll.u32 s1, $0x11  }
0xc3: {  	s0 =	sor.u32 s1, s0  }
0xc4: {  	s0 =	sadd.s32 $0x8F2B, s0  }
0xc5: {  	[sflag:s0] =	ssyncadd.remote.s32 $0x1  }
0xc6: {  	_ =	sfence.sel $0xFFFF  }
0xc7: {  	[dreg:$0x0] =	wrdreg $0xFFFFFFFF;
	(pc) =	sbr.abs _section_cstart, $3  }
0xc8: {  	[dreg:$0x1] =	wrdreg $0xFFFFFFFF  }
0xc9: {  	_ =	task.clear_ibuf [dreg:s8], $0x2FFFF;
	_ =	strace $0x9FFFFFFF  }
0xca: {  	(tm) =	ssettm $0x7FFFFFFF  }
0xcb: {  	_ =	shalt  }
tec
execute0_lowered:
.L_overlay_start_1:
0x0: {  	(tag) =	ssettag $0x1  }
0x1: {  	s5 =	rddreg [dreg:$0x0]  }
0x2: {  	s1 =	rddreg [dreg:$0x1]  }
0x3: {  	s9 =	rddreg [dreg:$0x2]  }
0x4: {  	s0 =	srdreg.scid;
	s3 =	rddreg [dreg:$0x3]  }
0x5: {  	s4 =	simm.s32 $0x0;
	s16 =	simm.s32 $0x2DA0;
	s17 =	simm.s32 $0x2  }
0x6: {  	s18 =	simm.s32 $0x28A0;
	s6 =	sand.u32 $0x1, s0;
	s0 =	stileid.u32  }
0x7: {  	s19 =	simm.s32 $0x50;
	s20 =	simm.s32 $0x1;
	s8 =	smul.u32 $0xA000, s0  }
0x8: {  	s21 =	simm.s32 $0x0;
	s2 =	sshll.u32 s6, $0x4;
	s10 =	smul.u32 $0x28000, s6  }
0x9: {  	s11 =	smul.u32 $0x2800, s0;
	s6 =	ssub.s32 $0x2, s6;
	s2 =	sor.u32 s0, s2  }
0xa: {  	[smem:$0x7FF] =	sst s4;
	s31 =	sshrl.u32 s6, $0x1;
	s7 =	smul.u32 $0x514, s2  }
0xb: {  	s2 =	rddreg [dreg:$0x4];
	_ =	strace $0x80000047;
	s8 =	sshrl.u32 s8, $0x2  }
0xc: {  	s10 =	sadd.s32 s11, s10;
	s15 =	ssub.s32 s6, s31;
	s6 =	sadd.s32 s8, s3  }
0xd: {  	s10 =	sshrl.u32 s10, $0x3;
	s15 =	smax.u32 s15, $0x1;
	s12 =	sadd.s32 s7, s5  }
0xe: {  	s5 =	sadd.s32 $0xCC00, s5;
	s7 =	sadd.s32 $0xA00, s6;
	s8 =	sadd.s32 $0x1400, s6  }
0xf: {  	s9 =	sadd.s32 s9, s10;
	s10 =	sadd.s32 $0x1E00, s6;
	s11 =	sadd.s32 $0x2800, s12  }
0x10: {  	s12 =	sadd.s32 $0x140, s9;
	s13 =	sadd.s32 $0x280, s9;
	s14 =	sadd.s32 $0x3C0, s9  }
.LBB2_1:
0x11: {  	[tilespmem:s16], [sflag:$0x2] =	stream.linear.gather [hbm4b:s1+s4], $0xA00, $0x38;
	[tilespmem:$0x5FA0] =	vst v63  }
0x12: {  	_ =	swait.ge [sflag:s17], $0xA00  }
0x13: {  	[sflag:s17] =	ssyncset.done $0x0  }
0x14: {  	[sflag:s17] =	ssyncadd.s32 $0xFFFFF600  }
0x15: {  	[spmem:s6] =	stream.linear.scatter [tilespmem:s16], [sflag:$0x2], $0xA00, $0x38;
	[tilespmem:$0x5FA0] =	vst v63  }
0x16: {  	_ =	swait.ge [sflag:s17], $0xA00  }
0x17: {  	[sflag:s17] =	ssyncset.done $0x0  }
0x18: {  	[sflag:s17] =	ssyncadd.s32 $0xFFFFF600  }
0x19: {  	[spmem:s7] =	stream.linear.scatter [tilespmem:s16], [sflag:$0x2], $0xA00, $0x38;
	[tilespmem:$0x5FA0] =	vst v63  }
0x1a: {  	_ =	swait.ge [sflag:s17], $0xA00  }
0x1b: {  	[sflag:s17] =	ssyncset.done $0x0  }
0x1c: {  	[sflag:s17] =	ssyncadd.s32 $0xFFFFF600  }
0x1d: {  	[spmem:s8] =	stream.linear.scatter [tilespmem:s16], [sflag:$0x2], $0xA00, $0x38;
	[tilespmem:$0x5FA0] =	vst v63  }
0x1e: {  	_ =	swait.ge [sflag:s17], $0xA00  }
0x1f: {  	[sflag:s17] =	ssyncset.done $0x0  }
0x20: {  	[sflag:s17] =	ssyncadd.s32 $0xFFFFF600  }
0x21: {  	[spmem:s10] =	stream.linear.scatter [tilespmem:s16], [sflag:$0x2], $0xA00, $0x38;
	[tilespmem:$0x5FA0] =	vst v63  }
0x22: {  	_ =	swait.ge [sflag:s17], $0xA00  }
0x23: {  	[sflag:s17] =	ssyncset.done $0x0  }
0x24: {  	[sflag:s17] =	ssyncadd.s32 $0xFFFFF600  }
0x25: {  	[tilespmem:s18], [sflag:$0x2] =	stream.linear.gather [hbm4b:s5+s4], $0x500, $0x38;
	[tilespmem:$0x5FA0] =	vst v63  }
0x26: {  	_ =	swait.ge [sflag:s17], $0x500  }
0x27: {  	[sflag:s17] =	ssyncset.done $0x0  }
0x28: {  	[sflag:s17] =	ssyncadd.s32 $0xFFFFFB00  }
0x29: {  	[tilespmem:s4], [sflag:$0x2] =	stream.linear.gather [hbm4b:s11+s4], $0x28A0, $0x38;
	[tilespmem:$0x5FA0] =	vst v63  }
0x2a: {  	_ =	swait.ge [sflag:s17], $0x28A0  }
0x2b: {  	[sflag:s17] =	ssyncset.done $0x0  }
0x2c: {  	[sflag:s17] =	ssyncadd.s32 $0xFFFFD760  }
0x2d: {  	s22 =	simm.s32 $0x0;
	[bflag:$0x0] =	sbarrier.arrive $0xFFFF  }
0x2e: {  	[spmem:s3] =	stream.indirect.scatter.add.f32 [tilespmem:s18], [sflag:$0x1], $0x10, s22, s19, $0xb8;
	[tilespmem:$0x5FA0] =	vst v63  }
0x2f: {  	s24 =	simm.s32 $0x50  }
0x30: {  	[spmem:s3] =	stream.indirect.scatter.add.f32 [tilespmem:s18], [sflag:$0x1], $0x10, s24, s19, $0xb8;
	[tilespmem:$0x5FA0] =	vst v63  }
0x31: {  	s25 =	simm.s32 $0xA0  }
0x32: {  	[spmem:s3] =	stream.indirect.scatter.add.f32 [tilespmem:s18], [sflag:$0x1], $0x10, s25, s19, $0xb8;
	[tilespmem:$0x5FA0] =	vst v63  }
0x33: {  	s26 =	simm.s32 $0xF0  }
0x34: {  	[spmem:s3] =	stream.indirect.scatter.add.f32 [tilespmem:s18], [sflag:$0x1], $0x10, s26, s19, $0xb8;
	[tilespmem:$0x5FA0] =	vst v63  }
0x35: {  	s28 =	simm.s32 $0x140  }
0x36: {  	[spmem:s3] =	stream.indirect.scatter.add.f32 [tilespmem:s18], [sflag:$0x1], $0x10, s28, s19, $0xb8;
	[tilespmem:$0x5FA0] =	vst v63  }
0x37: {  	s29 =	simm.s32 $0x190  }
0x38: {  	[spmem:s3] =	stream.indirect.scatter.add.f32 [tilespmem:s18], [sflag:$0x1], $0x10, s29, s19, $0xb8;
	[tilespmem:$0x5FA0] =	vst v63  }
0x39: {  	s30 =	simm.s32 $0x1E0  }
0x3a: {  	[spmem:s3] =	stream.indirect.scatter.add.f32 [tilespmem:s18], [sflag:$0x1], $0x10, s30, s19, $0xb8;
	[tilespmem:$0x5FA0] =	vst v63  }
0x3b: {  	s31 =	simm.s32 $0x230  }
0x3c: {  	[spmem:s3] =	stream.indirect.scatter.add.f32 [tilespmem:s18], [sflag:$0x1], $0x10, s31, s19, $0xb8;
	[tilespmem:$0x5FA0] =	vst v63  }
0x3d: {  	_ =	swait.ge [sflag:s20], $0x500  }
0x3e: {  	[sflag:s20] =	ssyncset.done $0x0  }
0x3f: {  	[sflag:s20] =	ssyncadd.s32 $0xFFFFFB00  }
0x40: {  	_ =	swait.ge [sflag:s20], $0x500  }
0x41: {  	[sflag:s20] =	ssyncset.done $0x0  }
0x42: {  	[sflag:s20] =	ssyncadd.s32 $0xFFFFFB00  }
0x43: {  	_ =	swait.ge [sflag:s20], $0x500  }
0x44: {  	[sflag:s20] =	ssyncset.done $0x0  }
0x45: {  	[sflag:s20] =	ssyncadd.s32 $0xFFFFFB00  }
0x46: {  	_ =	swait.ge [sflag:s20], $0x500  }
0x47: {  	[sflag:s20] =	ssyncset.done $0x0  }
0x48: {  	[sflag:s20] =	ssyncadd.s32 $0xFFFFFB00  }
0x49: {  	_ =	swait.ge [sflag:s20], $0x500  }
0x4a: {  	[sflag:s20] =	ssyncset.done $0x0  }
0x4b: {  	[sflag:s20] =	ssyncadd.s32 $0xFFFFFB00  }
0x4c: {  	_ =	swait.ge [sflag:s20], $0x500  }
0x4d: {  	[sflag:s20] =	ssyncset.done $0x0  }
0x4e: {  	[sflag:s20] =	ssyncadd.s32 $0xFFFFFB00  }
0x4f: {  	_ =	swait.ge [sflag:s20], $0x500  }
0x50: {  	[sflag:s20] =	ssyncset.done $0x0  }
0x51: {  	[sflag:s20] =	ssyncadd.s32 $0xFFFFFB00  }
0x52: {  	_ =	swait.ge [sflag:s20], $0x500  }
0x53: {  	s22 =	simm.s32 $0xA00;
	s24 =	simm.s32 $0x1400;
	[sflag:s20] =	ssyncset.done $0x0  }
.LBB2_2:
0x54: {  	s25 =	sshra.s32 s22, $0x2  }
0x55: {  	[sflag:s20] =	ssyncadd.s32 $0xFFFFFB00;
	s22 =	smov.u32 s24;
	s23 =	sadd.s32 $0xA00, s24  }
0x56: {  	[spmem:s3] =	stream.indirect.scatter.add.f32 [tilespmem:s18], [sflag:$0x1], $0x10, s25, s19, $0xb8;
	[tilespmem:$0x5FA0] =	vst v63  }
0x57: {  	p0 =	sne.s32 s24, $0x9600;
	s24 =	sadd.s32 $0x50, s25  }
0x58: {  	[spmem:s3] =	stream.indirect.scatter.add.f32 [tilespmem:s18], [sflag:$0x1], $0x10, s24, s19, $0xb8;
	[tilespmem:$0x5FA0] =	vst v63  }
0x59: {  	s24 =	sadd.s32 $0xA0, s25  }
0x5a: {  	[spmem:s3] =	stream.indirect.scatter.add.f32 [tilespmem:s18], [sflag:$0x1], $0x10, s24, s19, $0xb8;
	[tilespmem:$0x5FA0] =	vst v63  }
0x5b: {  	s24 =	sadd.s32 $0xF0, s25  }
0x5c: {  	[spmem:s3] =	stream.indirect.scatter.add.f32 [tilespmem:s18], [sflag:$0x1], $0x10, s24, s19, $0xb8;
	[tilespmem:$0x5FA0] =	vst v63  }
0x5d: {  	s24 =	sadd.s32 $0x140, s25  }
0x5e: {  	[spmem:s3] =	stream.indirect.scatter.add.f32 [tilespmem:s18], [sflag:$0x1], $0x10, s24, s19, $0xb8;
	[tilespmem:$0x5FA0] =	vst v63  }
0x5f: {  	s24 =	sadd.s32 $0x190, s25  }
0x60: {  	[spmem:s3] =	stream.indirect.scatter.add.f32 [tilespmem:s18], [sflag:$0x1], $0x10, s24, s19, $0xb8;
	[tilespmem:$0x5FA0] =	vst v63  }
0x61: {  	s24 =	sadd.s32 $0x1E0, s25  }
0x62: {  	[spmem:s3] =	stream.indirect.scatter.add.f32 [tilespmem:s18], [sflag:$0x1], $0x10, s24, s19, $0xb8;
	[tilespmem:$0x5FA0] =	vst v63  }
0x63: {  	s24 =	sadd.s32 $0x230, s25  }
0x64: {  	[spmem:s3] =	stream.indirect.scatter.add.f32 [tilespmem:s18], [sflag:$0x1], $0x10, s24, s19, $0xb8;
	[tilespmem:$0x5FA0] =	vst v63  }
0x65: {  	_ =	swait.ge [sflag:s20], $0x500  }
0x66: {  	[sflag:s20] =	ssyncset.done $0x0  }
0x67: {  	[sflag:s20] =	ssyncadd.s32 $0xFFFFFB00  }
0x68: {  	_ =	swait.ge [sflag:s20], $0x500  }
0x69: {  	[sflag:s20] =	ssyncset.done $0x0  }
0x6a: {  	[sflag:s20] =	ssyncadd.s32 $0xFFFFFB00  }
0x6b: {  	_ =	swait.ge [sflag:s20], $0x500  }
0x6c: {  	[sflag:s20] =	ssyncset.done $0x0  }
0x6d: {  	[sflag:s20] =	ssyncadd.s32 $0xFFFFFB00  }
0x6e: {  	_ =	swait.ge [sflag:s20], $0x500  }
0x6f: {  	[sflag:s20] =	ssyncset.done $0x0  }
0x70: {  	[sflag:s20] =	ssyncadd.s32 $0xFFFFFB00  }
0x71: {  	_ =	swait.ge [sflag:s20], $0x500  }
0x72: {  	[sflag:s20] =	ssyncset.done $0x0  }
0x73: {  	[sflag:s20] =	ssyncadd.s32 $0xFFFFFB00  }
0x74: {  	_ =	swait.ge [sflag:s20], $0x500  }
0x75: {  	[sflag:s20] =	ssyncset.done $0x0  }
0x76: {  	[sflag:s20] =	ssyncadd.s32 $0xFFFFFB00  }
.Ltmp0:
0x77: {  	_ =	swait.ge [sflag:s20], $0x500;
	(pc) =	sbr.rel @p0 .LBB2_2-.Ltmp0, $4  }
0x78: {  	[sflag:s20] =	ssyncset.done $0x0  }
0x79: {  	[sflag:s20] =	ssyncadd.s32 $0xFFFFFB00  }
0x7a: {  	_ =	swait.ge [sflag:s20], $0x500  }
0x7b: {  	s24 =	smov.u32 s23;
	[sflag:s20] =	ssyncset.done $0x0  }
0x7c: {  	s22 =	sshra.s32 s22, $0x2;
	[sflag:s20] =	ssyncadd.s32 $0xFFFFFB00  }
0x7d: {  	[spmem:s3] =	stream.indirect.scatter.add.f32 [tilespmem:s18], [sflag:$0x1], $0x10, s22, s19, $0xb8;
	[tilespmem:$0x5FA0] =	vst v63  }
0x7e: {  	s23 =	sadd.s32 $0x50, s22  }
0x7f: {  	[spmem:s3] =	stream.indirect.scatter.add.f32 [tilespmem:s18], [sflag:$0x1], $0x10, s23, s19, $0xb8;
	[tilespmem:$0x5FA0] =	vst v63  }
0x80: {  	s26 =	sadd.s32 $0xA0, s22  }
0x81: {  	[spmem:s3] =	stream.indirect.scatter.add.f32 [tilespmem:s18], [sflag:$0x1], $0x10, s26, s19, $0xb8;
	[tilespmem:$0x5FA0] =	vst v63  }
0x82: {  	s28 =	sadd.s32 $0xF0, s22  }
0x83: {  	[spmem:s3] =	stream.indirect.scatter.add.f32 [tilespmem:s18], [sflag:$0x1], $0x10, s28, s19, $0xb8;
	[tilespmem:$0x5FA0] =	vst v63  }
0x84: {  	s29 =	sadd.s32 $0x140, s22  }
0x85: {  	[spmem:s3] =	stream.indirect.scatter.add.f32 [tilespmem:s18], [sflag:$0x1], $0x10, s29, s19, $0xb8;
	[tilespmem:$0x5FA0] =	vst v63  }
0x86: {  	s30 =	sadd.s32 $0x190, s22  }
0x87: {  	[spmem:s3] =	stream.indirect.scatter.add.f32 [tilespmem:s18], [sflag:$0x1], $0x10, s30, s19, $0xb8;
	[tilespmem:$0x5FA0] =	vst v63  }
0x88: {  	s31 =	sadd.s32 $0x1E0, s22  }
0x89: {  	[spmem:s3] =	stream.indirect.scatter.add.f32 [tilespmem:s18], [sflag:$0x1], $0x10, s31, s19, $0xb8;
	[tilespmem:$0x5FA0] =	vst v63  }
0x8a: {  	s22 =	sadd.s32 $0x230, s22  }
0x8b: {  	[spmem:s3] =	stream.indirect.scatter.add.f32 [tilespmem:s18], [sflag:$0x1], $0x10, s22, s19, $0xb8;
	[tilespmem:$0x5FA0] =	vst v63  }
0x8c: {  	_ =	swait.ge [sflag:s20], $0x500  }
0x8d: {  	[sflag:s20] =	ssyncset.done $0x0  }
0x8e: {  	[sflag:s20] =	ssyncadd.s32 $0xFFFFFB00  }
0x8f: {  	_ =	swait.ge [sflag:s20], $0x500  }
0x90: {  	[sflag:s20] =	ssyncset.done $0x0  }
0x91: {  	[sflag:s20] =	ssyncadd.s32 $0xFFFFFB00  }
0x92: {  	_ =	swait.ge [sflag:s20], $0x500  }
0x93: {  	[sflag:s20] =	ssyncset.done $0x0  }
0x94: {  	[sflag:s20] =	ssyncadd.s32 $0xFFFFFB00  }
0x95: {  	_ =	swait.ge [sflag:s20], $0x500  }
0x96: {  	[sflag:s20] =	ssyncset.done $0x0  }
0x97: {  	[sflag:s20] =	ssyncadd.s32 $0xFFFFFB00  }
0x98: {  	_ =	swait.ge [sflag:s20], $0x500  }
0x99: {  	[sflag:s20] =	ssyncset.done $0x0  }
0x9a: {  	[sflag:s20] =	ssyncadd.s32 $0xFFFFFB00  }
0x9b: {  	_ =	swait.ge [sflag:s20], $0x500  }
0x9c: {  	[sflag:s20] =	ssyncset.done $0x0  }
0x9d: {  	[sflag:s20] =	ssyncadd.s32 $0xFFFFFB00  }
0x9e: {  	_ =	swait.ge [sflag:s20], $0x500  }
0x9f: {  	[sflag:s20] =	ssyncset.done $0x0  }
0xa0: {  	[sflag:s20] =	ssyncadd.s32 $0xFFFFFB00  }
0xa1: {  	_ =	swait.ge [sflag:s20], $0x500  }
0xa2: {  	[sflag:s20] =	ssyncset.done $0x0  }
0xa3: {  	[sflag:s20] =	ssyncadd.s32 $0xFFFFFB00  }
0xa4: {  	[bflag:$0x0] =	sbarrier.arrive $0xFFFF  }
0xa5: {  	[tilespmem:s16], [sflag:$0x2] =	stream.linear.gather [spmem:s6], $0xA00, $0x38;
	[tilespmem:$0x5FA0] =	vst v63  }
0xa6: {  	_ =	swait.ge [sflag:s17], $0xA00  }
0xa7: {  	[sflag:s17] =	ssyncset.done $0x0  }
0xa8: {  	[sflag:s17] =	ssyncadd.s32 $0xFFFFF600  }
0xa9: {  	[hbm4b:s9+s4] =	stream.linear.scatter [tilespmem:s16], [sflag:$0x2], $0xA00, $0x38;
	[tilespmem:$0x5FA0] =	vst v63  }
0xaa: {  	_ =	swait.ge [sflag:s17], $0xA00  }
0xab: {  	[sflag:s17] =	ssyncset.done $0x0  }
0xac: {  	[sflag:s17] =	ssyncadd.s32 $0xFFFFF600  }
0xad: {  	[tilespmem:s16], [sflag:$0x2] =	stream.linear.gather [spmem:s7], $0xA00, $0x38;
	[tilespmem:$0x5FA0] =	vst v63  }
0xae: {  	_ =	swait.ge [sflag:s17], $0xA00  }
0xaf: {  	[sflag:s17] =	ssyncset.done $0x0  }
0xb0: {  	[sflag:s17] =	ssyncadd.s32 $0xFFFFF600  }
0xb1: {  	[hbm4b:s12+s4] =	stream.linear.scatter [tilespmem:s16], [sflag:$0x2], $0xA00, $0x38;
	[tilespmem:$0x5FA0] =	vst v63  }
0xb2: {  	_ =	swait.ge [sflag:s17], $0xA00  }
0xb3: {  	[sflag:s17] =	ssyncset.done $0x0  }
0xb4: {  	[sflag:s17] =	ssyncadd.s32 $0xFFFFF600  }
0xb5: {  	[tilespmem:s16], [sflag:$0x2] =	stream.linear.gather [spmem:s8], $0xA00, $0x38;
	[tilespmem:$0x5FA0] =	vst v63  }
0xb6: {  	_ =	swait.ge [sflag:s17], $0xA00  }
0xb7: {  	[sflag:s17] =	ssyncset.done $0x0  }
0xb8: {  	[sflag:s17] =	ssyncadd.s32 $0xFFFFF600  }
0xb9: {  	[hbm4b:s13+s4] =	stream.linear.scatter [tilespmem:s16], [sflag:$0x2], $0xA00, $0x38;
	[tilespmem:$0x5FA0] =	vst v63  }
0xba: {  	_ =	swait.ge [sflag:s17], $0xA00  }
0xbb: {  	[sflag:s17] =	ssyncset.done $0x0  }
0xbc: {  	[sflag:s17] =	ssyncadd.s32 $0xFFFFF600  }
0xbd: {  	[tilespmem:s16], [sflag:$0x2] =	stream.linear.gather [spmem:s10], $0xA00, $0x38;
	[tilespmem:$0x5FA0] =	vst v63  }
0xbe: {  	s21 =	sadd.s32 $0x1, s21;
	_ =	swait.ge [sflag:s17], $0xA00  }
0xbf: {  	p0 =	sne.s32 s21, s15;
	[sflag:s17] =	ssyncset.done $0x0  }
.Ltmp1:
0xc0: {  	[sflag:s17] =	ssyncadd.s32 $0xFFFFF600;
	(pc) =	sbr.rel @p0 .LBB2_1-.Ltmp1, $4  }
0xc1: {  	[hbm4b:s14+s4] =	stream.linear.scatter [tilespmem:s16], [sflag:$0x2], $0xA00, $0x38;
	[tilespmem:$0x5FA0] =	vst v63  }
0xc2: {  	_ =	swait.ge [sflag:s17], $0xA00  }
0xc3: {  	[sflag:s17] =	ssyncset.done $0x0  }
0xc4: {  	[sflag:s17] =	ssyncadd.s32 $0xFFFFF600  }
0xc5: {  	_ =	sfence.sel $0x180000  }
0xc6: {  	[bflag:$0x0] =	sbarrier.arrive $0xFFFF  }
0xc7: {  	p0 =	sne.s32 s0, $0x0;
	_ =	strace $0x90000047  }
0xc8: {  	s0 =	sadd.s32 @!p0 $0x100000, s2;
	[bflag:$0x2] =	sbarrier.arrive $0xFFFF  }
0xc9: {  	[sflag:s0] =	ssyncadd.tile.s32 @!p0 $0x1;
	_ =	shalt  }
.Lfunc_end2:
_tile_overlayer_lowered:
.L_overlay_start_2:
0xca: {  	(tag) =	ssettag $0x2  }
0xcb: {  	s0 =	rddreg [dreg:$0x0];
	s2 =	stileid.u32  }
0xcc: {  	s1 =	rddreg [dreg:$0x1];
	p0 =	sne.s32 s2, $0x0  }
0xcd: {  	s3 =	rddreg [dreg:$0x2];
	[bflag:$0x3] =	sbarrier.arrive $0xFFFF;
	s2 =	simm.s32 @!p0 $0x1C02  }
0xce: {  	[timem:s3], [sflag:s2] =	dma.local @!p0 [hbm:s0], s1  }
0xcf: {  	s0 =	simm.s32 @!p0 $0x2  }
0xd0: {  	_ =	swait.ge @!p0 [sflag:s0], s1  }
0xd1: {  	s1 =	ssub.s32 @!p0 $0x0, s1;
	[sflag:s0] =	ssyncset.done @!p0 $0x0  }
0xd2: {  	[sflag:s0] =	ssyncadd.s32 @!p0 s1  }
0xd3: {  	[bflag:$0x3] =	sbarrier.arrive $0xFFFF  }
0xd4: {  	_ =	shalt  }

</sc_bundles>
